<compile_context>
chip_gen: v7x
topology: tpu7x:2x2x1
jax: 0.10.2.dev20260603
libtpu: 0.0.44.dev20260713+nightly
codegen_flags: <defaults>
</compile_context>

<pallas_src>
import functools

import jax
import jax.numpy as jnp
from jax import lax
from jax.experimental import pallas as pl
from jax.experimental.pallas import tpu as pltpu
from jax.experimental.pallas import tpu_sc as plsc

N = 10000
E = 320000
B = 16
VD = 128
ED = 16
HD = 128
KH = 4

NC = 2
NS = 16
NW = NC * NS
EPW = E // NW
CH = 64
NCH = EPW // CH
TAIL = EPW - NCH * CH
UN = 12
NP = 10240
RPS = NP // NS

EBLK = 4000
NB = 2000


def _ek_body(e_ref, kw_ref, kb_ref, out_ref):
    out_ref[...] = (
        jnp.dot(e_ref[...], kw_ref[...], preferred_element_type=jnp.float32)
        + kb_ref[...]
    )


def _compute_ek(e, kw, kb):
    return pl.pallas_call(
        _ek_body,
        grid=(E // EBLK,),
        in_specs=[
            pl.BlockSpec((EBLK, ED), lambda i: (i, 0)),
            pl.BlockSpec((ED, HD), lambda i: (0, 0)),
            pl.BlockSpec((1, HD), lambda i: (0, 0)),
        ],
        out_specs=pl.BlockSpec((EBLK, HD), lambda i: (i, 0)),
        out_shape=jax.ShapeDtypeStruct((E, HD), jnp.float32),
    )(e, kw, kb.reshape(1, HD))


def _sc_edge_body(v_hbm, ek_hbm, src_hbm, dst_hbm, zero_hbm, out_hbm,
                  idx0, idx1, idx2, idx3, ekv0, ekv1, ekv2,
                  vsrc0, vsrc1, idxT, acc,
                  semI0, semI1, semI2, semI3, semE0, semE1, semE2,
                  semG0, semG1, semS0, semS1, semS2):
    cid = lax.axis_index("c")
    sid = lax.axis_index("s")
    wid = sid * NC + cid
    wbase = wid * EPW

    idx = (idx0, idx1, idx2, idx3)
    ekv = (ekv0, ekv1, ekv2)
    vsrc = (vsrc0, vsrc1)
    semI = (semI0, semI1, semI2, semI3)
    semE = (semE0, semE1, semE2)
    semG = (semG0, semG1)
    semS = (semS0, semS1, semS2)

    pltpu.sync_copy(zero_hbm.at[pl.ds(sid * RPS, RPS)],
                    acc.at[pl.ds(sid * RPS, RPS)])
    plsc.subcore_barrier()

    def issue_i(ci, p):
        base = pl.multiple_of(wbase + ci * CH, 8)
        pltpu.async_copy(src_hbm.at[pl.ds(base, CH)], idx[p].at[0], semI[p])
        pltpu.async_copy(dst_hbm.at[pl.ds(base, CH)], idx[p].at[1], semI[p])

    def wait_i(p):
        pltpu.make_async_copy(src_hbm.at[pl.ds(0, CH)], idx[p].at[0],
                              semI[p]).wait()
        pltpu.make_async_copy(dst_hbm.at[pl.ds(0, CH)], idx[p].at[1],
                              semI[p]).wait()

    def issue_e(ci, p):
        base = pl.multiple_of(wbase + ci * CH, 8)
        pltpu.async_copy(ek_hbm.at[pl.ds(base, CH)], ekv[p], semE[p])

    def wait_e(p):
        pltpu.make_async_copy(ek_hbm.at[pl.ds(0, CH)], ekv[p],
                              semE[p]).wait()

    def issue_g(pi, pg):
        pltpu.async_copy(v_hbm.at[idx[pi].at[0]], vsrc[pg], semG[pg])

    def wait_g(pi, pg):
        pltpu.make_async_copy(v_hbm.at[idx[pi].at[0]], vsrc[pg],
                              semG[pg]).wait()

    def drain_s(pe, pi):
        pltpu.make_async_copy(ekv[pe], acc.at[idx[pi].at[1]],
                              semS[pe]).wait()

    def compute(ebuf, sbuf, n):
        def edge_body(j, c2):
            for k in range(HD // 16):
                sl = pl.ds(k * 16, 16)
                x = ebuf[j, sl] * sbuf[j, sl]
                ebuf[j, sl] = jnp.maximum(x, x * 0.1)
            return c2
        lax.fori_loop(0, n, edge_body, 0, unroll=False)

    def step(ci, pI, pE, pG, drain_pred, idx2_ok, nxt_ok):
        def do_drain():
            drain_s((pE + 1) % 3, (pI + 2) % 4)

        if drain_pred is None:
            do_drain()
        else:
            @pl.when(drain_pred)
            def _():
                do_drain()

        def do_idx2():
            issue_i(ci + 2, (pI + 2) % 4)

        if idx2_ok is None:
            do_idx2()
        else:
            @pl.when(idx2_ok)
            def _():
                do_idx2()

        def do_nxt():
            issue_e(ci + 1, (pE + 1) % 3)
            wait_i((pI + 1) % 4)
            issue_g((pI + 1) % 4, 1 - pG)

        if nxt_ok is None:
            do_nxt()
        else:
            @pl.when(nxt_ok)
            def _():
                do_nxt()

        wait_g(pI, pG)
        wait_e(pE)
        compute(ekv[pE], vsrc[pG], CH)
        pltpu.async_copy(ekv[pE], acc.at[idx[pI].at[1]], semS[pE], add=True)

    issue_i(0, 0)
    issue_i(1, 1)
    issue_e(0, 0)
    wait_i(0)
    issue_g(0, 0)

    def twelve_body(k, carry):
        for j in range(UN):
            pred_drain = (k >= 1) if j < 2 else None
            pred_idx2 = (k < NCH // UN - 1) if j >= UN - 2 else None
            pred_nxt = (k < NCH // UN - 1) if j == UN - 1 else None
            step(UN * k + j, j % 4, j % 3, j % 2,
                 pred_drain, pred_idx2, pred_nxt)
        return carry

    lax.fori_loop(0, NCH // UN, twelve_body, 0, unroll=False)
    drain_s((NCH - 2) % 3, (NCH - 2) % 4)
    drain_s((NCH - 1) % 3, (NCH - 1) % 4)

    tbase = pl.multiple_of(wbase + NCH * CH, 8)
    pltpu.sync_copy(src_hbm.at[pl.ds(tbase, TAIL)], idxT.at[0])
    pltpu.sync_copy(dst_hbm.at[pl.ds(tbase, TAIL)], idxT.at[1])
    pltpu.sync_copy(ek_hbm.at[pl.ds(tbase, TAIL)], ekv0.at[pl.ds(0, TAIL)])
    pltpu.async_copy(v_hbm.at[idxT.at[0]], vsrc0.at[pl.ds(0, TAIL)],
                     semG0).wait()
    compute(ekv0, vsrc0, TAIL)
    pltpu.sync_copy(ekv0.at[pl.ds(0, TAIL)], acc.at[idxT.at[1]], add=True)

    plsc.subcore_barrier()
    pltpu.sync_copy(acc.at[pl.ds(sid * RPS, RPS)],
                    out_hbm.at[pl.ds(cid * NP + sid * RPS, RPS)])


def _sc_edge_sum(v, ek, src, dst, zero):
    mesh = plsc.VectorSubcoreMesh(core_axis_name="c", subcore_axis_name="s",
                                  num_cores=NC, num_subcores=NS)
    fn = pl.kernel(
        _sc_edge_body,
        out_type=jax.ShapeDtypeStruct((NC * NP, HD), jnp.float32),
        mesh=mesh,
        scratch_types=(
            [pltpu.VMEM((2, CH), jnp.int32)] * 4
            + [pltpu.VMEM((CH, HD), jnp.float32)] * 3
            + [pltpu.VMEM((CH, HD), jnp.float32)] * 2
            + [
                pltpu.VMEM((2, TAIL), jnp.int32),
                pltpu.VMEM_SHARED((NP, HD), jnp.float32),
            ]
            + [pltpu.SemaphoreType.DMA] * 12
        ),
    )
    return fn(v, ek, src, dst, zero)


def _bdot(a, b):
    return jnp.dot(a, b, preferred_element_type=jnp.float32)


def _heads_body(v_ref, s_ref, gid_ref, haw, hab, hbw, hbb, hcw, hcb,
                hdw, hdb, out_ref):
    v = v_ref[...]
    s = s_ref[...]
    gid = gid_ref[...]
    oh = (gid == lax.broadcasted_iota(jnp.int32, (1, B), 1)).astype(
        jnp.float32)
    dn = jnp.tanh(_bdot(v, haw[0]) + hab[0])
    ds16 = jnp.tanh(jnp.dot(s, hbw[0], preferred_element_type=jnp.float32)
                    + hbb[0])
    dsup = jnp.dot(oh, ds16, preferred_element_type=jnp.float32)
    a = jnp.dot(dn * dsup, hcw[0], preferred_element_type=jnp.float32) \
        + hcb[0]
    am = jnp.where(oh > 0.0, a, -3e38)
    mx = jnp.max(am, axis=0, keepdims=True)
    mxn = jnp.sum(oh * mx, axis=1, keepdims=True)
    ex = jnp.exp(a - mxn)
    sm = jnp.sum(jnp.where(oh > 0.0, ex, 0.0), axis=0, keepdims=True)
    smn = jnp.sum(oh * sm, axis=1, keepdims=True)
    attn = ex / smn
    h = (_bdot(v, hdw[0]) + hdb[0]) * attn
    out_ref[0] = lax.dot_general(
        oh, h, dimension_numbers=(((0,), (0,)), ((), ())),
        preferred_element_type=jnp.float32)


def _compute_heads(v, s, gid2d, p):
    return pl.pallas_call(
        _heads_body,
        grid=(KH,),
        in_specs=[
            pl.BlockSpec((N, VD), lambda i: (0, 0)),
            pl.BlockSpec((B, VD), lambda i: (0, 0)),
            pl.BlockSpec((N, 1), lambda i: (0, 0)),
            pl.BlockSpec((1, VD, HD), lambda i: (i, 0, 0)),
            pl.BlockSpec((1, 1, HD), lambda i: (i, 0, 0)),
            pl.BlockSpec((1, VD, HD), lambda i: (i, 0, 0)),
            pl.BlockSpec((1, 1, HD), lambda i: (i, 0, 0)),
            pl.BlockSpec((1, HD, 1), lambda i: (i, 0, 0)),
            pl.BlockSpec((1, 1, 1), lambda i: (i, 0, 0)),
            pl.BlockSpec((1, VD, HD), lambda i: (i, 0, 0)),
            pl.BlockSpec((1, 1, HD), lambda i: (i, 0, 0)),
        ],
        out_specs=pl.BlockSpec((1, B, HD), lambda i: (i, 0, 0)),
        out_shape=jax.ShapeDtypeStruct((KH, B, HD), jnp.float32),
    )(v, s, gid2d,
      p['hA_w'], p['hA_b'].reshape(KH, 1, HD),
      p['hB_w'], p['hB_b'].reshape(KH, 1, HD),
      p['hC_w'], p['hC_b'].reshape(KH, 1, 1),
      p['hD_w'], p['hD_b'].reshape(KH, 1, HD))


def _gru(x, h, wih, bih, whh, bhh):
    gi = _bdot(x, wih) + bih
    gh = _bdot(h, whh) + bhh
    r = jax.nn.sigmoid(gi[:, 0:HD] + gh[:, 0:HD])
    z = jax.nn.sigmoid(gi[:, HD:2 * HD] + gh[:, HD:2 * HD])
    n = jnp.tanh(gi[:, 2 * HD:] + r * gh[:, 2 * HD:])
    return (1.0 - z) * n + z * h


def _gate(a_, b_, c_, aw, ab, bw, bb, wih, bih, whh, bhh):
    z = jax.nn.sigmoid(_bdot(a_, aw) + ab + _bdot(b_, bw) + bb)
    hh = z * b_ + (1.0 - z) * a_
    return _gru(c_, hh, wih, bih, whh, bhh)


def _final_body(v_ref, svp_ref, gid_ref, s_ref, heads_ref,
                ew, eb, cw, cb, aw, ab, bw, bb,
                gmaw, gmab, gmbw, gmbb, gmwih, gmbih, gmwhh, gmbhh,
                gsaw, gsab, gsbw, gsbb, gswih, gsbih, gswhh, gsbhh,
                vv_ref, ss_ref):
    v = v_ref[...]
    gid = gid_ref[...]
    s = s_ref[...]
    oh = (gid == lax.broadcasted_iota(jnp.int32, (1, B), 1)).astype(
        jnp.float32)
    s2m16 = jnp.tanh(jnp.dot(s, cw[...], preferred_element_type=jnp.float32)
                     + cb[...])
    s2m = jnp.dot(oh, s2m16, preferred_element_type=jnp.float32)
    sve = svp_ref[0] + svp_ref[1]
    m2m = _bdot(sve, ew[0:HD]) + _bdot(v, ew[HD:]) + eb[...]
    m2m = jnp.maximum(m2m, m2m * 0.1)
    vv_ref[...] = _gate(m2m, s2m, v,
                        gmaw[...], gmab[...], gmbw[...], gmbb[...],
                        gmwih[...], gmbih[...], gmwhh[...], gmbhh[...])

    @pl.when(pl.program_id(0) == 0)
    def _():
        hcat = jnp.concatenate(
            [heads_ref[i] for i in range(KH)], axis=1)
        m2s = jnp.tanh(jnp.dot(hcat, bw[...],
                               preferred_element_type=jnp.float32) + bb[...])
        s2s = jnp.tanh(jnp.dot(s, aw[...],
                               preferred_element_type=jnp.float32) + ab[...])
        ss_ref[...] = _gate(s2s, m2s, s,
                            gsaw[...], gsab[...], gsbw[...], gsbb[...],
                            gswih[...], gsbih[...], gswhh[...], gsbhh[...])


def _compute_final(v, svp, gid2d, s, heads, p):
    fixed = lambda *shape: pl.BlockSpec(shape, lambda i: (0,) * len(shape))
    return pl.pallas_call(
        _final_body,
        grid=(N // NB,),
        in_specs=[
            pl.BlockSpec((NB, VD), lambda i: (i, 0)),
            pl.BlockSpec((2, NB, HD), lambda i: (0, i, 0)),
            pl.BlockSpec((NB, 1), lambda i: (i, 0)),
            fixed(B, VD),
            fixed(KH, B, HD),
            fixed(HD + VD, HD),
            fixed(1, HD),
            fixed(VD, HD),
            fixed(1, HD),
            fixed(VD, HD),
            fixed(1, HD),
            fixed(KH * HD, HD),
            fixed(1, HD),
            fixed(HD, HD), fixed(1, HD), fixed(HD, HD), fixed(1, HD),
            fixed(HD, 3 * HD), fixed(1, 3 * HD),
            fixed(HD, 3 * HD), fixed(1, 3 * HD),
            fixed(HD, HD), fixed(1, HD), fixed(HD, HD), fixed(1, HD),
            fixed(HD, 3 * HD), fixed(1, 3 * HD),
            fixed(HD, 3 * HD), fixed(1, 3 * HD),
        ],
        out_specs=[
            pl.BlockSpec((NB, HD), lambda i: (i, 0)),
            pl.BlockSpec((B, HD), lambda i: (0, 0)),
        ],
        out_shape=[
            jax.ShapeDtypeStruct((N, HD), jnp.float32),
            jax.ShapeDtypeStruct((B, HD), jnp.float32),
        ],
    )(v, svp, gid2d, s, heads,
      p['E_w'], p['E_b'].reshape(1, HD),
      p['C_w'], p['C_b'].reshape(1, HD),
      p['A_w'], p['A_b'].reshape(1, HD),
      p['B_w'], p['B_b'].reshape(1, HD),
      p['gm_A_w'], p['gm_A_b'].reshape(1, HD),
      p['gm_B_w'], p['gm_B_b'].reshape(1, HD),
      p['gm_Wih'], p['gm_bih'].reshape(1, 3 * HD),
      p['gm_Whh'], p['gm_bhh'].reshape(1, 3 * HD),
      p['gs_A_w'], p['gs_A_b'].reshape(1, HD),
      p['gs_B_w'], p['gs_B_b'].reshape(1, HD),
      p['gs_Wih'], p['gs_bih'].reshape(1, 3 * HD),
      p['gs_Whh'], p['gs_bhh'].reshape(1, 3 * HD))


def kernel(v, edge_index, e, s, node_graph_ids, params):
    v = v.astype(jnp.float32)
    e = e.astype(jnp.float32)
    s = s.astype(jnp.float32)
    src = edge_index[0].astype(jnp.int32)
    dst = edge_index[1].astype(jnp.int32)
    gid2d = node_graph_ids.astype(jnp.int32).reshape(N, 1)
    zero = jnp.zeros((NP, HD), jnp.float32)

    ek = _compute_ek(e, params['K_w'], params['K_b'])
    heads = _compute_heads(v, s, gid2d, params)
    svp_flat = _sc_edge_sum(v, ek, src, dst, zero)
    svp = svp_flat.reshape(NC, NP, HD)[:, :N, :]
    vv, ss = _compute_final(v, svp, gid2d, s, heads, params)
    return (vv, ss)

# --- scband reference (transcript-rebuilt; emitter-appended) ---
"""Pipeline reference for scband-sconv1-4423816315474 (READ-ONLY COPY).

The authoritative reference and input builder live on the scoring server;
editing this copy changes nothing except your own understanding.
"""

import jax, jax.numpy as jnp
import numpy as np

N = 10000
E_EDGES = 320000
B = 16
VD = 128
ED = 16
HD = 128
KH = 4


def _mk_params(key):
    c = [0]
    def nxt():
        c[0] += 1
        return jax.random.fold_in(key, c[0])
    sc = 0.05
    p = {}
    p['A_w'] = jax.random.normal(nxt(), (VD, HD)) * sc
    p['A_b'] = jnp.zeros((HD,))
    p['B_w'] = jax.random.normal(nxt(), (HD * KH, HD)) * sc
    p['B_b'] = jnp.zeros((HD,))
    p['C_w'] = jax.random.normal(nxt(), (VD, HD)) * sc
    p['C_b'] = jnp.zeros((HD,))
    p['E_w'] = jax.random.normal(nxt(), (HD + VD, HD)) * sc
    p['E_b'] = jnp.zeros((HD,))
    p['K_w'] = jax.random.normal(nxt(), (ED, HD)) * sc
    p['K_b'] = jnp.zeros((HD,))
    p['hA_w'] = jax.random.normal(nxt(), (KH, VD, HD)) * sc
    p['hA_b'] = jnp.zeros((KH, HD))
    p['hB_w'] = jax.random.normal(nxt(), (KH, VD, HD)) * sc
    p['hB_b'] = jnp.zeros((KH, HD))
    p['hC_w'] = jax.random.normal(nxt(), (KH, HD, 1)) * sc
    p['hC_b'] = jnp.zeros((KH, 1))
    p['hD_w'] = jax.random.normal(nxt(), (KH, VD, HD)) * sc
    p['hD_b'] = jnp.zeros((KH, HD))
    for pref in ('gm_', 'gs_'):
        p[pref + 'A_w'] = jax.random.normal(nxt(), (HD, HD)) * sc
        p[pref + 'A_b'] = jnp.zeros((HD,))
        p[pref + 'B_w'] = jax.random.normal(nxt(), (HD, HD)) * sc
        p[pref + 'B_b'] = jnp.zeros((HD,))
        p[pref + 'Wih'] = jax.random.normal(nxt(), (HD, 3 * HD)) * sc
        p[pref + 'bih'] = jnp.zeros((3 * HD,))
        p[pref + 'Whh'] = jax.random.normal(nxt(), (HD, 3 * HD)) * sc
        p[pref + 'bhh'] = jnp.zeros((3 * HD,))
    return p


def setup_inputs(seed: int = 0):
    key = jax.random.key(seed)
    k1, k2, k3, k4, k5 = jax.random.split(key, 5)
    v = jax.random.normal(k1, (N, VD), dtype=jnp.float32)
    edge_index = jax.random.randint(k2, (2, E_EDGES), 0, N)
    e = jax.random.normal(k3, (E_EDGES, ED), dtype=jnp.float32)
    s = jax.random.normal(k4, (B, VD), dtype=jnp.float32)
    node_graph_ids = jnp.sort(jax.random.randint(k5, (N,), 0, B))
    params = _mk_params(jax.random.fold_in(key, 777))
    return {'v': v, 'edge_index': edge_index, 'e': e, 's': s,
            'node_graph_ids': node_graph_ids, 'params': params}


def _linear(x, w, b):
    return x @ w + b


def _gru_cell(x, h, Wih, bih, Whh, bhh):
    gi = x @ Wih + bih
    gh = h @ Whh + bhh
    i_r, i_z, i_n = jnp.split(gi, 3, axis=1)
    h_r, h_z, h_n = jnp.split(gh, 3, axis=1)
    r = jax.nn.sigmoid(i_r + h_r)
    z = jax.nn.sigmoid(i_z + h_z)
    n = jnp.tanh(i_n + r * h_n)
    return (1.0 - z) * n + z * h


def _softmax_nodes(a, seg):
    mx = jax.ops.segment_max(a, seg, num_segments=B)
    ex = jnp.exp(a - mx[seg])
    sm = jax.ops.segment_sum(ex, seg, num_segments=B)
    return ex / sm[seg]


def _forward(v, e, s, p, edge_index, node_graph_ids):
    s2s = jnp.tanh(_linear(s, p['A_w'], p['A_b']))
    heads = []
    for i in range(KH):
        d_node = jnp.tanh(_linear(v, p['hA_w'][i], p['hA_b'][i]))
        d_super = jnp.tanh(_linear(s, p['hB_w'][i], p['hB_b'][i]))[node_graph_ids]
        a = _linear(d_node * d_super, p['hC_w'][i], p['hC_b'][i]).reshape(-1)
        a = _softmax_nodes(a, node_graph_ids)
        h = _linear(v, p['hD_w'][i], p['hD_b'][i]) * a[:, None]
        heads.append(jax.ops.segment_sum(h, node_graph_ids, num_segments=B))
    m2s = jnp.tanh(_linear(jnp.concatenate(heads, axis=1), p['B_w'], p['B_b']))
    s2m = jnp.tanh(_linear(s, p['C_w'], p['C_b']))[node_graph_ids]
    src = edge_index[0]
    dst = edge_index[1]
    ve = jax.nn.leaky_relu(_linear(e, p['K_w'], p['K_b']) * v[src], negative_slope=0.1)
    sve = jax.ops.segment_sum(ve, dst, num_segments=N)
    m2m = jax.nn.leaky_relu(_linear(jnp.concatenate([sve, v], axis=1), p['E_w'], p['E_b']), negative_slope=0.1)

    def gate(a_, b_, c_, pref):
        z = jax.nn.sigmoid(_linear(a_, p[pref + 'A_w'], p[pref + 'A_b']) + _linear(b_, p[pref + 'B_w'], p[pref + 'B_b']))
        hh = z * b_ + (1.0 - z) * a_
        return _gru_cell(c_, hh, p[pref + 'Wih'], p[pref + 'bih'], p[pref + 'Whh'], p[pref + 'bhh'])

    vv = gate(m2m, s2m, v, 'gm_')
    ss = gate(s2s, m2s, s, 'gs_')
    return (vv, ss)


def reference(v, edge_index, e, s, node_graph_ids, params):
    return _forward(v, e, s, params, edge_index, node_graph_ids)

if __name__ == "__main__":
    import jax
    _d = setup_inputs()
    print(jax.jit(kernel)(*tuple(_d.values())))

</pallas_src>

<mosaic_0001>
#map = affine_map<(d0, d1) -> (0, 0)>
#map1 = affine_map<(d0, d1) -> (0)>
module attributes {stable_mosaic.version = 14 : i64} {
  func.func @_sc_edge_body(%arg0: i32, %arg1: i32, %arg2: memref<10000x128xf32, #tpu.memory_space<hbm>>, %arg3: memref<320000x128xf32, #tpu.memory_space<hbm>>, %arg4: memref<320000xi32, #tpu.memory_space<hbm>>, %arg5: memref<320000xi32, #tpu.memory_space<hbm>>, %arg6: memref<10240x128xf32, #tpu.memory_space<hbm>>, %arg7: memref<20480x128xf32, #tpu.memory_space<hbm>>, %arg8: memref<2x64xi32, #tpu.memory_space<vmem>>, %arg9: memref<2x64xi32, #tpu.memory_space<vmem>>, %arg10: memref<2x64xi32, #tpu.memory_space<vmem>>, %arg11: memref<2x64xi32, #tpu.memory_space<vmem>>, %arg12: memref<64x128xf32, #tpu.memory_space<vmem>>, %arg13: memref<64x128xf32, #tpu.memory_space<vmem>>, %arg14: memref<64x128xf32, #tpu.memory_space<vmem>>, %arg15: memref<64x128xf32, #tpu.memory_space<vmem>>, %arg16: memref<64x128xf32, #tpu.memory_space<vmem>>, %arg17: memref<2x16xi32, #tpu.memory_space<vmem>>, %arg18: memref<10240x128xf32, #tpu.memory_space<vmem_shared>>, %arg19: memref<!tpu.dma_semaphore, #tpu.memory_space<semaphore_mem>>, %arg20: memref<!tpu.dma_semaphore, #tpu.memory_space<semaphore_mem>>, %arg21: memref<!tpu.dma_semaphore, #tpu.memory_space<semaphore_mem>>, %arg22: memref<!tpu.dma_semaphore, #tpu.memory_space<semaphore_mem>>, %arg23: memref<!tpu.dma_semaphore, #tpu.memory_space<semaphore_mem>>, %arg24: memref<!tpu.dma_semaphore, #tpu.memory_space<semaphore_mem>>, %arg25: memref<!tpu.dma_semaphore, #tpu.memory_space<semaphore_mem>>, %arg26: memref<!tpu.dma_semaphore, #tpu.memory_space<semaphore_mem>>, %arg27: memref<!tpu.dma_semaphore, #tpu.memory_space<semaphore_mem>>, %arg28: memref<!tpu.dma_semaphore, #tpu.memory_space<semaphore_mem>>, %arg29: memref<!tpu.dma_semaphore, #tpu.memory_space<semaphore_mem>>, %arg30: memref<!tpu.dma_semaphore, #tpu.memory_space<semaphore_mem>>) attributes {dimension_semantics = [#tpu.dimension_semantics<core_parallel>, #tpu.dimension_semantics<subcore_parallel>], iteration_bounds = array<i64: 2, 16>, scalar_prefetch = 0 : i64, scratch_operands = 23 : i64, tpu.core_type = #tpu.core_type<sc_vector_subcore>, window_params = [{transform_indices = #map}, {transform_indices = #map}, {transform_indices = #map1}, {transform_indices = #map1}, {transform_indices = #map}, {transform_indices = #map}]} {
    %mul3A = arith.constant 2 : i32
    %mul3A_0 = arith.muli %arg1, %mul3A : i32
    %add3A = arith.addi %mul3A_0, %arg0 : i32
    %mul3A_1 = arith.constant 10000 : i32
    %mul3A_2 = arith.muli %add3A, %mul3A_1 : i32
    %mul3A_3 = arith.constant 640 : i32
    %mul3A_4 = arith.muli %arg1, %mul3A_3 : i32
    %mul3A_5 = arith.constant 640 : i32
    %mul3A_6 = arith.muli %arg1, %mul3A_5 : i32
    "tpu.region"() ({
      %run_scoped3A_140 = tpu.sem_alloc : memref<!tpu.dma_semaphore, #tpu.memory_space<semaphore_mem>>
      %dma_start3A_141 = arith.constant 0 : i32
      %dma_start3A_142 = tpu.memref_slice %arg18[%mul3A_6, %dma_start3A_141] : memref<10240x128xf32, #tpu.memory_space<vmem_shared>> -> memref<640x128xf32, #tpu.memory_space<vmem_shared>>
      %dma_start3A_143 = arith.constant 0 : i32
      %dma_start3A_144 = tpu.memref_slice %arg6[%mul3A_4, %dma_start3A_143] : memref<10240x128xf32, #tpu.memory_space<hbm>> -> memref<640x128xf32, #tpu.memory_space<hbm>>
      tpu.enqueue_dma source(%dma_start3A_144 : memref<640x128xf32, #tpu.memory_space<hbm>>) target(%dma_start3A_142 : memref<640x128xf32, #tpu.memory_space<vmem_shared>>) target_semaphore(%run_scoped3A_140 : memref<!tpu.dma_semaphore, #tpu.memory_space<semaphore_mem>>)
      %dma_wait3A_145 = arith.constant 0 : i32
      %dma_wait3A_146 = tpu.memref_slice %arg18[%mul3A_6, %dma_wait3A_145] : memref<10240x128xf32, #tpu.memory_space<vmem_shared>> -> memref<640x128xf32, #tpu.memory_space<vmem_shared>>
      %dma_wait3A_147 = arith.constant 0 : i32
      %dma_wait3A_148 = tpu.memref_slice %arg6[%mul3A_4, %dma_wait3A_147] : memref<10240x128xf32, #tpu.memory_space<hbm>> -> memref<640x128xf32, #tpu.memory_space<hbm>>
      tpu.wait_dma2 semaphore(%run_scoped3A_140 : memref<!tpu.dma_semaphore, #tpu.memory_space<semaphore_mem>>) src(%dma_wait3A_148 : memref<640x128xf32, #tpu.memory_space<hbm>>) dst(%dma_wait3A_146 : memref<640x128xf32, #tpu.memory_space<vmem_shared>>)
      tpu.yield
    }) : () -> ()
    %barrier3A = arith.constant 0 : index
    tpu.barrier barrier_id(%barrier3A)
    %add3A_7 = arith.constant 0 : i32
    %add3A_8 = arith.addi %mul3A_2, %add3A_7 : i32
    %multiple_of3A = tpu.assume_multiple %add3A_8, 8 : i32
    %dma_start3A = arith.constant 0 : i32
    %dma_start3A_9 = arith.constant 0 : i32
    %dma_start3A_10 = tpu.memref_slice %arg8[%dma_start3A, %dma_start3A_9] : memref<2x64xi32, #tpu.memory_space<vmem>> -> memref<1x64xi32, #tpu.memory_space<vmem>>
    %dma_start3A_11 = tpu.memref_squeeze %dma_start3A_10 : memref<1x64xi32, #tpu.memory_space<vmem>> -> memref<64xi32, #tpu.memory_space<vmem>>
    %dma_start3A_12 = tpu.memref_slice %arg4[%multiple_of3A] : memref<320000xi32, #tpu.memory_space<hbm>> -> memref<64xi32, #tpu.memory_space<hbm>>
    %dma_start3A_13 = arith.constant 0 : i32
    %dma_start3A_14 = tpu.memref_slice %arg8[%dma_start3A, %dma_start3A_13] : memref<2x64xi32, #tpu.memory_space<vmem>> -> memref<1x64xi32, #tpu.memory_space<vmem>>
    %dma_start3A_15 = tpu.memref_squeeze %dma_start3A_14 : memref<1x64xi32, #tpu.memory_space<vmem>> -> memref<64xi32, #tpu.memory_space<vmem>>
    %dma_start3A_16 = tpu.memref_slice %arg4[%multiple_of3A] : memref<320000xi32, #tpu.memory_space<hbm>> -> memref<64xi32, #tpu.memory_space<hbm>>
    tpu.enqueue_dma source(%dma_start3A_16 : memref<64xi32, #tpu.memory_space<hbm>>) target(%dma_start3A_15 : memref<64xi32, #tpu.memory_space<vmem>>) target_semaphore(%arg19 : memref<!tpu.dma_semaphore, #tpu.memory_space<semaphore_mem>>)
    %dma_start3A_17 = arith.constant 1 : i32
    %dma_start3A_18 = arith.constant 0 : i32
    %dma_start3A_19 = tpu.memref_slice %arg8[%dma_start3A_17, %dma_start3A_18] : memref<2x64xi32, #tpu.memory_space<vmem>> -> memref<1x64xi32, #tpu.memory_space<vmem>>
    %dma_start3A_20 = tpu.memref_squeeze %dma_start3A_19 : memref<1x64xi32, #tpu.memory_space<vmem>> -> memref<64xi32, #tpu.memory_space<vmem>>
    %dma_start3A_21 = tpu.memref_slice %arg5[%multiple_of3A] : memref<320000xi32, #tpu.memory_space<hbm>> -> memref<64xi32, #tpu.memory_space<hbm>>
    %dma_start3A_22 = arith.constant 0 : i32
    %dma_start3A_23 = tpu.memref_slice %arg8[%dma_start3A_17, %dma_start3A_22] : memref<2x64xi32, #tpu.memory_space<vmem>> -> memref<1x64xi32, #tpu.memory_space<vmem>>
    %dma_start3A_24 = tpu.memref_squeeze %dma_start3A_23 : memref<1x64xi32, #tpu.memory_space<vmem>> -> memref<64xi32, #tpu.memory_space<vmem>>
    %dma_start3A_25 = tpu.memref_slice %arg5[%multiple_of3A] : memref<320000xi32, #tpu.memory_space<hbm>> -> memref<64xi32, #tpu.memory_space<hbm>>
    tpu.enqueue_dma source(%dma_start3A_25 : memref<64xi32, #tpu.memory_space<hbm>>) target(%dma_start3A_24 : memref<64xi32, #tpu.memory_space<vmem>>) target_semaphore(%arg19 : memref<!tpu.dma_semaphore, #tpu.memory_space<semaphore_mem>>)
    %add3A_26 = arith.constant 64 : i32
    %add3A_27 = arith.addi %mul3A_2, %add3A_26 : i32
    %multiple_of3A_28 = tpu.assume_multiple %add3A_27, 8 : i32
    %dma_start3A_29 = arith.constant 0 : i32
    %dma_start3A_30 = arith.constant 0 : i32
    %dma_start3A_31 = tpu.memref_slice %arg9[%dma_start3A_29, %dma_start3A_30] : memref<2x64xi32, #tpu.memory_space<vmem>> -> memref<1x64xi32, #tpu.memory_space<vmem>>
    %dma_start3A_32 = tpu.memref_squeeze %dma_start3A_31 : memref<1x64xi32, #tpu.memory_space<vmem>> -> memref<64xi32, #tpu.memory_space<vmem>>
    %dma_start3A_33 = tpu.memref_slice %arg4[%multiple_of3A_28] : memref<320000xi32, #tpu.memory_space<hbm>> -> memref<64xi32, #tpu.memory_space<hbm>>
    %dma_start3A_34 = arith.constant 0 : i32
    %dma_start3A_35 = tpu.memref_slice %arg9[%dma_start3A_29, %dma_start3A_34] : memref<2x64xi32, #tpu.memory_space<vmem>> -> memref<1x64xi32, #tpu.memory_space<vmem>>
    %dma_start3A_36 = tpu.memref_squeeze %dma_start3A_35 : memref<1x64xi32, #tpu.memory_space<vmem>> -> memref<64xi32, #tpu.memory_space<vmem>>
    %dma_start3A_37 = tpu.memref_slice %arg4[%multiple_of3A_28] : memref<320000xi32, #tpu.memory_space<hbm>> -> memref<64xi32, #tpu.memory_space<hbm>>
    tpu.enqueue_dma source(%dma_start3A_37 : memref<64xi32, #tpu.memory_space<hbm>>) target(%dma_start3A_36 : memref<64xi32, #tpu.memory_space<vmem>>) target_semaphore(%arg20 : memref<!tpu.dma_semaphore, #tpu.memory_space<semaphore_mem>>)
    %dma_start3A_38 = arith.constant 1 : i32
    %dma_start3A_39 = arith.constant 0 : i32
    %dma_start3A_40 = tpu.memref_slice %arg9[%dma_start3A_38, %dma_start3A_39] : memref<2x64xi32, #tpu.memory_space<vmem>> -> memref<1x64xi32, #tpu.memory_space<vmem>>
    %dma_start3A_41 = tpu.memref_squeeze %dma_start3A_40 : memref<1x64xi32, #tpu.memory_space<vmem>> -> memref<64xi32, #tpu.memory_space<vmem>>
    %dma_start3A_42 = tpu.memref_slice %arg5[%multiple_of3A_28] : memref<320000xi32, #tpu.memory_space<hbm>> -> memref<64xi32, #tpu.memory_space<hbm>>
    %dma_start3A_43 = arith.constant 0 : i32
    %dma_start3A_44 = tpu.memref_slice %arg9[%dma_start3A_38, %dma_start3A_43] : memref<2x64xi32, #tpu.memory_space<vmem>> -> memref<1x64xi32, #tpu.memory_space<vmem>>
    %dma_start3A_45 = tpu.memref_squeeze %dma_start3A_44 : memref<1x64xi32, #tpu.memory_space<vmem>> -> memref<64xi32, #tpu.memory_space<vmem>>
    %dma_start3A_46 = tpu.memref_slice %arg5[%multiple_of3A_28] : memref<320000xi32, #tpu.memory_space<hbm>> -> memref<64xi32, #tpu.memory_space<hbm>>
    tpu.enqueue_dma source(%dma_start3A_46 : memref<64xi32, #tpu.memory_space<hbm>>) target(%dma_start3A_45 : memref<64xi32, #tpu.memory_space<vmem>>) target_semaphore(%arg20 : memref<!tpu.dma_semaphore, #tpu.memory_space<semaphore_mem>>)
    %add3A_47 = arith.constant 0 : i32
    %add3A_48 = arith.addi %mul3A_2, %add3A_47 : i32
    %multiple_of3A_49 = tpu.assume_multiple %add3A_48, 8 : i32
    %dma_start3A_50 = arith.constant 0 : i32
    %dma_start3A_51 = tpu.memref_slice %arg3[%multiple_of3A_49, %dma_start3A_50] : memref<320000x128xf32, #tpu.memory_space<hbm>> -> memref<64x128xf32, #tpu.memory_space<hbm>>
    %dma_start3A_52 = arith.constant 0 : i32
    %dma_start3A_53 = tpu.memref_slice %arg3[%multiple_of3A_49, %dma_start3A_52] : memref<320000x128xf32, #tpu.memory_space<hbm>> -> memref<64x128xf32, #tpu.memory_space<hbm>>
    tpu.enqueue_dma source(%dma_start3A_53 : memref<64x128xf32, #tpu.memory_space<hbm>>) target(%arg12 : memref<64x128xf32, #tpu.memory_space<vmem>>) target_semaphore(%arg23 : memref<!tpu.dma_semaphore, #tpu.memory_space<semaphore_mem>>)
    %dma_wait3A = arith.constant 0 : i32
    %dma_wait3A_54 = arith.constant 0 : i32
    %dma_wait3A_55 = tpu.memref_slice %arg8[%dma_wait3A, %dma_wait3A_54] : memref<2x64xi32, #tpu.memory_space<vmem>> -> memref<1x64xi32, #tpu.memory_space<vmem>>
    %dma_wait3A_56 = tpu.memref_squeeze %dma_wait3A_55 : memref<1x64xi32, #tpu.memory_space<vmem>> -> memref<64xi32, #tpu.memory_space<vmem>>
    %dma_wait3A_57 = arith.constant 0 : i32
    %dma_wait3A_58 = tpu.memref_slice %arg4[%dma_wait3A_57] : memref<320000xi32, #tpu.memory_space<hbm>> -> memref<64xi32, #tpu.memory_space<hbm>>
    %dma_wait3A_59 = arith.constant 0 : i32
    %dma_wait3A_60 = tpu.memref_slice %arg8[%dma_wait3A, %dma_wait3A_59] : memref<2x64xi32, #tpu.memory_space<vmem>> -> memref<1x64xi32, #tpu.memory_space<vmem>>
    %dma_wait3A_61 = tpu.memref_squeeze %dma_wait3A_60 : memref<1x64xi32, #tpu.memory_space<vmem>> -> memref<64xi32, #tpu.memory_space<vmem>>
    %dma_wait3A_62 = arith.constant 0 : i32
    %dma_wait3A_63 = tpu.memref_slice %arg4[%dma_wait3A_62] : memref<320000xi32, #tpu.memory_space<hbm>> -> memref<64xi32, #tpu.memory_space<hbm>>
    tpu.wait_dma2 semaphore(%arg19 : memref<!tpu.dma_semaphore, #tpu.memory_space<semaphore_mem>>) src(%dma_wait3A_63 : memref<64xi32, #tpu.memory_space<hbm>>) dst(%dma_wait3A_61 : memref<64xi32, #tpu.memory_space<vmem>>)
    %dma_wait3A_64 = arith.constant 1 : i32
    %dma_wait3A_65 = arith.constant 0 : i32
    %dma_wait3A_66 = tpu.memref_slice %arg8[%dma_wait3A_64, %dma_wait3A_65] : memref<2x64xi32, #tpu.memory_space<vmem>> -> memref<1x64xi32, #tpu.memory_space<vmem>>
    %dma_wait3A_67 = tpu.memref_squeeze %dma_wait3A_66 : memref<1x64xi32, #tpu.memory_space<vmem>> -> memref<64xi32, #tpu.memory_space<vmem>>
    %dma_wait3A_68 = arith.constant 0 : i32
    %dma_wait3A_69 = tpu.memref_slice %arg5[%dma_wait3A_68] : memref<320000xi32, #tpu.memory_space<hbm>> -> memref<64xi32, #tpu.memory_space<hbm>>
    %dma_wait3A_70 = arith.constant 0 : i32
    %dma_wait3A_71 = tpu.memref_slice %arg8[%dma_wait3A_64, %dma_wait3A_70] : memref<2x64xi32, #tpu.memory_space<vmem>> -> memref<1x64xi32, #tpu.memory_space<vmem>>
    %dma_wait3A_72 = tpu.memref_squeeze %dma_wait3A_71 : memref<1x64xi32, #tpu.memory_space<vmem>> -> memref<64xi32, #tpu.memory_space<vmem>>
    %dma_wait3A_73 = arith.constant 0 : i32
    %dma_wait3A_74 = tpu.memref_slice %arg5[%dma_wait3A_73] : memref<320000xi32, #tpu.memory_space<hbm>> -> memref<64xi32, #tpu.memory_space<hbm>>
    tpu.wait_dma2 semaphore(%arg19 : memref<!tpu.dma_semaphore, #tpu.memory_space<semaphore_mem>>) src(%dma_wait3A_74 : memref<64xi32, #tpu.memory_space<hbm>>) dst(%dma_wait3A_72 : memref<64xi32, #tpu.memory_space<vmem>>)
    %dma_start3A_75 = arith.constant 0 : i32
    %dma_start3A_76 = arith.constant 0 : i32
    %dma_start3A_77 = tpu.memref_slice %arg8[%dma_start3A_75, %dma_start3A_76] : memref<2x64xi32, #tpu.memory_space<vmem>> -> memref<1x64xi32, #tpu.memory_space<vmem>>
    %dma_start3A_78 = tpu.memref_squeeze %dma_start3A_77 : memref<1x64xi32, #tpu.memory_space<vmem>> -> memref<64xi32, #tpu.memory_space<vmem>>
    %dma_start3A_79 = arith.constant 0 : i32
    %dma_start3A_80 = arith.constant 0 : i32
    %dma_start3A_81 = tpu.memref_slice %arg2[%dma_start3A_79, %dma_start3A_80] : memref<10000x128xf32, #tpu.memory_space<hbm>> -> memref<10000x128xf32, #tpu.memory_space<hbm>>
    tpu.enqueue_indirect_dma source(%dma_start3A_81 : memref<10000x128xf32, #tpu.memory_space<hbm>>) target(%arg15 : memref<64x128xf32, #tpu.memory_space<vmem>>) offsets(%dma_start3A_78 : memref<64xi32, #tpu.memory_space<vmem>>) semaphore(%arg26 : memref<!tpu.dma_semaphore, #tpu.memory_space<semaphore_mem>>)
    %scan3A = arith.constant 0 : i32
    %scan3A_82 = arith.constant 0 : i32
    %scan3A_83 = arith.constant 13 : i32
    %scan3A_84 = arith.addi %scan3A_82, %scan3A_83 : i32
    %scan3A_85 = arith.constant 1 : i32
    scf.for %scan3A_140 = %scan3A_82 to %scan3A_84 step %scan3A_85  : i32 {
      %ge3A = arith.constant 1 : i32
      %ge3A_141 = arith.cmpi sge, %scan3A_140, %ge3A : i32
      %mul3A_142 = arith.constant 12 : i32
      %mul3A_143 = arith.muli %mul3A_142, %scan3A_140 : i32
      %add3A_144 = arith.constant 0 : i32
      %add3A_145 = arith.addi %mul3A_143, %add3A_144 : i32
      %convert_element_type3A = arith.extui %ge3A_141 : i1 to i32
      %cond3A = arith.constant 0 : i32
      %cond3A_146 = arith.cmpi ne, %convert_element_type3A, %cond3A : i32
      scf.if %cond3A_146 {
        %dma_wait3A_1261 = arith.constant 1 : i32
        %dma_wait3A_1262 = arith.constant 0 : i32
        %dma_wait3A_1263 = tpu.memref_slice %arg10[%dma_wait3A_1261, %dma_wait3A_1262] : memref<2x64xi32, #tpu.memory_space<vmem>> -> memref<1x64xi32, #tpu.memory_space<vmem>>
        %dma_wait3A_1264 = tpu.memref_squeeze %dma_wait3A_1263 : memref<1x64xi32, #tpu.memory_space<vmem>> -> memref<64xi32, #tpu.memory_space<vmem>>
        %dma_wait3A_1265 = arith.constant 0 : i32
        %dma_wait3A_1266 = arith.constant 0 : i32
        %dma_wait3A_1267 = tpu.memref_slice %arg18[%dma_wait3A_1265, %dma_wait3A_1266] : memref<10240x128xf32, #tpu.memory_space<vmem_shared>> -> memref<10240x128xf32, #tpu.memory_space<vmem_shared>>
        tpu.wait_indirect_dma semaphore(%arg29 : memref<!tpu.dma_semaphore, #tpu.memory_space<semaphore_mem>>) src(%arg13 : memref<64x128xf32, #tpu.memory_space<vmem>>) dst(%dma_wait3A_1267 : memref<10240x128xf32, #tpu.memory_space<vmem_shared>>)
      } else {
      }
      %add3A_147 = arith.constant 2 : i32
      %add3A_148 = arith.addi %add3A_145, %add3A_147 : i32
      %mul3A_149 = arith.constant 64 : i32
      %mul3A_150 = arith.muli %add3A_148, %mul3A_149 : i32
      %add3A_151 = arith.addi %mul3A_2, %mul3A_150 : i32
      %multiple_of3A_152 = tpu.assume_multiple %add3A_151, 8 : i32
      %dma_start3A_153 = arith.constant 0 : i32
      %dma_start3A_154 = arith.constant 0 : i32
      %dma_start3A_155 = tpu.memref_slice %arg10[%dma_start3A_153, %dma_start3A_154] : memref<2x64xi32, #tpu.memory_space<vmem>> -> memref<1x64xi32, #tpu.memory_space<vmem>>
      %dma_start3A_156 = tpu.memref_squeeze %dma_start3A_155 : memref<1x64xi32, #tpu.memory_space<vmem>> -> memref<64xi32, #tpu.memory_space<vmem>>
      %dma_start3A_157 = tpu.memref_slice %arg4[%multiple_of3A_152] : memref<320000xi32, #tpu.memory_space<hbm>> -> memref<64xi32, #tpu.memory_space<hbm>>
      %dma_start3A_158 = arith.constant 0 : i32
      %dma_start3A_159 = tpu.memref_slice %arg10[%dma_start3A_153, %dma_start3A_158] : memref<2x64xi32, #tpu.memory_space<vmem>> -> memref<1x64xi32, #tpu.memory_space<vmem>>
      %dma_start3A_160 = tpu.memref_squeeze %dma_start3A_159 : memref<1x64xi32, #tpu.memory_space<vmem>> -> memref<64xi32, #tpu.memory_space<vmem>>
      %dma_start3A_161 = tpu.memref_slice %arg4[%multiple_of3A_152] : memref<320000xi32, #tpu.memory_space<hbm>> -> memref<64xi32, #tpu.memory_space<hbm>>
      tpu.enqueue_dma source(%dma_start3A_161 : memref<64xi32, #tpu.memory_space<hbm>>) target(%dma_start3A_160 : memref<64xi32, #tpu.memory_space<vmem>>) target_semaphore(%arg21 : memref<!tpu.dma_semaphore, #tpu.memory_space<semaphore_mem>>)
      %dma_start3A_162 = arith.constant 1 : i32
      %dma_start3A_163 = arith.constant 0 : i32
      %dma_start3A_164 = tpu.memref_slice %arg10[%dma_start3A_162, %dma_start3A_163] : memref<2x64xi32, #tpu.memory_space<vmem>> -> memref<1x64xi32, #tpu.memory_space<vmem>>
      %dma_start3A_165 = tpu.memref_squeeze %dma_start3A_164 : memref<1x64xi32, #tpu.memory_space<vmem>> -> memref<64xi32, #tpu.memory_space<vmem>>
      %dma_start3A_166 = tpu.memref_slice %arg5[%multiple_of3A_152] : memref<320000xi32, #tpu.memory_space<hbm>> -> memref<64xi32, #tpu.memory_space<hbm>>
      %dma_start3A_167 = arith.constant 0 : i32
      %dma_start3A_168 = tpu.memref_slice %arg10[%dma_start3A_162, %dma_start3A_167] : memref<2x64xi32, #tpu.memory_space<vmem>> -> memref<1x64xi32, #tpu.memory_space<vmem>>
      %dma_start3A_169 = tpu.memref_squeeze %dma_start3A_168 : memref<1x64xi32, #tpu.memory_space<vmem>> -> memref<64xi32, #tpu.memory_space<vmem>>
      %dma_start3A_170 = tpu.memref_slice %arg5[%multiple_of3A_152] : memref<320000xi32, #tpu.memory_space<hbm>> -> memref<64xi32, #tpu.memory_space<hbm>>
      tpu.enqueue_dma source(%dma_start3A_170 : memref<64xi32, #tpu.memory_space<hbm>>) target(%dma_start3A_169 : memref<64xi32, #tpu.memory_space<vmem>>) target_semaphore(%arg21 : memref<!tpu.dma_semaphore, #tpu.memory_space<semaphore_mem>>)
      %add3A_171 = arith.constant 1 : i32
      %add3A_172 = arith.addi %add3A_145, %add3A_171 : i32
      %mul3A_173 = arith.constant 64 : i32
      %mul3A_174 = arith.muli %add3A_172, %mul3A_173 : i32
      %add3A_175 = arith.addi %mul3A_2, %mul3A_174 : i32
      %multiple_of3A_176 = tpu.assume_multiple %add3A_175, 8 : i32
      %dma_start3A_177 = arith.constant 0 : i32
      %dma_start3A_178 = tpu.memref_slice %arg3[%multiple_of3A_176, %dma_start3A_177] : memref<320000x128xf32, #tpu.memory_space<hbm>> -> memref<64x128xf32, #tpu.memory_space<hbm>>
      %dma_start3A_179 = arith.constant 0 : i32
      %dma_start3A_180 = tpu.memref_slice %arg3[%multiple_of3A_176, %dma_start3A_179] : memref<320000x128xf32, #tpu.memory_space<hbm>> -> memref<64x128xf32, #tpu.memory_space<hbm>>
      tpu.enqueue_dma source(%dma_start3A_180 : memref<64x128xf32, #tpu.memory_space<hbm>>) target(%arg13 : memref<64x128xf32, #tpu.memory_space<vmem>>) target_semaphore(%arg24 : memref<!tpu.dma_semaphore, #tpu.memory_space<semaphore_mem>>)
      %dma_wait3A_181 = arith.constant 0 : i32
      %dma_wait3A_182 = arith.constant 0 : i32
      %dma_wait3A_183 = tpu.memref_slice %arg9[%dma_wait3A_181, %dma_wait3A_182] : memref<2x64xi32, #tpu.memory_space<vmem>> -> memref<1x64xi32, #tpu.memory_space<vmem>>
      %dma_wait3A_184 = tpu.memref_squeeze %dma_wait3A_183 : memref<1x64xi32, #tpu.memory_space<vmem>> -> memref<64xi32, #tpu.memory_space<vmem>>
      %dma_wait3A_185 = arith.constant 0 : i32
      %dma_wait3A_186 = tpu.memref_slice %arg4[%dma_wait3A_185] : memref<320000xi32, #tpu.memory_space<hbm>> -> memref<64xi32, #tpu.memory_space<hbm>>
      %dma_wait3A_187 = arith.constant 0 : i32
      %dma_wait3A_188 = tpu.memref_slice %arg9[%dma_wait3A_181, %dma_wait3A_187] : memref<2x64xi32, #tpu.memory_space<vmem>> -> memref<1x64xi32, #tpu.memory_space<vmem>>
      %dma_wait3A_189 = tpu.memref_squeeze %dma_wait3A_188 : memref<1x64xi32, #tpu.memory_space<vmem>> -> memref<64xi32, #tpu.memory_space<vmem>>
      %dma_wait3A_190 = arith.constant 0 : i32
      %dma_wait3A_191 = tpu.memref_slice %arg4[%dma_wait3A_190] : memref<320000xi32, #tpu.memory_space<hbm>> -> memref<64xi32, #tpu.memory_space<hbm>>
      tpu.wait_dma2 semaphore(%arg20 : memref<!tpu.dma_semaphore, #tpu.memory_space<semaphore_mem>>) src(%dma_wait3A_191 : memref<64xi32, #tpu.memory_space<hbm>>) dst(%dma_wait3A_189 : memref<64xi32, #tpu.memory_space<vmem>>)
      %dma_wait3A_192 = arith.constant 1 : i32
      %dma_wait3A_193 = arith.constant 0 : i32
      %dma_wait3A_194 = tpu.memref_slice %arg9[%dma_wait3A_192, %dma_wait3A_193] : memref<2x64xi32, #tpu.memory_space<vmem>> -> memref<1x64xi32, #tpu.memory_space<vmem>>
      %dma_wait3A_195 = tpu.memref_squeeze %dma_wait3A_194 : memref<1x64xi32, #tpu.memory_space<vmem>> -> memref<64xi32, #tpu.memory_space<vmem>>
      %dma_wait3A_196 = arith.constant 0 : i32
      %dma_wait3A_197 = tpu.memref_slice %arg5[%dma_wait3A_196] : memref<320000xi32, #tpu.memory_space<hbm>> -> memref<64xi32, #tpu.memory_space<hbm>>
      %dma_wait3A_198 = arith.constant 0 : i32
      %dma_wait3A_199 = tpu.memref_slice %arg9[%dma_wait3A_192, %dma_wait3A_198] : memref<2x64xi32, #tpu.memory_space<vmem>> -> memref<1x64xi32, #tpu.memory_space<vmem>>
      %dma_wait3A_200 = tpu.memref_squeeze %dma_wait3A_199 : memref<1x64xi32, #tpu.memory_space<vmem>> -> memref<64xi32, #tpu.memory_space<vmem>>
      %dma_wait3A_201 = arith.constant 0 : i32
      %dma_wait3A_202 = tpu.memref_slice %arg5[%dma_wait3A_201] : memref<320000xi32, #tpu.memory_space<hbm>> -> memref<64xi32, #tpu.memory_space<hbm>>
      tpu.wait_dma2 semaphore(%arg20 : memref<!tpu.dma_semaphore, #tpu.memory_space<semaphore_mem>>) src(%dma_wait3A_202 : memref<64xi32, #tpu.memory_space<hbm>>) dst(%dma_wait3A_200 : memref<64xi32, #tpu.memory_space<vmem>>)
      %dma_start3A_203 = arith.constant 0 : i32
      %dma_start3A_204 = arith.constant 0 : i32
      %dma_start3A_205 = tpu.memref_slice %arg9[%dma_start3A_203, %dma_start3A_204] : memref<2x64xi32, #tpu.memory_space<vmem>> -> memref<1x64xi32, #tpu.memory_space<vmem>>
      %dma_start3A_206 = tpu.memref_squeeze %dma_start3A_205 : memref<1x64xi32, #tpu.memory_space<vmem>> -> memref<64xi32, #tpu.memory_space<vmem>>
      %dma_start3A_207 = arith.constant 0 : i32
      %dma_start3A_208 = arith.constant 0 : i32
      %dma_start3A_209 = tpu.memref_slice %arg2[%dma_start3A_207, %dma_start3A_208] : memref<10000x128xf32, #tpu.memory_space<hbm>> -> memref<10000x128xf32, #tpu.memory_space<hbm>>
      tpu.enqueue_indirect_dma source(%dma_start3A_209 : memref<10000x128xf32, #tpu.memory_space<hbm>>) target(%arg16 : memref<64x128xf32, #tpu.memory_space<vmem>>) offsets(%dma_start3A_206 : memref<64xi32, #tpu.memory_space<vmem>>) semaphore(%arg27 : memref<!tpu.dma_semaphore, #tpu.memory_space<semaphore_mem>>)
      %dma_wait3A_210 = arith.constant 0 : i32
      %dma_wait3A_211 = arith.constant 0 : i32
      %dma_wait3A_212 = tpu.memref_slice %arg8[%dma_wait3A_210, %dma_wait3A_211] : memref<2x64xi32, #tpu.memory_space<vmem>> -> memref<1x64xi32, #tpu.memory_space<vmem>>
      %dma_wait3A_213 = tpu.memref_squeeze %dma_wait3A_212 : memref<1x64xi32, #tpu.memory_space<vmem>> -> memref<64xi32, #tpu.memory_space<vmem>>
      %dma_wait3A_214 = arith.constant 0 : i32
      %dma_wait3A_215 = arith.constant 0 : i32
      %dma_wait3A_216 = tpu.memref_slice %arg2[%dma_wait3A_214, %dma_wait3A_215] : memref<10000x128xf32, #tpu.memory_space<hbm>> -> memref<10000x128xf32, #tpu.memory_space<hbm>>
      tpu.wait_indirect_dma semaphore(%arg26 : memref<!tpu.dma_semaphore, #tpu.memory_space<semaphore_mem>>) src(%dma_wait3A_216 : memref<10000x128xf32, #tpu.memory_space<hbm>>) dst(%arg15 : memref<64x128xf32, #tpu.memory_space<vmem>>)
      %dma_wait3A_217 = arith.constant 0 : i32
      %dma_wait3A_218 = arith.constant 0 : i32
      %dma_wait3A_219 = tpu.memref_slice %arg3[%dma_wait3A_217, %dma_wait3A_218] : memref<320000x128xf32, #tpu.memory_space<hbm>> -> memref<64x128xf32, #tpu.memory_space<hbm>>
      %dma_wait3A_220 = arith.constant 0 : i32
      %dma_wait3A_221 = arith.constant 0 : i32
      %dma_wait3A_222 = tpu.memref_slice %arg3[%dma_wait3A_220, %dma_wait3A_221] : memref<320000x128xf32, #tpu.memory_space<hbm>> -> memref<64x128xf32, #tpu.memory_space<hbm>>
      tpu.wait_dma2 semaphore(%arg23 : memref<!tpu.dma_semaphore, #tpu.memory_space<semaphore_mem>>) src(%dma_wait3A_222 : memref<64x128xf32, #tpu.memory_space<hbm>>) dst(%arg12 : memref<64x128xf32, #tpu.memory_space<vmem>>)
      %scan3A_223 = arith.constant 0 : i32
      %scan3A_224 = arith.constant 0 : i32
      %scan3A_225 = arith.constant 64 : i32
      %scan3A_226 = arith.addi %scan3A_224, %scan3A_225 : i32
      %scan3A_227 = arith.constant 1 : i32
      scf.for %scan3A_1261 = %scan3A_224 to %scan3A_226 step %scan3A_227  : i32 {
        %get3A = arith.index_cast %scan3A_1261 : i32 to index
        %get3A_1262 = arith.constant 0 : index
        %get3A_1263 = tpu.vector_load %arg12[%get3A, %get3A_1262] {strides = array<i32>} : memref<64x128xf32, #tpu.memory_space<vmem>>, vector<1x16xf32>,
        %get3A_1264 = vector.shape_cast %get3A_1263 : vector<1x16xf32> to vector<16xf32>
        %get3A_1265 = arith.index_cast %scan3A_1261 : i32 to index
        %get3A_1266 = arith.constant 0 : index
        %get3A_1267 = tpu.vector_load %arg15[%get3A_1265, %get3A_1266] {strides = array<i32>} : memref<64x128xf32, #tpu.memory_space<vmem>>, vector<1x16xf32>,
        %get3A_1268 = vector.shape_cast %get3A_1267 : vector<1x16xf32> to vector<16xf32>
        %mul3A_1269 = arith.mulf %get3A_1264, %get3A_1268 : vector<16xf32>
        %mul3A_1270 = arith.constant 1.000000e-01 : f32
        %mul3A_1271 = vector.broadcast %mul3A_1270 : f32 to vector<16xf32>
        %mul3A_1272 = arith.mulf %mul3A_1269, %mul3A_1271 : vector<16xf32>
        %max3A = arith.maximumf %mul3A_1269, %mul3A_1272 : vector<16xf32>
        %swap3A = arith.index_cast %scan3A_1261 : i32 to index
        %swap3A_1273 = arith.constant 0 : index
        %swap3A_1274 = tpu.vector_load %arg12[%swap3A, %swap3A_1273] {strides = array<i32>} : memref<64x128xf32, #tpu.memory_space<vmem>>, vector<1x16xf32>,
        %swap3A_1275 = vector.shape_cast %swap3A_1274 : vector<1x16xf32> to vector<16xf32>
        %swap3A_1276 = vector.shape_cast %max3A : vector<16xf32> to vector<1x16xf32>
        tpu.vector_store %arg12[%swap3A, %swap3A_1273], %swap3A_1276 {strides = array<i32>} : memref<64x128xf32, #tpu.memory_space<vmem>>, vector<1x16xf32>,
        %get3A_1277 = arith.index_cast %scan3A_1261 : i32 to index
        %get3A_1278 = arith.constant 16 : index
        %get3A_1279 = tpu.vector_load %arg12[%get3A_1277, %get3A_1278] {strides = array<i32>} : memref<64x128xf32, #tpu.memory_space<vmem>>, vector<1x16xf32>,
        %get3A_1280 = vector.shape_cast %get3A_1279 : vector<1x16xf32> to vector<16xf32>
        %get3A_1281 = arith.index_cast %scan3A_1261 : i32 to index
        %get3A_1282 = arith.constant 16 : index
        %get3A_1283 = tpu.vector_load %arg15[%get3A_1281, %get3A_1282] {strides = array<i32>} : memref<64x128xf32, #tpu.memory_space<vmem>>, vector<1x16xf32>,
        %get3A_1284 = vector.shape_cast %get3A_1283 : vector<1x16xf32> to vector<16xf32>
        %mul3A_1285 = arith.mulf %get3A_1280, %get3A_1284 : vector<16xf32>
        %mul3A_1286 = arith.constant 1.000000e-01 : f32
        %mul3A_1287 = vector.broadcast %mul3A_1286 : f32 to vector<16xf32>
        %mul3A_1288 = arith.mulf %mul3A_1285, %mul3A_1287 : vector<16xf32>
        %max3A_1289 = arith.maximumf %mul3A_1285, %mul3A_1288 : vector<16xf32>
        %swap3A_1290 = arith.index_cast %scan3A_1261 : i32 to index
        %swap3A_1291 = arith.constant 16 : index
        %swap3A_1292 = tpu.vector_load %arg12[%swap3A_1290, %swap3A_1291] {strides = array<i32>} : memref<64x128xf32, #tpu.memory_space<vmem>>, vector<1x16xf32>,
        %swap3A_1293 = vector.shape_cast %swap3A_1292 : vector<1x16xf32> to vector<16xf32>
        %swap3A_1294 = vector.shape_cast %max3A_1289 : vector<16xf32> to vector<1x16xf32>
        tpu.vector_store %arg12[%swap3A_1290, %swap3A_1291], %swap3A_1294 {strides = array<i32>} : memref<64x128xf32, #tpu.memory_space<vmem>>, vector<1x16xf32>,
        %get3A_1295 = arith.index_cast %scan3A_1261 : i32 to index
        %get3A_1296 = arith.constant 32 : index
        %get3A_1297 = tpu.vector_load %arg12[%get3A_1295, %get3A_1296] {strides = array<i32>} : memref<64x128xf32, #tpu.memory_space<vmem>>, vector<1x16xf32>,
        %get3A_1298 = vector.shape_cast %get3A_1297 : vector<1x16xf32> to vector<16xf32>
        %get3A_1299 = arith.index_cast %scan3A_1261 : i32 to index
        %get3A_1300 = arith.constant 32 : index
        %get3A_1301 = tpu.vector_load %arg15[%get3A_1299, %get3A_1300] {strides = array<i32>} : memref<64x128xf32, #tpu.memory_space<vmem>>, vector<1x16xf32>,
        %get3A_1302 = vector.shape_cast %get3A_1301 : vector<1x16xf32> to vector<16xf32>
        %mul3A_1303 = arith.mulf %get3A_1298, %get3A_1302 : vector<16xf32>
        %mul3A_1304 = arith.constant 1.000000e-01 : f32
        %mul3A_1305 = vector.broadcast %mul3A_1304 : f32 to vector<16xf32>
        %mul3A_1306 = arith.mulf %mul3A_1303, %mul3A_1305 : vector<16xf32>
        %max3A_1307 = arith.maximumf %mul3A_1303, %mul3A_1306 : vector<16xf32>
        %swap3A_1308 = arith.index_cast %scan3A_1261 : i32 to index
        %swap3A_1309 = arith.constant 32 : index
        %swap3A_1310 = tpu.vector_load %arg12[%swap3A_1308, %swap3A_1309] {strides = array<i32>} : memref<64x128xf32, #tpu.memory_space<vmem>>, vector<1x16xf32>,
        %swap3A_1311 = vector.shape_cast %swap3A_1310 : vector<1x16xf32> to vector<16xf32>
        %swap3A_1312 = vector.shape_cast %max3A_1307 : vector<16xf32> to vector<1x16xf32>
        tpu.vector_store %arg12[%swap3A_1308, %swap3A_1309], %swap3A_1312 {strides = array<i32>} : memref<64x128xf32, #tpu.memory_space<vmem>>, vector<1x16xf32>,
        %get3A_1313 = arith.index_cast %scan3A_1261 : i32 to index
        %get3A_1314 = arith.constant 48 : index
        %get3A_1315 = tpu.vector_load %arg12[%get3A_1313, %get3A_1314] {strides = array<i32>} : memref<64x128xf32, #tpu.memory_space<vmem>>, vector<1x16xf32>,
        %get3A_1316 = vector.shape_cast %get3A_1315 : vector<1x16xf32> to vector<16xf32>
        %get3A_1317 = arith.index_cast %scan3A_1261 : i32 to index
        %get3A_1318 = arith.constant 48 : index
        %get3A_1319 = tpu.vector_load %arg15[%get3A_1317, %get3A_1318] {strides = array<i32>} : memref<64x128xf32, #tpu.memory_space<vmem>>, vector<1x16xf32>,
        %get3A_1320 = vector.shape_cast %get3A_1319 : vector<1x16xf32> to vector<16xf32>
        %mul3A_1321 = arith.mulf %get3A_1316, %get3A_1320 : vector<16xf32>
        %mul3A_1322 = arith.constant 1.000000e-01 : f32
        %mul3A_1323 = vector.broadcast %mul3A_1322 : f32 to vector<16xf32>
        %mul3A_1324 = arith.mulf %mul3A_1321, %mul3A_1323 : vector<16xf32>
        %max3A_1325 = arith.maximumf %mul3A_1321, %mul3A_1324 : vector<16xf32>
        %swap3A_1326 = arith.index_cast %scan3A_1261 : i32 to index
        %swap3A_1327 = arith.constant 48 : index
        %swap3A_1328 = tpu.vector_load %arg12[%swap3A_1326, %swap3A_1327] {strides = array<i32>} : memref<64x128xf32, #tpu.memory_space<vmem>>, vector<1x16xf32>,
        %swap3A_1329 = vector.shape_cast %swap3A_1328 : vector<1x16xf32> to vector<16xf32>
        %swap3A_1330 = vector.shape_cast %max3A_1325 : vector<16xf32> to vector<1x16xf32>
        tpu.vector_store %arg12[%swap3A_1326, %swap3A_1327], %swap3A_1330 {strides = array<i32>} : memref<64x128xf32, #tpu.memory_space<vmem>>, vector<1x16xf32>,
        %get3A_1331 = arith.index_cast %scan3A_1261 : i32 to index
        %get3A_1332 = arith.constant 64 : index
        %get3A_1333 = tpu.vector_load %arg12[%get3A_1331, %get3A_1332] {strides = array<i32>} : memref<64x128xf32, #tpu.memory_space<vmem>>, vector<1x16xf32>,
        %get3A_1334 = vector.shape_cast %get3A_1333 : vector<1x16xf32> to vector<16xf32>
        %get3A_1335 = arith.index_cast %scan3A_1261 : i32 to index
        %get3A_1336 = arith.constant 64 : index
        %get3A_1337 = tpu.vector_load %arg15[%get3A_1335, %get3A_1336] {strides = array<i32>} : memref<64x128xf32, #tpu.memory_space<vmem>>, vector<1x16xf32>,
        %get3A_1338 = vector.shape_cast %get3A_1337 : vector<1x16xf32> to vector<16xf32>
        %mul3A_1339 = arith.mulf %get3A_1334, %get3A_1338 : vector<16xf32>
        %mul3A_1340 = arith.constant 1.000000e-01 : f32
        %mul3A_1341 = vector.broadcast %mul3A_1340 : f32 to vector<16xf32>
        %mul3A_1342 = arith.mulf %mul3A_1339, %mul3A_1341 : vector<16xf32>
        %max3A_1343 = arith.maximumf %mul3A_1339, %mul3A_1342 : vector<16xf32>
        %swap3A_1344 = arith.index_cast %scan3A_1261 : i32 to index
        %swap3A_1345 = arith.constant 64 : index
        %swap3A_1346 = tpu.vector_load %arg12[%swap3A_1344, %swap3A_1345] {strides = array<i32>} : memref<64x128xf32, #tpu.memory_space<vmem>>, vector<1x16xf32>,
        %swap3A_1347 = vector.shape_cast %swap3A_1346 : vector<1x16xf32> to vector<16xf32>
        %swap3A_1348 = vector.shape_cast %max3A_1343 : vector<16xf32> to vector<1x16xf32>
        tpu.vector_store %arg12[%swap3A_1344, %swap3A_1345], %swap3A_1348 {strides = array<i32>} : memref<64x128xf32, #tpu.memory_space<vmem>>, vector<1x16xf32>,
        %get3A_1349 = arith.index_cast %scan3A_1261 : i32 to index
        %get3A_1350 = arith.constant 80 : index
        %get3A_1351 = tpu.vector_load %arg12[%get3A_1349, %get3A_1350] {strides = array<i32>} : memref<64x128xf32, #tpu.memory_space<vmem>>, vector<1x16xf32>,
        %get3A_1352 = vector.shape_cast %get3A_1351 : vector<1x16xf32> to vector<16xf32>
        %get3A_1353 = arith.index_cast %scan3A_1261 : i32 to index
        %get3A_1354 = arith.constant 80 : index
        %get3A_1355 = tpu.vector_load %arg15[%get3A_1353, %get3A_1354] {strides = array<i32>} : memref<64x128xf32, #tpu.memory_space<vmem>>, vector<1x16xf32>,
        %get3A_1356 = vector.shape_cast %get3A_1355 : vector<1x16xf32> to vector<16xf32>
        %mul3A_1357 = arith.mulf %get3A_1352, %get3A_1356 : vector<16xf32>
        %mul3A_1358 = arith.constant 1.000000e-01 : f32
        %mul3A_1359 = vector.broadcast %mul3A_1358 : f32 to vector<16xf32>
        %mul3A_1360 = arith.mulf %mul3A_1357, %mul3A_1359 : vector<16xf32>
        %max3A_1361 = arith.maximumf %mul3A_1357, %mul3A_1360 : vector<16xf32>
        %swap3A_1362 = arith.index_cast %scan3A_1261 : i32 to index
        %swap3A_1363 = arith.constant 80 : index
        %swap3A_1364 = tpu.vector_load %arg12[%swap3A_1362, %swap3A_1363] {strides = array<i32>} : memref<64x128xf32, #tpu.memory_space<vmem>>, vector<1x16xf32>,
        %swap3A_1365 = vector.shape_cast %swap3A_1364 : vector<1x16xf32> to vector<16xf32>
        %swap3A_1366 = vector.shape_cast %max3A_1361 : vector<16xf32> to vector<1x16xf32>
        tpu.vector_store %arg12[%swap3A_1362, %swap3A_1363], %swap3A_1366 {strides = array<i32>} : memref<64x128xf32, #tpu.memory_space<vmem>>, vector<1x16xf32>,
        %get3A_1367 = arith.index_cast %scan3A_1261 : i32 to index
        %get3A_1368 = arith.constant 96 : index
        %get3A_1369 = tpu.vector_load %arg12[%get3A_1367, %get3A_1368] {strides = array<i32>} : memref<64x128xf32, #tpu.memory_space<vmem>>, vector<1x16xf32>,
        %get3A_1370 = vector.shape_cast %get3A_1369 : vector<1x16xf32> to vector<16xf32>
        %get3A_1371 = arith.index_cast %scan3A_1261 : i32 to index
        %get3A_1372 = arith.constant 96 : index
        %get3A_1373 = tpu.vector_load %arg15[%get3A_1371, %get3A_1372] {strides = array<i32>} : memref<64x128xf32, #tpu.memory_space<vmem>>, vector<1x16xf32>,
        %get3A_1374 = vector.shape_cast %get3A_1373 : vector<1x16xf32> to vector<16xf32>
        %mul3A_1375 = arith.mulf %get3A_1370, %get3A_1374 : vector<16xf32>
        %mul3A_1376 = arith.constant 1.000000e-01 : f32
        %mul3A_1377 = vector.broadcast %mul3A_1376 : f32 to vector<16xf32>
        %mul3A_1378 = arith.mulf %mul3A_1375, %mul3A_1377 : vector<16xf32>
        %max3A_1379 = arith.maximumf %mul3A_1375, %mul3A_1378 : vector<16xf32>
        %swap3A_1380 = arith.index_cast %scan3A_1261 : i32 to index
        %swap3A_1381 = arith.constant 96 : index
        %swap3A_1382 = tpu.vector_load %arg12[%swap3A_1380, %swap3A_1381] {strides = array<i32>} : memref<64x128xf32, #tpu.memory_space<vmem>>, vector<1x16xf32>,
        %swap3A_1383 = vector.shape_cast %swap3A_1382 : vector<1x16xf32> to vector<16xf32>
        %swap3A_1384 = vector.shape_cast %max3A_1379 : vector<16xf32> to vector<1x16xf32>
        tpu.vector_store %arg12[%swap3A_1380, %swap3A_1381], %swap3A_1384 {strides = array<i32>} : memref<64x128xf32, #tpu.memory_space<vmem>>, vector<1x16xf32>,
        %get3A_1385 = arith.index_cast %scan3A_1261 : i32 to index
        %get3A_1386 = arith.constant 112 : index
        %get3A_1387 = tpu.vector_load %arg12[%get3A_1385, %get3A_1386] {strides = array<i32>} : memref<64x128xf32, #tpu.memory_space<vmem>>, vector<1x16xf32>,
        %get3A_1388 = vector.shape_cast %get3A_1387 : vector<1x16xf32> to vector<16xf32>
        %get3A_1389 = arith.index_cast %scan3A_1261 : i32 to index
        %get3A_1390 = arith.constant 112 : index
        %get3A_1391 = tpu.vector_load %arg15[%get3A_1389, %get3A_1390] {strides = array<i32>} : memref<64x128xf32, #tpu.memory_space<vmem>>, vector<1x16xf32>,
        %get3A_1392 = vector.shape_cast %get3A_1391 : vector<1x16xf32> to vector<16xf32>
        %mul3A_1393 = arith.mulf %get3A_1388, %get3A_1392 : vector<16xf32>
        %mul3A_1394 = arith.constant 1.000000e-01 : f32
        %mul3A_1395 = vector.broadcast %mul3A_1394 : f32 to vector<16xf32>
        %mul3A_1396 = arith.mulf %mul3A_1393, %mul3A_1395 : vector<16xf32>
        %max3A_1397 = arith.maximumf %mul3A_1393, %mul3A_1396 : vector<16xf32>
        %swap3A_1398 = arith.index_cast %scan3A_1261 : i32 to index
        %swap3A_1399 = arith.constant 112 : index
        %swap3A_1400 = tpu.vector_load %arg12[%swap3A_1398, %swap3A_1399] {strides = array<i32>} : memref<64x128xf32, #tpu.memory_space<vmem>>, vector<1x16xf32>,
        %swap3A_1401 = vector.shape_cast %swap3A_1400 : vector<1x16xf32> to vector<16xf32>
        %swap3A_1402 = vector.shape_cast %max3A_1397 : vector<16xf32> to vector<1x16xf32>
        tpu.vector_store %arg12[%swap3A_1398, %swap3A_1399], %swap3A_1402 {strides = array<i32>} : memref<64x128xf32, #tpu.memory_space<vmem>>, vector<1x16xf32>,
      }
      %scan3A_228 = arith.constant 64 : i32
      %dma_start3A_229 = arith.constant 1 : i32
      %dma_start3A_230 = arith.constant 0 : i32
      %dma_start3A_231 = tpu.memref_slice %arg8[%dma_start3A_229, %dma_start3A_230] : memref<2x64xi32, #tpu.memory_space<vmem>> -> memref<1x64xi32, #tpu.memory_space<vmem>>
      %dma_start3A_232 = tpu.memref_squeeze %dma_start3A_231 : memref<1x64xi32, #tpu.memory_space<vmem>> -> memref<64xi32, #tpu.memory_space<vmem>>
      %dma_start3A_233 = arith.constant 0 : i32
      %dma_start3A_234 = arith.constant 0 : i32
      %dma_start3A_235 = tpu.memref_slice %arg18[%dma_start3A_233, %dma_start3A_234] : memref<10240x128xf32, #tpu.memory_space<vmem_shared>> -> memref<10240x128xf32, #tpu.memory_space<vmem_shared>>
      tpu.enqueue_indirect_dma source(%arg12 : memref<64x128xf32, #tpu.memory_space<vmem>>) target(%dma_start3A_235 : memref<10240x128xf32, #tpu.memory_space<vmem_shared>>) offsets(%dma_start3A_232 : memref<64xi32, #tpu.memory_space<vmem>>) semaphore(%arg28 : memref<!tpu.dma_semaphore, #tpu.memory_space<semaphore_mem>>) {add = true}
      %ge3A_236 = arith.constant 1 : i32
      %ge3A_237 = arith.cmpi sge, %scan3A_140, %ge3A_236 : i32
      %mul3A_238 = arith.constant 12 : i32
      %mul3A_239 = arith.muli %mul3A_238, %scan3A_140 : i32
      %add3A_240 = arith.constant 1 : i32
      %add3A_241 = arith.addi %mul3A_239, %add3A_240 : i32
      %convert_element_type3A_242 = arith.extui %ge3A_237 : i1 to i32
      %cond3A_243 = arith.constant 0 : i32
      %cond3A_244 = arith.cmpi ne, %convert_element_type3A_242, %cond3A_243 : i32
      scf.if %cond3A_244 {
        %dma_wait3A_1261 = arith.constant 1 : i32
        %dma_wait3A_1262 = arith.constant 0 : i32
        %dma_wait3A_1263 = tpu.memref_slice %arg11[%dma_wait3A_1261, %dma_wait3A_1262] : memref<2x64xi32, #tpu.memory_space<vmem>> -> memref<1x64xi32, #tpu.memory_space<vmem>>
        %dma_wait3A_1264 = tpu.memref_squeeze %dma_wait3A_1263 : memref<1x64xi32, #tpu.memory_space<vmem>> -> memref<64xi32, #tpu.memory_space<vmem>>
        %dma_wait3A_1265 = arith.constant 0 : i32
        %dma_wait3A_1266 = arith.constant 0 : i32
        %dma_wait3A_1267 = tpu.memref_slice %arg18[%dma_wait3A_1265, %dma_wait3A_1266] : memref<10240x128xf32, #tpu.memory_space<vmem_shared>> -> memref<10240x128xf32, #tpu.memory_space<vmem_shared>>
        tpu.wait_indirect_dma semaphore(%arg30 : memref<!tpu.dma_semaphore, #tpu.memory_space<semaphore_mem>>) src(%arg14 : memref<64x128xf32, #tpu.memory_space<vmem>>) dst(%dma_wait3A_1267 : memref<10240x128xf32, #tpu.memory_space<vmem_shared>>)
      } else {
      }
      %add3A_245 = arith.constant 2 : i32
      %add3A_246 = arith.addi %add3A_241, %add3A_245 : i32
      %mul3A_247 = arith.constant 64 : i32
      %mul3A_248 = arith.muli %add3A_246, %mul3A_247 : i32
      %add3A_249 = arith.addi %mul3A_2, %mul3A_248 : i32
      %multiple_of3A_250 = tpu.assume_multiple %add3A_249, 8 : i32
      %dma_start3A_251 = arith.constant 0 : i32
      %dma_start3A_252 = arith.constant 0 : i32
      %dma_start3A_253 = tpu.memref_slice %arg11[%dma_start3A_251, %dma_start3A_252] : memref<2x64xi32, #tpu.memory_space<vmem>> -> memref<1x64xi32, #tpu.memory_space<vmem>>
      %dma_start3A_254 = tpu.memref_squeeze %dma_start3A_253 : memref<1x64xi32, #tpu.memory_space<vmem>> -> memref<64xi32, #tpu.memory_space<vmem>>
      %dma_start3A_255 = tpu.memref_slice %arg4[%multiple_of3A_250] : memref<320000xi32, #tpu.memory_space<hbm>> -> memref<64xi32, #tpu.memory_space<hbm>>
      %dma_start3A_256 = arith.constant 0 : i32
      %dma_start3A_257 = tpu.memref_slice %arg11[%dma_start3A_251, %dma_start3A_256] : memref<2x64xi32, #tpu.memory_space<vmem>> -> memref<1x64xi32, #tpu.memory_space<vmem>>
      %dma_start3A_258 = tpu.memref_squeeze %dma_start3A_257 : memref<1x64xi32, #tpu.memory_space<vmem>> -> memref<64xi32, #tpu.memory_space<vmem>>
      %dma_start3A_259 = tpu.memref_slice %arg4[%multiple_of3A_250] : memref<320000xi32, #tpu.memory_space<hbm>> -> memref<64xi32, #tpu.memory_space<hbm>>
      tpu.enqueue_dma source(%dma_start3A_259 : memref<64xi32, #tpu.memory_space<hbm>>) target(%dma_start3A_258 : memref<64xi32, #tpu.memory_space<vmem>>) target_semaphore(%arg22 : memref<!tpu.dma_semaphore, #tpu.memory_space<semaphore_mem>>)
      %dma_start3A_260 = arith.constant 1 : i32
      %dma_start3A_261 = arith.constant 0 : i32
      %dma_start3A_262 = tpu.memref_slice %arg11[%dma_start3A_260, %dma_start3A_261] : memref<2x64xi32, #tpu.memory_space<vmem>> -> memref<1x64xi32, #tpu.memory_space<vmem>>
      %dma_start3A_263 = tpu.memref_squeeze %dma_start3A_262 : memref<1x64xi32, #tpu.memory_space<vmem>> -> memref<64xi32, #tpu.memory_space<vmem>>
      %dma_start3A_264 = tpu.memref_slice %arg5[%multiple_of3A_250] : memref<320000xi32, #tpu.memory_space<hbm>> -> memref<64xi32, #tpu.memory_space<hbm>>
      %dma_start3A_265 = arith.constant 0 : i32
      %dma_start3A_266 = tpu.memref_slice %arg11[%dma_start3A_260, %dma_start3A_265] : memref<2x64xi32, #tpu.memory_space<vmem>> -> memref<1x64xi32, #tpu.memory_space<vmem>>
      %dma_start3A_267 = tpu.memref_squeeze %dma_start3A_266 : memref<1x64xi32, #tpu.memory_space<vmem>> -> memref<64xi32, #tpu.memory_space<vmem>>
      %dma_start3A_268 = tpu.memref_slice %arg5[%multiple_of3A_250] : memref<320000xi32, #tpu.memory_space<hbm>> -> memref<64xi32, #tpu.memory_space<hbm>>
      tpu.enqueue_dma source(%dma_start3A_268 : memref<64xi32, #tpu.memory_space<hbm>>) target(%dma_start3A_267 : memref<64xi32, #tpu.memory_space<vmem>>) target_semaphore(%arg22 : memref<!tpu.dma_semaphore, #tpu.memory_space<semaphore_mem>>)
      %add3A_269 = arith.constant 1 : i32
      %add3A_270 = arith.addi %add3A_241, %add3A_269 : i32
      %mul3A_271 = arith.constant 64 : i32
      %mul3A_272 = arith.muli %add3A_270, %mul3A_271 : i32
      %add3A_273 = arith.addi %mul3A_2, %mul3A_272 : i32
      %multiple_of3A_274 = tpu.assume_multiple %add3A_273, 8 : i32
      %dma_start3A_275 = arith.constant 0 : i32
      %dma_start3A_276 = tpu.memref_slice %arg3[%multiple_of3A_274, %dma_start3A_275] : memref<320000x128xf32, #tpu.memory_space<hbm>> -> memref<64x128xf32, #tpu.memory_space<hbm>>
      %dma_start3A_277 = arith.constant 0 : i32
      %dma_start3A_278 = tpu.memref_slice %arg3[%multiple_of3A_274, %dma_start3A_277] : memref<320000x128xf32, #tpu.memory_space<hbm>> -> memref<64x128xf32, #tpu.memory_space<hbm>>
      tpu.enqueue_dma source(%dma_start3A_278 : memref<64x128xf32, #tpu.memory_space<hbm>>) target(%arg14 : memref<64x128xf32, #tpu.memory_space<vmem>>) target_semaphore(%arg25 : memref<!tpu.dma_semaphore, #tpu.memory_space<semaphore_mem>>)
      %dma_wait3A_279 = arith.constant 0 : i32
      %dma_wait3A_280 = arith.constant 0 : i32
      %dma_wait3A_281 = tpu.memref_slice %arg10[%dma_wait3A_279, %dma_wait3A_280] : memref<2x64xi32, #tpu.memory_space<vmem>> -> memref<1x64xi32, #tpu.memory_space<vmem>>
      %dma_wait3A_282 = tpu.memref_squeeze %dma_wait3A_281 : memref<1x64xi32, #tpu.memory_space<vmem>> -> memref<64xi32, #tpu.memory_space<vmem>>
      %dma_wait3A_283 = arith.constant 0 : i32
      %dma_wait3A_284 = tpu.memref_slice %arg4[%dma_wait3A_283] : memref<320000xi32, #tpu.memory_space<hbm>> -> memref<64xi32, #tpu.memory_space<hbm>>
      %dma_wait3A_285 = arith.constant 0 : i32
      %dma_wait3A_286 = tpu.memref_slice %arg10[%dma_wait3A_279, %dma_wait3A_285] : memref<2x64xi32, #tpu.memory_space<vmem>> -> memref<1x64xi32, #tpu.memory_space<vmem>>
      %dma_wait3A_287 = tpu.memref_squeeze %dma_wait3A_286 : memref<1x64xi32, #tpu.memory_space<vmem>> -> memref<64xi32, #tpu.memory_space<vmem>>
      %dma_wait3A_288 = arith.constant 0 : i32
      %dma_wait3A_289 = tpu.memref_slice %arg4[%dma_wait3A_288] : memref<320000xi32, #tpu.memory_space<hbm>> -> memref<64xi32, #tpu.memory_space<hbm>>
      tpu.wait_dma2 semaphore(%arg21 : memref<!tpu.dma_semaphore, #tpu.memory_space<semaphore_mem>>) src(%dma_wait3A_289 : memref<64xi32, #tpu.memory_space<hbm>>) dst(%dma_wait3A_287 : memref<64xi32, #tpu.memory_space<vmem>>)
      %dma_wait3A_290 = arith.constant 1 : i32
      %dma_wait3A_291 = arith.constant 0 : i32
      %dma_wait3A_292 = tpu.memref_slice %arg10[%dma_wait3A_290, %dma_wait3A_291] : memref<2x64xi32, #tpu.memory_space<vmem>> -> memref<1x64xi32, #tpu.memory_space<vmem>>
      %dma_wait3A_293 = tpu.memref_squeeze %dma_wait3A_292 : memref<1x64xi32, #tpu.memory_space<vmem>> -> memref<64xi32, #tpu.memory_space<vmem>>
      %dma_wait3A_294 = arith.constant 0 : i32
      %dma_wait3A_295 = tpu.memref_slice %arg5[%dma_wait3A_294] : memref<320000xi32, #tpu.memory_space<hbm>> -> memref<64xi32, #tpu.memory_space<hbm>>
      %dma_wait3A_296 = arith.constant 0 : i32
      %dma_wait3A_297 = tpu.memref_slice %arg10[%dma_wait3A_290, %dma_wait3A_296] : memref<2x64xi32, #tpu.memory_space<vmem>> -> memref<1x64xi32, #tpu.memory_space<vmem>>
      %dma_wait3A_298 = tpu.memref_squeeze %dma_wait3A_297 : memref<1x64xi32, #tpu.memory_space<vmem>> -> memref<64xi32, #tpu.memory_space<vmem>>
      %dma_wait3A_299 = arith.constant 0 : i32
      %dma_wait3A_300 = tpu.memref_slice %arg5[%dma_wait3A_299] : memref<320000xi32, #tpu.memory_space<hbm>> -> memref<64xi32, #tpu.memory_space<hbm>>
      tpu.wait_dma2 semaphore(%arg21 : memref<!tpu.dma_semaphore, #tpu.memory_space<semaphore_mem>>) src(%dma_wait3A_300 : memref<64xi32, #tpu.memory_space<hbm>>) dst(%dma_wait3A_298 : memref<64xi32, #tpu.memory_space<vmem>>)
      %dma_start3A_301 = arith.constant 0 : i32
      %dma_start3A_302 = arith.constant 0 : i32
      %dma_start3A_303 = tpu.memref_slice %arg10[%dma_start3A_301, %dma_start3A_302] : memref<2x64xi32, #tpu.memory_space<vmem>> -> memref<1x64xi32, #tpu.memory_space<vmem>>
      %dma_start3A_304 = tpu.memref_squeeze %dma_start3A_303 : memref<1x64xi32, #tpu.memory_space<vmem>> -> memref<64xi32, #tpu.memory_space<vmem>>
      %dma_start3A_305 = arith.constant 0 : i32
      %dma_start3A_306 = arith.constant 0 : i32
      %dma_start3A_307 = tpu.memref_slice %arg2[%dma_start3A_305, %dma_start3A_306] : memref<10000x128xf32, #tpu.memory_space<hbm>> -> memref<10000x128xf32, #tpu.memory_space<hbm>>
      tpu.enqueue_indirect_dma source(%dma_start3A_307 : memref<10000x128xf32, #tpu.memory_space<hbm>>) target(%arg15 : memref<64x128xf32, #tpu.memory_space<vmem>>) offsets(%dma_start3A_304 : memref<64xi32, #tpu.memory_space<vmem>>) semaphore(%arg26 : memref<!tpu.dma_semaphore, #tpu.memory_space<semaphore_mem>>)
      %dma_wait3A_308 = arith.constant 0 : i32
      %dma_wait3A_309 = arith.constant 0 : i32
      %dma_wait3A_310 = tpu.memref_slice %arg9[%dma_wait3A_308, %dma_wait3A_309] : memref<2x64xi32, #tpu.memory_space<vmem>> -> memref<1x64xi32, #tpu.memory_space<vmem>>
      %dma_wait3A_311 = tpu.memref_squeeze %dma_wait3A_310 : memref<1x64xi32, #tpu.memory_space<vmem>> -> memref<64xi32, #tpu.memory_space<vmem>>
      %dma_wait3A_312 = arith.constant 0 : i32
      %dma_wait3A_313 = arith.constant 0 : i32
      %dma_wait3A_314 = tpu.memref_slice %arg2[%dma_wait3A_312, %dma_wait3A_313] : memref<10000x128xf32, #tpu.memory_space<hbm>> -> memref<10000x128xf32, #tpu.memory_space<hbm>>
      tpu.wait_indirect_dma semaphore(%arg27 : memref<!tpu.dma_semaphore, #tpu.memory_space<semaphore_mem>>) src(%dma_wait3A_314 : memref<10000x128xf32, #tpu.memory_space<hbm>>) dst(%arg16 : memref<64x128xf32, #tpu.memory_space<vmem>>)
      %dma_wait3A_315 = arith.constant 0 : i32
      %dma_wait3A_316 = arith.constant 0 : i32
      %dma_wait3A_317 = tpu.memref_slice %arg3[%dma_wait3A_315, %dma_wait3A_316] : memref<320000x128xf32, #tpu.memory_space<hbm>> -> memref<64x128xf32, #tpu.memory_space<hbm>>
      %dma_wait3A_318 = arith.constant 0 : i32
      %dma_wait3A_319 = arith.constant 0 : i32
      %dma_wait3A_320 = tpu.memref_slice %arg3[%dma_wait3A_318, %dma_wait3A_319] : memref<320000x128xf32, #tpu.memory_space<hbm>> -> memref<64x128xf32, #tpu.memory_space<hbm>>
      tpu.wait_dma2 semaphore(%arg24 : memref<!tpu.dma_semaphore, #tpu.memory_space<semaphore_mem>>) src(%dma_wait3A_320 : memref<64x128xf32, #tpu.memory_space<hbm>>) dst(%arg13 : memref<64x128xf32, #tpu.memory_space<vmem>>)
      %scan3A_321 = arith.constant 0 : i32
      %scan3A_322 = arith.constant 0 : i32
      %scan3A_323 = arith.constant 64 : i32
      %scan3A_324 = arith.addi %scan3A_322, %scan3A_323 : i32
      %scan3A_325 = arith.constant 1 : i32
      scf.for %scan3A_1261 = %scan3A_322 to %scan3A_324 step %scan3A_325  : i32 {
        %get3A = arith.index_cast %scan3A_1261 : i32 to index
        %get3A_1262 = arith.constant 0 : index
        %get3A_1263 = tpu.vector_load %arg13[%get3A, %get3A_1262] {strides = array<i32>} : memref<64x128xf32, #tpu.memory_space<vmem>>, vector<1x16xf32>,
        %get3A_1264 = vector.shape_cast %get3A_1263 : vector<1x16xf32> to vector<16xf32>
        %get3A_1265 = arith.index_cast %scan3A_1261 : i32 to index
        %get3A_1266 = arith.constant 0 : index
        %get3A_1267 = tpu.vector_load %arg16[%get3A_1265, %get3A_1266] {strides = array<i32>} : memref<64x128xf32, #tpu.memory_space<vmem>>, vector<1x16xf32>,
        %get3A_1268 = vector.shape_cast %get3A_1267 : vector<1x16xf32> to vector<16xf32>
        %mul3A_1269 = arith.mulf %get3A_1264, %get3A_1268 : vector<16xf32>
        %mul3A_1270 = arith.constant 1.000000e-01 : f32
        %mul3A_1271 = vector.broadcast %mul3A_1270 : f32 to vector<16xf32>
        %mul3A_1272 = arith.mulf %mul3A_1269, %mul3A_1271 : vector<16xf32>
        %max3A = arith.maximumf %mul3A_1269, %mul3A_1272 : vector<16xf32>
        %swap3A = arith.index_cast %scan3A_1261 : i32 to index
        %swap3A_1273 = arith.constant 0 : index
        %swap3A_1274 = tpu.vector_load %arg13[%swap3A, %swap3A_1273] {strides = array<i32>} : memref<64x128xf32, #tpu.memory_space<vmem>>, vector<1x16xf32>,
        %swap3A_1275 = vector.shape_cast %swap3A_1274 : vector<1x16xf32> to vector<16xf32>
        %swap3A_1276 = vector.shape_cast %max3A : vector<16xf32> to vector<1x16xf32>
        tpu.vector_store %arg13[%swap3A, %swap3A_1273], %swap3A_1276 {strides = array<i32>} : memref<64x128xf32, #tpu.memory_space<vmem>>, vector<1x16xf32>,
        %get3A_1277 = arith.index_cast %scan3A_1261 : i32 to index
        %get3A_1278 = arith.constant 16 : index
        %get3A_1279 = tpu.vector_load %arg13[%get3A_1277, %get3A_1278] {strides = array<i32>} : memref<64x128xf32, #tpu.memory_space<vmem>>, vector<1x16xf32>,
        %get3A_1280 = vector.shape_cast %get3A_1279 : vector<1x16xf32> to vector<16xf32>
        %get3A_1281 = arith.index_cast %scan3A_1261 : i32 to index
        %get3A_1282 = arith.constant 16 : index
        %get3A_1283 = tpu.vector_load %arg16[%get3A_1281, %get3A_1282] {strides = array<i32>} : memref<64x128xf32, #tpu.memory_space<vmem>>, vector<1x16xf32>,
        %get3A_1284 = vector.shape_cast %get3A_1283 : vector<1x16xf32> to vector<16xf32>
        %mul3A_1285 = arith.mulf %get3A_1280, %get3A_1284 : vector<16xf32>
        %mul3A_1286 = arith.constant 1.000000e-01 : f32
        %mul3A_1287 = vector.broadcast %mul3A_1286 : f32 to vector<16xf32>
        %mul3A_1288 = arith.mulf %mul3A_1285, %mul3A_1287 : vector<16xf32>
        %max3A_1289 = arith.maximumf %mul3A_1285, %mul3A_1288 : vector<16xf32>
        %swap3A_1290 = arith.index_cast %scan3A_1261 : i32 to index
        %swap3A_1291 = arith.constant 16 : index
        %swap3A_1292 = tpu.vector_load %arg13[%swap3A_1290, %swap3A_1291] {strides = array<i32>} : memref<64x128xf32, #tpu.memory_space<vmem>>, vector<1x16xf32>,
        %swap3A_1293 = vector.shape_cast %swap3A_1292 : vector<1x16xf32> to vector<16xf32>
        %swap3A_1294 = vector.shape_cast %max3A_1289 : vector<16xf32> to vector<1x16xf32>
        tpu.vector_store %arg13[%swap3A_1290, %swap3A_1291], %swap3A_1294 {strides = array<i32>} : memref<64x128xf32, #tpu.memory_space<vmem>>, vector<1x16xf32>,
        %get3A_1295 = arith.index_cast %scan3A_1261 : i32 to index
        %get3A_1296 = arith.constant 32 : index
        %get3A_1297 = tpu.vector_load %arg13[%get3A_1295, %get3A_1296] {strides = array<i32>} : memref<64x128xf32, #tpu.memory_space<vmem>>, vector<1x16xf32>,
        %get3A_1298 = vector.shape_cast %get3A_1297 : vector<1x16xf32> to vector<16xf32>
        %get3A_1299 = arith.index_cast %scan3A_1261 : i32 to index
        %get3A_1300 = arith.constant 32 : index
        %get3A_1301 = tpu.vector_load %arg16[%get3A_1299, %get3A_1300] {strides = array<i32>} : memref<64x128xf32, #tpu.memory_space<vmem>>, vector<1x16xf32>,
        %get3A_1302 = vector.shape_cast %get3A_1301 : vector<1x16xf32> to vector<16xf32>
        %mul3A_1303 = arith.mulf %get3A_1298, %get3A_1302 : vector<16xf32>
        %mul3A_1304 = arith.constant 1.000000e-01 : f32
        %mul3A_1305 = vector.broadcast %mul3A_1304 : f32 to vector<16xf32>
        %mul3A_1306 = arith.mulf %mul3A_1303, %mul3A_1305 : vector<16xf32>
        %max3A_1307 = arith.maximumf %mul3A_1303, %mul3A_1306 : vector<16xf32>
        %swap3A_1308 = arith.index_cast %scan3A_1261 : i32 to index
        %swap3A_1309 = arith.constant 32 : index
        %swap3A_1310 = tpu.vector_load %arg13[%swap3A_1308, %swap3A_1309] {strides = array<i32>} : memref<64x128xf32, #tpu.memory_space<vmem>>, vector<1x16xf32>,
        %swap3A_1311 = vector.shape_cast %swap3A_1310 : vector<1x16xf32> to vector<16xf32>
        %swap3A_1312 = vector.shape_cast %max3A_1307 : vector<16xf32> to vector<1x16xf32>
        tpu.vector_store %arg13[%swap3A_1308, %swap3A_1309], %swap3A_1312 {strides = array<i32>} : memref<64x128xf32, #tpu.memory_space<vmem>>, vector<1x16xf32>,
        %get3A_1313 = arith.index_cast %scan3A_1261 : i32 to index
        %get3A_1314 = arith.constant 48 : index
        %get3A_1315 = tpu.vector_load %arg13[%get3A_1313, %get3A_1314] {strides = array<i32>} : memref<64x128xf32, #tpu.memory_space<vmem>>, vector<1x16xf32>,
        %get3A_1316 = vector.shape_cast %get3A_1315 : vector<1x16xf32> to vector<16xf32>
        %get3A_1317 = arith.index_cast %scan3A_1261 : i32 to index
        %get3A_1318 = arith.constant 48 : index
        %get3A_1319 = tpu.vector_load %arg16[%get3A_1317, %get3A_1318] {strides = array<i32>} : memref<64x128xf32, #tpu.memory_space<vmem>>, vector<1x16xf32>,
        %get3A_1320 = vector.shape_cast %get3A_1319 : vector<1x16xf32> to vector<16xf32>
        %mul3A_1321 = arith.mulf %get3A_1316, %get3A_1320 : vector<16xf32>
        %mul3A_1322 = arith.constant 1.000000e-01 : f32
        %mul3A_1323 = vector.broadcast %mul3A_1322 : f32 to vector<16xf32>
        %mul3A_1324 = arith.mulf %mul3A_1321, %mul3A_1323 : vector<16xf32>
        %max3A_1325 = arith.maximumf %mul3A_1321, %mul3A_1324 : vector<16xf32>
        %swap3A_1326 = arith.index_cast %scan3A_1261 : i32 to index
        %swap3A_1327 = arith.constant 48 : index
        %swap3A_1328 = tpu.vector_load %arg13[%swap3A_1326, %swap3A_1327] {strides = array<i32>} : memref<64x128xf32, #tpu.memory_space<vmem>>, vector<1x16xf32>,
        %swap3A_1329 = vector.shape_cast %swap3A_1328 : vector<1x16xf32> to vector<16xf32>
        %swap3A_1330 = vector.shape_cast %max3A_1325 : vector<16xf32> to vector<1x16xf32>
        tpu.vector_store %arg13[%swap3A_1326, %swap3A_1327], %swap3A_1330 {strides = array<i32>} : memref<64x128xf32, #tpu.memory_space<vmem>>, vector<1x16xf32>,
        %get3A_1331 = arith.index_cast %scan3A_1261 : i32 to index
        %get3A_1332 = arith.constant 64 : index
        %get3A_1333 = tpu.vector_load %arg13[%get3A_1331, %get3A_1332] {strides = array<i32>} : memref<64x128xf32, #tpu.memory_space<vmem>>, vector<1x16xf32>,
        %get3A_1334 = vector.shape_cast %get3A_1333 : vector<1x16xf32> to vector<16xf32>
        %get3A_1335 = arith.index_cast %scan3A_1261 : i32 to index
        %get3A_1336 = arith.constant 64 : index
        %get3A_1337 = tpu.vector_load %arg16[%get3A_1335, %get3A_1336] {strides = array<i32>} : memref<64x128xf32, #tpu.memory_space<vmem>>, vector<1x16xf32>,
        %get3A_1338 = vector.shape_cast %get3A_1337 : vector<1x16xf32> to vector<16xf32>
        %mul3A_1339 = arith.mulf %get3A_1334, %get3A_1338 : vector<16xf32>
        %mul3A_1340 = arith.constant 1.000000e-01 : f32
        %mul3A_1341 = vector.broadcast %mul3A_1340 : f32 to vector<16xf32>
        %mul3A_1342 = arith.mulf %mul3A_1339, %mul3A_1341 : vector<16xf32>
        %max3A_1343 = arith.maximumf %mul3A_1339, %mul3A_1342 : vector<16xf32>
        %swap3A_1344 = arith.index_cast %scan3A_1261 : i32 to index
        %swap3A_1345 = arith.constant 64 : index
        %swap3A_1346 = tpu.vector_load %arg13[%swap3A_1344, %swap3A_1345] {strides = array<i32>} : memref<64x128xf32, #tpu.memory_space<vmem>>, vector<1x16xf32>,
        %swap3A_1347 = vector.shape_cast %swap3A_1346 : vector<1x16xf32> to vector<16xf32>
        %swap3A_1348 = vector.shape_cast %max3A_1343 : vector<16xf32> to vector<1x16xf32>
        tpu.vector_store %arg13[%swap3A_1344, %swap3A_1345], %swap3A_1348 {strides = array<i32>} : memref<64x128xf32, #tpu.memory_space<vmem>>, vector<1x16xf32>,
        %get3A_1349 = arith.index_cast %scan3A_1261 : i32 to index
        %get3A_1350 = arith.constant 80 : index
        %get3A_1351 = tpu.vector_load %arg13[%get3A_1349, %get3A_1350] {strides = array<i32>} : memref<64x128xf32, #tpu.memory_space<vmem>>, vector<1x16xf32>,
        %get3A_1352 = vector.shape_cast %get3A_1351 : vector<1x16xf32> to vector<16xf32>
        %get3A_1353 = arith.index_cast %scan3A_1261 : i32 to index
        %get3A_1354 = arith.constant 80 : index
        %get3A_1355 = tpu.vector_load %arg16[%get3A_1353, %get3A_1354] {strides = array<i32>} : memref<64x128xf32, #tpu.memory_space<vmem>>, vector<1x16xf32>,
        %get3A_1356 = vector.shape_cast %get3A_1355 : vector<1x16xf32> to vector<16xf32>
        %mul3A_1357 = arith.mulf %get3A_1352, %get3A_1356 : vector<16xf32>
        %mul3A_1358 = arith.constant 1.000000e-01 : f32
        %mul3A_1359 = vector.broadcast %mul3A_1358 : f32 to vector<16xf32>
        %mul3A_1360 = arith.mulf %mul3A_1357, %mul3A_1359 : vector<16xf32>
        %max3A_1361 = arith.maximumf %mul3A_1357, %mul3A_1360 : vector<16xf32>
        %swap3A_1362 = arith.index_cast %scan3A_1261 : i32 to index
        %swap3A_1363 = arith.constant 80 : index
        %swap3A_1364 = tpu.vector_load %arg13[%swap3A_1362, %swap3A_1363] {strides = array<i32>} : memref<64x128xf32, #tpu.memory_space<vmem>>, vector<1x16xf32>,
        %swap3A_1365 = vector.shape_cast %swap3A_1364 : vector<1x16xf32> to vector<16xf32>
        %swap3A_1366 = vector.shape_cast %max3A_1361 : vector<16xf32> to vector<1x16xf32>
        tpu.vector_store %arg13[%swap3A_1362, %swap3A_1363], %swap3A_1366 {strides = array<i32>} : memref<64x128xf32, #tpu.memory_space<vmem>>, vector<1x16xf32>,
        %get3A_1367 = arith.index_cast %scan3A_1261 : i32 to index
        %get3A_1368 = arith.constant 96 : index
        %get3A_1369 = tpu.vector_load %arg13[%get3A_1367, %get3A_1368] {strides = array<i32>} : memref<64x128xf32, #tpu.memory_space<vmem>>, vector<1x16xf32>,
        %get3A_1370 = vector.shape_cast %get3A_1369 : vector<1x16xf32> to vector<16xf32>
        %get3A_1371 = arith.index_cast %scan3A_1261 : i32 to index
        %get3A_1372 = arith.constant 96 : index
        %get3A_1373 = tpu.vector_load %arg16[%get3A_1371, %get3A_1372] {strides = array<i32>} : memref<64x128xf32, #tpu.memory_space<vmem>>, vector<1x16xf32>,
        %get3A_1374 = vector.shape_cast %get3A_1373 : vector<1x16xf32> to vector<16xf32>
        %mul3A_1375 = arith.mulf %get3A_1370, %get3A_1374 : vector<16xf32>
        %mul3A_1376 = arith.constant 1.000000e-01 : f32
        %mul3A_1377 = vector.broadcast %mul3A_1376 : f32 to vector<16xf32>
        %mul3A_1378 = arith.mulf %mul3A_1375, %mul3A_1377 : vector<16xf32>
        %max3A_1379 = arith.maximumf %mul3A_1375, %mul3A_1378 : vector<16xf32>
        %swap3A_1380 = arith.index_cast %scan3A_1261 : i32 to index
        %swap3A_1381 = arith.constant 96 : index
        %swap3A_1382 = tpu.vector_load %arg13[%swap3A_1380, %swap3A_1381] {strides = array<i32>} : memref<64x128xf32, #tpu.memory_space<vmem>>, vector<1x16xf32>,
        %swap3A_1383 = vector.shape_cast %swap3A_1382 : vector<1x16xf32> to vector<16xf32>
        %swap3A_1384 = vector.shape_cast %max3A_1379 : vector<16xf32> to vector<1x16xf32>
        tpu.vector_store %arg13[%swap3A_1380, %swap3A_1381], %swap3A_1384 {strides = array<i32>} : memref<64x128xf32, #tpu.memory_space<vmem>>, vector<1x16xf32>,
        %get3A_1385 = arith.index_cast %scan3A_1261 : i32 to index
        %get3A_1386 = arith.constant 112 : index
        %get3A_1387 = tpu.vector_load %arg13[%get3A_1385, %get3A_1386] {strides = array<i32>} : memref<64x128xf32, #tpu.memory_space<vmem>>, vector<1x16xf32>,
        %get3A_1388 = vector.shape_cast %get3A_1387 : vector<1x16xf32> to vector<16xf32>
        %get3A_1389 = arith.index_cast %scan3A_1261 : i32 to index
        %get3A_1390 = arith.constant 112 : index
        %get3A_1391 = tpu.vector_load %arg16[%get3A_1389, %get3A_1390] {strides = array<i32>} : memref<64x128xf32, #tpu.memory_space<vmem>>, vector<1x16xf32>,
        %get3A_1392 = vector.shape_cast %get3A_1391 : vector<1x16xf32> to vector<16xf32>
        %mul3A_1393 = arith.mulf %get3A_1388, %get3A_1392 : vector<16xf32>
        %mul3A_1394 = arith.constant 1.000000e-01 : f32
        %mul3A_1395 = vector.broadcast %mul3A_1394 : f32 to vector<16xf32>
        %mul3A_1396 = arith.mulf %mul3A_1393, %mul3A_1395 : vector<16xf32>
        %max3A_1397 = arith.maximumf %mul3A_1393, %mul3A_1396 : vector<16xf32>
        %swap3A_1398 = arith.index_cast %scan3A_1261 : i32 to index
        %swap3A_1399 = arith.constant 112 : index
        %swap3A_1400 = tpu.vector_load %arg13[%swap3A_1398, %swap3A_1399] {strides = array<i32>} : memref<64x128xf32, #tpu.memory_space<vmem>>, vector<1x16xf32>,
        %swap3A_1401 = vector.shape_cast %swap3A_1400 : vector<1x16xf32> to vector<16xf32>
        %swap3A_1402 = vector.shape_cast %max3A_1397 : vector<16xf32> to vector<1x16xf32>
        tpu.vector_store %arg13[%swap3A_1398, %swap3A_1399], %swap3A_1402 {strides = array<i32>} : memref<64x128xf32, #tpu.memory_space<vmem>>, vector<1x16xf32>,
      }
      %scan3A_326 = arith.constant 64 : i32
      %dma_start3A_327 = arith.constant 1 : i32
      %dma_start3A_328 = arith.constant 0 : i32
      %dma_start3A_329 = tpu.memref_slice %arg9[%dma_start3A_327, %dma_start3A_328] : memref<2x64xi32, #tpu.memory_space<vmem>> -> memref<1x64xi32, #tpu.memory_space<vmem>>
      %dma_start3A_330 = tpu.memref_squeeze %dma_start3A_329 : memref<1x64xi32, #tpu.memory_space<vmem>> -> memref<64xi32, #tpu.memory_space<vmem>>
      %dma_start3A_331 = arith.constant 0 : i32
      %dma_start3A_332 = arith.constant 0 : i32
      %dma_start3A_333 = tpu.memref_slice %arg18[%dma_start3A_331, %dma_start3A_332] : memref<10240x128xf32, #tpu.memory_space<vmem_shared>> -> memref<10240x128xf32, #tpu.memory_space<vmem_shared>>
      tpu.enqueue_indirect_dma source(%arg13 : memref<64x128xf32, #tpu.memory_space<vmem>>) target(%dma_start3A_333 : memref<10240x128xf32, #tpu.memory_space<vmem_shared>>) offsets(%dma_start3A_330 : memref<64xi32, #tpu.memory_space<vmem>>) semaphore(%arg29 : memref<!tpu.dma_semaphore, #tpu.memory_space<semaphore_mem>>) {add = true}
      %mul3A_334 = arith.constant 12 : i32
      %mul3A_335 = arith.muli %mul3A_334, %scan3A_140 : i32
      %add3A_336 = arith.constant 2 : i32
      %add3A_337 = arith.addi %mul3A_335, %add3A_336 : i32
      %dma_wait3A_338 = arith.constant 1 : i32
      %dma_wait3A_339 = arith.constant 0 : i32
      %dma_wait3A_340 = tpu.memref_slice %arg8[%dma_wait3A_338, %dma_wait3A_339] : memref<2x64xi32, #tpu.memory_space<vmem>> -> memref<1x64xi32, #tpu.memory_space<vmem>>
      %dma_wait3A_341 = tpu.memref_squeeze %dma_wait3A_340 : memref<1x64xi32, #tpu.memory_space<vmem>> -> memref<64xi32, #tpu.memory_space<vmem>>
      %dma_wait3A_342 = arith.constant 0 : i32
      %dma_wait3A_343 = arith.constant 0 : i32
      %dma_wait3A_344 = tpu.memref_slice %arg18[%dma_wait3A_342, %dma_wait3A_343] : memref<10240x128xf32, #tpu.memory_space<vmem_shared>> -> memref<10240x128xf32, #tpu.memory_space<vmem_shared>>
      tpu.wait_indirect_dma semaphore(%arg28 : memref<!tpu.dma_semaphore, #tpu.memory_space<semaphore_mem>>) src(%arg12 : memref<64x128xf32, #tpu.memory_space<vmem>>) dst(%dma_wait3A_344 : memref<10240x128xf32, #tpu.memory_space<vmem_shared>>)
      %add3A_345 = arith.constant 2 : i32
      %add3A_346 = arith.addi %add3A_337, %add3A_345 : i32
      %mul3A_347 = arith.constant 64 : i32
      %mul3A_348 = arith.muli %add3A_346, %mul3A_347 : i32
      %add3A_349 = arith.addi %mul3A_2, %mul3A_348 : i32
      %multiple_of3A_350 = tpu.assume_multiple %add3A_349, 8 : i32
      %dma_start3A_351 = arith.constant 0 : i32
      %dma_start3A_352 = arith.constant 0 : i32
      %dma_start3A_353 = tpu.memref_slice %arg8[%dma_start3A_351, %dma_start3A_352] : memref<2x64xi32, #tpu.memory_space<vmem>> -> memref<1x64xi32, #tpu.memory_space<vmem>>
      %dma_start3A_354 = tpu.memref_squeeze %dma_start3A_353 : memref<1x64xi32, #tpu.memory_space<vmem>> -> memref<64xi32, #tpu.memory_space<vmem>>
      %dma_start3A_355 = tpu.memref_slice %arg4[%multiple_of3A_350] : memref<320000xi32, #tpu.memory_space<hbm>> -> memref<64xi32, #tpu.memory_space<hbm>>
      %dma_start3A_356 = arith.constant 0 : i32
      %dma_start3A_357 = tpu.memref_slice %arg8[%dma_start3A_351, %dma_start3A_356] : memref<2x64xi32, #tpu.memory_space<vmem>> -> memref<1x64xi32, #tpu.memory_space<vmem>>
      %dma_start3A_358 = tpu.memref_squeeze %dma_start3A_357 : memref<1x64xi32, #tpu.memory_space<vmem>> -> memref<64xi32, #tpu.memory_space<vmem>>
      %dma_start3A_359 = tpu.memref_slice %arg4[%multiple_of3A_350] : memref<320000xi32, #tpu.memory_space<hbm>> -> memref<64xi32, #tpu.memory_space<hbm>>
      tpu.enqueue_dma source(%dma_start3A_359 : memref<64xi32, #tpu.memory_space<hbm>>) target(%dma_start3A_358 : memref<64xi32, #tpu.memory_space<vmem>>) target_semaphore(%arg19 : memref<!tpu.dma_semaphore, #tpu.memory_space<semaphore_mem>>)
      %dma_start3A_360 = arith.constant 1 : i32
      %dma_start3A_361 = arith.constant 0 : i32
      %dma_start3A_362 = tpu.memref_slice %arg8[%dma_start3A_360, %dma_start3A_361] : memref<2x64xi32, #tpu.memory_space<vmem>> -> memref<1x64xi32, #tpu.memory_space<vmem>>
      %dma_start3A_363 = tpu.memref_squeeze %dma_start3A_362 : memref<1x64xi32, #tpu.memory_space<vmem>> -> memref<64xi32, #tpu.memory_space<vmem>>
      %dma_start3A_364 = tpu.memref_slice %arg5[%multiple_of3A_350] : memref<320000xi32, #tpu.memory_space<hbm>> -> memref<64xi32, #tpu.memory_space<hbm>>
      %dma_start3A_365 = arith.constant 0 : i32
      %dma_start3A_366 = tpu.memref_slice %arg8[%dma_start3A_360, %dma_start3A_365] : memref<2x64xi32, #tpu.memory_space<vmem>> -> memref<1x64xi32, #tpu.memory_space<vmem>>
      %dma_start3A_367 = tpu.memref_squeeze %dma_start3A_366 : memref<1x64xi32, #tpu.memory_space<vmem>> -> memref<64xi32, #tpu.memory_space<vmem>>
      %dma_start3A_368 = tpu.memref_slice %arg5[%multiple_of3A_350] : memref<320000xi32, #tpu.memory_space<hbm>> -> memref<64xi32, #tpu.memory_space<hbm>>
      tpu.enqueue_dma source(%dma_start3A_368 : memref<64xi32, #tpu.memory_space<hbm>>) target(%dma_start3A_367 : memref<64xi32, #tpu.memory_space<vmem>>) target_semaphore(%arg19 : memref<!tpu.dma_semaphore, #tpu.memory_space<semaphore_mem>>)
      %add3A_369 = arith.constant 1 : i32
      %add3A_370 = arith.addi %add3A_337, %add3A_369 : i32
      %mul3A_371 = arith.constant 64 : i32
      %mul3A_372 = arith.muli %add3A_370, %mul3A_371 : i32
      %add3A_373 = arith.addi %mul3A_2, %mul3A_372 : i32
      %multiple_of3A_374 = tpu.assume_multiple %add3A_373, 8 : i32
      %dma_start3A_375 = arith.constant 0 : i32
      %dma_start3A_376 = tpu.memref_slice %arg3[%multiple_of3A_374, %dma_start3A_375] : memref<320000x128xf32, #tpu.memory_space<hbm>> -> memref<64x128xf32, #tpu.memory_space<hbm>>
      %dma_start3A_377 = arith.constant 0 : i32
      %dma_start3A_378 = tpu.memref_slice %arg3[%multiple_of3A_374, %dma_start3A_377] : memref<320000x128xf32, #tpu.memory_space<hbm>> -> memref<64x128xf32, #tpu.memory_space<hbm>>
      tpu.enqueue_dma source(%dma_start3A_378 : memref<64x128xf32, #tpu.memory_space<hbm>>) target(%arg12 : memref<64x128xf32, #tpu.memory_space<vmem>>) target_semaphore(%arg23 : memref<!tpu.dma_semaphore, #tpu.memory_space<semaphore_mem>>)
      %dma_wait3A_379 = arith.constant 0 : i32
      %dma_wait3A_380 = arith.constant 0 : i32
      %dma_wait3A_381 = tpu.memref_slice %arg11[%dma_wait3A_379, %dma_wait3A_380] : memref<2x64xi32, #tpu.memory_space<vmem>> -> memref<1x64xi32, #tpu.memory_space<vmem>>
      %dma_wait3A_382 = tpu.memref_squeeze %dma_wait3A_381 : memref<1x64xi32, #tpu.memory_space<vmem>> -> memref<64xi32, #tpu.memory_space<vmem>>
      %dma_wait3A_383 = arith.constant 0 : i32
      %dma_wait3A_384 = tpu.memref_slice %arg4[%dma_wait3A_383] : memref<320000xi32, #tpu.memory_space<hbm>> -> memref<64xi32, #tpu.memory_space<hbm>>
      %dma_wait3A_385 = arith.constant 0 : i32
      %dma_wait3A_386 = tpu.memref_slice %arg11[%dma_wait3A_379, %dma_wait3A_385] : memref<2x64xi32, #tpu.memory_space<vmem>> -> memref<1x64xi32, #tpu.memory_space<vmem>>
      %dma_wait3A_387 = tpu.memref_squeeze %dma_wait3A_386 : memref<1x64xi32, #tpu.memory_space<vmem>> -> memref<64xi32, #tpu.memory_space<vmem>>
      %dma_wait3A_388 = arith.constant 0 : i32
      %dma_wait3A_389 = tpu.memref_slice %arg4[%dma_wait3A_388] : memref<320000xi32, #tpu.memory_space<hbm>> -> memref<64xi32, #tpu.memory_space<hbm>>
      tpu.wait_dma2 semaphore(%arg22 : memref<!tpu.dma_semaphore, #tpu.memory_space<semaphore_mem>>) src(%dma_wait3A_389 : memref<64xi32, #tpu.memory_space<hbm>>) dst(%dma_wait3A_387 : memref<64xi32, #tpu.memory_space<vmem>>)
      %dma_wait3A_390 = arith.constant 1 : i32
      %dma_wait3A_391 = arith.constant 0 : i32
      %dma_wait3A_392 = tpu.memref_slice %arg11[%dma_wait3A_390, %dma_wait3A_391] : memref<2x64xi32, #tpu.memory_space<vmem>> -> memref<1x64xi32, #tpu.memory_space<vmem>>
      %dma_wait3A_393 = tpu.memref_squeeze %dma_wait3A_392 : memref<1x64xi32, #tpu.memory_space<vmem>> -> memref<64xi32, #tpu.memory_space<vmem>>
      %dma_wait3A_394 = arith.constant 0 : i32
      %dma_wait3A_395 = tpu.memref_slice %arg5[%dma_wait3A_394] : memref<320000xi32, #tpu.memory_space<hbm>> -> memref<64xi32, #tpu.memory_space<hbm>>
      %dma_wait3A_396 = arith.constant 0 : i32
      %dma_wait3A_397 = tpu.memref_slice %arg11[%dma_wait3A_390, %dma_wait3A_396] : memref<2x64xi32, #tpu.memory_space<vmem>> -> memref<1x64xi32, #tpu.memory_space<vmem>>
      %dma_wait3A_398 = tpu.memref_squeeze %dma_wait3A_397 : memref<1x64xi32, #tpu.memory_space<vmem>> -> memref<64xi32, #tpu.memory_space<vmem>>
      %dma_wait3A_399 = arith.constant 0 : i32
      %dma_wait3A_400 = tpu.memref_slice %arg5[%dma_wait3A_399] : memref<320000xi32, #tpu.memory_space<hbm>> -> memref<64xi32, #tpu.memory_space<hbm>>
      tpu.wait_dma2 semaphore(%arg22 : memref<!tpu.dma_semaphore, #tpu.memory_space<semaphore_mem>>) src(%dma_wait3A_400 : memref<64xi32, #tpu.memory_space<hbm>>) dst(%dma_wait3A_398 : memref<64xi32, #tpu.memory_space<vmem>>)
      %dma_start3A_401 = arith.constant 0 : i32
      %dma_start3A_402 = arith.constant 0 : i32
      %dma_start3A_403 = tpu.memref_slice %arg11[%dma_start3A_401, %dma_start3A_402] : memref<2x64xi32, #tpu.memory_space<vmem>> -> memref<1x64xi32, #tpu.memory_space<vmem>>
      %dma_start3A_404 = tpu.memref_squeeze %dma_start3A_403 : memref<1x64xi32, #tpu.memory_space<vmem>> -> memref<64xi32, #tpu.memory_space<vmem>>
      %dma_start3A_405 = arith.constant 0 : i32
      %dma_start3A_406 = arith.constant 0 : i32
      %dma_start3A_407 = tpu.memref_slice %arg2[%dma_start3A_405, %dma_start3A_406] : memref<10000x128xf32, #tpu.memory_space<hbm>> -> memref<10000x128xf32, #tpu.memory_space<hbm>>
      tpu.enqueue_indirect_dma source(%dma_start3A_407 : memref<10000x128xf32, #tpu.memory_space<hbm>>) target(%arg16 : memref<64x128xf32, #tpu.memory_space<vmem>>) offsets(%dma_start3A_404 : memref<64xi32, #tpu.memory_space<vmem>>) semaphore(%arg27 : memref<!tpu.dma_semaphore, #tpu.memory_space<semaphore_mem>>)
      %dma_wait3A_408 = arith.constant 0 : i32
      %dma_wait3A_409 = arith.constant 0 : i32
      %dma_wait3A_410 = tpu.memref_slice %arg10[%dma_wait3A_408, %dma_wait3A_409] : memref<2x64xi32, #tpu.memory_space<vmem>> -> memref<1x64xi32, #tpu.memory_space<vmem>>
      %dma_wait3A_411 = tpu.memref_squeeze %dma_wait3A_410 : memref<1x64xi32, #tpu.memory_space<vmem>> -> memref<64xi32, #tpu.memory_space<vmem>>
      %dma_wait3A_412 = arith.constant 0 : i32
      %dma_wait3A_413 = arith.constant 0 : i32
      %dma_wait3A_414 = tpu.memref_slice %arg2[%dma_wait3A_412, %dma_wait3A_413] : memref<10000x128xf32, #tpu.memory_space<hbm>> -> memref<10000x128xf32, #tpu.memory_space<hbm>>
      tpu.wait_indirect_dma semaphore(%arg26 : memref<!tpu.dma_semaphore, #tpu.memory_space<semaphore_mem>>) src(%dma_wait3A_414 : memref<10000x128xf32, #tpu.memory_space<hbm>>) dst(%arg15 : memref<64x128xf32, #tpu.memory_space<vmem>>)
      %dma_wait3A_415 = arith.constant 0 : i32
      %dma_wait3A_416 = arith.constant 0 : i32
      %dma_wait3A_417 = tpu.memref_slice %arg3[%dma_wait3A_415, %dma_wait3A_416] : memref<320000x128xf32, #tpu.memory_space<hbm>> -> memref<64x128xf32, #tpu.memory_space<hbm>>
      %dma_wait3A_418 = arith.constant 0 : i32
      %dma_wait3A_419 = arith.constant 0 : i32
      %dma_wait3A_420 = tpu.memref_slice %arg3[%dma_wait3A_418, %dma_wait3A_419] : memref<320000x128xf32, #tpu.memory_space<hbm>> -> memref<64x128xf32, #tpu.memory_space<hbm>>
      tpu.wait_dma2 semaphore(%arg25 : memref<!tpu.dma_semaphore, #tpu.memory_space<semaphore_mem>>) src(%dma_wait3A_420 : memref<64x128xf32, #tpu.memory_space<hbm>>) dst(%arg14 : memref<64x128xf32, #tpu.memory_space<vmem>>)
      %scan3A_421 = arith.constant 0 : i32
      %scan3A_422 = arith.constant 0 : i32
      %scan3A_423 = arith.constant 64 : i32
      %scan3A_424 = arith.addi %scan3A_422, %scan3A_423 : i32
      %scan3A_425 = arith.constant 1 : i32
      scf.for %scan3A_1261 = %scan3A_422 to %scan3A_424 step %scan3A_425  : i32 {
        %get3A = arith.index_cast %scan3A_1261 : i32 to index
        %get3A_1262 = arith.constant 0 : index
        %get3A_1263 = tpu.vector_load %arg14[%get3A, %get3A_1262] {strides = array<i32>} : memref<64x128xf32, #tpu.memory_space<vmem>>, vector<1x16xf32>,
        %get3A_1264 = vector.shape_cast %get3A_1263 : vector<1x16xf32> to vector<16xf32>
        %get3A_1265 = arith.index_cast %scan3A_1261 : i32 to index
        %get3A_1266 = arith.constant 0 : index
        %get3A_1267 = tpu.vector_load %arg15[%get3A_1265, %get3A_1266] {strides = array<i32>} : memref<64x128xf32, #tpu.memory_space<vmem>>, vector<1x16xf32>,
        %get3A_1268 = vector.shape_cast %get3A_1267 : vector<1x16xf32> to vector<16xf32>
        %mul3A_1269 = arith.mulf %get3A_1264, %get3A_1268 : vector<16xf32>
        %mul3A_1270 = arith.constant 1.000000e-01 : f32
        %mul3A_1271 = vector.broadcast %mul3A_1270 : f32 to vector<16xf32>
        %mul3A_1272 = arith.mulf %mul3A_1269, %mul3A_1271 : vector<16xf32>
        %max3A = arith.maximumf %mul3A_1269, %mul3A_1272 : vector<16xf32>
        %swap3A = arith.index_cast %scan3A_1261 : i32 to index
        %swap3A_1273 = arith.constant 0 : index
        %swap3A_1274 = tpu.vector_load %arg14[%swap3A, %swap3A_1273] {strides = array<i32>} : memref<64x128xf32, #tpu.memory_space<vmem>>, vector<1x16xf32>,
        %swap3A_1275 = vector.shape_cast %swap3A_1274 : vector<1x16xf32> to vector<16xf32>
        %swap3A_1276 = vector.shape_cast %max3A : vector<16xf32> to vector<1x16xf32>
        tpu.vector_store %arg14[%swap3A, %swap3A_1273], %swap3A_1276 {strides = array<i32>} : memref<64x128xf32, #tpu.memory_space<vmem>>, vector<1x16xf32>,
        %get3A_1277 = arith.index_cast %scan3A_1261 : i32 to index
        %get3A_1278 = arith.constant 16 : index
        %get3A_1279 = tpu.vector_load %arg14[%get3A_1277, %get3A_1278] {strides = array<i32>} : memref<64x128xf32, #tpu.memory_space<vmem>>, vector<1x16xf32>,
        %get3A_1280 = vector.shape_cast %get3A_1279 : vector<1x16xf32> to vector<16xf32>
        %get3A_1281 = arith.index_cast %scan3A_1261 : i32 to index
        %get3A_1282 = arith.constant 16 : index
        %get3A_1283 = tpu.vector_load %arg15[%get3A_1281, %get3A_1282] {strides = array<i32>} : memref<64x128xf32, #tpu.memory_space<vmem>>, vector<1x16xf32>,
        %get3A_1284 = vector.shape_cast %get3A_1283 : vector<1x16xf32> to vector<16xf32>
        %mul3A_1285 = arith.mulf %get3A_1280, %get3A_1284 : vector<16xf32>
        %mul3A_1286 = arith.constant 1.000000e-01 : f32
        %mul3A_1287 = vector.broadcast %mul3A_1286 : f32 to vector<16xf32>
        %mul3A_1288 = arith.mulf %mul3A_1285, %mul3A_1287 : vector<16xf32>
        %max3A_1289 = arith.maximumf %mul3A_1285, %mul3A_1288 : vector<16xf32>
        %swap3A_1290 = arith.index_cast %scan3A_1261 : i32 to index
        %swap3A_1291 = arith.constant 16 : index
        %swap3A_1292 = tpu.vector_load %arg14[%swap3A_1290, %swap3A_1291] {strides = array<i32>} : memref<64x128xf32, #tpu.memory_space<vmem>>, vector<1x16xf32>,
        %swap3A_1293 = vector.shape_cast %swap3A_1292 : vector<1x16xf32> to vector<16xf32>
        %swap3A_1294 = vector.shape_cast %max3A_1289 : vector<16xf32> to vector<1x16xf32>
        tpu.vector_store %arg14[%swap3A_1290, %swap3A_1291], %swap3A_1294 {strides = array<i32>} : memref<64x128xf32, #tpu.memory_space<vmem>>, vector<1x16xf32>,
        %get3A_1295 = arith.index_cast %scan3A_1261 : i32 to index
        %get3A_1296 = arith.constant 32 : index
        %get3A_1297 = tpu.vector_load %arg14[%get3A_1295, %get3A_1296] {strides = array<i32>} : memref<64x128xf32, #tpu.memory_space<vmem>>, vector<1x16xf32>,
        %get3A_1298 = vector.shape_cast %get3A_1297 : vector<1x16xf32> to vector<16xf32>
        %get3A_1299 = arith.index_cast %scan3A_1261 : i32 to index
        %get3A_1300 = arith.constant 32 : index
        %get3A_1301 = tpu.vector_load %arg15[%get3A_1299, %get3A_1300] {strides = array<i32>} : memref<64x128xf32, #tpu.memory_space<vmem>>, vector<1x16xf32>,
        %get3A_1302 = vector.shape_cast %get3A_1301 : vector<1x16xf32> to vector<16xf32>
        %mul3A_1303 = arith.mulf %get3A_1298, %get3A_1302 : vector<16xf32>
        %mul3A_1304 = arith.constant 1.000000e-01 : f32
        %mul3A_1305 = vector.broadcast %mul3A_1304 : f32 to vector<16xf32>
        %mul3A_1306 = arith.mulf %mul3A_1303, %mul3A_1305 : vector<16xf32>
        %max3A_1307 = arith.maximumf %mul3A_1303, %mul3A_1306 : vector<16xf32>
        %swap3A_1308 = arith.index_cast %scan3A_1261 : i32 to index
        %swap3A_1309 = arith.constant 32 : index
        %swap3A_1310 = tpu.vector_load %arg14[%swap3A_1308, %swap3A_1309] {strides = array<i32>} : memref<64x128xf32, #tpu.memory_space<vmem>>, vector<1x16xf32>,
        %swap3A_1311 = vector.shape_cast %swap3A_1310 : vector<1x16xf32> to vector<16xf32>
        %swap3A_1312 = vector.shape_cast %max3A_1307 : vector<16xf32> to vector<1x16xf32>
        tpu.vector_store %arg14[%swap3A_1308, %swap3A_1309], %swap3A_1312 {strides = array<i32>} : memref<64x128xf32, #tpu.memory_space<vmem>>, vector<1x16xf32>,
        %get3A_1313 = arith.index_cast %scan3A_1261 : i32 to index
        %get3A_1314 = arith.constant 48 : index
        %get3A_1315 = tpu.vector_load %arg14[%get3A_1313, %get3A_1314] {strides = array<i32>} : memref<64x128xf32, #tpu.memory_space<vmem>>, vector<1x16xf32>,
        %get3A_1316 = vector.shape_cast %get3A_1315 : vector<1x16xf32> to vector<16xf32>
        %get3A_1317 = arith.index_cast %scan3A_1261 : i32 to index
        %get3A_1318 = arith.constant 48 : index
        %get3A_1319 = tpu.vector_load %arg15[%get3A_1317, %get3A_1318] {strides = array<i32>} : memref<64x128xf32, #tpu.memory_space<vmem>>, vector<1x16xf32>,
        %get3A_1320 = vector.shape_cast %get3A_1319 : vector<1x16xf32> to vector<16xf32>
        %mul3A_1321 = arith.mulf %get3A_1316, %get3A_1320 : vector<16xf32>
        %mul3A_1322 = arith.constant 1.000000e-01 : f32
        %mul3A_1323 = vector.broadcast %mul3A_1322 : f32 to vector<16xf32>
        %mul3A_1324 = arith.mulf %mul3A_1321, %mul3A_1323 : vector<16xf32>
        %max3A_1325 = arith.maximumf %mul3A_1321, %mul3A_1324 : vector<16xf32>
        %swap3A_1326 = arith.index_cast %scan3A_1261 : i32 to index
        %swap3A_1327 = arith.constant 48 : index
        %swap3A_1328 = tpu.vector_load %arg14[%swap3A_1326, %swap3A_1327] {strides = array<i32>} : memref<64x128xf32, #tpu.memory_space<vmem>>, vector<1x16xf32>,
        %swap3A_1329 = vector.shape_cast %swap3A_1328 : vector<1x16xf32> to vector<16xf32>
        %swap3A_1330 = vector.shape_cast %max3A_1325 : vector<16xf32> to vector<1x16xf32>
        tpu.vector_store %arg14[%swap3A_1326, %swap3A_1327], %swap3A_1330 {strides = array<i32>} : memref<64x128xf32, #tpu.memory_space<vmem>>, vector<1x16xf32>,
        %get3A_1331 = arith.index_cast %scan3A_1261 : i32 to index
        %get3A_1332 = arith.constant 64 : index
        %get3A_1333 = tpu.vector_load %arg14[%get3A_1331, %get3A_1332] {strides = array<i32>} : memref<64x128xf32, #tpu.memory_space<vmem>>, vector<1x16xf32>,
        %get3A_1334 = vector.shape_cast %get3A_1333 : vector<1x16xf32> to vector<16xf32>
        %get3A_1335 = arith.index_cast %scan3A_1261 : i32 to index
        %get3A_1336 = arith.constant 64 : index
        %get3A_1337 = tpu.vector_load %arg15[%get3A_1335, %get3A_1336] {strides = array<i32>} : memref<64x128xf32, #tpu.memory_space<vmem>>, vector<1x16xf32>,
        %get3A_1338 = vector.shape_cast %get3A_1337 : vector<1x16xf32> to vector<16xf32>
        %mul3A_1339 = arith.mulf %get3A_1334, %get3A_1338 : vector<16xf32>
        %mul3A_1340 = arith.constant 1.000000e-01 : f32
        %mul3A_1341 = vector.broadcast %mul3A_1340 : f32 to vector<16xf32>
        %mul3A_1342 = arith.mulf %mul3A_1339, %mul3A_1341 : vector<16xf32>
        %max3A_1343 = arith.maximumf %mul3A_1339, %mul3A_1342 : vector<16xf32>
        %swap3A_1344 = arith.index_cast %scan3A_1261 : i32 to index
        %swap3A_1345 = arith.constant 64 : index
        %swap3A_1346 = tpu.vector_load %arg14[%swap3A_1344, %swap3A_1345] {strides = array<i32>} : memref<64x128xf32, #tpu.memory_space<vmem>>, vector<1x16xf32>,
        %swap3A_1347 = vector.shape_cast %swap3A_1346 : vector<1x16xf32> to vector<16xf32>
        %swap3A_1348 = vector.shape_cast %max3A_1343 : vector<16xf32> to vector<1x16xf32>
        tpu.vector_store %arg14[%swap3A_1344, %swap3A_1345], %swap3A_1348 {strides = array<i32>} : memref<64x128xf32, #tpu.memory_space<vmem>>, vector<1x16xf32>,
        %get3A_1349 = arith.index_cast %scan3A_1261 : i32 to index
        %get3A_1350 = arith.constant 80 : index
        %get3A_1351 = tpu.vector_load %arg14[%get3A_1349, %get3A_1350] {strides = array<i32>} : memref<64x128xf32, #tpu.memory_space<vmem>>, vector<1x16xf32>,
        %get3A_1352 = vector.shape_cast %get3A_1351 : vector<1x16xf32> to vector<16xf32>
        %get3A_1353 = arith.index_cast %scan3A_1261 : i32 to index
        %get3A_1354 = arith.constant 80 : index
        %get3A_1355 = tpu.vector_load %arg15[%get3A_1353, %get3A_1354] {strides = array<i32>} : memref<64x128xf32, #tpu.memory_space<vmem>>, vector<1x16xf32>,
        %get3A_1356 = vector.shape_cast %get3A_1355 : vector<1x16xf32> to vector<16xf32>
        %mul3A_1357 = arith.mulf %get3A_1352, %get3A_1356 : vector<16xf32>
        %mul3A_1358 = arith.constant 1.000000e-01 : f32
        %mul3A_1359 = vector.broadcast %mul3A_1358 : f32 to vector<16xf32>
        %mul3A_1360 = arith.mulf %mul3A_1357, %mul3A_1359 : vector<16xf32>
        %max3A_1361 = arith.maximumf %mul3A_1357, %mul3A_1360 : vector<16xf32>
        %swap3A_1362 = arith.index_cast %scan3A_1261 : i32 to index
        %swap3A_1363 = arith.constant 80 : index
        %swap3A_1364 = tpu.vector_load %arg14[%swap3A_1362, %swap3A_1363] {strides = array<i32>} : memref<64x128xf32, #tpu.memory_space<vmem>>, vector<1x16xf32>,
        %swap3A_1365 = vector.shape_cast %swap3A_1364 : vector<1x16xf32> to vector<16xf32>
        %swap3A_1366 = vector.shape_cast %max3A_1361 : vector<16xf32> to vector<1x16xf32>
        tpu.vector_store %arg14[%swap3A_1362, %swap3A_1363], %swap3A_1366 {strides = array<i32>} : memref<64x128xf32, #tpu.memory_space<vmem>>, vector<1x16xf32>,
        %get3A_1367 = arith.index_cast %scan3A_1261 : i32 to index
        %get3A_1368 = arith.constant 96 : index
        %get3A_1369 = tpu.vector_load %arg14[%get3A_1367, %get3A_1368] {strides = array<i32>} : memref<64x128xf32, #tpu.memory_space<vmem>>, vector<1x16xf32>,
        %get3A_1370 = vector.shape_cast %get3A_1369 : vector<1x16xf32> to vector<16xf32>
        %get3A_1371 = arith.index_cast %scan3A_1261 : i32 to index
        %get3A_1372 = arith.constant 96 : index
        %get3A_1373 = tpu.vector_load %arg15[%get3A_1371, %get3A_1372] {strides = array<i32>} : memref<64x128xf32, #tpu.memory_space<vmem>>, vector<1x16xf32>,
        %get3A_1374 = vector.shape_cast %get3A_1373 : vector<1x16xf32> to vector<16xf32>
        %mul3A_1375 = arith.mulf %get3A_1370, %get3A_1374 : vector<16xf32>
        %mul3A_1376 = arith.constant 1.000000e-01 : f32
        %mul3A_1377 = vector.broadcast %mul3A_1376 : f32 to vector<16xf32>
        %mul3A_1378 = arith.mulf %mul3A_1375, %mul3A_1377 : vector<16xf32>
        %max3A_1379 = arith.maximumf %mul3A_1375, %mul3A_1378 : vector<16xf32>
        %swap3A_1380 = arith.index_cast %scan3A_1261 : i32 to index
        %swap3A_1381 = arith.constant 96 : index
        %swap3A_1382 = tpu.vector_load %arg14[%swap3A_1380, %swap3A_1381] {strides = array<i32>} : memref<64x128xf32, #tpu.memory_space<vmem>>, vector<1x16xf32>,
        %swap3A_1383 = vector.shape_cast %swap3A_1382 : vector<1x16xf32> to vector<16xf32>
        %swap3A_1384 = vector.shape_cast %max3A_1379 : vector<16xf32> to vector<1x16xf32>
        tpu.vector_store %arg14[%swap3A_1380, %swap3A_1381], %swap3A_1384 {strides = array<i32>} : memref<64x128xf32, #tpu.memory_space<vmem>>, vector<1x16xf32>,
        %get3A_1385 = arith.index_cast %scan3A_1261 : i32 to index
        %get3A_1386 = arith.constant 112 : index
        %get3A_1387 = tpu.vector_load %arg14[%get3A_1385, %get3A_1386] {strides = array<i32>} : memref<64x128xf32, #tpu.memory_space<vmem>>, vector<1x16xf32>,
        %get3A_1388 = vector.shape_cast %get3A_1387 : vector<1x16xf32> to vector<16xf32>
        %get3A_1389 = arith.index_cast %scan3A_1261 : i32 to index
        %get3A_1390 = arith.constant 112 : index
        %get3A_1391 = tpu.vector_load %arg15[%get3A_1389, %get3A_1390] {strides = array<i32>} : memref<64x128xf32, #tpu.memory_space<vmem>>, vector<1x16xf32>,
        %get3A_1392 = vector.shape_cast %get3A_1391 : vector<1x16xf32> to vector<16xf32>
        %mul3A_1393 = arith.mulf %get3A_1388, %get3A_1392 : vector<16xf32>
        %mul3A_1394 = arith.constant 1.000000e-01 : f32
        %mul3A_1395 = vector.broadcast %mul3A_1394 : f32 to vector<16xf32>
        %mul3A_1396 = arith.mulf %mul3A_1393, %mul3A_1395 : vector<16xf32>
        %max3A_1397 = arith.maximumf %mul3A_1393, %mul3A_1396 : vector<16xf32>
        %swap3A_1398 = arith.index_cast %scan3A_1261 : i32 to index
        %swap3A_1399 = arith.constant 112 : index
        %swap3A_1400 = tpu.vector_load %arg14[%swap3A_1398, %swap3A_1399] {strides = array<i32>} : memref<64x128xf32, #tpu.memory_space<vmem>>, vector<1x16xf32>,
        %swap3A_1401 = vector.shape_cast %swap3A_1400 : vector<1x16xf32> to vector<16xf32>
        %swap3A_1402 = vector.shape_cast %max3A_1397 : vector<16xf32> to vector<1x16xf32>
        tpu.vector_store %arg14[%swap3A_1398, %swap3A_1399], %swap3A_1402 {strides = array<i32>} : memref<64x128xf32, #tpu.memory_space<vmem>>, vector<1x16xf32>,
      }
      %scan3A_426 = arith.constant 64 : i32
      %dma_start3A_427 = arith.constant 1 : i32
      %dma_start3A_428 = arith.constant 0 : i32
      %dma_start3A_429 = tpu.memref_slice %arg10[%dma_start3A_427, %dma_start3A_428] : memref<2x64xi32, #tpu.memory_space<vmem>> -> memref<1x64xi32, #tpu.memory_space<vmem>>
      %dma_start3A_430 = tpu.memref_squeeze %dma_start3A_429 : memref<1x64xi32, #tpu.memory_space<vmem>> -> memref<64xi32, #tpu.memory_space<vmem>>
      %dma_start3A_431 = arith.constant 0 : i32
      %dma_start3A_432 = arith.constant 0 : i32
      %dma_start3A_433 = tpu.memref_slice %arg18[%dma_start3A_431, %dma_start3A_432] : memref<10240x128xf32, #tpu.memory_space<vmem_shared>> -> memref<10240x128xf32, #tpu.memory_space<vmem_shared>>
      tpu.enqueue_indirect_dma source(%arg14 : memref<64x128xf32, #tpu.memory_space<vmem>>) target(%dma_start3A_433 : memref<10240x128xf32, #tpu.memory_space<vmem_shared>>) offsets(%dma_start3A_430 : memref<64xi32, #tpu.memory_space<vmem>>) semaphore(%arg30 : memref<!tpu.dma_semaphore, #tpu.memory_space<semaphore_mem>>) {add = true}
      %mul3A_434 = arith.constant 12 : i32
      %mul3A_435 = arith.muli %mul3A_434, %scan3A_140 : i32
      %add3A_436 = arith.constant 3 : i32
      %add3A_437 = arith.addi %mul3A_435, %add3A_436 : i32
      %dma_wait3A_438 = arith.constant 1 : i32
      %dma_wait3A_439 = arith.constant 0 : i32
      %dma_wait3A_440 = tpu.memref_slice %arg9[%dma_wait3A_438, %dma_wait3A_439] : memref<2x64xi32, #tpu.memory_space<vmem>> -> memref<1x64xi32, #tpu.memory_space<vmem>>
      %dma_wait3A_441 = tpu.memref_squeeze %dma_wait3A_440 : memref<1x64xi32, #tpu.memory_space<vmem>> -> memref<64xi32, #tpu.memory_space<vmem>>
      %dma_wait3A_442 = arith.constant 0 : i32
      %dma_wait3A_443 = arith.constant 0 : i32
      %dma_wait3A_444 = tpu.memref_slice %arg18[%dma_wait3A_442, %dma_wait3A_443] : memref<10240x128xf32, #tpu.memory_space<vmem_shared>> -> memref<10240x128xf32, #tpu.memory_space<vmem_shared>>
      tpu.wait_indirect_dma semaphore(%arg29 : memref<!tpu.dma_semaphore, #tpu.memory_space<semaphore_mem>>) src(%arg13 : memref<64x128xf32, #tpu.memory_space<vmem>>) dst(%dma_wait3A_444 : memref<10240x128xf32, #tpu.memory_space<vmem_shared>>)
      %add3A_445 = arith.constant 2 : i32
      %add3A_446 = arith.addi %add3A_437, %add3A_445 : i32
      %mul3A_447 = arith.constant 64 : i32
      %mul3A_448 = arith.muli %add3A_446, %mul3A_447 : i32
      %add3A_449 = arith.addi %mul3A_2, %mul3A_448 : i32
      %multiple_of3A_450 = tpu.assume_multiple %add3A_449, 8 : i32
      %dma_start3A_451 = arith.constant 0 : i32
      %dma_start3A_452 = arith.constant 0 : i32
      %dma_start3A_453 = tpu.memref_slice %arg9[%dma_start3A_451, %dma_start3A_452] : memref<2x64xi32, #tpu.memory_space<vmem>> -> memref<1x64xi32, #tpu.memory_space<vmem>>
      %dma_start3A_454 = tpu.memref_squeeze %dma_start3A_453 : memref<1x64xi32, #tpu.memory_space<vmem>> -> memref<64xi32, #tpu.memory_space<vmem>>
      %dma_start3A_455 = tpu.memref_slice %arg4[%multiple_of3A_450] : memref<320000xi32, #tpu.memory_space<hbm>> -> memref<64xi32, #tpu.memory_space<hbm>>
      %dma_start3A_456 = arith.constant 0 : i32
      %dma_start3A_457 = tpu.memref_slice %arg9[%dma_start3A_451, %dma_start3A_456] : memref<2x64xi32, #tpu.memory_space<vmem>> -> memref<1x64xi32, #tpu.memory_space<vmem>>
      %dma_start3A_458 = tpu.memref_squeeze %dma_start3A_457 : memref<1x64xi32, #tpu.memory_space<vmem>> -> memref<64xi32, #tpu.memory_space<vmem>>
      %dma_start3A_459 = tpu.memref_slice %arg4[%multiple_of3A_450] : memref<320000xi32, #tpu.memory_space<hbm>> -> memref<64xi32, #tpu.memory_space<hbm>>
      tpu.enqueue_dma source(%dma_start3A_459 : memref<64xi32, #tpu.memory_space<hbm>>) target(%dma_start3A_458 : memref<64xi32, #tpu.memory_space<vmem>>) target_semaphore(%arg20 : memref<!tpu.dma_semaphore, #tpu.memory_space<semaphore_mem>>)
      %dma_start3A_460 = arith.constant 1 : i32
      %dma_start3A_461 = arith.constant 0 : i32
      %dma_start3A_462 = tpu.memref_slice %arg9[%dma_start3A_460, %dma_start3A_461] : memref<2x64xi32, #tpu.memory_space<vmem>> -> memref<1x64xi32, #tpu.memory_space<vmem>>
      %dma_start3A_463 = tpu.memref_squeeze %dma_start3A_462 : memref<1x64xi32, #tpu.memory_space<vmem>> -> memref<64xi32, #tpu.memory_space<vmem>>
      %dma_start3A_464 = tpu.memref_slice %arg5[%multiple_of3A_450] : memref<320000xi32, #tpu.memory_space<hbm>> -> memref<64xi32, #tpu.memory_space<hbm>>
      %dma_start3A_465 = arith.constant 0 : i32
      %dma_start3A_466 = tpu.memref_slice %arg9[%dma_start3A_460, %dma_start3A_465] : memref<2x64xi32, #tpu.memory_space<vmem>> -> memref<1x64xi32, #tpu.memory_space<vmem>>
      %dma_start3A_467 = tpu.memref_squeeze %dma_start3A_466 : memref<1x64xi32, #tpu.memory_space<vmem>> -> memref<64xi32, #tpu.memory_space<vmem>>
      %dma_start3A_468 = tpu.memref_slice %arg5[%multiple_of3A_450] : memref<320000xi32, #tpu.memory_space<hbm>> -> memref<64xi32, #tpu.memory_space<hbm>>
      tpu.enqueue_dma source(%dma_start3A_468 : memref<64xi32, #tpu.memory_space<hbm>>) target(%dma_start3A_467 : memref<64xi32, #tpu.memory_space<vmem>>) target_semaphore(%arg20 : memref<!tpu.dma_semaphore, #tpu.memory_space<semaphore_mem>>)
      %add3A_469 = arith.constant 1 : i32
      %add3A_470 = arith.addi %add3A_437, %add3A_469 : i32
      %mul3A_471 = arith.constant 64 : i32
      %mul3A_472 = arith.muli %add3A_470, %mul3A_471 : i32
      %add3A_473 = arith.addi %mul3A_2, %mul3A_472 : i32
      %multiple_of3A_474 = tpu.assume_multiple %add3A_473, 8 : i32
      %dma_start3A_475 = arith.constant 0 : i32
      %dma_start3A_476 = tpu.memref_slice %arg3[%multiple_of3A_474, %dma_start3A_475] : memref<320000x128xf32, #tpu.memory_space<hbm>> -> memref<64x128xf32, #tpu.memory_space<hbm>>
      %dma_start3A_477 = arith.constant 0 : i32
      %dma_start3A_478 = tpu.memref_slice %arg3[%multiple_of3A_474, %dma_start3A_477] : memref<320000x128xf32, #tpu.memory_space<hbm>> -> memref<64x128xf32, #tpu.memory_space<hbm>>
      tpu.enqueue_dma source(%dma_start3A_478 : memref<64x128xf32, #tpu.memory_space<hbm>>) target(%arg13 : memref<64x128xf32, #tpu.memory_space<vmem>>) target_semaphore(%arg24 : memref<!tpu.dma_semaphore, #tpu.memory_space<semaphore_mem>>)
      %dma_wait3A_479 = arith.constant 0 : i32
      %dma_wait3A_480 = arith.constant 0 : i32
      %dma_wait3A_481 = tpu.memref_slice %arg8[%dma_wait3A_479, %dma_wait3A_480] : memref<2x64xi32, #tpu.memory_space<vmem>> -> memref<1x64xi32, #tpu.memory_space<vmem>>
      %dma_wait3A_482 = tpu.memref_squeeze %dma_wait3A_481 : memref<1x64xi32, #tpu.memory_space<vmem>> -> memref<64xi32, #tpu.memory_space<vmem>>
      %dma_wait3A_483 = arith.constant 0 : i32
      %dma_wait3A_484 = tpu.memref_slice %arg4[%dma_wait3A_483] : memref<320000xi32, #tpu.memory_space<hbm>> -> memref<64xi32, #tpu.memory_space<hbm>>
      %dma_wait3A_485 = arith.constant 0 : i32
      %dma_wait3A_486 = tpu.memref_slice %arg8[%dma_wait3A_479, %dma_wait3A_485] : memref<2x64xi32, #tpu.memory_space<vmem>> -> memref<1x64xi32, #tpu.memory_space<vmem>>
      %dma_wait3A_487 = tpu.memref_squeeze %dma_wait3A_486 : memref<1x64xi32, #tpu.memory_space<vmem>> -> memref<64xi32, #tpu.memory_space<vmem>>
      %dma_wait3A_488 = arith.constant 0 : i32
      %dma_wait3A_489 = tpu.memref_slice %arg4[%dma_wait3A_488] : memref<320000xi32, #tpu.memory_space<hbm>> -> memref<64xi32, #tpu.memory_space<hbm>>
      tpu.wait_dma2 semaphore(%arg19 : memref<!tpu.dma_semaphore, #tpu.memory_space<semaphore_mem>>) src(%dma_wait3A_489 : memref<64xi32, #tpu.memory_space<hbm>>) dst(%dma_wait3A_487 : memref<64xi32, #tpu.memory_space<vmem>>)
      %dma_wait3A_490 = arith.constant 1 : i32
      %dma_wait3A_491 = arith.constant 0 : i32
      %dma_wait3A_492 = tpu.memref_slice %arg8[%dma_wait3A_490, %dma_wait3A_491] : memref<2x64xi32, #tpu.memory_space<vmem>> -> memref<1x64xi32, #tpu.memory_space<vmem>>
      %dma_wait3A_493 = tpu.memref_squeeze %dma_wait3A_492 : memref<1x64xi32, #tpu.memory_space<vmem>> -> memref<64xi32, #tpu.memory_space<vmem>>
      %dma_wait3A_494 = arith.constant 0 : i32
      %dma_wait3A_495 = tpu.memref_slice %arg5[%dma_wait3A_494] : memref<320000xi32, #tpu.memory_space<hbm>> -> memref<64xi32, #tpu.memory_space<hbm>>
      %dma_wait3A_496 = arith.constant 0 : i32
      %dma_wait3A_497 = tpu.memref_slice %arg8[%dma_wait3A_490, %dma_wait3A_496] : memref<2x64xi32, #tpu.memory_space<vmem>> -> memref<1x64xi32, #tpu.memory_space<vmem>>
      %dma_wait3A_498 = tpu.memref_squeeze %dma_wait3A_497 : memref<1x64xi32, #tpu.memory_space<vmem>> -> memref<64xi32, #tpu.memory_space<vmem>>
      %dma_wait3A_499 = arith.constant 0 : i32
      %dma_wait3A_500 = tpu.memref_slice %arg5[%dma_wait3A_499] : memref<320000xi32, #tpu.memory_space<hbm>> -> memref<64xi32, #tpu.memory_space<hbm>>
      tpu.wait_dma2 semaphore(%arg19 : memref<!tpu.dma_semaphore, #tpu.memory_space<semaphore_mem>>) src(%dma_wait3A_500 : memref<64xi32, #tpu.memory_space<hbm>>) dst(%dma_wait3A_498 : memref<64xi32, #tpu.memory_space<vmem>>)
      %dma_start3A_501 = arith.constant 0 : i32
      %dma_start3A_502 = arith.constant 0 : i32
      %dma_start3A_503 = tpu.memref_slice %arg8[%dma_start3A_501, %dma_start3A_502] : memref<2x64xi32, #tpu.memory_space<vmem>> -> memref<1x64xi32, #tpu.memory_space<vmem>>
      %dma_start3A_504 = tpu.memref_squeeze %dma_start3A_503 : memref<1x64xi32, #tpu.memory_space<vmem>> -> memref<64xi32, #tpu.memory_space<vmem>>
      %dma_start3A_505 = arith.constant 0 : i32
      %dma_start3A_506 = arith.constant 0 : i32
      %dma_start3A_507 = tpu.memref_slice %arg2[%dma_start3A_505, %dma_start3A_506] : memref<10000x128xf32, #tpu.memory_space<hbm>> -> memref<10000x128xf32, #tpu.memory_space<hbm>>
      tpu.enqueue_indirect_dma source(%dma_start3A_507 : memref<10000x128xf32, #tpu.memory_space<hbm>>) target(%arg15 : memref<64x128xf32, #tpu.memory_space<vmem>>) offsets(%dma_start3A_504 : memref<64xi32, #tpu.memory_space<vmem>>) semaphore(%arg26 : memref<!tpu.dma_semaphore, #tpu.memory_space<semaphore_mem>>)
      %dma_wait3A_508 = arith.constant 0 : i32
      %dma_wait3A_509 = arith.constant 0 : i32
      %dma_wait3A_510 = tpu.memref_slice %arg11[%dma_wait3A_508, %dma_wait3A_509] : memref<2x64xi32, #tpu.memory_space<vmem>> -> memref<1x64xi32, #tpu.memory_space<vmem>>
      %dma_wait3A_511 = tpu.memref_squeeze %dma_wait3A_510 : memref<1x64xi32, #tpu.memory_space<vmem>> -> memref<64xi32, #tpu.memory_space<vmem>>
      %dma_wait3A_512 = arith.constant 0 : i32
      %dma_wait3A_513 = arith.constant 0 : i32
      %dma_wait3A_514 = tpu.memref_slice %arg2[%dma_wait3A_512, %dma_wait3A_513] : memref<10000x128xf32, #tpu.memory_space<hbm>> -> memref<10000x128xf32, #tpu.memory_space<hbm>>
      tpu.wait_indirect_dma semaphore(%arg27 : memref<!tpu.dma_semaphore, #tpu.memory_space<semaphore_mem>>) src(%dma_wait3A_514 : memref<10000x128xf32, #tpu.memory_space<hbm>>) dst(%arg16 : memref<64x128xf32, #tpu.memory_space<vmem>>)
      %dma_wait3A_515 = arith.constant 0 : i32
      %dma_wait3A_516 = arith.constant 0 : i32
      %dma_wait3A_517 = tpu.memref_slice %arg3[%dma_wait3A_515, %dma_wait3A_516] : memref<320000x128xf32, #tpu.memory_space<hbm>> -> memref<64x128xf32, #tpu.memory_space<hbm>>
      %dma_wait3A_518 = arith.constant 0 : i32
      %dma_wait3A_519 = arith.constant 0 : i32
      %dma_wait3A_520 = tpu.memref_slice %arg3[%dma_wait3A_518, %dma_wait3A_519] : memref<320000x128xf32, #tpu.memory_space<hbm>> -> memref<64x128xf32, #tpu.memory_space<hbm>>
      tpu.wait_dma2 semaphore(%arg23 : memref<!tpu.dma_semaphore, #tpu.memory_space<semaphore_mem>>) src(%dma_wait3A_520 : memref<64x128xf32, #tpu.memory_space<hbm>>) dst(%arg12 : memref<64x128xf32, #tpu.memory_space<vmem>>)
      %scan3A_521 = arith.constant 0 : i32
      %scan3A_522 = arith.constant 0 : i32
      %scan3A_523 = arith.constant 64 : i32
      %scan3A_524 = arith.addi %scan3A_522, %scan3A_523 : i32
      %scan3A_525 = arith.constant 1 : i32
      scf.for %scan3A_1261 = %scan3A_522 to %scan3A_524 step %scan3A_525  : i32 {
        %get3A = arith.index_cast %scan3A_1261 : i32 to index
        %get3A_1262 = arith.constant 0 : index
        %get3A_1263 = tpu.vector_load %arg12[%get3A, %get3A_1262] {strides = array<i32>} : memref<64x128xf32, #tpu.memory_space<vmem>>, vector<1x16xf32>,
        %get3A_1264 = vector.shape_cast %get3A_1263 : vector<1x16xf32> to vector<16xf32>
        %get3A_1265 = arith.index_cast %scan3A_1261 : i32 to index
        %get3A_1266 = arith.constant 0 : index
        %get3A_1267 = tpu.vector_load %arg16[%get3A_1265, %get3A_1266] {strides = array<i32>} : memref<64x128xf32, #tpu.memory_space<vmem>>, vector<1x16xf32>,
        %get3A_1268 = vector.shape_cast %get3A_1267 : vector<1x16xf32> to vector<16xf32>
        %mul3A_1269 = arith.mulf %get3A_1264, %get3A_1268 : vector<16xf32>
        %mul3A_1270 = arith.constant 1.000000e-01 : f32
        %mul3A_1271 = vector.broadcast %mul3A_1270 : f32 to vector<16xf32>
        %mul3A_1272 = arith.mulf %mul3A_1269, %mul3A_1271 : vector<16xf32>
        %max3A = arith.maximumf %mul3A_1269, %mul3A_1272 : vector<16xf32>
        %swap3A = arith.index_cast %scan3A_1261 : i32 to index
        %swap3A_1273 = arith.constant 0 : index
        %swap3A_1274 = tpu.vector_load %arg12[%swap3A, %swap3A_1273] {strides = array<i32>} : memref<64x128xf32, #tpu.memory_space<vmem>>, vector<1x16xf32>,
        %swap3A_1275 = vector.shape_cast %swap3A_1274 : vector<1x16xf32> to vector<16xf32>
        %swap3A_1276 = vector.shape_cast %max3A : vector<16xf32> to vector<1x16xf32>
        tpu.vector_store %arg12[%swap3A, %swap3A_1273], %swap3A_1276 {strides = array<i32>} : memref<64x128xf32, #tpu.memory_space<vmem>>, vector<1x16xf32>,
        %get3A_1277 = arith.index_cast %scan3A_1261 : i32 to index
        %get3A_1278 = arith.constant 16 : index
        %get3A_1279 = tpu.vector_load %arg12[%get3A_1277, %get3A_1278] {strides = array<i32>} : memref<64x128xf32, #tpu.memory_space<vmem>>, vector<1x16xf32>,
        %get3A_1280 = vector.shape_cast %get3A_1279 : vector<1x16xf32> to vector<16xf32>
        %get3A_1281 = arith.index_cast %scan3A_1261 : i32 to index
        %get3A_1282 = arith.constant 16 : index
        %get3A_1283 = tpu.vector_load %arg16[%get3A_1281, %get3A_1282] {strides = array<i32>} : memref<64x128xf32, #tpu.memory_space<vmem>>, vector<1x16xf32>,
        %get3A_1284 = vector.shape_cast %get3A_1283 : vector<1x16xf32> to vector<16xf32>
        %mul3A_1285 = arith.mulf %get3A_1280, %get3A_1284 : vector<16xf32>
        %mul3A_1286 = arith.constant 1.000000e-01 : f32
        %mul3A_1287 = vector.broadcast %mul3A_1286 : f32 to vector<16xf32>
        %mul3A_1288 = arith.mulf %mul3A_1285, %mul3A_1287 : vector<16xf32>
        %max3A_1289 = arith.maximumf %mul3A_1285, %mul3A_1288 : vector<16xf32>
        %swap3A_1290 = arith.index_cast %scan3A_1261 : i32 to index
        %swap3A_1291 = arith.constant 16 : index
        %swap3A_1292 = tpu.vector_load %arg12[%swap3A_1290, %swap3A_1291] {strides = array<i32>} : memref<64x128xf32, #tpu.memory_space<vmem>>, vector<1x16xf32>,
        %swap3A_1293 = vector.shape_cast %swap3A_1292 : vector<1x16xf32> to vector<16xf32>
        %swap3A_1294 = vector.shape_cast %max3A_1289 : vector<16xf32> to vector<1x16xf32>
        tpu.vector_store %arg12[%swap3A_1290, %swap3A_1291], %swap3A_1294 {strides = array<i32>} : memref<64x128xf32, #tpu.memory_space<vmem>>, vector<1x16xf32>,
        %get3A_1295 = arith.index_cast %scan3A_1261 : i32 to index
        %get3A_1296 = arith.constant 32 : index
        %get3A_1297 = tpu.vector_load %arg12[%get3A_1295, %get3A_1296] {strides = array<i32>} : memref<64x128xf32, #tpu.memory_space<vmem>>, vector<1x16xf32>,
        %get3A_1298 = vector.shape_cast %get3A_1297 : vector<1x16xf32> to vector<16xf32>
        %get3A_1299 = arith.index_cast %scan3A_1261 : i32 to index
        %get3A_1300 = arith.constant 32 : index
        %get3A_1301 = tpu.vector_load %arg16[%get3A_1299, %get3A_1300] {strides = array<i32>} : memref<64x128xf32, #tpu.memory_space<vmem>>, vector<1x16xf32>,
        %get3A_1302 = vector.shape_cast %get3A_1301 : vector<1x16xf32> to vector<16xf32>
        %mul3A_1303 = arith.mulf %get3A_1298, %get3A_1302 : vector<16xf32>
        %mul3A_1304 = arith.constant 1.000000e-01 : f32
        %mul3A_1305 = vector.broadcast %mul3A_1304 : f32 to vector<16xf32>
        %mul3A_1306 = arith.mulf %mul3A_1303, %mul3A_1305 : vector<16xf32>
        %max3A_1307 = arith.maximumf %mul3A_1303, %mul3A_1306 : vector<16xf32>
        %swap3A_1308 = arith.index_cast %scan3A_1261 : i32 to index
        %swap3A_1309 = arith.constant 32 : index
        %swap3A_1310 = tpu.vector_load %arg12[%swap3A_1308, %swap3A_1309] {strides = array<i32>} : memref<64x128xf32, #tpu.memory_space<vmem>>, vector<1x16xf32>,
        %swap3A_1311 = vector.shape_cast %swap3A_1310 : vector<1x16xf32> to vector<16xf32>
        %swap3A_1312 = vector.shape_cast %max3A_1307 : vector<16xf32> to vector<1x16xf32>
        tpu.vector_store %arg12[%swap3A_1308, %swap3A_1309], %swap3A_1312 {strides = array<i32>} : memref<64x128xf32, #tpu.memory_space<vmem>>, vector<1x16xf32>,
        %get3A_1313 = arith.index_cast %scan3A_1261 : i32 to index
        %get3A_1314 = arith.constant 48 : index
        %get3A_1315 = tpu.vector_load %arg12[%get3A_1313, %get3A_1314] {strides = array<i32>} : memref<64x128xf32, #tpu.memory_space<vmem>>, vector<1x16xf32>,
        %get3A_1316 = vector.shape_cast %get3A_1315 : vector<1x16xf32> to vector<16xf32>
        %get3A_1317 = arith.index_cast %scan3A_1261 : i32 to index
        %get3A_1318 = arith.constant 48 : index
        %get3A_1319 = tpu.vector_load %arg16[%get3A_1317, %get3A_1318] {strides = array<i32>} : memref<64x128xf32, #tpu.memory_space<vmem>>, vector<1x16xf32>,
        %get3A_1320 = vector.shape_cast %get3A_1319 : vector<1x16xf32> to vector<16xf32>
        %mul3A_1321 = arith.mulf %get3A_1316, %get3A_1320 : vector<16xf32>
        %mul3A_1322 = arith.constant 1.000000e-01 : f32
        %mul3A_1323 = vector.broadcast %mul3A_1322 : f32 to vector<16xf32>
        %mul3A_1324 = arith.mulf %mul3A_1321, %mul3A_1323 : vector<16xf32>
        %max3A_1325 = arith.maximumf %mul3A_1321, %mul3A_1324 : vector<16xf32>
        %swap3A_1326 = arith.index_cast %scan3A_1261 : i32 to index
        %swap3A_1327 = arith.constant 48 : index
        %swap3A_1328 = tpu.vector_load %arg12[%swap3A_1326, %swap3A_1327] {strides = array<i32>} : memref<64x128xf32, #tpu.memory_space<vmem>>, vector<1x16xf32>,
        %swap3A_1329 = vector.shape_cast %swap3A_1328 : vector<1x16xf32> to vector<16xf32>
        %swap3A_1330 = vector.shape_cast %max3A_1325 : vector<16xf32> to vector<1x16xf32>
        tpu.vector_store %arg12[%swap3A_1326, %swap3A_1327], %swap3A_1330 {strides = array<i32>} : memref<64x128xf32, #tpu.memory_space<vmem>>, vector<1x16xf32>,
        %get3A_1331 = arith.index_cast %scan3A_1261 : i32 to index
        %get3A_1332 = arith.constant 64 : index
        %get3A_1333 = tpu.vector_load %arg12[%get3A_1331, %get3A_1332] {strides = array<i32>} : memref<64x128xf32, #tpu.memory_space<vmem>>, vector<1x16xf32>,
        %get3A_1334 = vector.shape_cast %get3A_1333 : vector<1x16xf32> to vector<16xf32>
        %get3A_1335 = arith.index_cast %scan3A_1261 : i32 to index
        %get3A_1336 = arith.constant 64 : index
        %get3A_1337 = tpu.vector_load %arg16[%get3A_1335, %get3A_1336] {strides = array<i32>} : memref<64x128xf32, #tpu.memory_space<vmem>>, vector<1x16xf32>,
        %get3A_1338 = vector.shape_cast %get3A_1337 : vector<1x16xf32> to vector<16xf32>
        %mul3A_1339 = arith.mulf %get3A_1334, %get3A_1338 : vector<16xf32>
        %mul3A_1340 = arith.constant 1.000000e-01 : f32
        %mul3A_1341 = vector.broadcast %mul3A_1340 : f32 to vector<16xf32>
        %mul3A_1342 = arith.mulf %mul3A_1339, %mul3A_1341 : vector<16xf32>
        %max3A_1343 = arith.maximumf %mul3A_1339, %mul3A_1342 : vector<16xf32>
        %swap3A_1344 = arith.index_cast %scan3A_1261 : i32 to index
        %swap3A_1345 = arith.constant 64 : index
        %swap3A_1346 = tpu.vector_load %arg12[%swap3A_1344, %swap3A_1345] {strides = array<i32>} : memref<64x128xf32, #tpu.memory_space<vmem>>, vector<1x16xf32>,
        %swap3A_1347 = vector.shape_cast %swap3A_1346 : vector<1x16xf32> to vector<16xf32>
        %swap3A_1348 = vector.shape_cast %max3A_1343 : vector<16xf32> to vector<1x16xf32>
        tpu.vector_store %arg12[%swap3A_1344, %swap3A_1345], %swap3A_1348 {strides = array<i32>} : memref<64x128xf32, #tpu.memory_space<vmem>>, vector<1x16xf32>,
        %get3A_1349 = arith.index_cast %scan3A_1261 : i32 to index
        %get3A_1350 = arith.constant 80 : index
        %get3A_1351 = tpu.vector_load %arg12[%get3A_1349, %get3A_1350] {strides = array<i32>} : memref<64x128xf32, #tpu.memory_space<vmem>>, vector<1x16xf32>,
        %get3A_1352 = vector.shape_cast %get3A_1351 : vector<1x16xf32> to vector<16xf32>
        %get3A_1353 = arith.index_cast %scan3A_1261 : i32 to index
        %get3A_1354 = arith.constant 80 : index
        %get3A_1355 = tpu.vector_load %arg16[%get3A_1353, %get3A_1354] {strides = array<i32>} : memref<64x128xf32, #tpu.memory_space<vmem>>, vector<1x16xf32>,
        %get3A_1356 = vector.shape_cast %get3A_1355 : vector<1x16xf32> to vector<16xf32>
        %mul3A_1357 = arith.mulf %get3A_1352, %get3A_1356 : vector<16xf32>
        %mul3A_1358 = arith.constant 1.000000e-01 : f32
        %mul3A_1359 = vector.broadcast %mul3A_1358 : f32 to vector<16xf32>
        %mul3A_1360 = arith.mulf %mul3A_1357, %mul3A_1359 : vector<16xf32>
        %max3A_1361 = arith.maximumf %mul3A_1357, %mul3A_1360 : vector<16xf32>
        %swap3A_1362 = arith.index_cast %scan3A_1261 : i32 to index
        %swap3A_1363 = arith.constant 80 : index
        %swap3A_1364 = tpu.vector_load %arg12[%swap3A_1362, %swap3A_1363] {strides = array<i32>} : memref<64x128xf32, #tpu.memory_space<vmem>>, vector<1x16xf32>,
        %swap3A_1365 = vector.shape_cast %swap3A_1364 : vector<1x16xf32> to vector<16xf32>
        %swap3A_1366 = vector.shape_cast %max3A_1361 : vector<16xf32> to vector<1x16xf32>
        tpu.vector_store %arg12[%swap3A_1362, %swap3A_1363], %swap3A_1366 {strides = array<i32>} : memref<64x128xf32, #tpu.memory_space<vmem>>, vector<1x16xf32>,
        %get3A_1367 = arith.index_cast %scan3A_1261 : i32 to index
        %get3A_1368 = arith.constant 96 : index
        %get3A_1369 = tpu.vector_load %arg12[%get3A_1367, %get3A_1368] {strides = array<i32>} : memref<64x128xf32, #tpu.memory_space<vmem>>, vector<1x16xf32>,
        %get3A_1370 = vector.shape_cast %get3A_1369 : vector<1x16xf32> to vector<16xf32>
        %get3A_1371 = arith.index_cast %scan3A_1261 : i32 to index
        %get3A_1372 = arith.constant 96 : index
        %get3A_1373 = tpu.vector_load %arg16[%get3A_1371, %get3A_1372] {strides = array<i32>} : memref<64x128xf32, #tpu.memory_space<vmem>>, vector<1x16xf32>,
        %get3A_1374 = vector.shape_cast %get3A_1373 : vector<1x16xf32> to vector<16xf32>
        %mul3A_1375 = arith.mulf %get3A_1370, %get3A_1374 : vector<16xf32>
        %mul3A_1376 = arith.constant 1.000000e-01 : f32
        %mul3A_1377 = vector.broadcast %mul3A_1376 : f32 to vector<16xf32>
        %mul3A_1378 = arith.mulf %mul3A_1375, %mul3A_1377 : vector<16xf32>
        %max3A_1379 = arith.maximumf %mul3A_1375, %mul3A_1378 : vector<16xf32>
        %swap3A_1380 = arith.index_cast %scan3A_1261 : i32 to index
        %swap3A_1381 = arith.constant 96 : index
        %swap3A_1382 = tpu.vector_load %arg12[%swap3A_1380, %swap3A_1381] {strides = array<i32>} : memref<64x128xf32, #tpu.memory_space<vmem>>, vector<1x16xf32>,
        %swap3A_1383 = vector.shape_cast %swap3A_1382 : vector<1x16xf32> to vector<16xf32>
        %swap3A_1384 = vector.shape_cast %max3A_1379 : vector<16xf32> to vector<1x16xf32>
        tpu.vector_store %arg12[%swap3A_1380, %swap3A_1381], %swap3A_1384 {strides = array<i32>} : memref<64x128xf32, #tpu.memory_space<vmem>>, vector<1x16xf32>,
        %get3A_1385 = arith.index_cast %scan3A_1261 : i32 to index
        %get3A_1386 = arith.constant 112 : index
        %get3A_1387 = tpu.vector_load %arg12[%get3A_1385, %get3A_1386] {strides = array<i32>} : memref<64x128xf32, #tpu.memory_space<vmem>>, vector<1x16xf32>,
        %get3A_1388 = vector.shape_cast %get3A_1387 : vector<1x16xf32> to vector<16xf32>
        %get3A_1389 = arith.index_cast %scan3A_1261 : i32 to index
        %get3A_1390 = arith.constant 112 : index
        %get3A_1391 = tpu.vector_load %arg16[%get3A_1389, %get3A_1390] {strides = array<i32>} : memref<64x128xf32, #tpu.memory_space<vmem>>, vector<1x16xf32>,
        %get3A_1392 = vector.shape_cast %get3A_1391 : vector<1x16xf32> to vector<16xf32>
        %mul3A_1393 = arith.mulf %get3A_1388, %get3A_1392 : vector<16xf32>
        %mul3A_1394 = arith.constant 1.000000e-01 : f32
        %mul3A_1395 = vector.broadcast %mul3A_1394 : f32 to vector<16xf32>
        %mul3A_1396 = arith.mulf %mul3A_1393, %mul3A_1395 : vector<16xf32>
        %max3A_1397 = arith.maximumf %mul3A_1393, %mul3A_1396 : vector<16xf32>
        %swap3A_1398 = arith.index_cast %scan3A_1261 : i32 to index
        %swap3A_1399 = arith.constant 112 : index
        %swap3A_1400 = tpu.vector_load %arg12[%swap3A_1398, %swap3A_1399] {strides = array<i32>} : memref<64x128xf32, #tpu.memory_space<vmem>>, vector<1x16xf32>,
        %swap3A_1401 = vector.shape_cast %swap3A_1400 : vector<1x16xf32> to vector<16xf32>
        %swap3A_1402 = vector.shape_cast %max3A_1397 : vector<16xf32> to vector<1x16xf32>
        tpu.vector_store %arg12[%swap3A_1398, %swap3A_1399], %swap3A_1402 {strides = array<i32>} : memref<64x128xf32, #tpu.memory_space<vmem>>, vector<1x16xf32>,
      }
      %scan3A_526 = arith.constant 64 : i32
      %dma_start3A_527 = arith.constant 1 : i32
      %dma_start3A_528 = arith.constant 0 : i32
      %dma_start3A_529 = tpu.memref_slice %arg11[%dma_start3A_527, %dma_start3A_528] : memref<2x64xi32, #tpu.memory_space<vmem>> -> memref<1x64xi32, #tpu.memory_space<vmem>>
      %dma_start3A_530 = tpu.memref_squeeze %dma_start3A_529 : memref<1x64xi32, #tpu.memory_space<vmem>> -> memref<64xi32, #tpu.memory_space<vmem>>
      %dma_start3A_531 = arith.constant 0 : i32
      %dma_start3A_532 = arith.constant 0 : i32
      %dma_start3A_533 = tpu.memref_slice %arg18[%dma_start3A_531, %dma_start3A_532] : memref<10240x128xf32, #tpu.memory_space<vmem_shared>> -> memref<10240x128xf32, #tpu.memory_space<vmem_shared>>
      tpu.enqueue_indirect_dma source(%arg12 : memref<64x128xf32, #tpu.memory_space<vmem>>) target(%dma_start3A_533 : memref<10240x128xf32, #tpu.memory_space<vmem_shared>>) offsets(%dma_start3A_530 : memref<64xi32, #tpu.memory_space<vmem>>) semaphore(%arg28 : memref<!tpu.dma_semaphore, #tpu.memory_space<semaphore_mem>>) {add = true}
      %mul3A_534 = arith.constant 12 : i32
      %mul3A_535 = arith.muli %mul3A_534, %scan3A_140 : i32
      %add3A_536 = arith.constant 4 : i32
      %add3A_537 = arith.addi %mul3A_535, %add3A_536 : i32
      %dma_wait3A_538 = arith.constant 1 : i32
      %dma_wait3A_539 = arith.constant 0 : i32
      %dma_wait3A_540 = tpu.memref_slice %arg10[%dma_wait3A_538, %dma_wait3A_539] : memref<2x64xi32, #tpu.memory_space<vmem>> -> memref<1x64xi32, #tpu.memory_space<vmem>>
      %dma_wait3A_541 = tpu.memref_squeeze %dma_wait3A_540 : memref<1x64xi32, #tpu.memory_space<vmem>> -> memref<64xi32, #tpu.memory_space<vmem>>
      %dma_wait3A_542 = arith.constant 0 : i32
      %dma_wait3A_543 = arith.constant 0 : i32
      %dma_wait3A_544 = tpu.memref_slice %arg18[%dma_wait3A_542, %dma_wait3A_543] : memref<10240x128xf32, #tpu.memory_space<vmem_shared>> -> memref<10240x128xf32, #tpu.memory_space<vmem_shared>>
      tpu.wait_indirect_dma semaphore(%arg30 : memref<!tpu.dma_semaphore, #tpu.memory_space<semaphore_mem>>) src(%arg14 : memref<64x128xf32, #tpu.memory_space<vmem>>) dst(%dma_wait3A_544 : memref<10240x128xf32, #tpu.memory_space<vmem_shared>>)
      %add3A_545 = arith.constant 2 : i32
      %add3A_546 = arith.addi %add3A_537, %add3A_545 : i32
      %mul3A_547 = arith.constant 64 : i32
      %mul3A_548 = arith.muli %add3A_546, %mul3A_547 : i32
      %add3A_549 = arith.addi %mul3A_2, %mul3A_548 : i32
      %multiple_of3A_550 = tpu.assume_multiple %add3A_549, 8 : i32
      %dma_start3A_551 = arith.constant 0 : i32
      %dma_start3A_552 = arith.constant 0 : i32
      %dma_start3A_553 = tpu.memref_slice %arg10[%dma_start3A_551, %dma_start3A_552] : memref<2x64xi32, #tpu.memory_space<vmem>> -> memref<1x64xi32, #tpu.memory_space<vmem>>
      %dma_start3A_554 = tpu.memref_squeeze %dma_start3A_553 : memref<1x64xi32, #tpu.memory_space<vmem>> -> memref<64xi32, #tpu.memory_space<vmem>>
      %dma_start3A_555 = tpu.memref_slice %arg4[%multiple_of3A_550] : memref<320000xi32, #tpu.memory_space<hbm>> -> memref<64xi32, #tpu.memory_space<hbm>>
      %dma_start3A_556 = arith.constant 0 : i32
      %dma_start3A_557 = tpu.memref_slice %arg10[%dma_start3A_551, %dma_start3A_556] : memref<2x64xi32, #tpu.memory_space<vmem>> -> memref<1x64xi32, #tpu.memory_space<vmem>>
      %dma_start3A_558 = tpu.memref_squeeze %dma_start3A_557 : memref<1x64xi32, #tpu.memory_space<vmem>> -> memref<64xi32, #tpu.memory_space<vmem>>
      %dma_start3A_559 = tpu.memref_slice %arg4[%multiple_of3A_550] : memref<320000xi32, #tpu.memory_space<hbm>> -> memref<64xi32, #tpu.memory_space<hbm>>
      tpu.enqueue_dma source(%dma_start3A_559 : memref<64xi32, #tpu.memory_space<hbm>>) target(%dma_start3A_558 : memref<64xi32, #tpu.memory_space<vmem>>) target_semaphore(%arg21 : memref<!tpu.dma_semaphore, #tpu.memory_space<semaphore_mem>>)
      %dma_start3A_560 = arith.constant 1 : i32
      %dma_start3A_561 = arith.constant 0 : i32
      %dma_start3A_562 = tpu.memref_slice %arg10[%dma_start3A_560, %dma_start3A_561] : memref<2x64xi32, #tpu.memory_space<vmem>> -> memref<1x64xi32, #tpu.memory_space<vmem>>
      %dma_start3A_563 = tpu.memref_squeeze %dma_start3A_562 : memref<1x64xi32, #tpu.memory_space<vmem>> -> memref<64xi32, #tpu.memory_space<vmem>>
      %dma_start3A_564 = tpu.memref_slice %arg5[%multiple_of3A_550] : memref<320000xi32, #tpu.memory_space<hbm>> -> memref<64xi32, #tpu.memory_space<hbm>>
      %dma_start3A_565 = arith.constant 0 : i32
      %dma_start3A_566 = tpu.memref_slice %arg10[%dma_start3A_560, %dma_start3A_565] : memref<2x64xi32, #tpu.memory_space<vmem>> -> memref<1x64xi32, #tpu.memory_space<vmem>>
      %dma_start3A_567 = tpu.memref_squeeze %dma_start3A_566 : memref<1x64xi32, #tpu.memory_space<vmem>> -> memref<64xi32, #tpu.memory_space<vmem>>
      %dma_start3A_568 = tpu.memref_slice %arg5[%multiple_of3A_550] : memref<320000xi32, #tpu.memory_space<hbm>> -> memref<64xi32, #tpu.memory_space<hbm>>
      tpu.enqueue_dma source(%dma_start3A_568 : memref<64xi32, #tpu.memory_space<hbm>>) target(%dma_start3A_567 : memref<64xi32, #tpu.memory_space<vmem>>) target_semaphore(%arg21 : memref<!tpu.dma_semaphore, #tpu.memory_space<semaphore_mem>>)
      %add3A_569 = arith.constant 1 : i32
      %add3A_570 = arith.addi %add3A_537, %add3A_569 : i32
      %mul3A_571 = arith.constant 64 : i32
      %mul3A_572 = arith.muli %add3A_570, %mul3A_571 : i32
      %add3A_573 = arith.addi %mul3A_2, %mul3A_572 : i32
      %multiple_of3A_574 = tpu.assume_multiple %add3A_573, 8 : i32
      %dma_start3A_575 = arith.constant 0 : i32
      %dma_start3A_576 = tpu.memref_slice %arg3[%multiple_of3A_574, %dma_start3A_575] : memref<320000x128xf32, #tpu.memory_space<hbm>> -> memref<64x128xf32, #tpu.memory_space<hbm>>
      %dma_start3A_577 = arith.constant 0 : i32
      %dma_start3A_578 = tpu.memref_slice %arg3[%multiple_of3A_574, %dma_start3A_577] : memref<320000x128xf32, #tpu.memory_space<hbm>> -> memref<64x128xf32, #tpu.memory_space<hbm>>
      tpu.enqueue_dma source(%dma_start3A_578 : memref<64x128xf32, #tpu.memory_space<hbm>>) target(%arg14 : memref<64x128xf32, #tpu.memory_space<vmem>>) target_semaphore(%arg25 : memref<!tpu.dma_semaphore, #tpu.memory_space<semaphore_mem>>)
      %dma_wait3A_579 = arith.constant 0 : i32
      %dma_wait3A_580 = arith.constant 0 : i32
      %dma_wait3A_581 = tpu.memref_slice %arg9[%dma_wait3A_579, %dma_wait3A_580] : memref<2x64xi32, #tpu.memory_space<vmem>> -> memref<1x64xi32, #tpu.memory_space<vmem>>
      %dma_wait3A_582 = tpu.memref_squeeze %dma_wait3A_581 : memref<1x64xi32, #tpu.memory_space<vmem>> -> memref<64xi32, #tpu.memory_space<vmem>>
      %dma_wait3A_583 = arith.constant 0 : i32
      %dma_wait3A_584 = tpu.memref_slice %arg4[%dma_wait3A_583] : memref<320000xi32, #tpu.memory_space<hbm>> -> memref<64xi32, #tpu.memory_space<hbm>>
      %dma_wait3A_585 = arith.constant 0 : i32
      %dma_wait3A_586 = tpu.memref_slice %arg9[%dma_wait3A_579, %dma_wait3A_585] : memref<2x64xi32, #tpu.memory_space<vmem>> -> memref<1x64xi32, #tpu.memory_space<vmem>>
      %dma_wait3A_587 = tpu.memref_squeeze %dma_wait3A_586 : memref<1x64xi32, #tpu.memory_space<vmem>> -> memref<64xi32, #tpu.memory_space<vmem>>
      %dma_wait3A_588 = arith.constant 0 : i32
      %dma_wait3A_589 = tpu.memref_slice %arg4[%dma_wait3A_588] : memref<320000xi32, #tpu.memory_space<hbm>> -> memref<64xi32, #tpu.memory_space<hbm>>
      tpu.wait_dma2 semaphore(%arg20 : memref<!tpu.dma_semaphore, #tpu.memory_space<semaphore_mem>>) src(%dma_wait3A_589 : memref<64xi32, #tpu.memory_space<hbm>>) dst(%dma_wait3A_587 : memref<64xi32, #tpu.memory_space<vmem>>)
      %dma_wait3A_590 = arith.constant 1 : i32
      %dma_wait3A_591 = arith.constant 0 : i32
      %dma_wait3A_592 = tpu.memref_slice %arg9[%dma_wait3A_590, %dma_wait3A_591] : memref<2x64xi32, #tpu.memory_space<vmem>> -> memref<1x64xi32, #tpu.memory_space<vmem>>
      %dma_wait3A_593 = tpu.memref_squeeze %dma_wait3A_592 : memref<1x64xi32, #tpu.memory_space<vmem>> -> memref<64xi32, #tpu.memory_space<vmem>>
      %dma_wait3A_594 = arith.constant 0 : i32
      %dma_wait3A_595 = tpu.memref_slice %arg5[%dma_wait3A_594] : memref<320000xi32, #tpu.memory_space<hbm>> -> memref<64xi32, #tpu.memory_space<hbm>>
      %dma_wait3A_596 = arith.constant 0 : i32
      %dma_wait3A_597 = tpu.memref_slice %arg9[%dma_wait3A_590, %dma_wait3A_596] : memref<2x64xi32, #tpu.memory_space<vmem>> -> memref<1x64xi32, #tpu.memory_space<vmem>>
      %dma_wait3A_598 = tpu.memref_squeeze %dma_wait3A_597 : memref<1x64xi32, #tpu.memory_space<vmem>> -> memref<64xi32, #tpu.memory_space<vmem>>
      %dma_wait3A_599 = arith.constant 0 : i32
      %dma_wait3A_600 = tpu.memref_slice %arg5[%dma_wait3A_599] : memref<320000xi32, #tpu.memory_space<hbm>> -> memref<64xi32, #tpu.memory_space<hbm>>
      tpu.wait_dma2 semaphore(%arg20 : memref<!tpu.dma_semaphore, #tpu.memory_space<semaphore_mem>>) src(%dma_wait3A_600 : memref<64xi32, #tpu.memory_space<hbm>>) dst(%dma_wait3A_598 : memref<64xi32, #tpu.memory_space<vmem>>)
      %dma_start3A_601 = arith.constant 0 : i32
      %dma_start3A_602 = arith.constant 0 : i32
      %dma_start3A_603 = tpu.memref_slice %arg9[%dma_start3A_601, %dma_start3A_602] : memref<2x64xi32, #tpu.memory_space<vmem>> -> memref<1x64xi32, #tpu.memory_space<vmem>>
      %dma_start3A_604 = tpu.memref_squeeze %dma_start3A_603 : memref<1x64xi32, #tpu.memory_space<vmem>> -> memref<64xi32, #tpu.memory_space<vmem>>
      %dma_start3A_605 = arith.constant 0 : i32
      %dma_start3A_606 = arith.constant 0 : i32
      %dma_start3A_607 = tpu.memref_slice %arg2[%dma_start3A_605, %dma_start3A_606] : memref<10000x128xf32, #tpu.memory_space<hbm>> -> memref<10000x128xf32, #tpu.memory_space<hbm>>
      tpu.enqueue_indirect_dma source(%dma_start3A_607 : memref<10000x128xf32, #tpu.memory_space<hbm>>) target(%arg16 : memref<64x128xf32, #tpu.memory_space<vmem>>) offsets(%dma_start3A_604 : memref<64xi32, #tpu.memory_space<vmem>>) semaphore(%arg27 : memref<!tpu.dma_semaphore, #tpu.memory_space<semaphore_mem>>)
      %dma_wait3A_608 = arith.constant 0 : i32
      %dma_wait3A_609 = arith.constant 0 : i32
      %dma_wait3A_610 = tpu.memref_slice %arg8[%dma_wait3A_608, %dma_wait3A_609] : memref<2x64xi32, #tpu.memory_space<vmem>> -> memref<1x64xi32, #tpu.memory_space<vmem>>
      %dma_wait3A_611 = tpu.memref_squeeze %dma_wait3A_610 : memref<1x64xi32, #tpu.memory_space<vmem>> -> memref<64xi32, #tpu.memory_space<vmem>>
      %dma_wait3A_612 = arith.constant 0 : i32
      %dma_wait3A_613 = arith.constant 0 : i32
      %dma_wait3A_614 = tpu.memref_slice %arg2[%dma_wait3A_612, %dma_wait3A_613] : memref<10000x128xf32, #tpu.memory_space<hbm>> -> memref<10000x128xf32, #tpu.memory_space<hbm>>
      tpu.wait_indirect_dma semaphore(%arg26 : memref<!tpu.dma_semaphore, #tpu.memory_space<semaphore_mem>>) src(%dma_wait3A_614 : memref<10000x128xf32, #tpu.memory_space<hbm>>) dst(%arg15 : memref<64x128xf32, #tpu.memory_space<vmem>>)
      %dma_wait3A_615 = arith.constant 0 : i32
      %dma_wait3A_616 = arith.constant 0 : i32
      %dma_wait3A_617 = tpu.memref_slice %arg3[%dma_wait3A_615, %dma_wait3A_616] : memref<320000x128xf32, #tpu.memory_space<hbm>> -> memref<64x128xf32, #tpu.memory_space<hbm>>
      %dma_wait3A_618 = arith.constant 0 : i32
      %dma_wait3A_619 = arith.constant 0 : i32
      %dma_wait3A_620 = tpu.memref_slice %arg3[%dma_wait3A_618, %dma_wait3A_619] : memref<320000x128xf32, #tpu.memory_space<hbm>> -> memref<64x128xf32, #tpu.memory_space<hbm>>
      tpu.wait_dma2 semaphore(%arg24 : memref<!tpu.dma_semaphore, #tpu.memory_space<semaphore_mem>>) src(%dma_wait3A_620 : memref<64x128xf32, #tpu.memory_space<hbm>>) dst(%arg13 : memref<64x128xf32, #tpu.memory_space<vmem>>)
      %scan3A_621 = arith.constant 0 : i32
      %scan3A_622 = arith.constant 0 : i32
      %scan3A_623 = arith.constant 64 : i32
      %scan3A_624 = arith.addi %scan3A_622, %scan3A_623 : i32
      %scan3A_625 = arith.constant 1 : i32
      scf.for %scan3A_1261 = %scan3A_622 to %scan3A_624 step %scan3A_625  : i32 {
        %get3A = arith.index_cast %scan3A_1261 : i32 to index
        %get3A_1262 = arith.constant 0 : index
        %get3A_1263 = tpu.vector_load %arg13[%get3A, %get3A_1262] {strides = array<i32>} : memref<64x128xf32, #tpu.memory_space<vmem>>, vector<1x16xf32>,
        %get3A_1264 = vector.shape_cast %get3A_1263 : vector<1x16xf32> to vector<16xf32>
        %get3A_1265 = arith.index_cast %scan3A_1261 : i32 to index
        %get3A_1266 = arith.constant 0 : index
        %get3A_1267 = tpu.vector_load %arg15[%get3A_1265, %get3A_1266] {strides = array<i32>} : memref<64x128xf32, #tpu.memory_space<vmem>>, vector<1x16xf32>,
        %get3A_1268 = vector.shape_cast %get3A_1267 : vector<1x16xf32> to vector<16xf32>
        %mul3A_1269 = arith.mulf %get3A_1264, %get3A_1268 : vector<16xf32>
        %mul3A_1270 = arith.constant 1.000000e-01 : f32
        %mul3A_1271 = vector.broadcast %mul3A_1270 : f32 to vector<16xf32>
        %mul3A_1272 = arith.mulf %mul3A_1269, %mul3A_1271 : vector<16xf32>
        %max3A = arith.maximumf %mul3A_1269, %mul3A_1272 : vector<16xf32>
        %swap3A = arith.index_cast %scan3A_1261 : i32 to index
        %swap3A_1273 = arith.constant 0 : index
        %swap3A_1274 = tpu.vector_load %arg13[%swap3A, %swap3A_1273] {strides = array<i32>} : memref<64x128xf32, #tpu.memory_space<vmem>>, vector<1x16xf32>,
        %swap3A_1275 = vector.shape_cast %swap3A_1274 : vector<1x16xf32> to vector<16xf32>
        %swap3A_1276 = vector.shape_cast %max3A : vector<16xf32> to vector<1x16xf32>
        tpu.vector_store %arg13[%swap3A, %swap3A_1273], %swap3A_1276 {strides = array<i32>} : memref<64x128xf32, #tpu.memory_space<vmem>>, vector<1x16xf32>,
        %get3A_1277 = arith.index_cast %scan3A_1261 : i32 to index
        %get3A_1278 = arith.constant 16 : index
        %get3A_1279 = tpu.vector_load %arg13[%get3A_1277, %get3A_1278] {strides = array<i32>} : memref<64x128xf32, #tpu.memory_space<vmem>>, vector<1x16xf32>,
        %get3A_1280 = vector.shape_cast %get3A_1279 : vector<1x16xf32> to vector<16xf32>
        %get3A_1281 = arith.index_cast %scan3A_1261 : i32 to index
        %get3A_1282 = arith.constant 16 : index
        %get3A_1283 = tpu.vector_load %arg15[%get3A_1281, %get3A_1282] {strides = array<i32>} : memref<64x128xf32, #tpu.memory_space<vmem>>, vector<1x16xf32>,
        %get3A_1284 = vector.shape_cast %get3A_1283 : vector<1x16xf32> to vector<16xf32>
        %mul3A_1285 = arith.mulf %get3A_1280, %get3A_1284 : vector<16xf32>
        %mul3A_1286 = arith.constant 1.000000e-01 : f32
        %mul3A_1287 = vector.broadcast %mul3A_1286 : f32 to vector<16xf32>
        %mul3A_1288 = arith.mulf %mul3A_1285, %mul3A_1287 : vector<16xf32>
        %max3A_1289 = arith.maximumf %mul3A_1285, %mul3A_1288 : vector<16xf32>
        %swap3A_1290 = arith.index_cast %scan3A_1261 : i32 to index
        %swap3A_1291 = arith.constant 16 : index
        %swap3A_1292 = tpu.vector_load %arg13[%swap3A_1290, %swap3A_1291] {strides = array<i32>} : memref<64x128xf32, #tpu.memory_space<vmem>>, vector<1x16xf32>,
        %swap3A_1293 = vector.shape_cast %swap3A_1292 : vector<1x16xf32> to vector<16xf32>
        %swap3A_1294 = vector.shape_cast %max3A_1289 : vector<16xf32> to vector<1x16xf32>
        tpu.vector_store %arg13[%swap3A_1290, %swap3A_1291], %swap3A_1294 {strides = array<i32>} : memref<64x128xf32, #tpu.memory_space<vmem>>, vector<1x16xf32>,
        %get3A_1295 = arith.index_cast %scan3A_1261 : i32 to index
        %get3A_1296 = arith.constant 32 : index
        %get3A_1297 = tpu.vector_load %arg13[%get3A_1295, %get3A_1296] {strides = array<i32>} : memref<64x128xf32, #tpu.memory_space<vmem>>, vector<1x16xf32>,
        %get3A_1298 = vector.shape_cast %get3A_1297 : vector<1x16xf32> to vector<16xf32>
        %get3A_1299 = arith.index_cast %scan3A_1261 : i32 to index
        %get3A_1300 = arith.constant 32 : index
        %get3A_1301 = tpu.vector_load %arg15[%get3A_1299, %get3A_1300] {strides = array<i32>} : memref<64x128xf32, #tpu.memory_space<vmem>>, vector<1x16xf32>,
        %get3A_1302 = vector.shape_cast %get3A_1301 : vector<1x16xf32> to vector<16xf32>
        %mul3A_1303 = arith.mulf %get3A_1298, %get3A_1302 : vector<16xf32>
        %mul3A_1304 = arith.constant 1.000000e-01 : f32
        %mul3A_1305 = vector.broadcast %mul3A_1304 : f32 to vector<16xf32>
        %mul3A_1306 = arith.mulf %mul3A_1303, %mul3A_1305 : vector<16xf32>
        %max3A_1307 = arith.maximumf %mul3A_1303, %mul3A_1306 : vector<16xf32>
        %swap3A_1308 = arith.index_cast %scan3A_1261 : i32 to index
        %swap3A_1309 = arith.constant 32 : index
        %swap3A_1310 = tpu.vector_load %arg13[%swap3A_1308, %swap3A_1309] {strides = array<i32>} : memref<64x128xf32, #tpu.memory_space<vmem>>, vector<1x16xf32>,
        %swap3A_1311 = vector.shape_cast %swap3A_1310 : vector<1x16xf32> to vector<16xf32>
        %swap3A_1312 = vector.shape_cast %max3A_1307 : vector<16xf32> to vector<1x16xf32>
        tpu.vector_store %arg13[%swap3A_1308, %swap3A_1309], %swap3A_1312 {strides = array<i32>} : memref<64x128xf32, #tpu.memory_space<vmem>>, vector<1x16xf32>,
        %get3A_1313 = arith.index_cast %scan3A_1261 : i32 to index
        %get3A_1314 = arith.constant 48 : index
        %get3A_1315 = tpu.vector_load %arg13[%get3A_1313, %get3A_1314] {strides = array<i32>} : memref<64x128xf32, #tpu.memory_space<vmem>>, vector<1x16xf32>,
        %get3A_1316 = vector.shape_cast %get3A_1315 : vector<1x16xf32> to vector<16xf32>
        %get3A_1317 = arith.index_cast %scan3A_1261 : i32 to index
        %get3A_1318 = arith.constant 48 : index
        %get3A_1319 = tpu.vector_load %arg15[%get3A_1317, %get3A_1318] {strides = array<i32>} : memref<64x128xf32, #tpu.memory_space<vmem>>, vector<1x16xf32>,
        %get3A_1320 = vector.shape_cast %get3A_1319 : vector<1x16xf32> to vector<16xf32>
        %mul3A_1321 = arith.mulf %get3A_1316, %get3A_1320 : vector<16xf32>
        %mul3A_1322 = arith.constant 1.000000e-01 : f32
        %mul3A_1323 = vector.broadcast %mul3A_1322 : f32 to vector<16xf32>
        %mul3A_1324 = arith.mulf %mul3A_1321, %mul3A_1323 : vector<16xf32>
        %max3A_1325 = arith.maximumf %mul3A_1321, %mul3A_1324 : vector<16xf32>
        %swap3A_1326 = arith.index_cast %scan3A_1261 : i32 to index
        %swap3A_1327 = arith.constant 48 : index
        %swap3A_1328 = tpu.vector_load %arg13[%swap3A_1326, %swap3A_1327] {strides = array<i32>} : memref<64x128xf32, #tpu.memory_space<vmem>>, vector<1x16xf32>,
        %swap3A_1329 = vector.shape_cast %swap3A_1328 : vector<1x16xf32> to vector<16xf32>
        %swap3A_1330 = vector.shape_cast %max3A_1325 : vector<16xf32> to vector<1x16xf32>
        tpu.vector_store %arg13[%swap3A_1326, %swap3A_1327], %swap3A_1330 {strides = array<i32>} : memref<64x128xf32, #tpu.memory_space<vmem>>, vector<1x16xf32>,
        %get3A_1331 = arith.index_cast %scan3A_1261 : i32 to index
        %get3A_1332 = arith.constant 64 : index
        %get3A_1333 = tpu.vector_load %arg13[%get3A_1331, %get3A_1332] {strides = array<i32>} : memref<64x128xf32, #tpu.memory_space<vmem>>, vector<1x16xf32>,
        %get3A_1334 = vector.shape_cast %get3A_1333 : vector<1x16xf32> to vector<16xf32>
        %get3A_1335 = arith.index_cast %scan3A_1261 : i32 to index
        %get3A_1336 = arith.constant 64 : index
        %get3A_1337 = tpu.vector_load %arg15[%get3A_1335, %get3A_1336] {strides = array<i32>} : memref<64x128xf32, #tpu.memory_space<vmem>>, vector<1x16xf32>,
        %get3A_1338 = vector.shape_cast %get3A_1337 : vector<1x16xf32> to vector<16xf32>
        %mul3A_1339 = arith.mulf %get3A_1334, %get3A_1338 : vector<16xf32>
        %mul3A_1340 = arith.constant 1.000000e-01 : f32
        %mul3A_1341 = vector.broadcast %mul3A_1340 : f32 to vector<16xf32>
        %mul3A_1342 = arith.mulf %mul3A_1339, %mul3A_1341 : vector<16xf32>
        %max3A_1343 = arith.maximumf %mul3A_1339, %mul3A_1342 : vector<16xf32>
        %swap3A_1344 = arith.index_cast %scan3A_1261 : i32 to index
        %swap3A_1345 = arith.constant 64 : index
        %swap3A_1346 = tpu.vector_load %arg13[%swap3A_1344, %swap3A_1345] {strides = array<i32>} : memref<64x128xf32, #tpu.memory_space<vmem>>, vector<1x16xf32>,
        %swap3A_1347 = vector.shape_cast %swap3A_1346 : vector<1x16xf32> to vector<16xf32>
        %swap3A_1348 = vector.shape_cast %max3A_1343 : vector<16xf32> to vector<1x16xf32>
        tpu.vector_store %arg13[%swap3A_1344, %swap3A_1345], %swap3A_1348 {strides = array<i32>} : memref<64x128xf32, #tpu.memory_space<vmem>>, vector<1x16xf32>,
        %get3A_1349 = arith.index_cast %scan3A_1261 : i32 to index
        %get3A_1350 = arith.constant 80 : index
        %get3A_1351 = tpu.vector_load %arg13[%get3A_1349, %get3A_1350] {strides = array<i32>} : memref<64x128xf32, #tpu.memory_space<vmem>>, vector<1x16xf32>,
        %get3A_1352 = vector.shape_cast %get3A_1351 : vector<1x16xf32> to vector<16xf32>
        %get3A_1353 = arith.index_cast %scan3A_1261 : i32 to index
        %get3A_1354 = arith.constant 80 : index
        %get3A_1355 = tpu.vector_load %arg15[%get3A_1353, %get3A_1354] {strides = array<i32>} : memref<64x128xf32, #tpu.memory_space<vmem>>, vector<1x16xf32>,
        %get3A_1356 = vector.shape_cast %get3A_1355 : vector<1x16xf32> to vector<16xf32>
        %mul3A_1357 = arith.mulf %get3A_1352, %get3A_1356 : vector<16xf32>
        %mul3A_1358 = arith.constant 1.000000e-01 : f32
        %mul3A_1359 = vector.broadcast %mul3A_1358 : f32 to vector<16xf32>
        %mul3A_1360 = arith.mulf %mul3A_1357, %mul3A_1359 : vector<16xf32>
        %max3A_1361 = arith.maximumf %mul3A_1357, %mul3A_1360 : vector<16xf32>
        %swap3A_1362 = arith.index_cast %scan3A_1261 : i32 to index
        %swap3A_1363 = arith.constant 80 : index
        %swap3A_1364 = tpu.vector_load %arg13[%swap3A_1362, %swap3A_1363] {strides = array<i32>} : memref<64x128xf32, #tpu.memory_space<vmem>>, vector<1x16xf32>,
        %swap3A_1365 = vector.shape_cast %swap3A_1364 : vector<1x16xf32> to vector<16xf32>
        %swap3A_1366 = vector.shape_cast %max3A_1361 : vector<16xf32> to vector<1x16xf32>
        tpu.vector_store %arg13[%swap3A_1362, %swap3A_1363], %swap3A_1366 {strides = array<i32>} : memref<64x128xf32, #tpu.memory_space<vmem>>, vector<1x16xf32>,
        %get3A_1367 = arith.index_cast %scan3A_1261 : i32 to index
        %get3A_1368 = arith.constant 96 : index
        %get3A_1369 = tpu.vector_load %arg13[%get3A_1367, %get3A_1368] {strides = array<i32>} : memref<64x128xf32, #tpu.memory_space<vmem>>, vector<1x16xf32>,
        %get3A_1370 = vector.shape_cast %get3A_1369 : vector<1x16xf32> to vector<16xf32>
        %get3A_1371 = arith.index_cast %scan3A_1261 : i32 to index
        %get3A_1372 = arith.constant 96 : index
        %get3A_1373 = tpu.vector_load %arg15[%get3A_1371, %get3A_1372] {strides = array<i32>} : memref<64x128xf32, #tpu.memory_space<vmem>>, vector<1x16xf32>,
        %get3A_1374 = vector.shape_cast %get3A_1373 : vector<1x16xf32> to vector<16xf32>
        %mul3A_1375 = arith.mulf %get3A_1370, %get3A_1374 : vector<16xf32>
        %mul3A_1376 = arith.constant 1.000000e-01 : f32
        %mul3A_1377 = vector.broadcast %mul3A_1376 : f32 to vector<16xf32>
        %mul3A_1378 = arith.mulf %mul3A_1375, %mul3A_1377 : vector<16xf32>
        %max3A_1379 = arith.maximumf %mul3A_1375, %mul3A_1378 : vector<16xf32>
        %swap3A_1380 = arith.index_cast %scan3A_1261 : i32 to index
        %swap3A_1381 = arith.constant 96 : index
        %swap3A_1382 = tpu.vector_load %arg13[%swap3A_1380, %swap3A_1381] {strides = array<i32>} : memref<64x128xf32, #tpu.memory_space<vmem>>, vector<1x16xf32>,
        %swap3A_1383 = vector.shape_cast %swap3A_1382 : vector<1x16xf32> to vector<16xf32>
        %swap3A_1384 = vector.shape_cast %max3A_1379 : vector<16xf32> to vector<1x16xf32>
        tpu.vector_store %arg13[%swap3A_1380, %swap3A_1381], %swap3A_1384 {strides = array<i32>} : memref<64x128xf32, #tpu.memory_space<vmem>>, vector<1x16xf32>,
        %get3A_1385 = arith.index_cast %scan3A_1261 : i32 to index
        %get3A_1386 = arith.constant 112 : index
        %get3A_1387 = tpu.vector_load %arg13[%get3A_1385, %get3A_1386] {strides = array<i32>} : memref<64x128xf32, #tpu.memory_space<vmem>>, vector<1x16xf32>,
        %get3A_1388 = vector.shape_cast %get3A_1387 : vector<1x16xf32> to vector<16xf32>
        %get3A_1389 = arith.index_cast %scan3A_1261 : i32 to index
        %get3A_1390 = arith.constant 112 : index
        %get3A_1391 = tpu.vector_load %arg15[%get3A_1389, %get3A_1390] {strides = array<i32>} : memref<64x128xf32, #tpu.memory_space<vmem>>, vector<1x16xf32>,
        %get3A_1392 = vector.shape_cast %get3A_1391 : vector<1x16xf32> to vector<16xf32>
        %mul3A_1393 = arith.mulf %get3A_1388, %get3A_1392 : vector<16xf32>
        %mul3A_1394 = arith.constant 1.000000e-01 : f32
        %mul3A_1395 = vector.broadcast %mul3A_1394 : f32 to vector<16xf32>
        %mul3A_1396 = arith.mulf %mul3A_1393, %mul3A_1395 : vector<16xf32>
        %max3A_1397 = arith.maximumf %mul3A_1393, %mul3A_1396 : vector<16xf32>
        %swap3A_1398 = arith.index_cast %scan3A_1261 : i32 to index
        %swap3A_1399 = arith.constant 112 : index
        %swap3A_1400 = tpu.vector_load %arg13[%swap3A_1398, %swap3A_1399] {strides = array<i32>} : memref<64x128xf32, #tpu.memory_space<vmem>>, vector<1x16xf32>,
        %swap3A_1401 = vector.shape_cast %swap3A_1400 : vector<1x16xf32> to vector<16xf32>
        %swap3A_1402 = vector.shape_cast %max3A_1397 : vector<16xf32> to vector<1x16xf32>
        tpu.vector_store %arg13[%swap3A_1398, %swap3A_1399], %swap3A_1402 {strides = array<i32>} : memref<64x128xf32, #tpu.memory_space<vmem>>, vector<1x16xf32>,
      }
      %scan3A_626 = arith.constant 64 : i32
      %dma_start3A_627 = arith.constant 1 : i32
      %dma_start3A_628 = arith.constant 0 : i32
      %dma_start3A_629 = tpu.memref_slice %arg8[%dma_start3A_627, %dma_start3A_628] : memref<2x64xi32, #tpu.memory_space<vmem>> -> memref<1x64xi32, #tpu.memory_space<vmem>>
      %dma_start3A_630 = tpu.memref_squeeze %dma_start3A_629 : memref<1x64xi32, #tpu.memory_space<vmem>> -> memref<64xi32, #tpu.memory_space<vmem>>
      %dma_start3A_631 = arith.constant 0 : i32
      %dma_start3A_632 = arith.constant 0 : i32
      %dma_start3A_633 = tpu.memref_slice %arg18[%dma_start3A_631, %dma_start3A_632] : memref<10240x128xf32, #tpu.memory_space<vmem_shared>> -> memref<10240x128xf32, #tpu.memory_space<vmem_shared>>
      tpu.enqueue_indirect_dma source(%arg13 : memref<64x128xf32, #tpu.memory_space<vmem>>) target(%dma_start3A_633 : memref<10240x128xf32, #tpu.memory_space<vmem_shared>>) offsets(%dma_start3A_630 : memref<64xi32, #tpu.memory_space<vmem>>) semaphore(%arg29 : memref<!tpu.dma_semaphore, #tpu.memory_space<semaphore_mem>>) {add = true}
      %mul3A_634 = arith.constant 12 : i32
      %mul3A_635 = arith.muli %mul3A_634, %scan3A_140 : i32
      %add3A_636 = arith.constant 5 : i32
      %add3A_637 = arith.addi %mul3A_635, %add3A_636 : i32
      %dma_wait3A_638 = arith.constant 1 : i32
      %dma_wait3A_639 = arith.constant 0 : i32
      %dma_wait3A_640 = tpu.memref_slice %arg11[%dma_wait3A_638, %dma_wait3A_639] : memref<2x64xi32, #tpu.memory_space<vmem>> -> memref<1x64xi32, #tpu.memory_space<vmem>>
      %dma_wait3A_641 = tpu.memref_squeeze %dma_wait3A_640 : memref<1x64xi32, #tpu.memory_space<vmem>> -> memref<64xi32, #tpu.memory_space<vmem>>
      %dma_wait3A_642 = arith.constant 0 : i32
      %dma_wait3A_643 = arith.constant 0 : i32
      %dma_wait3A_644 = tpu.memref_slice %arg18[%dma_wait3A_642, %dma_wait3A_643] : memref<10240x128xf32, #tpu.memory_space<vmem_shared>> -> memref<10240x128xf32, #tpu.memory_space<vmem_shared>>
      tpu.wait_indirect_dma semaphore(%arg28 : memref<!tpu.dma_semaphore, #tpu.memory_space<semaphore_mem>>) src(%arg12 : memref<64x128xf32, #tpu.memory_space<vmem>>) dst(%dma_wait3A_644 : memref<10240x128xf32, #tpu.memory_space<vmem_shared>>)
      %add3A_645 = arith.constant 2 : i32
      %add3A_646 = arith.addi %add3A_637, %add3A_645 : i32
      %mul3A_647 = arith.constant 64 : i32
      %mul3A_648 = arith.muli %add3A_646, %mul3A_647 : i32
      %add3A_649 = arith.addi %mul3A_2, %mul3A_648 : i32
      %multiple_of3A_650 = tpu.assume_multiple %add3A_649, 8 : i32
      %dma_start3A_651 = arith.constant 0 : i32
      %dma_start3A_652 = arith.constant 0 : i32
      %dma_start3A_653 = tpu.memref_slice %arg11[%dma_start3A_651, %dma_start3A_652] : memref<2x64xi32, #tpu.memory_space<vmem>> -> memref<1x64xi32, #tpu.memory_space<vmem>>
      %dma_start3A_654 = tpu.memref_squeeze %dma_start3A_653 : memref<1x64xi32, #tpu.memory_space<vmem>> -> memref<64xi32, #tpu.memory_space<vmem>>
      %dma_start3A_655 = tpu.memref_slice %arg4[%multiple_of3A_650] : memref<320000xi32, #tpu.memory_space<hbm>> -> memref<64xi32, #tpu.memory_space<hbm>>
      %dma_start3A_656 = arith.constant 0 : i32
      %dma_start3A_657 = tpu.memref_slice %arg11[%dma_start3A_651, %dma_start3A_656] : memref<2x64xi32, #tpu.memory_space<vmem>> -> memref<1x64xi32, #tpu.memory_space<vmem>>
      %dma_start3A_658 = tpu.memref_squeeze %dma_start3A_657 : memref<1x64xi32, #tpu.memory_space<vmem>> -> memref<64xi32, #tpu.memory_space<vmem>>
      %dma_start3A_659 = tpu.memref_slice %arg4[%multiple_of3A_650] : memref<320000xi32, #tpu.memory_space<hbm>> -> memref<64xi32, #tpu.memory_space<hbm>>
      tpu.enqueue_dma source(%dma_start3A_659 : memref<64xi32, #tpu.memory_space<hbm>>) target(%dma_start3A_658 : memref<64xi32, #tpu.memory_space<vmem>>) target_semaphore(%arg22 : memref<!tpu.dma_semaphore, #tpu.memory_space<semaphore_mem>>)
      %dma_start3A_660 = arith.constant 1 : i32
      %dma_start3A_661 = arith.constant 0 : i32
      %dma_start3A_662 = tpu.memref_slice %arg11[%dma_start3A_660, %dma_start3A_661] : memref<2x64xi32, #tpu.memory_space<vmem>> -> memref<1x64xi32, #tpu.memory_space<vmem>>
      %dma_start3A_663 = tpu.memref_squeeze %dma_start3A_662 : memref<1x64xi32, #tpu.memory_space<vmem>> -> memref<64xi32, #tpu.memory_space<vmem>>
      %dma_start3A_664 = tpu.memref_slice %arg5[%multiple_of3A_650] : memref<320000xi32, #tpu.memory_space<hbm>> -> memref<64xi32, #tpu.memory_space<hbm>>
      %dma_start3A_665 = arith.constant 0 : i32
      %dma_start3A_666 = tpu.memref_slice %arg11[%dma_start3A_660, %dma_start3A_665] : memref<2x64xi32, #tpu.memory_space<vmem>> -> memref<1x64xi32, #tpu.memory_space<vmem>>
      %dma_start3A_667 = tpu.memref_squeeze %dma_start3A_666 : memref<1x64xi32, #tpu.memory_space<vmem>> -> memref<64xi32, #tpu.memory_space<vmem>>
      %dma_start3A_668 = tpu.memref_slice %arg5[%multiple_of3A_650] : memref<320000xi32, #tpu.memory_space<hbm>> -> memref<64xi32, #tpu.memory_space<hbm>>
      tpu.enqueue_dma source(%dma_start3A_668 : memref<64xi32, #tpu.memory_space<hbm>>) target(%dma_start3A_667 : memref<64xi32, #tpu.memory_space<vmem>>) target_semaphore(%arg22 : memref<!tpu.dma_semaphore, #tpu.memory_space<semaphore_mem>>)
      %add3A_669 = arith.constant 1 : i32
      %add3A_670 = arith.addi %add3A_637, %add3A_669 : i32
      %mul3A_671 = arith.constant 64 : i32
      %mul3A_672 = arith.muli %add3A_670, %mul3A_671 : i32
      %add3A_673 = arith.addi %mul3A_2, %mul3A_672 : i32
      %multiple_of3A_674 = tpu.assume_multiple %add3A_673, 8 : i32
      %dma_start3A_675 = arith.constant 0 : i32
      %dma_start3A_676 = tpu.memref_slice %arg3[%multiple_of3A_674, %dma_start3A_675] : memref<320000x128xf32, #tpu.memory_space<hbm>> -> memref<64x128xf32, #tpu.memory_space<hbm>>
      %dma_start3A_677 = arith.constant 0 : i32
      %dma_start3A_678 = tpu.memref_slice %arg3[%multiple_of3A_674, %dma_start3A_677] : memref<320000x128xf32, #tpu.memory_space<hbm>> -> memref<64x128xf32, #tpu.memory_space<hbm>>
      tpu.enqueue_dma source(%dma_start3A_678 : memref<64x128xf32, #tpu.memory_space<hbm>>) target(%arg12 : memref<64x128xf32, #tpu.memory_space<vmem>>) target_semaphore(%arg23 : memref<!tpu.dma_semaphore, #tpu.memory_space<semaphore_mem>>)
      %dma_wait3A_679 = arith.constant 0 : i32
      %dma_wait3A_680 = arith.constant 0 : i32
      %dma_wait3A_681 = tpu.memref_slice %arg10[%dma_wait3A_679, %dma_wait3A_680] : memref<2x64xi32, #tpu.memory_space<vmem>> -> memref<1x64xi32, #tpu.memory_space<vmem>>
      %dma_wait3A_682 = tpu.memref_squeeze %dma_wait3A_681 : memref<1x64xi32, #tpu.memory_space<vmem>> -> memref<64xi32, #tpu.memory_space<vmem>>
      %dma_wait3A_683 = arith.constant 0 : i32
      %dma_wait3A_684 = tpu.memref_slice %arg4[%dma_wait3A_683] : memref<320000xi32, #tpu.memory_space<hbm>> -> memref<64xi32, #tpu.memory_space<hbm>>
      %dma_wait3A_685 = arith.constant 0 : i32
      %dma_wait3A_686 = tpu.memref_slice %arg10[%dma_wait3A_679, %dma_wait3A_685] : memref<2x64xi32, #tpu.memory_space<vmem>> -> memref<1x64xi32, #tpu.memory_space<vmem>>
      %dma_wait3A_687 = tpu.memref_squeeze %dma_wait3A_686 : memref<1x64xi32, #tpu.memory_space<vmem>> -> memref<64xi32, #tpu.memory_space<vmem>>
      %dma_wait3A_688 = arith.constant 0 : i32
      %dma_wait3A_689 = tpu.memref_slice %arg4[%dma_wait3A_688] : memref<320000xi32, #tpu.memory_space<hbm>> -> memref<64xi32, #tpu.memory_space<hbm>>
      tpu.wait_dma2 semaphore(%arg21 : memref<!tpu.dma_semaphore, #tpu.memory_space<semaphore_mem>>) src(%dma_wait3A_689 : memref<64xi32, #tpu.memory_space<hbm>>) dst(%dma_wait3A_687 : memref<64xi32, #tpu.memory_space<vmem>>)
      %dma_wait3A_690 = arith.constant 1 : i32
      %dma_wait3A_691 = arith.constant 0 : i32
      %dma_wait3A_692 = tpu.memref_slice %arg10[%dma_wait3A_690, %dma_wait3A_691] : memref<2x64xi32, #tpu.memory_space<vmem>> -> memref<1x64xi32, #tpu.memory_space<vmem>>
      %dma_wait3A_693 = tpu.memref_squeeze %dma_wait3A_692 : memref<1x64xi32, #tpu.memory_space<vmem>> -> memref<64xi32, #tpu.memory_space<vmem>>
      %dma_wait3A_694 = arith.constant 0 : i32
      %dma_wait3A_695 = tpu.memref_slice %arg5[%dma_wait3A_694] : memref<320000xi32, #tpu.memory_space<hbm>> -> memref<64xi32, #tpu.memory_space<hbm>>
      %dma_wait3A_696 = arith.constant 0 : i32
      %dma_wait3A_697 = tpu.memref_slice %arg10[%dma_wait3A_690, %dma_wait3A_696] : memref<2x64xi32, #tpu.memory_space<vmem>> -> memref<1x64xi32, #tpu.memory_space<vmem>>
      %dma_wait3A_698 = tpu.memref_squeeze %dma_wait3A_697 : memref<1x64xi32, #tpu.memory_space<vmem>> -> memref<64xi32, #tpu.memory_space<vmem>>
      %dma_wait3A_699 = arith.constant 0 : i32
      %dma_wait3A_700 = tpu.memref_slice %arg5[%dma_wait3A_699] : memref<320000xi32, #tpu.memory_space<hbm>> -> memref<64xi32, #tpu.memory_space<hbm>>
      tpu.wait_dma2 semaphore(%arg21 : memref<!tpu.dma_semaphore, #tpu.memory_space<semaphore_mem>>) src(%dma_wait3A_700 : memref<64xi32, #tpu.memory_space<hbm>>) dst(%dma_wait3A_698 : memref<64xi32, #tpu.memory_space<vmem>>)
      %dma_start3A_701 = arith.constant 0 : i32
      %dma_start3A_702 = arith.constant 0 : i32
      %dma_start3A_703 = tpu.memref_slice %arg10[%dma_start3A_701, %dma_start3A_702] : memref<2x64xi32, #tpu.memory_space<vmem>> -> memref<1x64xi32, #tpu.memory_space<vmem>>
      %dma_start3A_704 = tpu.memref_squeeze %dma_start3A_703 : memref<1x64xi32, #tpu.memory_space<vmem>> -> memref<64xi32, #tpu.memory_space<vmem>>
      %dma_start3A_705 = arith.constant 0 : i32
      %dma_start3A_706 = arith.constant 0 : i32
      %dma_start3A_707 = tpu.memref_slice %arg2[%dma_start3A_705, %dma_start3A_706] : memref<10000x128xf32, #tpu.memory_space<hbm>> -> memref<10000x128xf32, #tpu.memory_space<hbm>>
      tpu.enqueue_indirect_dma source(%dma_start3A_707 : memref<10000x128xf32, #tpu.memory_space<hbm>>) target(%arg15 : memref<64x128xf32, #tpu.memory_space<vmem>>) offsets(%dma_start3A_704 : memref<64xi32, #tpu.memory_space<vmem>>) semaphore(%arg26 : memref<!tpu.dma_semaphore, #tpu.memory_space<semaphore_mem>>)
      %dma_wait3A_708 = arith.constant 0 : i32
      %dma_wait3A_709 = arith.constant 0 : i32
      %dma_wait3A_710 = tpu.memref_slice %arg9[%dma_wait3A_708, %dma_wait3A_709] : memref<2x64xi32, #tpu.memory_space<vmem>> -> memref<1x64xi32, #tpu.memory_space<vmem>>
      %dma_wait3A_711 = tpu.memref_squeeze %dma_wait3A_710 : memref<1x64xi32, #tpu.memory_space<vmem>> -> memref<64xi32, #tpu.memory_space<vmem>>
      %dma_wait3A_712 = arith.constant 0 : i32
      %dma_wait3A_713 = arith.constant 0 : i32
      %dma_wait3A_714 = tpu.memref_slice %arg2[%dma_wait3A_712, %dma_wait3A_713] : memref<10000x128xf32, #tpu.memory_space<hbm>> -> memref<10000x128xf32, #tpu.memory_space<hbm>>
      tpu.wait_indirect_dma semaphore(%arg27 : memref<!tpu.dma_semaphore, #tpu.memory_space<semaphore_mem>>) src(%dma_wait3A_714 : memref<10000x128xf32, #tpu.memory_space<hbm>>) dst(%arg16 : memref<64x128xf32, #tpu.memory_space<vmem>>)
      %dma_wait3A_715 = arith.constant 0 : i32
      %dma_wait3A_716 = arith.constant 0 : i32
      %dma_wait3A_717 = tpu.memref_slice %arg3[%dma_wait3A_715, %dma_wait3A_716] : memref<320000x128xf32, #tpu.memory_space<hbm>> -> memref<64x128xf32, #tpu.memory_space<hbm>>
      %dma_wait3A_718 = arith.constant 0 : i32
      %dma_wait3A_719 = arith.constant 0 : i32
      %dma_wait3A_720 = tpu.memref_slice %arg3[%dma_wait3A_718, %dma_wait3A_719] : memref<320000x128xf32, #tpu.memory_space<hbm>> -> memref<64x128xf32, #tpu.memory_space<hbm>>
      tpu.wait_dma2 semaphore(%arg25 : memref<!tpu.dma_semaphore, #tpu.memory_space<semaphore_mem>>) src(%dma_wait3A_720 : memref<64x128xf32, #tpu.memory_space<hbm>>) dst(%arg14 : memref<64x128xf32, #tpu.memory_space<vmem>>)
      %scan3A_721 = arith.constant 0 : i32
      %scan3A_722 = arith.constant 0 : i32
      %scan3A_723 = arith.constant 64 : i32
      %scan3A_724 = arith.addi %scan3A_722, %scan3A_723 : i32
      %scan3A_725 = arith.constant 1 : i32
      scf.for %scan3A_1261 = %scan3A_722 to %scan3A_724 step %scan3A_725  : i32 {
        %get3A = arith.index_cast %scan3A_1261 : i32 to index
        %get3A_1262 = arith.constant 0 : index
        %get3A_1263 = tpu.vector_load %arg14[%get3A, %get3A_1262] {strides = array<i32>} : memref<64x128xf32, #tpu.memory_space<vmem>>, vector<1x16xf32>,
        %get3A_1264 = vector.shape_cast %get3A_1263 : vector<1x16xf32> to vector<16xf32>
        %get3A_1265 = arith.index_cast %scan3A_1261 : i32 to index
        %get3A_1266 = arith.constant 0 : index
        %get3A_1267 = tpu.vector_load %arg16[%get3A_1265, %get3A_1266] {strides = array<i32>} : memref<64x128xf32, #tpu.memory_space<vmem>>, vector<1x16xf32>,
        %get3A_1268 = vector.shape_cast %get3A_1267 : vector<1x16xf32> to vector<16xf32>
        %mul3A_1269 = arith.mulf %get3A_1264, %get3A_1268 : vector<16xf32>
        %mul3A_1270 = arith.constant 1.000000e-01 : f32
        %mul3A_1271 = vector.broadcast %mul3A_1270 : f32 to vector<16xf32>
        %mul3A_1272 = arith.mulf %mul3A_1269, %mul3A_1271 : vector<16xf32>
        %max3A = arith.maximumf %mul3A_1269, %mul3A_1272 : vector<16xf32>
        %swap3A = arith.index_cast %scan3A_1261 : i32 to index
        %swap3A_1273 = arith.constant 0 : index
        %swap3A_1274 = tpu.vector_load %arg14[%swap3A, %swap3A_1273] {strides = array<i32>} : memref<64x128xf32, #tpu.memory_space<vmem>>, vector<1x16xf32>,
        %swap3A_1275 = vector.shape_cast %swap3A_1274 : vector<1x16xf32> to vector<16xf32>
        %swap3A_1276 = vector.shape_cast %max3A : vector<16xf32> to vector<1x16xf32>
        tpu.vector_store %arg14[%swap3A, %swap3A_1273], %swap3A_1276 {strides = array<i32>} : memref<64x128xf32, #tpu.memory_space<vmem>>, vector<1x16xf32>,
        %get3A_1277 = arith.index_cast %scan3A_1261 : i32 to index
        %get3A_1278 = arith.constant 16 : index
        %get3A_1279 = tpu.vector_load %arg14[%get3A_1277, %get3A_1278] {strides = array<i32>} : memref<64x128xf32, #tpu.memory_space<vmem>>, vector<1x16xf32>,
        %get3A_1280 = vector.shape_cast %get3A_1279 : vector<1x16xf32> to vector<16xf32>
        %get3A_1281 = arith.index_cast %scan3A_1261 : i32 to index
        %get3A_1282 = arith.constant 16 : index
        %get3A_1283 = tpu.vector_load %arg16[%get3A_1281, %get3A_1282] {strides = array<i32>} : memref<64x128xf32, #tpu.memory_space<vmem>>, vector<1x16xf32>,
        %get3A_1284 = vector.shape_cast %get3A_1283 : vector<1x16xf32> to vector<16xf32>
        %mul3A_1285 = arith.mulf %get3A_1280, %get3A_1284 : vector<16xf32>
        %mul3A_1286 = arith.constant 1.000000e-01 : f32
        %mul3A_1287 = vector.broadcast %mul3A_1286 : f32 to vector<16xf32>
        %mul3A_1288 = arith.mulf %mul3A_1285, %mul3A_1287 : vector<16xf32>
        %max3A_1289 = arith.maximumf %mul3A_1285, %mul3A_1288 : vector<16xf32>
        %swap3A_1290 = arith.index_cast %scan3A_1261 : i32 to index
        %swap3A_1291 = arith.constant 16 : index
        %swap3A_1292 = tpu.vector_load %arg14[%swap3A_1290, %swap3A_1291] {strides = array<i32>} : memref<64x128xf32, #tpu.memory_space<vmem>>, vector<1x16xf32>,
        %swap3A_1293 = vector.shape_cast %swap3A_1292 : vector<1x16xf32> to vector<16xf32>
        %swap3A_1294 = vector.shape_cast %max3A_1289 : vector<16xf32> to vector<1x16xf32>
        tpu.vector_store %arg14[%swap3A_1290, %swap3A_1291], %swap3A_1294 {strides = array<i32>} : memref<64x128xf32, #tpu.memory_space<vmem>>, vector<1x16xf32>,
        %get3A_1295 = arith.index_cast %scan3A_1261 : i32 to index
        %get3A_1296 = arith.constant 32 : index
        %get3A_1297 = tpu.vector_load %arg14[%get3A_1295, %get3A_1296] {strides = array<i32>} : memref<64x128xf32, #tpu.memory_space<vmem>>, vector<1x16xf32>,
        %get3A_1298 = vector.shape_cast %get3A_1297 : vector<1x16xf32> to vector<16xf32>
        %get3A_1299 = arith.index_cast %scan3A_1261 : i32 to index
        %get3A_1300 = arith.constant 32 : index
        %get3A_1301 = tpu.vector_load %arg16[%get3A_1299, %get3A_1300] {strides = array<i32>} : memref<64x128xf32, #tpu.memory_space<vmem>>, vector<1x16xf32>,
        %get3A_1302 = vector.shape_cast %get3A_1301 : vector<1x16xf32> to vector<16xf32>
        %mul3A_1303 = arith.mulf %get3A_1298, %get3A_1302 : vector<16xf32>
        %mul3A_1304 = arith.constant 1.000000e-01 : f32
        %mul3A_1305 = vector.broadcast %mul3A_1304 : f32 to vector<16xf32>
        %mul3A_1306 = arith.mulf %mul3A_1303, %mul3A_1305 : vector<16xf32>
        %max3A_1307 = arith.maximumf %mul3A_1303, %mul3A_1306 : vector<16xf32>
        %swap3A_1308 = arith.index_cast %scan3A_1261 : i32 to index
        %swap3A_1309 = arith.constant 32 : index
        %swap3A_1310 = tpu.vector_load %arg14[%swap3A_1308, %swap3A_1309] {strides = array<i32>} : memref<64x128xf32, #tpu.memory_space<vmem>>, vector<1x16xf32>,
        %swap3A_1311 = vector.shape_cast %swap3A_1310 : vector<1x16xf32> to vector<16xf32>
        %swap3A_1312 = vector.shape_cast %max3A_1307 : vector<16xf32> to vector<1x16xf32>
        tpu.vector_store %arg14[%swap3A_1308, %swap3A_1309], %swap3A_1312 {strides = array<i32>} : memref<64x128xf32, #tpu.memory_space<vmem>>, vector<1x16xf32>,
        %get3A_1313 = arith.index_cast %scan3A_1261 : i32 to index
        %get3A_1314 = arith.constant 48 : index
        %get3A_1315 = tpu.vector_load %arg14[%get3A_1313, %get3A_1314] {strides = array<i32>} : memref<64x128xf32, #tpu.memory_space<vmem>>, vector<1x16xf32>,
        %get3A_1316 = vector.shape_cast %get3A_1315 : vector<1x16xf32> to vector<16xf32>
        %get3A_1317 = arith.index_cast %scan3A_1261 : i32 to index
        %get3A_1318 = arith.constant 48 : index
        %get3A_1319 = tpu.vector_load %arg16[%get3A_1317, %get3A_1318] {strides = array<i32>} : memref<64x128xf32, #tpu.memory_space<vmem>>, vector<1x16xf32>,
        %get3A_1320 = vector.shape_cast %get3A_1319 : vector<1x16xf32> to vector<16xf32>
        %mul3A_1321 = arith.mulf %get3A_1316, %get3A_1320 : vector<16xf32>
        %mul3A_1322 = arith.constant 1.000000e-01 : f32
        %mul3A_1323 = vector.broadcast %mul3A_1322 : f32 to vector<16xf32>
        %mul3A_1324 = arith.mulf %mul3A_1321, %mul3A_1323 : vector<16xf32>
        %max3A_1325 = arith.maximumf %mul3A_1321, %mul3A_1324 : vector<16xf32>
        %swap3A_1326 = arith.index_cast %scan3A_1261 : i32 to index
        %swap3A_1327 = arith.constant 48 : index
        %swap3A_1328 = tpu.vector_load %arg14[%swap3A_1326, %swap3A_1327] {strides = array<i32>} : memref<64x128xf32, #tpu.memory_space<vmem>>, vector<1x16xf32>,
        %swap3A_1329 = vector.shape_cast %swap3A_1328 : vector<1x16xf32> to vector<16xf32>
        %swap3A_1330 = vector.shape_cast %max3A_1325 : vector<16xf32> to vector<1x16xf32>
        tpu.vector_store %arg14[%swap3A_1326, %swap3A_1327], %swap3A_1330 {strides = array<i32>} : memref<64x128xf32, #tpu.memory_space<vmem>>, vector<1x16xf32>,
        %get3A_1331 = arith.index_cast %scan3A_1261 : i32 to index
        %get3A_1332 = arith.constant 64 : index
        %get3A_1333 = tpu.vector_load %arg14[%get3A_1331, %get3A_1332] {strides = array<i32>} : memref<64x128xf32, #tpu.memory_space<vmem>>, vector<1x16xf32>,
        %get3A_1334 = vector.shape_cast %get3A_1333 : vector<1x16xf32> to vector<16xf32>
        %get3A_1335 = arith.index_cast %scan3A_1261 : i32 to index
        %get3A_1336 = arith.constant 64 : index
        %get3A_1337 = tpu.vector_load %arg16[%get3A_1335, %get3A_1336] {strides = array<i32>} : memref<64x128xf32, #tpu.memory_space<vmem>>, vector<1x16xf32>,
        %get3A_1338 = vector.shape_cast %get3A_1337 : vector<1x16xf32> to vector<16xf32>
        %mul3A_1339 = arith.mulf %get3A_1334, %get3A_1338 : vector<16xf32>
        %mul3A_1340 = arith.constant 1.000000e-01 : f32
        %mul3A_1341 = vector.broadcast %mul3A_1340 : f32 to vector<16xf32>
        %mul3A_1342 = arith.mulf %mul3A_1339, %mul3A_1341 : vector<16xf32>
        %max3A_1343 = arith.maximumf %mul3A_1339, %mul3A_1342 : vector<16xf32>
        %swap3A_1344 = arith.index_cast %scan3A_1261 : i32 to index
        %swap3A_1345 = arith.constant 64 : index
        %swap3A_1346 = tpu.vector_load %arg14[%swap3A_1344, %swap3A_1345] {strides = array<i32>} : memref<64x128xf32, #tpu.memory_space<vmem>>, vector<1x16xf32>,
        %swap3A_1347 = vector.shape_cast %swap3A_1346 : vector<1x16xf32> to vector<16xf32>
        %swap3A_1348 = vector.shape_cast %max3A_1343 : vector<16xf32> to vector<1x16xf32>
        tpu.vector_store %arg14[%swap3A_1344, %swap3A_1345], %swap3A_1348 {strides = array<i32>} : memref<64x128xf32, #tpu.memory_space<vmem>>, vector<1x16xf32>,
        %get3A_1349 = arith.index_cast %scan3A_1261 : i32 to index
        %get3A_1350 = arith.constant 80 : index
        %get3A_1351 = tpu.vector_load %arg14[%get3A_1349, %get3A_1350] {strides = array<i32>} : memref<64x128xf32, #tpu.memory_space<vmem>>, vector<1x16xf32>,
        %get3A_1352 = vector.shape_cast %get3A_1351 : vector<1x16xf32> to vector<16xf32>
        %get3A_1353 = arith.index_cast %scan3A_1261 : i32 to index
        %get3A_1354 = arith.constant 80 : index
        %get3A_1355 = tpu.vector_load %arg16[%get3A_1353, %get3A_1354] {strides = array<i32>} : memref<64x128xf32, #tpu.memory_space<vmem>>, vector<1x16xf32>,
        %get3A_1356 = vector.shape_cast %get3A_1355 : vector<1x16xf32> to vector<16xf32>
        %mul3A_1357 = arith.mulf %get3A_1352, %get3A_1356 : vector<16xf32>
        %mul3A_1358 = arith.constant 1.000000e-01 : f32
        %mul3A_1359 = vector.broadcast %mul3A_1358 : f32 to vector<16xf32>
        %mul3A_1360 = arith.mulf %mul3A_1357, %mul3A_1359 : vector<16xf32>
        %max3A_1361 = arith.maximumf %mul3A_1357, %mul3A_1360 : vector<16xf32>
        %swap3A_1362 = arith.index_cast %scan3A_1261 : i32 to index
        %swap3A_1363 = arith.constant 80 : index
        %swap3A_1364 = tpu.vector_load %arg14[%swap3A_1362, %swap3A_1363] {strides = array<i32>} : memref<64x128xf32, #tpu.memory_space<vmem>>, vector<1x16xf32>,
        %swap3A_1365 = vector.shape_cast %swap3A_1364 : vector<1x16xf32> to vector<16xf32>
        %swap3A_1366 = vector.shape_cast %max3A_1361 : vector<16xf32> to vector<1x16xf32>
        tpu.vector_store %arg14[%swap3A_1362, %swap3A_1363], %swap3A_1366 {strides = array<i32>} : memref<64x128xf32, #tpu.memory_space<vmem>>, vector<1x16xf32>,
        %get3A_1367 = arith.index_cast %scan3A_1261 : i32 to index
        %get3A_1368 = arith.constant 96 : index
        %get3A_1369 = tpu.vector_load %arg14[%get3A_1367, %get3A_1368] {strides = array<i32>} : memref<64x128xf32, #tpu.memory_space<vmem>>, vector<1x16xf32>,
        %get3A_1370 = vector.shape_cast %get3A_1369 : vector<1x16xf32> to vector<16xf32>
        %get3A_1371 = arith.index_cast %scan3A_1261 : i32 to index
        %get3A_1372 = arith.constant 96 : index
        %get3A_1373 = tpu.vector_load %arg16[%get3A_1371, %get3A_1372] {strides = array<i32>} : memref<64x128xf32, #tpu.memory_space<vmem>>, vector<1x16xf32>,
        %get3A_1374 = vector.shape_cast %get3A_1373 : vector<1x16xf32> to vector<16xf32>
        %mul3A_1375 = arith.mulf %get3A_1370, %get3A_1374 : vector<16xf32>
        %mul3A_1376 = arith.constant 1.000000e-01 : f32
        %mul3A_1377 = vector.broadcast %mul3A_1376 : f32 to vector<16xf32>
        %mul3A_1378 = arith.mulf %mul3A_1375, %mul3A_1377 : vector<16xf32>
        %max3A_1379 = arith.maximumf %mul3A_1375, %mul3A_1378 : vector<16xf32>
        %swap3A_1380 = arith.index_cast %scan3A_1261 : i32 to index
        %swap3A_1381 = arith.constant 96 : index
        %swap3A_1382 = tpu.vector_load %arg14[%swap3A_1380, %swap3A_1381] {strides = array<i32>} : memref<64x128xf32, #tpu.memory_space<vmem>>, vector<1x16xf32>,
        %swap3A_1383 = vector.shape_cast %swap3A_1382 : vector<1x16xf32> to vector<16xf32>
        %swap3A_1384 = vector.shape_cast %max3A_1379 : vector<16xf32> to vector<1x16xf32>
        tpu.vector_store %arg14[%swap3A_1380, %swap3A_1381], %swap3A_1384 {strides = array<i32>} : memref<64x128xf32, #tpu.memory_space<vmem>>, vector<1x16xf32>,
        %get3A_1385 = arith.index_cast %scan3A_1261 : i32 to index
        %get3A_1386 = arith.constant 112 : index
        %get3A_1387 = tpu.vector_load %arg14[%get3A_1385, %get3A_1386] {strides = array<i32>} : memref<64x128xf32, #tpu.memory_space<vmem>>, vector<1x16xf32>,
        %get3A_1388 = vector.shape_cast %get3A_1387 : vector<1x16xf32> to vector<16xf32>
        %get3A_1389 = arith.index_cast %scan3A_1261 : i32 to index
        %get3A_1390 = arith.constant 112 : index
        %get3A_1391 = tpu.vector_load %arg16[%get3A_1389, %get3A_1390] {strides = array<i32>} : memref<64x128xf32, #tpu.memory_space<vmem>>, vector<1x16xf32>,
        %get3A_1392 = vector.shape_cast %get3A_1391 : vector<1x16xf32> to vector<16xf32>
        %mul3A_1393 = arith.mulf %get3A_1388, %get3A_1392 : vector<16xf32>
        %mul3A_1394 = arith.constant 1.000000e-01 : f32
        %mul3A_1395 = vector.broadcast %mul3A_1394 : f32 to vector<16xf32>
        %mul3A_1396 = arith.mulf %mul3A_1393, %mul3A_1395 : vector<16xf32>
        %max3A_1397 = arith.maximumf %mul3A_1393, %mul3A_1396 : vector<16xf32>
        %swap3A_1398 = arith.index_cast %scan3A_1261 : i32 to index
        %swap3A_1399 = arith.constant 112 : index
        %swap3A_1400 = tpu.vector_load %arg14[%swap3A_1398, %swap3A_1399] {strides = array<i32>} : memref<64x128xf32, #tpu.memory_space<vmem>>, vector<1x16xf32>,
        %swap3A_1401 = vector.shape_cast %swap3A_1400 : vector<1x16xf32> to vector<16xf32>
        %swap3A_1402 = vector.shape_cast %max3A_1397 : vector<16xf32> to vector<1x16xf32>
        tpu.vector_store %arg14[%swap3A_1398, %swap3A_1399], %swap3A_1402 {strides = array<i32>} : memref<64x128xf32, #tpu.memory_space<vmem>>, vector<1x16xf32>,
      }
      %scan3A_726 = arith.constant 64 : i32
      %dma_start3A_727 = arith.constant 1 : i32
      %dma_start3A_728 = arith.constant 0 : i32
      %dma_start3A_729 = tpu.memref_slice %arg9[%dma_start3A_727, %dma_start3A_728] : memref<2x64xi32, #tpu.memory_space<vmem>> -> memref<1x64xi32, #tpu.memory_space<vmem>>
      %dma_start3A_730 = tpu.memref_squeeze %dma_start3A_729 : memref<1x64xi32, #tpu.memory_space<vmem>> -> memref<64xi32, #tpu.memory_space<vmem>>
      %dma_start3A_731 = arith.constant 0 : i32
      %dma_start3A_732 = arith.constant 0 : i32
      %dma_start3A_733 = tpu.memref_slice %arg18[%dma_start3A_731, %dma_start3A_732] : memref<10240x128xf32, #tpu.memory_space<vmem_shared>> -> memref<10240x128xf32, #tpu.memory_space<vmem_shared>>
      tpu.enqueue_indirect_dma source(%arg14 : memref<64x128xf32, #tpu.memory_space<vmem>>) target(%dma_start3A_733 : memref<10240x128xf32, #tpu.memory_space<vmem_shared>>) offsets(%dma_start3A_730 : memref<64xi32, #tpu.memory_space<vmem>>) semaphore(%arg30 : memref<!tpu.dma_semaphore, #tpu.memory_space<semaphore_mem>>) {add = true}
      %mul3A_734 = arith.constant 12 : i32
      %mul3A_735 = arith.muli %mul3A_734, %scan3A_140 : i32
      %add3A_736 = arith.constant 6 : i32
      %add3A_737 = arith.addi %mul3A_735, %add3A_736 : i32
      %dma_wait3A_738 = arith.constant 1 : i32
      %dma_wait3A_739 = arith.constant 0 : i32
      %dma_wait3A_740 = tpu.memref_slice %arg8[%dma_wait3A_738, %dma_wait3A_739] : memref<2x64xi32, #tpu.memory_space<vmem>> -> memref<1x64xi32, #tpu.memory_space<vmem>>
      %dma_wait3A_741 = tpu.memref_squeeze %dma_wait3A_740 : memref<1x64xi32, #tpu.memory_space<vmem>> -> memref<64xi32, #tpu.memory_space<vmem>>
      %dma_wait3A_742 = arith.constant 0 : i32
      %dma_wait3A_743 = arith.constant 0 : i32
      %dma_wait3A_744 = tpu.memref_slice %arg18[%dma_wait3A_742, %dma_wait3A_743] : memref<10240x128xf32, #tpu.memory_space<vmem_shared>> -> memref<10240x128xf32, #tpu.memory_space<vmem_shared>>
      tpu.wait_indirect_dma semaphore(%arg29 : memref<!tpu.dma_semaphore, #tpu.memory_space<semaphore_mem>>) src(%arg13 : memref<64x128xf32, #tpu.memory_space<vmem>>) dst(%dma_wait3A_744 : memref<10240x128xf32, #tpu.memory_space<vmem_shared>>)
      %add3A_745 = arith.constant 2 : i32
      %add3A_746 = arith.addi %add3A_737, %add3A_745 : i32
      %mul3A_747 = arith.constant 64 : i32
      %mul3A_748 = arith.muli %add3A_746, %mul3A_747 : i32
      %add3A_749 = arith.addi %mul3A_2, %mul3A_748 : i32
      %multiple_of3A_750 = tpu.assume_multiple %add3A_749, 8 : i32
      %dma_start3A_751 = arith.constant 0 : i32
      %dma_start3A_752 = arith.constant 0 : i32
      %dma_start3A_753 = tpu.memref_slice %arg8[%dma_start3A_751, %dma_start3A_752] : memref<2x64xi32, #tpu.memory_space<vmem>> -> memref<1x64xi32, #tpu.memory_space<vmem>>
      %dma_start3A_754 = tpu.memref_squeeze %dma_start3A_753 : memref<1x64xi32, #tpu.memory_space<vmem>> -> memref<64xi32, #tpu.memory_space<vmem>>
      %dma_start3A_755 = tpu.memref_slice %arg4[%multiple_of3A_750] : memref<320000xi32, #tpu.memory_space<hbm>> -> memref<64xi32, #tpu.memory_space<hbm>>
      %dma_start3A_756 = arith.constant 0 : i32
      %dma_start3A_757 = tpu.memref_slice %arg8[%dma_start3A_751, %dma_start3A_756] : memref<2x64xi32, #tpu.memory_space<vmem>> -> memref<1x64xi32, #tpu.memory_space<vmem>>
      %dma_start3A_758 = tpu.memref_squeeze %dma_start3A_757 : memref<1x64xi32, #tpu.memory_space<vmem>> -> memref<64xi32, #tpu.memory_space<vmem>>
      %dma_start3A_759 = tpu.memref_slice %arg4[%multiple_of3A_750] : memref<320000xi32, #tpu.memory_space<hbm>> -> memref<64xi32, #tpu.memory_space<hbm>>
      tpu.enqueue_dma source(%dma_start3A_759 : memref<64xi32, #tpu.memory_space<hbm>>) target(%dma_start3A_758 : memref<64xi32, #tpu.memory_space<vmem>>) target_semaphore(%arg19 : memref<!tpu.dma_semaphore, #tpu.memory_space<semaphore_mem>>)
      %dma_start3A_760 = arith.constant 1 : i32
      %dma_start3A_761 = arith.constant 0 : i32
      %dma_start3A_762 = tpu.memref_slice %arg8[%dma_start3A_760, %dma_start3A_761] : memref<2x64xi32, #tpu.memory_space<vmem>> -> memref<1x64xi32, #tpu.memory_space<vmem>>
      %dma_start3A_763 = tpu.memref_squeeze %dma_start3A_762 : memref<1x64xi32, #tpu.memory_space<vmem>> -> memref<64xi32, #tpu.memory_space<vmem>>
      %dma_start3A_764 = tpu.memref_slice %arg5[%multiple_of3A_750] : memref<320000xi32, #tpu.memory_space<hbm>> -> memref<64xi32, #tpu.memory_space<hbm>>
      %dma_start3A_765 = arith.constant 0 : i32
      %dma_start3A_766 = tpu.memref_slice %arg8[%dma_start3A_760, %dma_start3A_765] : memref<2x64xi32, #tpu.memory_space<vmem>> -> memref<1x64xi32, #tpu.memory_space<vmem>>
      %dma_start3A_767 = tpu.memref_squeeze %dma_start3A_766 : memref<1x64xi32, #tpu.memory_space<vmem>> -> memref<64xi32, #tpu.memory_space<vmem>>
      %dma_start3A_768 = tpu.memref_slice %arg5[%multiple_of3A_750] : memref<320000xi32, #tpu.memory_space<hbm>> -> memref<64xi32, #tpu.memory_space<hbm>>
      tpu.enqueue_dma source(%dma_start3A_768 : memref<64xi32, #tpu.memory_space<hbm>>) target(%dma_start3A_767 : memref<64xi32, #tpu.memory_space<vmem>>) target_semaphore(%arg19 : memref<!tpu.dma_semaphore, #tpu.memory_space<semaphore_mem>>)
      %add3A_769 = arith.constant 1 : i32
      %add3A_770 = arith.addi %add3A_737, %add3A_769 : i32
      %mul3A_771 = arith.constant 64 : i32
      %mul3A_772 = arith.muli %add3A_770, %mul3A_771 : i32
      %add3A_773 = arith.addi %mul3A_2, %mul3A_772 : i32
      %multiple_of3A_774 = tpu.assume_multiple %add3A_773, 8 : i32
      %dma_start3A_775 = arith.constant 0 : i32
      %dma_start3A_776 = tpu.memref_slice %arg3[%multiple_of3A_774, %dma_start3A_775] : memref<320000x128xf32, #tpu.memory_space<hbm>> -> memref<64x128xf32, #tpu.memory_space<hbm>>
      %dma_start3A_777 = arith.constant 0 : i32
      %dma_start3A_778 = tpu.memref_slice %arg3[%multiple_of3A_774, %dma_start3A_777] : memref<320000x128xf32, #tpu.memory_space<hbm>> -> memref<64x128xf32, #tpu.memory_space<hbm>>
      tpu.enqueue_dma source(%dma_start3A_778 : memref<64x128xf32, #tpu.memory_space<hbm>>) target(%arg13 : memref<64x128xf32, #tpu.memory_space<vmem>>) target_semaphore(%arg24 : memref<!tpu.dma_semaphore, #tpu.memory_space<semaphore_mem>>)
      %dma_wait3A_779 = arith.constant 0 : i32
      %dma_wait3A_780 = arith.constant 0 : i32
      %dma_wait3A_781 = tpu.memref_slice %arg11[%dma_wait3A_779, %dma_wait3A_780] : memref<2x64xi32, #tpu.memory_space<vmem>> -> memref<1x64xi32, #tpu.memory_space<vmem>>
      %dma_wait3A_782 = tpu.memref_squeeze %dma_wait3A_781 : memref<1x64xi32, #tpu.memory_space<vmem>> -> memref<64xi32, #tpu.memory_space<vmem>>
      %dma_wait3A_783 = arith.constant 0 : i32
      %dma_wait3A_784 = tpu.memref_slice %arg4[%dma_wait3A_783] : memref<320000xi32, #tpu.memory_space<hbm>> -> memref<64xi32, #tpu.memory_space<hbm>>
      %dma_wait3A_785 = arith.constant 0 : i32
      %dma_wait3A_786 = tpu.memref_slice %arg11[%dma_wait3A_779, %dma_wait3A_785] : memref<2x64xi32, #tpu.memory_space<vmem>> -> memref<1x64xi32, #tpu.memory_space<vmem>>
      %dma_wait3A_787 = tpu.memref_squeeze %dma_wait3A_786 : memref<1x64xi32, #tpu.memory_space<vmem>> -> memref<64xi32, #tpu.memory_space<vmem>>
      %dma_wait3A_788 = arith.constant 0 : i32
      %dma_wait3A_789 = tpu.memref_slice %arg4[%dma_wait3A_788] : memref<320000xi32, #tpu.memory_space<hbm>> -> memref<64xi32, #tpu.memory_space<hbm>>
      tpu.wait_dma2 semaphore(%arg22 : memref<!tpu.dma_semaphore, #tpu.memory_space<semaphore_mem>>) src(%dma_wait3A_789 : memref<64xi32, #tpu.memory_space<hbm>>) dst(%dma_wait3A_787 : memref<64xi32, #tpu.memory_space<vmem>>)
      %dma_wait3A_790 = arith.constant 1 : i32
      %dma_wait3A_791 = arith.constant 0 : i32
      %dma_wait3A_792 = tpu.memref_slice %arg11[%dma_wait3A_790, %dma_wait3A_791] : memref<2x64xi32, #tpu.memory_space<vmem>> -> memref<1x64xi32, #tpu.memory_space<vmem>>
      %dma_wait3A_793 = tpu.memref_squeeze %dma_wait3A_792 : memref<1x64xi32, #tpu.memory_space<vmem>> -> memref<64xi32, #tpu.memory_space<vmem>>
      %dma_wait3A_794 = arith.constant 0 : i32
      %dma_wait3A_795 = tpu.memref_slice %arg5[%dma_wait3A_794] : memref<320000xi32, #tpu.memory_space<hbm>> -> memref<64xi32, #tpu.memory_space<hbm>>
      %dma_wait3A_796 = arith.constant 0 : i32
      %dma_wait3A_797 = tpu.memref_slice %arg11[%dma_wait3A_790, %dma_wait3A_796] : memref<2x64xi32, #tpu.memory_space<vmem>> -> memref<1x64xi32, #tpu.memory_space<vmem>>
      %dma_wait3A_798 = tpu.memref_squeeze %dma_wait3A_797 : memref<1x64xi32, #tpu.memory_space<vmem>> -> memref<64xi32, #tpu.memory_space<vmem>>
      %dma_wait3A_799 = arith.constant 0 : i32
      %dma_wait3A_800 = tpu.memref_slice %arg5[%dma_wait3A_799] : memref<320000xi32, #tpu.memory_space<hbm>> -> memref<64xi32, #tpu.memory_space<hbm>>
      tpu.wait_dma2 semaphore(%arg22 : memref<!tpu.dma_semaphore, #tpu.memory_space<semaphore_mem>>) src(%dma_wait3A_800 : memref<64xi32, #tpu.memory_space<hbm>>) dst(%dma_wait3A_798 : memref<64xi32, #tpu.memory_space<vmem>>)
      %dma_start3A_801 = arith.constant 0 : i32
      %dma_start3A_802 = arith.constant 0 : i32
      %dma_start3A_803 = tpu.memref_slice %arg11[%dma_start3A_801, %dma_start3A_802] : memref<2x64xi32, #tpu.memory_space<vmem>> -> memref<1x64xi32, #tpu.memory_space<vmem>>
      %dma_start3A_804 = tpu.memref_squeeze %dma_start3A_803 : memref<1x64xi32, #tpu.memory_space<vmem>> -> memref<64xi32, #tpu.memory_space<vmem>>
      %dma_start3A_805 = arith.constant 0 : i32
      %dma_start3A_806 = arith.constant 0 : i32
      %dma_start3A_807 = tpu.memref_slice %arg2[%dma_start3A_805, %dma_start3A_806] : memref<10000x128xf32, #tpu.memory_space<hbm>> -> memref<10000x128xf32, #tpu.memory_space<hbm>>
      tpu.enqueue_indirect_dma source(%dma_start3A_807 : memref<10000x128xf32, #tpu.memory_space<hbm>>) target(%arg16 : memref<64x128xf32, #tpu.memory_space<vmem>>) offsets(%dma_start3A_804 : memref<64xi32, #tpu.memory_space<vmem>>) semaphore(%arg27 : memref<!tpu.dma_semaphore, #tpu.memory_space<semaphore_mem>>)
      %dma_wait3A_808 = arith.constant 0 : i32
      %dma_wait3A_809 = arith.constant 0 : i32
      %dma_wait3A_810 = tpu.memref_slice %arg10[%dma_wait3A_808, %dma_wait3A_809] : memref<2x64xi32, #tpu.memory_space<vmem>> -> memref<1x64xi32, #tpu.memory_space<vmem>>
      %dma_wait3A_811 = tpu.memref_squeeze %dma_wait3A_810 : memref<1x64xi32, #tpu.memory_space<vmem>> -> memref<64xi32, #tpu.memory_space<vmem>>
      %dma_wait3A_812 = arith.constant 0 : i32
      %dma_wait3A_813 = arith.constant 0 : i32
      %dma_wait3A_814 = tpu.memref_slice %arg2[%dma_wait3A_812, %dma_wait3A_813] : memref<10000x128xf32, #tpu.memory_space<hbm>> -> memref<10000x128xf32, #tpu.memory_space<hbm>>
      tpu.wait_indirect_dma semaphore(%arg26 : memref<!tpu.dma_semaphore, #tpu.memory_space<semaphore_mem>>) src(%dma_wait3A_814 : memref<10000x128xf32, #tpu.memory_space<hbm>>) dst(%arg15 : memref<64x128xf32, #tpu.memory_space<vmem>>)
      %dma_wait3A_815 = arith.constant 0 : i32
      %dma_wait3A_816 = arith.constant 0 : i32
      %dma_wait3A_817 = tpu.memref_slice %arg3[%dma_wait3A_815, %dma_wait3A_816] : memref<320000x128xf32, #tpu.memory_space<hbm>> -> memref<64x128xf32, #tpu.memory_space<hbm>>
      %dma_wait3A_818 = arith.constant 0 : i32
      %dma_wait3A_819 = arith.constant 0 : i32
      %dma_wait3A_820 = tpu.memref_slice %arg3[%dma_wait3A_818, %dma_wait3A_819] : memref<320000x128xf32, #tpu.memory_space<hbm>> -> memref<64x128xf32, #tpu.memory_space<hbm>>
      tpu.wait_dma2 semaphore(%arg23 : memref<!tpu.dma_semaphore, #tpu.memory_space<semaphore_mem>>) src(%dma_wait3A_820 : memref<64x128xf32, #tpu.memory_space<hbm>>) dst(%arg12 : memref<64x128xf32, #tpu.memory_space<vmem>>)
      %scan3A_821 = arith.constant 0 : i32
      %scan3A_822 = arith.constant 0 : i32
      %scan3A_823 = arith.constant 64 : i32
      %scan3A_824 = arith.addi %scan3A_822, %scan3A_823 : i32
      %scan3A_825 = arith.constant 1 : i32
      scf.for %scan3A_1261 = %scan3A_822 to %scan3A_824 step %scan3A_825  : i32 {
        %get3A = arith.index_cast %scan3A_1261 : i32 to index
        %get3A_1262 = arith.constant 0 : index
        %get3A_1263 = tpu.vector_load %arg12[%get3A, %get3A_1262] {strides = array<i32>} : memref<64x128xf32, #tpu.memory_space<vmem>>, vector<1x16xf32>,
        %get3A_1264 = vector.shape_cast %get3A_1263 : vector<1x16xf32> to vector<16xf32>
        %get3A_1265 = arith.index_cast %scan3A_1261 : i32 to index
        %get3A_1266 = arith.constant 0 : index
        %get3A_1267 = tpu.vector_load %arg15[%get3A_1265, %get3A_1266] {strides = array<i32>} : memref<64x128xf32, #tpu.memory_space<vmem>>, vector<1x16xf32>,
        %get3A_1268 = vector.shape_cast %get3A_1267 : vector<1x16xf32> to vector<16xf32>
        %mul3A_1269 = arith.mulf %get3A_1264, %get3A_1268 : vector<16xf32>
        %mul3A_1270 = arith.constant 1.000000e-01 : f32
        %mul3A_1271 = vector.broadcast %mul3A_1270 : f32 to vector<16xf32>
        %mul3A_1272 = arith.mulf %mul3A_1269, %mul3A_1271 : vector<16xf32>
        %max3A = arith.maximumf %mul3A_1269, %mul3A_1272 : vector<16xf32>
        %swap3A = arith.index_cast %scan3A_1261 : i32 to index
        %swap3A_1273 = arith.constant 0 : index
        %swap3A_1274 = tpu.vector_load %arg12[%swap3A, %swap3A_1273] {strides = array<i32>} : memref<64x128xf32, #tpu.memory_space<vmem>>, vector<1x16xf32>,
        %swap3A_1275 = vector.shape_cast %swap3A_1274 : vector<1x16xf32> to vector<16xf32>
        %swap3A_1276 = vector.shape_cast %max3A : vector<16xf32> to vector<1x16xf32>
        tpu.vector_store %arg12[%swap3A, %swap3A_1273], %swap3A_1276 {strides = array<i32>} : memref<64x128xf32, #tpu.memory_space<vmem>>, vector<1x16xf32>,
        %get3A_1277 = arith.index_cast %scan3A_1261 : i32 to index
        %get3A_1278 = arith.constant 16 : index
        %get3A_1279 = tpu.vector_load %arg12[%get3A_1277, %get3A_1278] {strides = array<i32>} : memref<64x128xf32, #tpu.memory_space<vmem>>, vector<1x16xf32>,
        %get3A_1280 = vector.shape_cast %get3A_1279 : vector<1x16xf32> to vector<16xf32>
        %get3A_1281 = arith.index_cast %scan3A_1261 : i32 to index
        %get3A_1282 = arith.constant 16 : index
        %get3A_1283 = tpu.vector_load %arg15[%get3A_1281, %get3A_1282] {strides = array<i32>} : memref<64x128xf32, #tpu.memory_space<vmem>>, vector<1x16xf32>,
        %get3A_1284 = vector.shape_cast %get3A_1283 : vector<1x16xf32> to vector<16xf32>
        %mul3A_1285 = arith.mulf %get3A_1280, %get3A_1284 : vector<16xf32>
        %mul3A_1286 = arith.constant 1.000000e-01 : f32
        %mul3A_1287 = vector.broadcast %mul3A_1286 : f32 to vector<16xf32>
        %mul3A_1288 = arith.mulf %mul3A_1285, %mul3A_1287 : vector<16xf32>
        %max3A_1289 = arith.maximumf %mul3A_1285, %mul3A_1288 : vector<16xf32>
        %swap3A_1290 = arith.index_cast %scan3A_1261 : i32 to index
        %swap3A_1291 = arith.constant 16 : index
        %swap3A_1292 = tpu.vector_load %arg12[%swap3A_1290, %swap3A_1291] {strides = array<i32>} : memref<64x128xf32, #tpu.memory_space<vmem>>, vector<1x16xf32>,
        %swap3A_1293 = vector.shape_cast %swap3A_1292 : vector<1x16xf32> to vector<16xf32>
        %swap3A_1294 = vector.shape_cast %max3A_1289 : vector<16xf32> to vector<1x16xf32>
        tpu.vector_store %arg12[%swap3A_1290, %swap3A_1291], %swap3A_1294 {strides = array<i32>} : memref<64x128xf32, #tpu.memory_space<vmem>>, vector<1x16xf32>,
        %get3A_1295 = arith.index_cast %scan3A_1261 : i32 to index
        %get3A_1296 = arith.constant 32 : index
        %get3A_1297 = tpu.vector_load %arg12[%get3A_1295, %get3A_1296] {strides = array<i32>} : memref<64x128xf32, #tpu.memory_space<vmem>>, vector<1x16xf32>,
        %get3A_1298 = vector.shape_cast %get3A_1297 : vector<1x16xf32> to vector<16xf32>
        %get3A_1299 = arith.index_cast %scan3A_1261 : i32 to index
        %get3A_1300 = arith.constant 32 : index
        %get3A_1301 = tpu.vector_load %arg15[%get3A_1299, %get3A_1300] {strides = array<i32>} : memref<64x128xf32, #tpu.memory_space<vmem>>, vector<1x16xf32>,
        %get3A_1302 = vector.shape_cast %get3A_1301 : vector<1x16xf32> to vector<16xf32>
        %mul3A_1303 = arith.mulf %get3A_1298, %get3A_1302 : vector<16xf32>
        %mul3A_1304 = arith.constant 1.000000e-01 : f32
        %mul3A_1305 = vector.broadcast %mul3A_1304 : f32 to vector<16xf32>
        %mul3A_1306 = arith.mulf %mul3A_1303, %mul3A_1305 : vector<16xf32>
        %max3A_1307 = arith.maximumf %mul3A_1303, %mul3A_1306 : vector<16xf32>
        %swap3A_1308 = arith.index_cast %scan3A_1261 : i32 to index
        %swap3A_1309 = arith.constant 32 : index
        %swap3A_1310 = tpu.vector_load %arg12[%swap3A_1308, %swap3A_1309] {strides = array<i32>} : memref<64x128xf32, #tpu.memory_space<vmem>>, vector<1x16xf32>,
        %swap3A_1311 = vector.shape_cast %swap3A_1310 : vector<1x16xf32> to vector<16xf32>
        %swap3A_1312 = vector.shape_cast %max3A_1307 : vector<16xf32> to vector<1x16xf32>
        tpu.vector_store %arg12[%swap3A_1308, %swap3A_1309], %swap3A_1312 {strides = array<i32>} : memref<64x128xf32, #tpu.memory_space<vmem>>, vector<1x16xf32>,
        %get3A_1313 = arith.index_cast %scan3A_1261 : i32 to index
        %get3A_1314 = arith.constant 48 : index
        %get3A_1315 = tpu.vector_load %arg12[%get3A_1313, %get3A_1314] {strides = array<i32>} : memref<64x128xf32, #tpu.memory_space<vmem>>, vector<1x16xf32>,
        %get3A_1316 = vector.shape_cast %get3A_1315 : vector<1x16xf32> to vector<16xf32>
        %get3A_1317 = arith.index_cast %scan3A_1261 : i32 to index
        %get3A_1318 = arith.constant 48 : index
        %get3A_1319 = tpu.vector_load %arg15[%get3A_1317, %get3A_1318] {strides = array<i32>} : memref<64x128xf32, #tpu.memory_space<vmem>>, vector<1x16xf32>,
        %get3A_1320 = vector.shape_cast %get3A_1319 : vector<1x16xf32> to vector<16xf32>
        %mul3A_1321 = arith.mulf %get3A_1316, %get3A_1320 : vector<16xf32>
        %mul3A_1322 = arith.constant 1.000000e-01 : f32
        %mul3A_1323 = vector.broadcast %mul3A_1322 : f32 to vector<16xf32>
        %mul3A_1324 = arith.mulf %mul3A_1321, %mul3A_1323 : vector<16xf32>
        %max3A_1325 = arith.maximumf %mul3A_1321, %mul3A_1324 : vector<16xf32>
        %swap3A_1326 = arith.index_cast %scan3A_1261 : i32 to index
        %swap3A_1327 = arith.constant 48 : index
        %swap3A_1328 = tpu.vector_load %arg12[%swap3A_1326, %swap3A_1327] {strides = array<i32>} : memref<64x128xf32, #tpu.memory_space<vmem>>, vector<1x16xf32>,
        %swap3A_1329 = vector.shape_cast %swap3A_1328 : vector<1x16xf32> to vector<16xf32>
        %swap3A_1330 = vector.shape_cast %max3A_1325 : vector<16xf32> to vector<1x16xf32>
        tpu.vector_store %arg12[%swap3A_1326, %swap3A_1327], %swap3A_1330 {strides = array<i32>} : memref<64x128xf32, #tpu.memory_space<vmem>>, vector<1x16xf32>,
        %get3A_1331 = arith.index_cast %scan3A_1261 : i32 to index
        %get3A_1332 = arith.constant 64 : index
        %get3A_1333 = tpu.vector_load %arg12[%get3A_1331, %get3A_1332] {strides = array<i32>} : memref<64x128xf32, #tpu.memory_space<vmem>>, vector<1x16xf32>,
        %get3A_1334 = vector.shape_cast %get3A_1333 : vector<1x16xf32> to vector<16xf32>
        %get3A_1335 = arith.index_cast %scan3A_1261 : i32 to index
        %get3A_1336 = arith.constant 64 : index
        %get3A_1337 = tpu.vector_load %arg15[%get3A_1335, %get3A_1336] {strides = array<i32>} : memref<64x128xf32, #tpu.memory_space<vmem>>, vector<1x16xf32>,
        %get3A_1338 = vector.shape_cast %get3A_1337 : vector<1x16xf32> to vector<16xf32>
        %mul3A_1339 = arith.mulf %get3A_1334, %get3A_1338 : vector<16xf32>
        %mul3A_1340 = arith.constant 1.000000e-01 : f32
        %mul3A_1341 = vector.broadcast %mul3A_1340 : f32 to vector<16xf32>
        %mul3A_1342 = arith.mulf %mul3A_1339, %mul3A_1341 : vector<16xf32>
        %max3A_1343 = arith.maximumf %mul3A_1339, %mul3A_1342 : vector<16xf32>
        %swap3A_1344 = arith.index_cast %scan3A_1261 : i32 to index
        %swap3A_1345 = arith.constant 64 : index
        %swap3A_1346 = tpu.vector_load %arg12[%swap3A_1344, %swap3A_1345] {strides = array<i32>} : memref<64x128xf32, #tpu.memory_space<vmem>>, vector<1x16xf32>,
        %swap3A_1347 = vector.shape_cast %swap3A_1346 : vector<1x16xf32> to vector<16xf32>
        %swap3A_1348 = vector.shape_cast %max3A_1343 : vector<16xf32> to vector<1x16xf32>
        tpu.vector_store %arg12[%swap3A_1344, %swap3A_1345], %swap3A_1348 {strides = array<i32>} : memref<64x128xf32, #tpu.memory_space<vmem>>, vector<1x16xf32>,
        %get3A_1349 = arith.index_cast %scan3A_1261 : i32 to index
        %get3A_1350 = arith.constant 80 : index
        %get3A_1351 = tpu.vector_load %arg12[%get3A_1349, %get3A_1350] {strides = array<i32>} : memref<64x128xf32, #tpu.memory_space<vmem>>, vector<1x16xf32>,
        %get3A_1352 = vector.shape_cast %get3A_1351 : vector<1x16xf32> to vector<16xf32>
        %get3A_1353 = arith.index_cast %scan3A_1261 : i32 to index
        %get3A_1354 = arith.constant 80 : index
        %get3A_1355 = tpu.vector_load %arg15[%get3A_1353, %get3A_1354] {strides = array<i32>} : memref<64x128xf32, #tpu.memory_space<vmem>>, vector<1x16xf32>,
        %get3A_1356 = vector.shape_cast %get3A_1355 : vector<1x16xf32> to vector<16xf32>
        %mul3A_1357 = arith.mulf %get3A_1352, %get3A_1356 : vector<16xf32>
        %mul3A_1358 = arith.constant 1.000000e-01 : f32
        %mul3A_1359 = vector.broadcast %mul3A_1358 : f32 to vector<16xf32>
        %mul3A_1360 = arith.mulf %mul3A_1357, %mul3A_1359 : vector<16xf32>
        %max3A_1361 = arith.maximumf %mul3A_1357, %mul3A_1360 : vector<16xf32>
        %swap3A_1362 = arith.index_cast %scan3A_1261 : i32 to index
        %swap3A_1363 = arith.constant 80 : index
        %swap3A_1364 = tpu.vector_load %arg12[%swap3A_1362, %swap3A_1363] {strides = array<i32>} : memref<64x128xf32, #tpu.memory_space<vmem>>, vector<1x16xf32>,
        %swap3A_1365 = vector.shape_cast %swap3A_1364 : vector<1x16xf32> to vector<16xf32>
        %swap3A_1366 = vector.shape_cast %max3A_1361 : vector<16xf32> to vector<1x16xf32>
        tpu.vector_store %arg12[%swap3A_1362, %swap3A_1363], %swap3A_1366 {strides = array<i32>} : memref<64x128xf32, #tpu.memory_space<vmem>>, vector<1x16xf32>,
        %get3A_1367 = arith.index_cast %scan3A_1261 : i32 to index
        %get3A_1368 = arith.constant 96 : index
        %get3A_1369 = tpu.vector_load %arg12[%get3A_1367, %get3A_1368] {strides = array<i32>} : memref<64x128xf32, #tpu.memory_space<vmem>>, vector<1x16xf32>,
        %get3A_1370 = vector.shape_cast %get3A_1369 : vector<1x16xf32> to vector<16xf32>
        %get3A_1371 = arith.index_cast %scan3A_1261 : i32 to index
        %get3A_1372 = arith.constant 96 : index
        %get3A_1373 = tpu.vector_load %arg15[%get3A_1371, %get3A_1372] {strides = array<i32>} : memref<64x128xf32, #tpu.memory_space<vmem>>, vector<1x16xf32>,
        %get3A_1374 = vector.shape_cast %get3A_1373 : vector<1x16xf32> to vector<16xf32>
        %mul3A_1375 = arith.mulf %get3A_1370, %get3A_1374 : vector<16xf32>
        %mul3A_1376 = arith.constant 1.000000e-01 : f32
        %mul3A_1377 = vector.broadcast %mul3A_1376 : f32 to vector<16xf32>
        %mul3A_1378 = arith.mulf %mul3A_1375, %mul3A_1377 : vector<16xf32>
        %max3A_1379 = arith.maximumf %mul3A_1375, %mul3A_1378 : vector<16xf32>
        %swap3A_1380 = arith.index_cast %scan3A_1261 : i32 to index
        %swap3A_1381 = arith.constant 96 : index
        %swap3A_1382 = tpu.vector_load %arg12[%swap3A_1380, %swap3A_1381] {strides = array<i32>} : memref<64x128xf32, #tpu.memory_space<vmem>>, vector<1x16xf32>,
        %swap3A_1383 = vector.shape_cast %swap3A_1382 : vector<1x16xf32> to vector<16xf32>
        %swap3A_1384 = vector.shape_cast %max3A_1379 : vector<16xf32> to vector<1x16xf32>
        tpu.vector_store %arg12[%swap3A_1380, %swap3A_1381], %swap3A_1384 {strides = array<i32>} : memref<64x128xf32, #tpu.memory_space<vmem>>, vector<1x16xf32>,
        %get3A_1385 = arith.index_cast %scan3A_1261 : i32 to index
        %get3A_1386 = arith.constant 112 : index
        %get3A_1387 = tpu.vector_load %arg12[%get3A_1385, %get3A_1386] {strides = array<i32>} : memref<64x128xf32, #tpu.memory_space<vmem>>, vector<1x16xf32>,
        %get3A_1388 = vector.shape_cast %get3A_1387 : vector<1x16xf32> to vector<16xf32>
        %get3A_1389 = arith.index_cast %scan3A_1261 : i32 to index
        %get3A_1390 = arith.constant 112 : index
        %get3A_1391 = tpu.vector_load %arg15[%get3A_1389, %get3A_1390] {strides = array<i32>} : memref<64x128xf32, #tpu.memory_space<vmem>>, vector<1x16xf32>,
        %get3A_1392 = vector.shape_cast %get3A_1391 : vector<1x16xf32> to vector<16xf32>
        %mul3A_1393 = arith.mulf %get3A_1388, %get3A_1392 : vector<16xf32>
        %mul3A_1394 = arith.constant 1.000000e-01 : f32
        %mul3A_1395 = vector.broadcast %mul3A_1394 : f32 to vector<16xf32>
        %mul3A_1396 = arith.mulf %mul3A_1393, %mul3A_1395 : vector<16xf32>
        %max3A_1397 = arith.maximumf %mul3A_1393, %mul3A_1396 : vector<16xf32>
        %swap3A_1398 = arith.index_cast %scan3A_1261 : i32 to index
        %swap3A_1399 = arith.constant 112 : index
        %swap3A_1400 = tpu.vector_load %arg12[%swap3A_1398, %swap3A_1399] {strides = array<i32>} : memref<64x128xf32, #tpu.memory_space<vmem>>, vector<1x16xf32>,
        %swap3A_1401 = vector.shape_cast %swap3A_1400 : vector<1x16xf32> to vector<16xf32>
        %swap3A_1402 = vector.shape_cast %max3A_1397 : vector<16xf32> to vector<1x16xf32>
        tpu.vector_store %arg12[%swap3A_1398, %swap3A_1399], %swap3A_1402 {strides = array<i32>} : memref<64x128xf32, #tpu.memory_space<vmem>>, vector<1x16xf32>,
      }
      %scan3A_826 = arith.constant 64 : i32
      %dma_start3A_827 = arith.constant 1 : i32
      %dma_start3A_828 = arith.constant 0 : i32
      %dma_start3A_829 = tpu.memref_slice %arg10[%dma_start3A_827, %dma_start3A_828] : memref<2x64xi32, #tpu.memory_space<vmem>> -> memref<1x64xi32, #tpu.memory_space<vmem>>
      %dma_start3A_830 = tpu.memref_squeeze %dma_start3A_829 : memref<1x64xi32, #tpu.memory_space<vmem>> -> memref<64xi32, #tpu.memory_space<vmem>>
      %dma_start3A_831 = arith.constant 0 : i32
      %dma_start3A_832 = arith.constant 0 : i32
      %dma_start3A_833 = tpu.memref_slice %arg18[%dma_start3A_831, %dma_start3A_832] : memref<10240x128xf32, #tpu.memory_space<vmem_shared>> -> memref<10240x128xf32, #tpu.memory_space<vmem_shared>>
      tpu.enqueue_indirect_dma source(%arg12 : memref<64x128xf32, #tpu.memory_space<vmem>>) target(%dma_start3A_833 : memref<10240x128xf32, #tpu.memory_space<vmem_shared>>) offsets(%dma_start3A_830 : memref<64xi32, #tpu.memory_space<vmem>>) semaphore(%arg28 : memref<!tpu.dma_semaphore, #tpu.memory_space<semaphore_mem>>) {add = true}
      %mul3A_834 = arith.constant 12 : i32
      %mul3A_835 = arith.muli %mul3A_834, %scan3A_140 : i32
      %add3A_836 = arith.constant 7 : i32
      %add3A_837 = arith.addi %mul3A_835, %add3A_836 : i32
      %dma_wait3A_838 = arith.constant 1 : i32
      %dma_wait3A_839 = arith.constant 0 : i32
      %dma_wait3A_840 = tpu.memref_slice %arg9[%dma_wait3A_838, %dma_wait3A_839] : memref<2x64xi32, #tpu.memory_space<vmem>> -> memref<1x64xi32, #tpu.memory_space<vmem>>
      %dma_wait3A_841 = tpu.memref_squeeze %dma_wait3A_840 : memref<1x64xi32, #tpu.memory_space<vmem>> -> memref<64xi32, #tpu.memory_space<vmem>>
      %dma_wait3A_842 = arith.constant 0 : i32
      %dma_wait3A_843 = arith.constant 0 : i32
      %dma_wait3A_844 = tpu.memref_slice %arg18[%dma_wait3A_842, %dma_wait3A_843] : memref<10240x128xf32, #tpu.memory_space<vmem_shared>> -> memref<10240x128xf32, #tpu.memory_space<vmem_shared>>
      tpu.wait_indirect_dma semaphore(%arg30 : memref<!tpu.dma_semaphore, #tpu.memory_space<semaphore_mem>>) src(%arg14 : memref<64x128xf32, #tpu.memory_space<vmem>>) dst(%dma_wait3A_844 : memref<10240x128xf32, #tpu.memory_space<vmem_shared>>)
      %add3A_845 = arith.constant 2 : i32
      %add3A_846 = arith.addi %add3A_837, %add3A_845 : i32
      %mul3A_847 = arith.constant 64 : i32
      %mul3A_848 = arith.muli %add3A_846, %mul3A_847 : i32
      %add3A_849 = arith.addi %mul3A_2, %mul3A_848 : i32
      %multiple_of3A_850 = tpu.assume_multiple %add3A_849, 8 : i32
      %dma_start3A_851 = arith.constant 0 : i32
      %dma_start3A_852 = arith.constant 0 : i32
      %dma_start3A_853 = tpu.memref_slice %arg9[%dma_start3A_851, %dma_start3A_852] : memref<2x64xi32, #tpu.memory_space<vmem>> -> memref<1x64xi32, #tpu.memory_space<vmem>>
      %dma_start3A_854 = tpu.memref_squeeze %dma_start3A_853 : memref<1x64xi32, #tpu.memory_space<vmem>> -> memref<64xi32, #tpu.memory_space<vmem>>
      %dma_start3A_855 = tpu.memref_slice %arg4[%multiple_of3A_850] : memref<320000xi32, #tpu.memory_space<hbm>> -> memref<64xi32, #tpu.memory_space<hbm>>
      %dma_start3A_856 = arith.constant 0 : i32
      %dma_start3A_857 = tpu.memref_slice %arg9[%dma_start3A_851, %dma_start3A_856] : memref<2x64xi32, #tpu.memory_space<vmem>> -> memref<1x64xi32, #tpu.memory_space<vmem>>
      %dma_start3A_858 = tpu.memref_squeeze %dma_start3A_857 : memref<1x64xi32, #tpu.memory_space<vmem>> -> memref<64xi32, #tpu.memory_space<vmem>>
      %dma_start3A_859 = tpu.memref_slice %arg4[%multiple_of3A_850] : memref<320000xi32, #tpu.memory_space<hbm>> -> memref<64xi32, #tpu.memory_space<hbm>>
      tpu.enqueue_dma source(%dma_start3A_859 : memref<64xi32, #tpu.memory_space<hbm>>) target(%dma_start3A_858 : memref<64xi32, #tpu.memory_space<vmem>>) target_semaphore(%arg20 : memref<!tpu.dma_semaphore, #tpu.memory_space<semaphore_mem>>)
      %dma_start3A_860 = arith.constant 1 : i32
      %dma_start3A_861 = arith.constant 0 : i32
      %dma_start3A_862 = tpu.memref_slice %arg9[%dma_start3A_860, %dma_start3A_861] : memref<2x64xi32, #tpu.memory_space<vmem>> -> memref<1x64xi32, #tpu.memory_space<vmem>>
      %dma_start3A_863 = tpu.memref_squeeze %dma_start3A_862 : memref<1x64xi32, #tpu.memory_space<vmem>> -> memref<64xi32, #tpu.memory_space<vmem>>
      %dma_start3A_864 = tpu.memref_slice %arg5[%multiple_of3A_850] : memref<320000xi32, #tpu.memory_space<hbm>> -> memref<64xi32, #tpu.memory_space<hbm>>
      %dma_start3A_865 = arith.constant 0 : i32
      %dma_start3A_866 = tpu.memref_slice %arg9[%dma_start3A_860, %dma_start3A_865] : memref<2x64xi32, #tpu.memory_space<vmem>> -> memref<1x64xi32, #tpu.memory_space<vmem>>
      %dma_start3A_867 = tpu.memref_squeeze %dma_start3A_866 : memref<1x64xi32, #tpu.memory_space<vmem>> -> memref<64xi32, #tpu.memory_space<vmem>>
      %dma_start3A_868 = tpu.memref_slice %arg5[%multiple_of3A_850] : memref<320000xi32, #tpu.memory_space<hbm>> -> memref<64xi32, #tpu.memory_space<hbm>>
      tpu.enqueue_dma source(%dma_start3A_868 : memref<64xi32, #tpu.memory_space<hbm>>) target(%dma_start3A_867 : memref<64xi32, #tpu.memory_space<vmem>>) target_semaphore(%arg20 : memref<!tpu.dma_semaphore, #tpu.memory_space<semaphore_mem>>)
      %add3A_869 = arith.constant 1 : i32
      %add3A_870 = arith.addi %add3A_837, %add3A_869 : i32
      %mul3A_871 = arith.constant 64 : i32
      %mul3A_872 = arith.muli %add3A_870, %mul3A_871 : i32
      %add3A_873 = arith.addi %mul3A_2, %mul3A_872 : i32
      %multiple_of3A_874 = tpu.assume_multiple %add3A_873, 8 : i32
      %dma_start3A_875 = arith.constant 0 : i32
      %dma_start3A_876 = tpu.memref_slice %arg3[%multiple_of3A_874, %dma_start3A_875] : memref<320000x128xf32, #tpu.memory_space<hbm>> -> memref<64x128xf32, #tpu.memory_space<hbm>>
      %dma_start3A_877 = arith.constant 0 : i32
      %dma_start3A_878 = tpu.memref_slice %arg3[%multiple_of3A_874, %dma_start3A_877] : memref<320000x128xf32, #tpu.memory_space<hbm>> -> memref<64x128xf32, #tpu.memory_space<hbm>>
      tpu.enqueue_dma source(%dma_start3A_878 : memref<64x128xf32, #tpu.memory_space<hbm>>) target(%arg14 : memref<64x128xf32, #tpu.memory_space<vmem>>) target_semaphore(%arg25 : memref<!tpu.dma_semaphore, #tpu.memory_space<semaphore_mem>>)
      %dma_wait3A_879 = arith.constant 0 : i32
      %dma_wait3A_880 = arith.constant 0 : i32
      %dma_wait3A_881 = tpu.memref_slice %arg8[%dma_wait3A_879, %dma_wait3A_880] : memref<2x64xi32, #tpu.memory_space<vmem>> -> memref<1x64xi32, #tpu.memory_space<vmem>>
      %dma_wait3A_882 = tpu.memref_squeeze %dma_wait3A_881 : memref<1x64xi32, #tpu.memory_space<vmem>> -> memref<64xi32, #tpu.memory_space<vmem>>
      %dma_wait3A_883 = arith.constant 0 : i32
      %dma_wait3A_884 = tpu.memref_slice %arg4[%dma_wait3A_883] : memref<320000xi32, #tpu.memory_space<hbm>> -> memref<64xi32, #tpu.memory_space<hbm>>
      %dma_wait3A_885 = arith.constant 0 : i32
      %dma_wait3A_886 = tpu.memref_slice %arg8[%dma_wait3A_879, %dma_wait3A_885] : memref<2x64xi32, #tpu.memory_space<vmem>> -> memref<1x64xi32, #tpu.memory_space<vmem>>
      %dma_wait3A_887 = tpu.memref_squeeze %dma_wait3A_886 : memref<1x64xi32, #tpu.memory_space<vmem>> -> memref<64xi32, #tpu.memory_space<vmem>>
      %dma_wait3A_888 = arith.constant 0 : i32
      %dma_wait3A_889 = tpu.memref_slice %arg4[%dma_wait3A_888] : memref<320000xi32, #tpu.memory_space<hbm>> -> memref<64xi32, #tpu.memory_space<hbm>>
      tpu.wait_dma2 semaphore(%arg19 : memref<!tpu.dma_semaphore, #tpu.memory_space<semaphore_mem>>) src(%dma_wait3A_889 : memref<64xi32, #tpu.memory_space<hbm>>) dst(%dma_wait3A_887 : memref<64xi32, #tpu.memory_space<vmem>>)
      %dma_wait3A_890 = arith.constant 1 : i32
      %dma_wait3A_891 = arith.constant 0 : i32
      %dma_wait3A_892 = tpu.memref_slice %arg8[%dma_wait3A_890, %dma_wait3A_891] : memref<2x64xi32, #tpu.memory_space<vmem>> -> memref<1x64xi32, #tpu.memory_space<vmem>>
      %dma_wait3A_893 = tpu.memref_squeeze %dma_wait3A_892 : memref<1x64xi32, #tpu.memory_space<vmem>> -> memref<64xi32, #tpu.memory_space<vmem>>
      %dma_wait3A_894 = arith.constant 0 : i32
      %dma_wait3A_895 = tpu.memref_slice %arg5[%dma_wait3A_894] : memref<320000xi32, #tpu.memory_space<hbm>> -> memref<64xi32, #tpu.memory_space<hbm>>
      %dma_wait3A_896 = arith.constant 0 : i32
      %dma_wait3A_897 = tpu.memref_slice %arg8[%dma_wait3A_890, %dma_wait3A_896] : memref<2x64xi32, #tpu.memory_space<vmem>> -> memref<1x64xi32, #tpu.memory_space<vmem>>
      %dma_wait3A_898 = tpu.memref_squeeze %dma_wait3A_897 : memref<1x64xi32, #tpu.memory_space<vmem>> -> memref<64xi32, #tpu.memory_space<vmem>>
      %dma_wait3A_899 = arith.constant 0 : i32
      %dma_wait3A_900 = tpu.memref_slice %arg5[%dma_wait3A_899] : memref<320000xi32, #tpu.memory_space<hbm>> -> memref<64xi32, #tpu.memory_space<hbm>>
      tpu.wait_dma2 semaphore(%arg19 : memref<!tpu.dma_semaphore, #tpu.memory_space<semaphore_mem>>) src(%dma_wait3A_900 : memref<64xi32, #tpu.memory_space<hbm>>) dst(%dma_wait3A_898 : memref<64xi32, #tpu.memory_space<vmem>>)
      %dma_start3A_901 = arith.constant 0 : i32
      %dma_start3A_902 = arith.constant 0 : i32
      %dma_start3A_903 = tpu.memref_slice %arg8[%dma_start3A_901, %dma_start3A_902] : memref<2x64xi32, #tpu.memory_space<vmem>> -> memref<1x64xi32, #tpu.memory_space<vmem>>
      %dma_start3A_904 = tpu.memref_squeeze %dma_start3A_903 : memref<1x64xi32, #tpu.memory_space<vmem>> -> memref<64xi32, #tpu.memory_space<vmem>>
      %dma_start3A_905 = arith.constant 0 : i32
      %dma_start3A_906 = arith.constant 0 : i32
      %dma_start3A_907 = tpu.memref_slice %arg2[%dma_start3A_905, %dma_start3A_906] : memref<10000x128xf32, #tpu.memory_space<hbm>> -> memref<10000x128xf32, #tpu.memory_space<hbm>>
      tpu.enqueue_indirect_dma source(%dma_start3A_907 : memref<10000x128xf32, #tpu.memory_space<hbm>>) target(%arg15 : memref<64x128xf32, #tpu.memory_space<vmem>>) offsets(%dma_start3A_904 : memref<64xi32, #tpu.memory_space<vmem>>) semaphore(%arg26 : memref<!tpu.dma_semaphore, #tpu.memory_space<semaphore_mem>>)
      %dma_wait3A_908 = arith.constant 0 : i32
      %dma_wait3A_909 = arith.constant 0 : i32
      %dma_wait3A_910 = tpu.memref_slice %arg11[%dma_wait3A_908, %dma_wait3A_909] : memref<2x64xi32, #tpu.memory_space<vmem>> -> memref<1x64xi32, #tpu.memory_space<vmem>>
      %dma_wait3A_911 = tpu.memref_squeeze %dma_wait3A_910 : memref<1x64xi32, #tpu.memory_space<vmem>> -> memref<64xi32, #tpu.memory_space<vmem>>
      %dma_wait3A_912 = arith.constant 0 : i32
      %dma_wait3A_913 = arith.constant 0 : i32
      %dma_wait3A_914 = tpu.memref_slice %arg2[%dma_wait3A_912, %dma_wait3A_913] : memref<10000x128xf32, #tpu.memory_space<hbm>> -> memref<10000x128xf32, #tpu.memory_space<hbm>>
      tpu.wait_indirect_dma semaphore(%arg27 : memref<!tpu.dma_semaphore, #tpu.memory_space<semaphore_mem>>) src(%dma_wait3A_914 : memref<10000x128xf32, #tpu.memory_space<hbm>>) dst(%arg16 : memref<64x128xf32, #tpu.memory_space<vmem>>)
      %dma_wait3A_915 = arith.constant 0 : i32
      %dma_wait3A_916 = arith.constant 0 : i32
      %dma_wait3A_917 = tpu.memref_slice %arg3[%dma_wait3A_915, %dma_wait3A_916] : memref<320000x128xf32, #tpu.memory_space<hbm>> -> memref<64x128xf32, #tpu.memory_space<hbm>>
      %dma_wait3A_918 = arith.constant 0 : i32
      %dma_wait3A_919 = arith.constant 0 : i32
      %dma_wait3A_920 = tpu.memref_slice %arg3[%dma_wait3A_918, %dma_wait3A_919] : memref<320000x128xf32, #tpu.memory_space<hbm>> -> memref<64x128xf32, #tpu.memory_space<hbm>>
      tpu.wait_dma2 semaphore(%arg24 : memref<!tpu.dma_semaphore, #tpu.memory_space<semaphore_mem>>) src(%dma_wait3A_920 : memref<64x128xf32, #tpu.memory_space<hbm>>) dst(%arg13 : memref<64x128xf32, #tpu.memory_space<vmem>>)
      %scan3A_921 = arith.constant 0 : i32
      %scan3A_922 = arith.constant 0 : i32
      %scan3A_923 = arith.constant 64 : i32
      %scan3A_924 = arith.addi %scan3A_922, %scan3A_923 : i32
      %scan3A_925 = arith.constant 1 : i32
      scf.for %scan3A_1261 = %scan3A_922 to %scan3A_924 step %scan3A_925  : i32 {
        %get3A = arith.index_cast %scan3A_1261 : i32 to index
        %get3A_1262 = arith.constant 0 : index
        %get3A_1263 = tpu.vector_load %arg13[%get3A, %get3A_1262] {strides = array<i32>} : memref<64x128xf32, #tpu.memory_space<vmem>>, vector<1x16xf32>,
        %get3A_1264 = vector.shape_cast %get3A_1263 : vector<1x16xf32> to vector<16xf32>
        %get3A_1265 = arith.index_cast %scan3A_1261 : i32 to index
        %get3A_1266 = arith.constant 0 : index
        %get3A_1267 = tpu.vector_load %arg16[%get3A_1265, %get3A_1266] {strides = array<i32>} : memref<64x128xf32, #tpu.memory_space<vmem>>, vector<1x16xf32>,
        %get3A_1268 = vector.shape_cast %get3A_1267 : vector<1x16xf32> to vector<16xf32>
        %mul3A_1269 = arith.mulf %get3A_1264, %get3A_1268 : vector<16xf32>
        %mul3A_1270 = arith.constant 1.000000e-01 : f32
        %mul3A_1271 = vector.broadcast %mul3A_1270 : f32 to vector<16xf32>
        %mul3A_1272 = arith.mulf %mul3A_1269, %mul3A_1271 : vector<16xf32>
        %max3A = arith.maximumf %mul3A_1269, %mul3A_1272 : vector<16xf32>
        %swap3A = arith.index_cast %scan3A_1261 : i32 to index
        %swap3A_1273 = arith.constant 0 : index
        %swap3A_1274 = tpu.vector_load %arg13[%swap3A, %swap3A_1273] {strides = array<i32>} : memref<64x128xf32, #tpu.memory_space<vmem>>, vector<1x16xf32>,
        %swap3A_1275 = vector.shape_cast %swap3A_1274 : vector<1x16xf32> to vector<16xf32>
        %swap3A_1276 = vector.shape_cast %max3A : vector<16xf32> to vector<1x16xf32>
        tpu.vector_store %arg13[%swap3A, %swap3A_1273], %swap3A_1276 {strides = array<i32>} : memref<64x128xf32, #tpu.memory_space<vmem>>, vector<1x16xf32>,
        %get3A_1277 = arith.index_cast %scan3A_1261 : i32 to index
        %get3A_1278 = arith.constant 16 : index
        %get3A_1279 = tpu.vector_load %arg13[%get3A_1277, %get3A_1278] {strides = array<i32>} : memref<64x128xf32, #tpu.memory_space<vmem>>, vector<1x16xf32>,
        %get3A_1280 = vector.shape_cast %get3A_1279 : vector<1x16xf32> to vector<16xf32>
        %get3A_1281 = arith.index_cast %scan3A_1261 : i32 to index
        %get3A_1282 = arith.constant 16 : index
        %get3A_1283 = tpu.vector_load %arg16[%get3A_1281, %get3A_1282] {strides = array<i32>} : memref<64x128xf32, #tpu.memory_space<vmem>>, vector<1x16xf32>,
        %get3A_1284 = vector.shape_cast %get3A_1283 : vector<1x16xf32> to vector<16xf32>
        %mul3A_1285 = arith.mulf %get3A_1280, %get3A_1284 : vector<16xf32>
        %mul3A_1286 = arith.constant 1.000000e-01 : f32
        %mul3A_1287 = vector.broadcast %mul3A_1286 : f32 to vector<16xf32>
        %mul3A_1288 = arith.mulf %mul3A_1285, %mul3A_1287 : vector<16xf32>
        %max3A_1289 = arith.maximumf %mul3A_1285, %mul3A_1288 : vector<16xf32>
        %swap3A_1290 = arith.index_cast %scan3A_1261 : i32 to index
        %swap3A_1291 = arith.constant 16 : index
        %swap3A_1292 = tpu.vector_load %arg13[%swap3A_1290, %swap3A_1291] {strides = array<i32>} : memref<64x128xf32, #tpu.memory_space<vmem>>, vector<1x16xf32>,
        %swap3A_1293 = vector.shape_cast %swap3A_1292 : vector<1x16xf32> to vector<16xf32>
        %swap3A_1294 = vector.shape_cast %max3A_1289 : vector<16xf32> to vector<1x16xf32>
        tpu.vector_store %arg13[%swap3A_1290, %swap3A_1291], %swap3A_1294 {strides = array<i32>} : memref<64x128xf32, #tpu.memory_space<vmem>>, vector<1x16xf32>,
        %get3A_1295 = arith.index_cast %scan3A_1261 : i32 to index
        %get3A_1296 = arith.constant 32 : index
        %get3A_1297 = tpu.vector_load %arg13[%get3A_1295, %get3A_1296] {strides = array<i32>} : memref<64x128xf32, #tpu.memory_space<vmem>>, vector<1x16xf32>,
        %get3A_1298 = vector.shape_cast %get3A_1297 : vector<1x16xf32> to vector<16xf32>
        %get3A_1299 = arith.index_cast %scan3A_1261 : i32 to index
        %get3A_1300 = arith.constant 32 : index
        %get3A_1301 = tpu.vector_load %arg16[%get3A_1299, %get3A_1300] {strides = array<i32>} : memref<64x128xf32, #tpu.memory_space<vmem>>, vector<1x16xf32>,
        %get3A_1302 = vector.shape_cast %get3A_1301 : vector<1x16xf32> to vector<16xf32>
        %mul3A_1303 = arith.mulf %get3A_1298, %get3A_1302 : vector<16xf32>
        %mul3A_1304 = arith.constant 1.000000e-01 : f32
        %mul3A_1305 = vector.broadcast %mul3A_1304 : f32 to vector<16xf32>
        %mul3A_1306 = arith.mulf %mul3A_1303, %mul3A_1305 : vector<16xf32>
        %max3A_1307 = arith.maximumf %mul3A_1303, %mul3A_1306 : vector<16xf32>
        %swap3A_1308 = arith.index_cast %scan3A_1261 : i32 to index
        %swap3A_1309 = arith.constant 32 : index
        %swap3A_1310 = tpu.vector_load %arg13[%swap3A_1308, %swap3A_1309] {strides = array<i32>} : memref<64x128xf32, #tpu.memory_space<vmem>>, vector<1x16xf32>,
        %swap3A_1311 = vector.shape_cast %swap3A_1310 : vector<1x16xf32> to vector<16xf32>
        %swap3A_1312 = vector.shape_cast %max3A_1307 : vector<16xf32> to vector<1x16xf32>
        tpu.vector_store %arg13[%swap3A_1308, %swap3A_1309], %swap3A_1312 {strides = array<i32>} : memref<64x128xf32, #tpu.memory_space<vmem>>, vector<1x16xf32>,
        %get3A_1313 = arith.index_cast %scan3A_1261 : i32 to index
        %get3A_1314 = arith.constant 48 : index
        %get3A_1315 = tpu.vector_load %arg13[%get3A_1313, %get3A_1314] {strides = array<i32>} : memref<64x128xf32, #tpu.memory_space<vmem>>, vector<1x16xf32>,
        %get3A_1316 = vector.shape_cast %get3A_1315 : vector<1x16xf32> to vector<16xf32>
        %get3A_1317 = arith.index_cast %scan3A_1261 : i32 to index
        %get3A_1318 = arith.constant 48 : index
        %get3A_1319 = tpu.vector_load %arg16[%get3A_1317, %get3A_1318] {strides = array<i32>} : memref<64x128xf32, #tpu.memory_space<vmem>>, vector<1x16xf32>,
        %get3A_1320 = vector.shape_cast %get3A_1319 : vector<1x16xf32> to vector<16xf32>
        %mul3A_1321 = arith.mulf %get3A_1316, %get3A_1320 : vector<16xf32>
        %mul3A_1322 = arith.constant 1.000000e-01 : f32
        %mul3A_1323 = vector.broadcast %mul3A_1322 : f32 to vector<16xf32>
        %mul3A_1324 = arith.mulf %mul3A_1321, %mul3A_1323 : vector<16xf32>
        %max3A_1325 = arith.maximumf %mul3A_1321, %mul3A_1324 : vector<16xf32>
        %swap3A_1326 = arith.index_cast %scan3A_1261 : i32 to index
        %swap3A_1327 = arith.constant 48 : index
        %swap3A_1328 = tpu.vector_load %arg13[%swap3A_1326, %swap3A_1327] {strides = array<i32>} : memref<64x128xf32, #tpu.memory_space<vmem>>, vector<1x16xf32>,
        %swap3A_1329 = vector.shape_cast %swap3A_1328 : vector<1x16xf32> to vector<16xf32>
        %swap3A_1330 = vector.shape_cast %max3A_1325 : vector<16xf32> to vector<1x16xf32>
        tpu.vector_store %arg13[%swap3A_1326, %swap3A_1327], %swap3A_1330 {strides = array<i32>} : memref<64x128xf32, #tpu.memory_space<vmem>>, vector<1x16xf32>,
        %get3A_1331 = arith.index_cast %scan3A_1261 : i32 to index
        %get3A_1332 = arith.constant 64 : index
        %get3A_1333 = tpu.vector_load %arg13[%get3A_1331, %get3A_1332] {strides = array<i32>} : memref<64x128xf32, #tpu.memory_space<vmem>>, vector<1x16xf32>,
        %get3A_1334 = vector.shape_cast %get3A_1333 : vector<1x16xf32> to vector<16xf32>
        %get3A_1335 = arith.index_cast %scan3A_1261 : i32 to index
        %get3A_1336 = arith.constant 64 : index
        %get3A_1337 = tpu.vector_load %arg16[%get3A_1335, %get3A_1336] {strides = array<i32>} : memref<64x128xf32, #tpu.memory_space<vmem>>, vector<1x16xf32>,
        %get3A_1338 = vector.shape_cast %get3A_1337 : vector<1x16xf32> to vector<16xf32>
        %mul3A_1339 = arith.mulf %get3A_1334, %get3A_1338 : vector<16xf32>
        %mul3A_1340 = arith.constant 1.000000e-01 : f32
        %mul3A_1341 = vector.broadcast %mul3A_1340 : f32 to vector<16xf32>
        %mul3A_1342 = arith.mulf %mul3A_1339, %mul3A_1341 : vector<16xf32>
        %max3A_1343 = arith.maximumf %mul3A_1339, %mul3A_1342 : vector<16xf32>
        %swap3A_1344 = arith.index_cast %scan3A_1261 : i32 to index
        %swap3A_1345 = arith.constant 64 : index
        %swap3A_1346 = tpu.vector_load %arg13[%swap3A_1344, %swap3A_1345] {strides = array<i32>} : memref<64x128xf32, #tpu.memory_space<vmem>>, vector<1x16xf32>,
        %swap3A_1347 = vector.shape_cast %swap3A_1346 : vector<1x16xf32> to vector<16xf32>
        %swap3A_1348 = vector.shape_cast %max3A_1343 : vector<16xf32> to vector<1x16xf32>
        tpu.vector_store %arg13[%swap3A_1344, %swap3A_1345], %swap3A_1348 {strides = array<i32>} : memref<64x128xf32, #tpu.memory_space<vmem>>, vector<1x16xf32>,
        %get3A_1349 = arith.index_cast %scan3A_1261 : i32 to index
        %get3A_1350 = arith.constant 80 : index
        %get3A_1351 = tpu.vector_load %arg13[%get3A_1349, %get3A_1350] {strides = array<i32>} : memref<64x128xf32, #tpu.memory_space<vmem>>, vector<1x16xf32>,
        %get3A_1352 = vector.shape_cast %get3A_1351 : vector<1x16xf32> to vector<16xf32>
        %get3A_1353 = arith.index_cast %scan3A_1261 : i32 to index
        %get3A_1354 = arith.constant 80 : index
        %get3A_1355 = tpu.vector_load %arg16[%get3A_1353, %get3A_1354] {strides = array<i32>} : memref<64x128xf32, #tpu.memory_space<vmem>>, vector<1x16xf32>,
        %get3A_1356 = vector.shape_cast %get3A_1355 : vector<1x16xf32> to vector<16xf32>
        %mul3A_1357 = arith.mulf %get3A_1352, %get3A_1356 : vector<16xf32>
        %mul3A_1358 = arith.constant 1.000000e-01 : f32
        %mul3A_1359 = vector.broadcast %mul3A_1358 : f32 to vector<16xf32>
        %mul3A_1360 = arith.mulf %mul3A_1357, %mul3A_1359 : vector<16xf32>
        %max3A_1361 = arith.maximumf %mul3A_1357, %mul3A_1360 : vector<16xf32>
        %swap3A_1362 = arith.index_cast %scan3A_1261 : i32 to index
        %swap3A_1363 = arith.constant 80 : index
        %swap3A_1364 = tpu.vector_load %arg13[%swap3A_1362, %swap3A_1363] {strides = array<i32>} : memref<64x128xf32, #tpu.memory_space<vmem>>, vector<1x16xf32>,
        %swap3A_1365 = vector.shape_cast %swap3A_1364 : vector<1x16xf32> to vector<16xf32>
        %swap3A_1366 = vector.shape_cast %max3A_1361 : vector<16xf32> to vector<1x16xf32>
        tpu.vector_store %arg13[%swap3A_1362, %swap3A_1363], %swap3A_1366 {strides = array<i32>} : memref<64x128xf32, #tpu.memory_space<vmem>>, vector<1x16xf32>,
        %get3A_1367 = arith.index_cast %scan3A_1261 : i32 to index
        %get3A_1368 = arith.constant 96 : index
        %get3A_1369 = tpu.vector_load %arg13[%get3A_1367, %get3A_1368] {strides = array<i32>} : memref<64x128xf32, #tpu.memory_space<vmem>>, vector<1x16xf32>,
        %get3A_1370 = vector.shape_cast %get3A_1369 : vector<1x16xf32> to vector<16xf32>
        %get3A_1371 = arith.index_cast %scan3A_1261 : i32 to index
        %get3A_1372 = arith.constant 96 : index
        %get3A_1373 = tpu.vector_load %arg16[%get3A_1371, %get3A_1372] {strides = array<i32>} : memref<64x128xf32, #tpu.memory_space<vmem>>, vector<1x16xf32>,
        %get3A_1374 = vector.shape_cast %get3A_1373 : vector<1x16xf32> to vector<16xf32>
        %mul3A_1375 = arith.mulf %get3A_1370, %get3A_1374 : vector<16xf32>
        %mul3A_1376 = arith.constant 1.000000e-01 : f32
        %mul3A_1377 = vector.broadcast %mul3A_1376 : f32 to vector<16xf32>
        %mul3A_1378 = arith.mulf %mul3A_1375, %mul3A_1377 : vector<16xf32>
        %max3A_1379 = arith.maximumf %mul3A_1375, %mul3A_1378 : vector<16xf32>
        %swap3A_1380 = arith.index_cast %scan3A_1261 : i32 to index
        %swap3A_1381 = arith.constant 96 : index
        %swap3A_1382 = tpu.vector_load %arg13[%swap3A_1380, %swap3A_1381] {strides = array<i32>} : memref<64x128xf32, #tpu.memory_space<vmem>>, vector<1x16xf32>,
        %swap3A_1383 = vector.shape_cast %swap3A_1382 : vector<1x16xf32> to vector<16xf32>
        %swap3A_1384 = vector.shape_cast %max3A_1379 : vector<16xf32> to vector<1x16xf32>
        tpu.vector_store %arg13[%swap3A_1380, %swap3A_1381], %swap3A_1384 {strides = array<i32>} : memref<64x128xf32, #tpu.memory_space<vmem>>, vector<1x16xf32>,
        %get3A_1385 = arith.index_cast %scan3A_1261 : i32 to index
        %get3A_1386 = arith.constant 112 : index
        %get3A_1387 = tpu.vector_load %arg13[%get3A_1385, %get3A_1386] {strides = array<i32>} : memref<64x128xf32, #tpu.memory_space<vmem>>, vector<1x16xf32>,
        %get3A_1388 = vector.shape_cast %get3A_1387 : vector<1x16xf32> to vector<16xf32>
        %get3A_1389 = arith.index_cast %scan3A_1261 : i32 to index
        %get3A_1390 = arith.constant 112 : index
        %get3A_1391 = tpu.vector_load %arg16[%get3A_1389, %get3A_1390] {strides = array<i32>} : memref<64x128xf32, #tpu.memory_space<vmem>>, vector<1x16xf32>,
        %get3A_1392 = vector.shape_cast %get3A_1391 : vector<1x16xf32> to vector<16xf32>
        %mul3A_1393 = arith.mulf %get3A_1388, %get3A_1392 : vector<16xf32>
        %mul3A_1394 = arith.constant 1.000000e-01 : f32
        %mul3A_1395 = vector.broadcast %mul3A_1394 : f32 to vector<16xf32>
        %mul3A_1396 = arith.mulf %mul3A_1393, %mul3A_1395 : vector<16xf32>
        %max3A_1397 = arith.maximumf %mul3A_1393, %mul3A_1396 : vector<16xf32>
        %swap3A_1398 = arith.index_cast %scan3A_1261 : i32 to index
        %swap3A_1399 = arith.constant 112 : index
        %swap3A_1400 = tpu.vector_load %arg13[%swap3A_1398, %swap3A_1399] {strides = array<i32>} : memref<64x128xf32, #tpu.memory_space<vmem>>, vector<1x16xf32>,
        %swap3A_1401 = vector.shape_cast %swap3A_1400 : vector<1x16xf32> to vector<16xf32>
        %swap3A_1402 = vector.shape_cast %max3A_1397 : vector<16xf32> to vector<1x16xf32>
        tpu.vector_store %arg13[%swap3A_1398, %swap3A_1399], %swap3A_1402 {strides = array<i32>} : memref<64x128xf32, #tpu.memory_space<vmem>>, vector<1x16xf32>,
      }
      %scan3A_926 = arith.constant 64 : i32
      %dma_start3A_927 = arith.constant 1 : i32
      %dma_start3A_928 = arith.constant 0 : i32
      %dma_start3A_929 = tpu.memref_slice %arg11[%dma_start3A_927, %dma_start3A_928] : memref<2x64xi32, #tpu.memory_space<vmem>> -> memref<1x64xi32, #tpu.memory_space<vmem>>
      %dma_start3A_930 = tpu.memref_squeeze %dma_start3A_929 : memref<1x64xi32, #tpu.memory_space<vmem>> -> memref<64xi32, #tpu.memory_space<vmem>>
      %dma_start3A_931 = arith.constant 0 : i32
      %dma_start3A_932 = arith.constant 0 : i32
      %dma_start3A_933 = tpu.memref_slice %arg18[%dma_start3A_931, %dma_start3A_932] : memref<10240x128xf32, #tpu.memory_space<vmem_shared>> -> memref<10240x128xf32, #tpu.memory_space<vmem_shared>>
      tpu.enqueue_indirect_dma source(%arg13 : memref<64x128xf32, #tpu.memory_space<vmem>>) target(%dma_start3A_933 : memref<10240x128xf32, #tpu.memory_space<vmem_shared>>) offsets(%dma_start3A_930 : memref<64xi32, #tpu.memory_space<vmem>>) semaphore(%arg29 : memref<!tpu.dma_semaphore, #tpu.memory_space<semaphore_mem>>) {add = true}
      %mul3A_934 = arith.constant 12 : i32
      %mul3A_935 = arith.muli %mul3A_934, %scan3A_140 : i32
      %add3A_936 = arith.constant 8 : i32
      %add3A_937 = arith.addi %mul3A_935, %add3A_936 : i32
      %dma_wait3A_938 = arith.constant 1 : i32
      %dma_wait3A_939 = arith.constant 0 : i32
      %dma_wait3A_940 = tpu.memref_slice %arg10[%dma_wait3A_938, %dma_wait3A_939] : memref<2x64xi32, #tpu.memory_space<vmem>> -> memref<1x64xi32, #tpu.memory_space<vmem>>
      %dma_wait3A_941 = tpu.memref_squeeze %dma_wait3A_940 : memref<1x64xi32, #tpu.memory_space<vmem>> -> memref<64xi32, #tpu.memory_space<vmem>>
      %dma_wait3A_942 = arith.constant 0 : i32
      %dma_wait3A_943 = arith.constant 0 : i32
      %dma_wait3A_944 = tpu.memref_slice %arg18[%dma_wait3A_942, %dma_wait3A_943] : memref<10240x128xf32, #tpu.memory_space<vmem_shared>> -> memref<10240x128xf32, #tpu.memory_space<vmem_shared>>
      tpu.wait_indirect_dma semaphore(%arg28 : memref<!tpu.dma_semaphore, #tpu.memory_space<semaphore_mem>>) src(%arg12 : memref<64x128xf32, #tpu.memory_space<vmem>>) dst(%dma_wait3A_944 : memref<10240x128xf32, #tpu.memory_space<vmem_shared>>)
      %add3A_945 = arith.constant 2 : i32
      %add3A_946 = arith.addi %add3A_937, %add3A_945 : i32
      %mul3A_947 = arith.constant 64 : i32
      %mul3A_948 = arith.muli %add3A_946, %mul3A_947 : i32
      %add3A_949 = arith.addi %mul3A_2, %mul3A_948 : i32
      %multiple_of3A_950 = tpu.assume_multiple %add3A_949, 8 : i32
      %dma_start3A_951 = arith.constant 0 : i32
      %dma_start3A_952 = arith.constant 0 : i32
      %dma_start3A_953 = tpu.memref_slice %arg10[%dma_start3A_951, %dma_start3A_952] : memref<2x64xi32, #tpu.memory_space<vmem>> -> memref<1x64xi32, #tpu.memory_space<vmem>>
      %dma_start3A_954 = tpu.memref_squeeze %dma_start3A_953 : memref<1x64xi32, #tpu.memory_space<vmem>> -> memref<64xi32, #tpu.memory_space<vmem>>
      %dma_start3A_955 = tpu.memref_slice %arg4[%multiple_of3A_950] : memref<320000xi32, #tpu.memory_space<hbm>> -> memref<64xi32, #tpu.memory_space<hbm>>
      %dma_start3A_956 = arith.constant 0 : i32
      %dma_start3A_957 = tpu.memref_slice %arg10[%dma_start3A_951, %dma_start3A_956] : memref<2x64xi32, #tpu.memory_space<vmem>> -> memref<1x64xi32, #tpu.memory_space<vmem>>
      %dma_start3A_958 = tpu.memref_squeeze %dma_start3A_957 : memref<1x64xi32, #tpu.memory_space<vmem>> -> memref<64xi32, #tpu.memory_space<vmem>>
      %dma_start3A_959 = tpu.memref_slice %arg4[%multiple_of3A_950] : memref<320000xi32, #tpu.memory_space<hbm>> -> memref<64xi32, #tpu.memory_space<hbm>>
      tpu.enqueue_dma source(%dma_start3A_959 : memref<64xi32, #tpu.memory_space<hbm>>) target(%dma_start3A_958 : memref<64xi32, #tpu.memory_space<vmem>>) target_semaphore(%arg21 : memref<!tpu.dma_semaphore, #tpu.memory_space<semaphore_mem>>)
      %dma_start3A_960 = arith.constant 1 : i32
      %dma_start3A_961 = arith.constant 0 : i32
      %dma_start3A_962 = tpu.memref_slice %arg10[%dma_start3A_960, %dma_start3A_961] : memref<2x64xi32, #tpu.memory_space<vmem>> -> memref<1x64xi32, #tpu.memory_space<vmem>>
      %dma_start3A_963 = tpu.memref_squeeze %dma_start3A_962 : memref<1x64xi32, #tpu.memory_space<vmem>> -> memref<64xi32, #tpu.memory_space<vmem>>
      %dma_start3A_964 = tpu.memref_slice %arg5[%multiple_of3A_950] : memref<320000xi32, #tpu.memory_space<hbm>> -> memref<64xi32, #tpu.memory_space<hbm>>
      %dma_start3A_965 = arith.constant 0 : i32
      %dma_start3A_966 = tpu.memref_slice %arg10[%dma_start3A_960, %dma_start3A_965] : memref<2x64xi32, #tpu.memory_space<vmem>> -> memref<1x64xi32, #tpu.memory_space<vmem>>
      %dma_start3A_967 = tpu.memref_squeeze %dma_start3A_966 : memref<1x64xi32, #tpu.memory_space<vmem>> -> memref<64xi32, #tpu.memory_space<vmem>>
      %dma_start3A_968 = tpu.memref_slice %arg5[%multiple_of3A_950] : memref<320000xi32, #tpu.memory_space<hbm>> -> memref<64xi32, #tpu.memory_space<hbm>>
      tpu.enqueue_dma source(%dma_start3A_968 : memref<64xi32, #tpu.memory_space<hbm>>) target(%dma_start3A_967 : memref<64xi32, #tpu.memory_space<vmem>>) target_semaphore(%arg21 : memref<!tpu.dma_semaphore, #tpu.memory_space<semaphore_mem>>)
      %add3A_969 = arith.constant 1 : i32
      %add3A_970 = arith.addi %add3A_937, %add3A_969 : i32
      %mul3A_971 = arith.constant 64 : i32
      %mul3A_972 = arith.muli %add3A_970, %mul3A_971 : i32
      %add3A_973 = arith.addi %mul3A_2, %mul3A_972 : i32
      %multiple_of3A_974 = tpu.assume_multiple %add3A_973, 8 : i32
      %dma_start3A_975 = arith.constant 0 : i32
      %dma_start3A_976 = tpu.memref_slice %arg3[%multiple_of3A_974, %dma_start3A_975] : memref<320000x128xf32, #tpu.memory_space<hbm>> -> memref<64x128xf32, #tpu.memory_space<hbm>>
      %dma_start3A_977 = arith.constant 0 : i32
      %dma_start3A_978 = tpu.memref_slice %arg3[%multiple_of3A_974, %dma_start3A_977] : memref<320000x128xf32, #tpu.memory_space<hbm>> -> memref<64x128xf32, #tpu.memory_space<hbm>>
      tpu.enqueue_dma source(%dma_start3A_978 : memref<64x128xf32, #tpu.memory_space<hbm>>) target(%arg12 : memref<64x128xf32, #tpu.memory_space<vmem>>) target_semaphore(%arg23 : memref<!tpu.dma_semaphore, #tpu.memory_space<semaphore_mem>>)
      %dma_wait3A_979 = arith.constant 0 : i32
      %dma_wait3A_980 = arith.constant 0 : i32
      %dma_wait3A_981 = tpu.memref_slice %arg9[%dma_wait3A_979, %dma_wait3A_980] : memref<2x64xi32, #tpu.memory_space<vmem>> -> memref<1x64xi32, #tpu.memory_space<vmem>>
      %dma_wait3A_982 = tpu.memref_squeeze %dma_wait3A_981 : memref<1x64xi32, #tpu.memory_space<vmem>> -> memref<64xi32, #tpu.memory_space<vmem>>
      %dma_wait3A_983 = arith.constant 0 : i32
      %dma_wait3A_984 = tpu.memref_slice %arg4[%dma_wait3A_983] : memref<320000xi32, #tpu.memory_space<hbm>> -> memref<64xi32, #tpu.memory_space<hbm>>
      %dma_wait3A_985 = arith.constant 0 : i32
      %dma_wait3A_986 = tpu.memref_slice %arg9[%dma_wait3A_979, %dma_wait3A_985] : memref<2x64xi32, #tpu.memory_space<vmem>> -> memref<1x64xi32, #tpu.memory_space<vmem>>
      %dma_wait3A_987 = tpu.memref_squeeze %dma_wait3A_986 : memref<1x64xi32, #tpu.memory_space<vmem>> -> memref<64xi32, #tpu.memory_space<vmem>>
      %dma_wait3A_988 = arith.constant 0 : i32
      %dma_wait3A_989 = tpu.memref_slice %arg4[%dma_wait3A_988] : memref<320000xi32, #tpu.memory_space<hbm>> -> memref<64xi32, #tpu.memory_space<hbm>>
      tpu.wait_dma2 semaphore(%arg20 : memref<!tpu.dma_semaphore, #tpu.memory_space<semaphore_mem>>) src(%dma_wait3A_989 : memref<64xi32, #tpu.memory_space<hbm>>) dst(%dma_wait3A_987 : memref<64xi32, #tpu.memory_space<vmem>>)
      %dma_wait3A_990 = arith.constant 1 : i32
      %dma_wait3A_991 = arith.constant 0 : i32
      %dma_wait3A_992 = tpu.memref_slice %arg9[%dma_wait3A_990, %dma_wait3A_991] : memref<2x64xi32, #tpu.memory_space<vmem>> -> memref<1x64xi32, #tpu.memory_space<vmem>>
      %dma_wait3A_993 = tpu.memref_squeeze %dma_wait3A_992 : memref<1x64xi32, #tpu.memory_space<vmem>> -> memref<64xi32, #tpu.memory_space<vmem>>
      %dma_wait3A_994 = arith.constant 0 : i32
      %dma_wait3A_995 = tpu.memref_slice %arg5[%dma_wait3A_994] : memref<320000xi32, #tpu.memory_space<hbm>> -> memref<64xi32, #tpu.memory_space<hbm>>
      %dma_wait3A_996 = arith.constant 0 : i32
      %dma_wait3A_997 = tpu.memref_slice %arg9[%dma_wait3A_990, %dma_wait3A_996] : memref<2x64xi32, #tpu.memory_space<vmem>> -> memref<1x64xi32, #tpu.memory_space<vmem>>
      %dma_wait3A_998 = tpu.memref_squeeze %dma_wait3A_997 : memref<1x64xi32, #tpu.memory_space<vmem>> -> memref<64xi32, #tpu.memory_space<vmem>>
      %dma_wait3A_999 = arith.constant 0 : i32
      %dma_wait3A_1000 = tpu.memref_slice %arg5[%dma_wait3A_999] : memref<320000xi32, #tpu.memory_space<hbm>> -> memref<64xi32, #tpu.memory_space<hbm>>
      tpu.wait_dma2 semaphore(%arg20 : memref<!tpu.dma_semaphore, #tpu.memory_space<semaphore_mem>>) src(%dma_wait3A_1000 : memref<64xi32, #tpu.memory_space<hbm>>) dst(%dma_wait3A_998 : memref<64xi32, #tpu.memory_space<vmem>>)
      %dma_start3A_1001 = arith.constant 0 : i32
      %dma_start3A_1002 = arith.constant 0 : i32
      %dma_start3A_1003 = tpu.memref_slice %arg9[%dma_start3A_1001, %dma_start3A_1002] : memref<2x64xi32, #tpu.memory_space<vmem>> -> memref<1x64xi32, #tpu.memory_space<vmem>>
      %dma_start3A_1004 = tpu.memref_squeeze %dma_start3A_1003 : memref<1x64xi32, #tpu.memory_space<vmem>> -> memref<64xi32, #tpu.memory_space<vmem>>
      %dma_start3A_1005 = arith.constant 0 : i32
      %dma_start3A_1006 = arith.constant 0 : i32
      %dma_start3A_1007 = tpu.memref_slice %arg2[%dma_start3A_1005, %dma_start3A_1006] : memref<10000x128xf32, #tpu.memory_space<hbm>> -> memref<10000x128xf32, #tpu.memory_space<hbm>>
      tpu.enqueue_indirect_dma source(%dma_start3A_1007 : memref<10000x128xf32, #tpu.memory_space<hbm>>) target(%arg16 : memref<64x128xf32, #tpu.memory_space<vmem>>) offsets(%dma_start3A_1004 : memref<64xi32, #tpu.memory_space<vmem>>) semaphore(%arg27 : memref<!tpu.dma_semaphore, #tpu.memory_space<semaphore_mem>>)
      %dma_wait3A_1008 = arith.constant 0 : i32
      %dma_wait3A_1009 = arith.constant 0 : i32
      %dma_wait3A_1010 = tpu.memref_slice %arg8[%dma_wait3A_1008, %dma_wait3A_1009] : memref<2x64xi32, #tpu.memory_space<vmem>> -> memref<1x64xi32, #tpu.memory_space<vmem>>
      %dma_wait3A_1011 = tpu.memref_squeeze %dma_wait3A_1010 : memref<1x64xi32, #tpu.memory_space<vmem>> -> memref<64xi32, #tpu.memory_space<vmem>>
      %dma_wait3A_1012 = arith.constant 0 : i32
      %dma_wait3A_1013 = arith.constant 0 : i32
      %dma_wait3A_1014 = tpu.memref_slice %arg2[%dma_wait3A_1012, %dma_wait3A_1013] : memref<10000x128xf32, #tpu.memory_space<hbm>> -> memref<10000x128xf32, #tpu.memory_space<hbm>>
      tpu.wait_indirect_dma semaphore(%arg26 : memref<!tpu.dma_semaphore, #tpu.memory_space<semaphore_mem>>) src(%dma_wait3A_1014 : memref<10000x128xf32, #tpu.memory_space<hbm>>) dst(%arg15 : memref<64x128xf32, #tpu.memory_space<vmem>>)
      %dma_wait3A_1015 = arith.constant 0 : i32
      %dma_wait3A_1016 = arith.constant 0 : i32
      %dma_wait3A_1017 = tpu.memref_slice %arg3[%dma_wait3A_1015, %dma_wait3A_1016] : memref<320000x128xf32, #tpu.memory_space<hbm>> -> memref<64x128xf32, #tpu.memory_space<hbm>>
      %dma_wait3A_1018 = arith.constant 0 : i32
      %dma_wait3A_1019 = arith.constant 0 : i32
      %dma_wait3A_1020 = tpu.memref_slice %arg3[%dma_wait3A_1018, %dma_wait3A_1019] : memref<320000x128xf32, #tpu.memory_space<hbm>> -> memref<64x128xf32, #tpu.memory_space<hbm>>
      tpu.wait_dma2 semaphore(%arg25 : memref<!tpu.dma_semaphore, #tpu.memory_space<semaphore_mem>>) src(%dma_wait3A_1020 : memref<64x128xf32, #tpu.memory_space<hbm>>) dst(%arg14 : memref<64x128xf32, #tpu.memory_space<vmem>>)
      %scan3A_1021 = arith.constant 0 : i32
      %scan3A_1022 = arith.constant 0 : i32
      %scan3A_1023 = arith.constant 64 : i32
      %scan3A_1024 = arith.addi %scan3A_1022, %scan3A_1023 : i32
      %scan3A_1025 = arith.constant 1 : i32
      scf.for %scan3A_1261 = %scan3A_1022 to %scan3A_1024 step %scan3A_1025  : i32 {
        %get3A = arith.index_cast %scan3A_1261 : i32 to index
        %get3A_1262 = arith.constant 0 : index
        %get3A_1263 = tpu.vector_load %arg14[%get3A, %get3A_1262] {strides = array<i32>} : memref<64x128xf32, #tpu.memory_space<vmem>>, vector<1x16xf32>,
        %get3A_1264 = vector.shape_cast %get3A_1263 : vector<1x16xf32> to vector<16xf32>
        %get3A_1265 = arith.index_cast %scan3A_1261 : i32 to index
        %get3A_1266 = arith.constant 0 : index
        %get3A_1267 = tpu.vector_load %arg15[%get3A_1265, %get3A_1266] {strides = array<i32>} : memref<64x128xf32, #tpu.memory_space<vmem>>, vector<1x16xf32>,
        %get3A_1268 = vector.shape_cast %get3A_1267 : vector<1x16xf32> to vector<16xf32>
        %mul3A_1269 = arith.mulf %get3A_1264, %get3A_1268 : vector<16xf32>
        %mul3A_1270 = arith.constant 1.000000e-01 : f32
        %mul3A_1271 = vector.broadcast %mul3A_1270 : f32 to vector<16xf32>
        %mul3A_1272 = arith.mulf %mul3A_1269, %mul3A_1271 : vector<16xf32>
        %max3A = arith.maximumf %mul3A_1269, %mul3A_1272 : vector<16xf32>
        %swap3A = arith.index_cast %scan3A_1261 : i32 to index
        %swap3A_1273 = arith.constant 0 : index
        %swap3A_1274 = tpu.vector_load %arg14[%swap3A, %swap3A_1273] {strides = array<i32>} : memref<64x128xf32, #tpu.memory_space<vmem>>, vector<1x16xf32>,
        %swap3A_1275 = vector.shape_cast %swap3A_1274 : vector<1x16xf32> to vector<16xf32>
        %swap3A_1276 = vector.shape_cast %max3A : vector<16xf32> to vector<1x16xf32>
        tpu.vector_store %arg14[%swap3A, %swap3A_1273], %swap3A_1276 {strides = array<i32>} : memref<64x128xf32, #tpu.memory_space<vmem>>, vector<1x16xf32>,
        %get3A_1277 = arith.index_cast %scan3A_1261 : i32 to index
        %get3A_1278 = arith.constant 16 : index
        %get3A_1279 = tpu.vector_load %arg14[%get3A_1277, %get3A_1278] {strides = array<i32>} : memref<64x128xf32, #tpu.memory_space<vmem>>, vector<1x16xf32>,
        %get3A_1280 = vector.shape_cast %get3A_1279 : vector<1x16xf32> to vector<16xf32>
        %get3A_1281 = arith.index_cast %scan3A_1261 : i32 to index
        %get3A_1282 = arith.constant 16 : index
        %get3A_1283 = tpu.vector_load %arg15[%get3A_1281, %get3A_1282] {strides = array<i32>} : memref<64x128xf32, #tpu.memory_space<vmem>>, vector<1x16xf32>,
        %get3A_1284 = vector.shape_cast %get3A_1283 : vector<1x16xf32> to vector<16xf32>
        %mul3A_1285 = arith.mulf %get3A_1280, %get3A_1284 : vector<16xf32>
        %mul3A_1286 = arith.constant 1.000000e-01 : f32
        %mul3A_1287 = vector.broadcast %mul3A_1286 : f32 to vector<16xf32>
        %mul3A_1288 = arith.mulf %mul3A_1285, %mul3A_1287 : vector<16xf32>
        %max3A_1289 = arith.maximumf %mul3A_1285, %mul3A_1288 : vector<16xf32>
        %swap3A_1290 = arith.index_cast %scan3A_1261 : i32 to index
        %swap3A_1291 = arith.constant 16 : index
        %swap3A_1292 = tpu.vector_load %arg14[%swap3A_1290, %swap3A_1291] {strides = array<i32>} : memref<64x128xf32, #tpu.memory_space<vmem>>, vector<1x16xf32>,
        %swap3A_1293 = vector.shape_cast %swap3A_1292 : vector<1x16xf32> to vector<16xf32>
        %swap3A_1294 = vector.shape_cast %max3A_1289 : vector<16xf32> to vector<1x16xf32>
        tpu.vector_store %arg14[%swap3A_1290, %swap3A_1291], %swap3A_1294 {strides = array<i32>} : memref<64x128xf32, #tpu.memory_space<vmem>>, vector<1x16xf32>,
        %get3A_1295 = arith.index_cast %scan3A_1261 : i32 to index
        %get3A_1296 = arith.constant 32 : index
        %get3A_1297 = tpu.vector_load %arg14[%get3A_1295, %get3A_1296] {strides = array<i32>} : memref<64x128xf32, #tpu.memory_space<vmem>>, vector<1x16xf32>,
        %get3A_1298 = vector.shape_cast %get3A_1297 : vector<1x16xf32> to vector<16xf32>
        %get3A_1299 = arith.index_cast %scan3A_1261 : i32 to index
        %get3A_1300 = arith.constant 32 : index
        %get3A_1301 = tpu.vector_load %arg15[%get3A_1299, %get3A_1300] {strides = array<i32>} : memref<64x128xf32, #tpu.memory_space<vmem>>, vector<1x16xf32>,
        %get3A_1302 = vector.shape_cast %get3A_1301 : vector<1x16xf32> to vector<16xf32>
        %mul3A_1303 = arith.mulf %get3A_1298, %get3A_1302 : vector<16xf32>
        %mul3A_1304 = arith.constant 1.000000e-01 : f32
        %mul3A_1305 = vector.broadcast %mul3A_1304 : f32 to vector<16xf32>
        %mul3A_1306 = arith.mulf %mul3A_1303, %mul3A_1305 : vector<16xf32>
        %max3A_1307 = arith.maximumf %mul3A_1303, %mul3A_1306 : vector<16xf32>
        %swap3A_1308 = arith.index_cast %scan3A_1261 : i32 to index
        %swap3A_1309 = arith.constant 32 : index
        %swap3A_1310 = tpu.vector_load %arg14[%swap3A_1308, %swap3A_1309] {strides = array<i32>} : memref<64x128xf32, #tpu.memory_space<vmem>>, vector<1x16xf32>,
        %swap3A_1311 = vector.shape_cast %swap3A_1310 : vector<1x16xf32> to vector<16xf32>
        %swap3A_1312 = vector.shape_cast %max3A_1307 : vector<16xf32> to vector<1x16xf32>
        tpu.vector_store %arg14[%swap3A_1308, %swap3A_1309], %swap3A_1312 {strides = array<i32>} : memref<64x128xf32, #tpu.memory_space<vmem>>, vector<1x16xf32>,
        %get3A_1313 = arith.index_cast %scan3A_1261 : i32 to index
        %get3A_1314 = arith.constant 48 : index
        %get3A_1315 = tpu.vector_load %arg14[%get3A_1313, %get3A_1314] {strides = array<i32>} : memref<64x128xf32, #tpu.memory_space<vmem>>, vector<1x16xf32>,
        %get3A_1316 = vector.shape_cast %get3A_1315 : vector<1x16xf32> to vector<16xf32>
        %get3A_1317 = arith.index_cast %scan3A_1261 : i32 to index
        %get3A_1318 = arith.constant 48 : index
        %get3A_1319 = tpu.vector_load %arg15[%get3A_1317, %get3A_1318] {strides = array<i32>} : memref<64x128xf32, #tpu.memory_space<vmem>>, vector<1x16xf32>,
        %get3A_1320 = vector.shape_cast %get3A_1319 : vector<1x16xf32> to vector<16xf32>
        %mul3A_1321 = arith.mulf %get3A_1316, %get3A_1320 : vector<16xf32>
        %mul3A_1322 = arith.constant 1.000000e-01 : f32
        %mul3A_1323 = vector.broadcast %mul3A_1322 : f32 to vector<16xf32>
        %mul3A_1324 = arith.mulf %mul3A_1321, %mul3A_1323 : vector<16xf32>
        %max3A_1325 = arith.maximumf %mul3A_1321, %mul3A_1324 : vector<16xf32>
        %swap3A_1326 = arith.index_cast %scan3A_1261 : i32 to index
        %swap3A_1327 = arith.constant 48 : index
        %swap3A_1328 = tpu.vector_load %arg14[%swap3A_1326, %swap3A_1327] {strides = array<i32>} : memref<64x128xf32, #tpu.memory_space<vmem>>, vector<1x16xf32>,
        %swap3A_1329 = vector.shape_cast %swap3A_1328 : vector<1x16xf32> to vector<16xf32>
        %swap3A_1330 = vector.shape_cast %max3A_1325 : vector<16xf32> to vector<1x16xf32>
        tpu.vector_store %arg14[%swap3A_1326, %swap3A_1327], %swap3A_1330 {strides = array<i32>} : memref<64x128xf32, #tpu.memory_space<vmem>>, vector<1x16xf32>,
        %get3A_1331 = arith.index_cast %scan3A_1261 : i32 to index
        %get3A_1332 = arith.constant 64 : index
        %get3A_1333 = tpu.vector_load %arg14[%get3A_1331, %get3A_1332] {strides = array<i32>} : memref<64x128xf32, #tpu.memory_space<vmem>>, vector<1x16xf32>,
        %get3A_1334 = vector.shape_cast %get3A_1333 : vector<1x16xf32> to vector<16xf32>
        %get3A_1335 = arith.index_cast %scan3A_1261 : i32 to index
        %get3A_1336 = arith.constant 64 : index
        %get3A_1337 = tpu.vector_load %arg15[%get3A_1335, %get3A_1336] {strides = array<i32>} : memref<64x128xf32, #tpu.memory_space<vmem>>, vector<1x16xf32>,
        %get3A_1338 = vector.shape_cast %get3A_1337 : vector<1x16xf32> to vector<16xf32>
        %mul3A_1339 = arith.mulf %get3A_1334, %get3A_1338 : vector<16xf32>
        %mul3A_1340 = arith.constant 1.000000e-01 : f32
        %mul3A_1341 = vector.broadcast %mul3A_1340 : f32 to vector<16xf32>
        %mul3A_1342 = arith.mulf %mul3A_1339, %mul3A_1341 : vector<16xf32>
        %max3A_1343 = arith.maximumf %mul3A_1339, %mul3A_1342 : vector<16xf32>
        %swap3A_1344 = arith.index_cast %scan3A_1261 : i32 to index
        %swap3A_1345 = arith.constant 64 : index
        %swap3A_1346 = tpu.vector_load %arg14[%swap3A_1344, %swap3A_1345] {strides = array<i32>} : memref<64x128xf32, #tpu.memory_space<vmem>>, vector<1x16xf32>,
        %swap3A_1347 = vector.shape_cast %swap3A_1346 : vector<1x16xf32> to vector<16xf32>
        %swap3A_1348 = vector.shape_cast %max3A_1343 : vector<16xf32> to vector<1x16xf32>
        tpu.vector_store %arg14[%swap3A_1344, %swap3A_1345], %swap3A_1348 {strides = array<i32>} : memref<64x128xf32, #tpu.memory_space<vmem>>, vector<1x16xf32>,
        %get3A_1349 = arith.index_cast %scan3A_1261 : i32 to index
        %get3A_1350 = arith.constant 80 : index
        %get3A_1351 = tpu.vector_load %arg14[%get3A_1349, %get3A_1350] {strides = array<i32>} : memref<64x128xf32, #tpu.memory_space<vmem>>, vector<1x16xf32>,
        %get3A_1352 = vector.shape_cast %get3A_1351 : vector<1x16xf32> to vector<16xf32>
        %get3A_1353 = arith.index_cast %scan3A_1261 : i32 to index
        %get3A_1354 = arith.constant 80 : index
        %get3A_1355 = tpu.vector_load %arg15[%get3A_1353, %get3A_1354] {strides = array<i32>} : memref<64x128xf32, #tpu.memory_space<vmem>>, vector<1x16xf32>,
        %get3A_1356 = vector.shape_cast %get3A_1355 : vector<1x16xf32> to vector<16xf32>
        %mul3A_1357 = arith.mulf %get3A_1352, %get3A_1356 : vector<16xf32>
        %mul3A_1358 = arith.constant 1.000000e-01 : f32
        %mul3A_1359 = vector.broadcast %mul3A_1358 : f32 to vector<16xf32>
        %mul3A_1360 = arith.mulf %mul3A_1357, %mul3A_1359 : vector<16xf32>
        %max3A_1361 = arith.maximumf %mul3A_1357, %mul3A_1360 : vector<16xf32>
        %swap3A_1362 = arith.index_cast %scan3A_1261 : i32 to index
        %swap3A_1363 = arith.constant 80 : index
        %swap3A_1364 = tpu.vector_load %arg14[%swap3A_1362, %swap3A_1363] {strides = array<i32>} : memref<64x128xf32, #tpu.memory_space<vmem>>, vector<1x16xf32>,
        %swap3A_1365 = vector.shape_cast %swap3A_1364 : vector<1x16xf32> to vector<16xf32>
        %swap3A_1366 = vector.shape_cast %max3A_1361 : vector<16xf32> to vector<1x16xf32>
        tpu.vector_store %arg14[%swap3A_1362, %swap3A_1363], %swap3A_1366 {strides = array<i32>} : memref<64x128xf32, #tpu.memory_space<vmem>>, vector<1x16xf32>,
        %get3A_1367 = arith.index_cast %scan3A_1261 : i32 to index
        %get3A_1368 = arith.constant 96 : index
        %get3A_1369 = tpu.vector_load %arg14[%get3A_1367, %get3A_1368] {strides = array<i32>} : memref<64x128xf32, #tpu.memory_space<vmem>>, vector<1x16xf32>,
        %get3A_1370 = vector.shape_cast %get3A_1369 : vector<1x16xf32> to vector<16xf32>
        %get3A_1371 = arith.index_cast %scan3A_1261 : i32 to index
        %get3A_1372 = arith.constant 96 : index
        %get3A_1373 = tpu.vector_load %arg15[%get3A_1371, %get3A_1372] {strides = array<i32>} : memref<64x128xf32, #tpu.memory_space<vmem>>, vector<1x16xf32>,
        %get3A_1374 = vector.shape_cast %get3A_1373 : vector<1x16xf32> to vector<16xf32>
        %mul3A_1375 = arith.mulf %get3A_1370, %get3A_1374 : vector<16xf32>
        %mul3A_1376 = arith.constant 1.000000e-01 : f32
        %mul3A_1377 = vector.broadcast %mul3A_1376 : f32 to vector<16xf32>
        %mul3A_1378 = arith.mulf %mul3A_1375, %mul3A_1377 : vector<16xf32>
        %max3A_1379 = arith.maximumf %mul3A_1375, %mul3A_1378 : vector<16xf32>
        %swap3A_1380 = arith.index_cast %scan3A_1261 : i32 to index
        %swap3A_1381 = arith.constant 96 : index
        %swap3A_1382 = tpu.vector_load %arg14[%swap3A_1380, %swap3A_1381] {strides = array<i32>} : memref<64x128xf32, #tpu.memory_space<vmem>>, vector<1x16xf32>,
        %swap3A_1383 = vector.shape_cast %swap3A_1382 : vector<1x16xf32> to vector<16xf32>
        %swap3A_1384 = vector.shape_cast %max3A_1379 : vector<16xf32> to vector<1x16xf32>
        tpu.vector_store %arg14[%swap3A_1380, %swap3A_1381], %swap3A_1384 {strides = array<i32>} : memref<64x128xf32, #tpu.memory_space<vmem>>, vector<1x16xf32>,
        %get3A_1385 = arith.index_cast %scan3A_1261 : i32 to index
        %get3A_1386 = arith.constant 112 : index
        %get3A_1387 = tpu.vector_load %arg14[%get3A_1385, %get3A_1386] {strides = array<i32>} : memref<64x128xf32, #tpu.memory_space<vmem>>, vector<1x16xf32>,
        %get3A_1388 = vector.shape_cast %get3A_1387 : vector<1x16xf32> to vector<16xf32>
        %get3A_1389 = arith.index_cast %scan3A_1261 : i32 to index
        %get3A_1390 = arith.constant 112 : index
        %get3A_1391 = tpu.vector_load %arg15[%get3A_1389, %get3A_1390] {strides = array<i32>} : memref<64x128xf32, #tpu.memory_space<vmem>>, vector<1x16xf32>,
        %get3A_1392 = vector.shape_cast %get3A_1391 : vector<1x16xf32> to vector<16xf32>
        %mul3A_1393 = arith.mulf %get3A_1388, %get3A_1392 : vector<16xf32>
        %mul3A_1394 = arith.constant 1.000000e-01 : f32
        %mul3A_1395 = vector.broadcast %mul3A_1394 : f32 to vector<16xf32>
        %mul3A_1396 = arith.mulf %mul3A_1393, %mul3A_1395 : vector<16xf32>
        %max3A_1397 = arith.maximumf %mul3A_1393, %mul3A_1396 : vector<16xf32>
        %swap3A_1398 = arith.index_cast %scan3A_1261 : i32 to index
        %swap3A_1399 = arith.constant 112 : index
        %swap3A_1400 = tpu.vector_load %arg14[%swap3A_1398, %swap3A_1399] {strides = array<i32>} : memref<64x128xf32, #tpu.memory_space<vmem>>, vector<1x16xf32>,
        %swap3A_1401 = vector.shape_cast %swap3A_1400 : vector<1x16xf32> to vector<16xf32>
        %swap3A_1402 = vector.shape_cast %max3A_1397 : vector<16xf32> to vector<1x16xf32>
        tpu.vector_store %arg14[%swap3A_1398, %swap3A_1399], %swap3A_1402 {strides = array<i32>} : memref<64x128xf32, #tpu.memory_space<vmem>>, vector<1x16xf32>,
      }
      %scan3A_1026 = arith.constant 64 : i32
      %dma_start3A_1027 = arith.constant 1 : i32
      %dma_start3A_1028 = arith.constant 0 : i32
      %dma_start3A_1029 = tpu.memref_slice %arg8[%dma_start3A_1027, %dma_start3A_1028] : memref<2x64xi32, #tpu.memory_space<vmem>> -> memref<1x64xi32, #tpu.memory_space<vmem>>
      %dma_start3A_1030 = tpu.memref_squeeze %dma_start3A_1029 : memref<1x64xi32, #tpu.memory_space<vmem>> -> memref<64xi32, #tpu.memory_space<vmem>>
      %dma_start3A_1031 = arith.constant 0 : i32
      %dma_start3A_1032 = arith.constant 0 : i32
      %dma_start3A_1033 = tpu.memref_slice %arg18[%dma_start3A_1031, %dma_start3A_1032] : memref<10240x128xf32, #tpu.memory_space<vmem_shared>> -> memref<10240x128xf32, #tpu.memory_space<vmem_shared>>
      tpu.enqueue_indirect_dma source(%arg14 : memref<64x128xf32, #tpu.memory_space<vmem>>) target(%dma_start3A_1033 : memref<10240x128xf32, #tpu.memory_space<vmem_shared>>) offsets(%dma_start3A_1030 : memref<64xi32, #tpu.memory_space<vmem>>) semaphore(%arg30 : memref<!tpu.dma_semaphore, #tpu.memory_space<semaphore_mem>>) {add = true}
      %mul3A_1034 = arith.constant 12 : i32
      %mul3A_1035 = arith.muli %mul3A_1034, %scan3A_140 : i32
      %add3A_1036 = arith.constant 9 : i32
      %add3A_1037 = arith.addi %mul3A_1035, %add3A_1036 : i32
      %dma_wait3A_1038 = arith.constant 1 : i32
      %dma_wait3A_1039 = arith.constant 0 : i32
      %dma_wait3A_1040 = tpu.memref_slice %arg11[%dma_wait3A_1038, %dma_wait3A_1039] : memref<2x64xi32, #tpu.memory_space<vmem>> -> memref<1x64xi32, #tpu.memory_space<vmem>>
      %dma_wait3A_1041 = tpu.memref_squeeze %dma_wait3A_1040 : memref<1x64xi32, #tpu.memory_space<vmem>> -> memref<64xi32, #tpu.memory_space<vmem>>
      %dma_wait3A_1042 = arith.constant 0 : i32
      %dma_wait3A_1043 = arith.constant 0 : i32
      %dma_wait3A_1044 = tpu.memref_slice %arg18[%dma_wait3A_1042, %dma_wait3A_1043] : memref<10240x128xf32, #tpu.memory_space<vmem_shared>> -> memref<10240x128xf32, #tpu.memory_space<vmem_shared>>
      tpu.wait_indirect_dma semaphore(%arg29 : memref<!tpu.dma_semaphore, #tpu.memory_space<semaphore_mem>>) src(%arg13 : memref<64x128xf32, #tpu.memory_space<vmem>>) dst(%dma_wait3A_1044 : memref<10240x128xf32, #tpu.memory_space<vmem_shared>>)
      %add3A_1045 = arith.constant 2 : i32
      %add3A_1046 = arith.addi %add3A_1037, %add3A_1045 : i32
      %mul3A_1047 = arith.constant 64 : i32
      %mul3A_1048 = arith.muli %add3A_1046, %mul3A_1047 : i32
      %add3A_1049 = arith.addi %mul3A_2, %mul3A_1048 : i32
      %multiple_of3A_1050 = tpu.assume_multiple %add3A_1049, 8 : i32
      %dma_start3A_1051 = arith.constant 0 : i32
      %dma_start3A_1052 = arith.constant 0 : i32
      %dma_start3A_1053 = tpu.memref_slice %arg11[%dma_start3A_1051, %dma_start3A_1052] : memref<2x64xi32, #tpu.memory_space<vmem>> -> memref<1x64xi32, #tpu.memory_space<vmem>>
      %dma_start3A_1054 = tpu.memref_squeeze %dma_start3A_1053 : memref<1x64xi32, #tpu.memory_space<vmem>> -> memref<64xi32, #tpu.memory_space<vmem>>
      %dma_start3A_1055 = tpu.memref_slice %arg4[%multiple_of3A_1050] : memref<320000xi32, #tpu.memory_space<hbm>> -> memref<64xi32, #tpu.memory_space<hbm>>
      %dma_start3A_1056 = arith.constant 0 : i32
      %dma_start3A_1057 = tpu.memref_slice %arg11[%dma_start3A_1051, %dma_start3A_1056] : memref<2x64xi32, #tpu.memory_space<vmem>> -> memref<1x64xi32, #tpu.memory_space<vmem>>
      %dma_start3A_1058 = tpu.memref_squeeze %dma_start3A_1057 : memref<1x64xi32, #tpu.memory_space<vmem>> -> memref<64xi32, #tpu.memory_space<vmem>>
      %dma_start3A_1059 = tpu.memref_slice %arg4[%multiple_of3A_1050] : memref<320000xi32, #tpu.memory_space<hbm>> -> memref<64xi32, #tpu.memory_space<hbm>>
      tpu.enqueue_dma source(%dma_start3A_1059 : memref<64xi32, #tpu.memory_space<hbm>>) target(%dma_start3A_1058 : memref<64xi32, #tpu.memory_space<vmem>>) target_semaphore(%arg22 : memref<!tpu.dma_semaphore, #tpu.memory_space<semaphore_mem>>)
      %dma_start3A_1060 = arith.constant 1 : i32
      %dma_start3A_1061 = arith.constant 0 : i32
      %dma_start3A_1062 = tpu.memref_slice %arg11[%dma_start3A_1060, %dma_start3A_1061] : memref<2x64xi32, #tpu.memory_space<vmem>> -> memref<1x64xi32, #tpu.memory_space<vmem>>
      %dma_start3A_1063 = tpu.memref_squeeze %dma_start3A_1062 : memref<1x64xi32, #tpu.memory_space<vmem>> -> memref<64xi32, #tpu.memory_space<vmem>>
      %dma_start3A_1064 = tpu.memref_slice %arg5[%multiple_of3A_1050] : memref<320000xi32, #tpu.memory_space<hbm>> -> memref<64xi32, #tpu.memory_space<hbm>>
      %dma_start3A_1065 = arith.constant 0 : i32
      %dma_start3A_1066 = tpu.memref_slice %arg11[%dma_start3A_1060, %dma_start3A_1065] : memref<2x64xi32, #tpu.memory_space<vmem>> -> memref<1x64xi32, #tpu.memory_space<vmem>>
      %dma_start3A_1067 = tpu.memref_squeeze %dma_start3A_1066 : memref<1x64xi32, #tpu.memory_space<vmem>> -> memref<64xi32, #tpu.memory_space<vmem>>
      %dma_start3A_1068 = tpu.memref_slice %arg5[%multiple_of3A_1050] : memref<320000xi32, #tpu.memory_space<hbm>> -> memref<64xi32, #tpu.memory_space<hbm>>
      tpu.enqueue_dma source(%dma_start3A_1068 : memref<64xi32, #tpu.memory_space<hbm>>) target(%dma_start3A_1067 : memref<64xi32, #tpu.memory_space<vmem>>) target_semaphore(%arg22 : memref<!tpu.dma_semaphore, #tpu.memory_space<semaphore_mem>>)
      %add3A_1069 = arith.constant 1 : i32
      %add3A_1070 = arith.addi %add3A_1037, %add3A_1069 : i32
      %mul3A_1071 = arith.constant 64 : i32
      %mul3A_1072 = arith.muli %add3A_1070, %mul3A_1071 : i32
      %add3A_1073 = arith.addi %mul3A_2, %mul3A_1072 : i32
      %multiple_of3A_1074 = tpu.assume_multiple %add3A_1073, 8 : i32
      %dma_start3A_1075 = arith.constant 0 : i32
      %dma_start3A_1076 = tpu.memref_slice %arg3[%multiple_of3A_1074, %dma_start3A_1075] : memref<320000x128xf32, #tpu.memory_space<hbm>> -> memref<64x128xf32, #tpu.memory_space<hbm>>
      %dma_start3A_1077 = arith.constant 0 : i32
      %dma_start3A_1078 = tpu.memref_slice %arg3[%multiple_of3A_1074, %dma_start3A_1077] : memref<320000x128xf32, #tpu.memory_space<hbm>> -> memref<64x128xf32, #tpu.memory_space<hbm>>
      tpu.enqueue_dma source(%dma_start3A_1078 : memref<64x128xf32, #tpu.memory_space<hbm>>) target(%arg13 : memref<64x128xf32, #tpu.memory_space<vmem>>) target_semaphore(%arg24 : memref<!tpu.dma_semaphore, #tpu.memory_space<semaphore_mem>>)
      %dma_wait3A_1079 = arith.constant 0 : i32
      %dma_wait3A_1080 = arith.constant 0 : i32
      %dma_wait3A_1081 = tpu.memref_slice %arg10[%dma_wait3A_1079, %dma_wait3A_1080] : memref<2x64xi32, #tpu.memory_space<vmem>> -> memref<1x64xi32, #tpu.memory_space<vmem>>
      %dma_wait3A_1082 = tpu.memref_squeeze %dma_wait3A_1081 : memref<1x64xi32, #tpu.memory_space<vmem>> -> memref<64xi32, #tpu.memory_space<vmem>>
      %dma_wait3A_1083 = arith.constant 0 : i32
      %dma_wait3A_1084 = tpu.memref_slice %arg4[%dma_wait3A_1083] : memref<320000xi32, #tpu.memory_space<hbm>> -> memref<64xi32, #tpu.memory_space<hbm>>
      %dma_wait3A_1085 = arith.constant 0 : i32
      %dma_wait3A_1086 = tpu.memref_slice %arg10[%dma_wait3A_1079, %dma_wait3A_1085] : memref<2x64xi32, #tpu.memory_space<vmem>> -> memref<1x64xi32, #tpu.memory_space<vmem>>
      %dma_wait3A_1087 = tpu.memref_squeeze %dma_wait3A_1086 : memref<1x64xi32, #tpu.memory_space<vmem>> -> memref<64xi32, #tpu.memory_space<vmem>>
      %dma_wait3A_1088 = arith.constant 0 : i32
      %dma_wait3A_1089 = tpu.memref_slice %arg4[%dma_wait3A_1088] : memref<320000xi32, #tpu.memory_space<hbm>> -> memref<64xi32, #tpu.memory_space<hbm>>
      tpu.wait_dma2 semaphore(%arg21 : memref<!tpu.dma_semaphore, #tpu.memory_space<semaphore_mem>>) src(%dma_wait3A_1089 : memref<64xi32, #tpu.memory_space<hbm>>) dst(%dma_wait3A_1087 : memref<64xi32, #tpu.memory_space<vmem>>)
      %dma_wait3A_1090 = arith.constant 1 : i32
      %dma_wait3A_1091 = arith.constant 0 : i32
      %dma_wait3A_1092 = tpu.memref_slice %arg10[%dma_wait3A_1090, %dma_wait3A_1091] : memref<2x64xi32, #tpu.memory_space<vmem>> -> memref<1x64xi32, #tpu.memory_space<vmem>>
      %dma_wait3A_1093 = tpu.memref_squeeze %dma_wait3A_1092 : memref<1x64xi32, #tpu.memory_space<vmem>> -> memref<64xi32, #tpu.memory_space<vmem>>
      %dma_wait3A_1094 = arith.constant 0 : i32
      %dma_wait3A_1095 = tpu.memref_slice %arg5[%dma_wait3A_1094] : memref<320000xi32, #tpu.memory_space<hbm>> -> memref<64xi32, #tpu.memory_space<hbm>>
      %dma_wait3A_1096 = arith.constant 0 : i32
      %dma_wait3A_1097 = tpu.memref_slice %arg10[%dma_wait3A_1090, %dma_wait3A_1096] : memref<2x64xi32, #tpu.memory_space<vmem>> -> memref<1x64xi32, #tpu.memory_space<vmem>>
      %dma_wait3A_1098 = tpu.memref_squeeze %dma_wait3A_1097 : memref<1x64xi32, #tpu.memory_space<vmem>> -> memref<64xi32, #tpu.memory_space<vmem>>
      %dma_wait3A_1099 = arith.constant 0 : i32
      %dma_wait3A_1100 = tpu.memref_slice %arg5[%dma_wait3A_1099] : memref<320000xi32, #tpu.memory_space<hbm>> -> memref<64xi32, #tpu.memory_space<hbm>>
      tpu.wait_dma2 semaphore(%arg21 : memref<!tpu.dma_semaphore, #tpu.memory_space<semaphore_mem>>) src(%dma_wait3A_1100 : memref<64xi32, #tpu.memory_space<hbm>>) dst(%dma_wait3A_1098 : memref<64xi32, #tpu.memory_space<vmem>>)
      %dma_start3A_1101 = arith.constant 0 : i32
      %dma_start3A_1102 = arith.constant 0 : i32
      %dma_start3A_1103 = tpu.memref_slice %arg10[%dma_start3A_1101, %dma_start3A_1102] : memref<2x64xi32, #tpu.memory_space<vmem>> -> memref<1x64xi32, #tpu.memory_space<vmem>>
      %dma_start3A_1104 = tpu.memref_squeeze %dma_start3A_1103 : memref<1x64xi32, #tpu.memory_space<vmem>> -> memref<64xi32, #tpu.memory_space<vmem>>
      %dma_start3A_1105 = arith.constant 0 : i32
      %dma_start3A_1106 = arith.constant 0 : i32
      %dma_start3A_1107 = tpu.memref_slice %arg2[%dma_start3A_1105, %dma_start3A_1106] : memref<10000x128xf32, #tpu.memory_space<hbm>> -> memref<10000x128xf32, #tpu.memory_space<hbm>>
      tpu.enqueue_indirect_dma source(%dma_start3A_1107 : memref<10000x128xf32, #tpu.memory_space<hbm>>) target(%arg15 : memref<64x128xf32, #tpu.memory_space<vmem>>) offsets(%dma_start3A_1104 : memref<64xi32, #tpu.memory_space<vmem>>) semaphore(%arg26 : memref<!tpu.dma_semaphore, #tpu.memory_space<semaphore_mem>>)
      %dma_wait3A_1108 = arith.constant 0 : i32
      %dma_wait3A_1109 = arith.constant 0 : i32
      %dma_wait3A_1110 = tpu.memref_slice %arg9[%dma_wait3A_1108, %dma_wait3A_1109] : memref<2x64xi32, #tpu.memory_space<vmem>> -> memref<1x64xi32, #tpu.memory_space<vmem>>
      %dma_wait3A_1111 = tpu.memref_squeeze %dma_wait3A_1110 : memref<1x64xi32, #tpu.memory_space<vmem>> -> memref<64xi32, #tpu.memory_space<vmem>>
      %dma_wait3A_1112 = arith.constant 0 : i32
      %dma_wait3A_1113 = arith.constant 0 : i32
      %dma_wait3A_1114 = tpu.memref_slice %arg2[%dma_wait3A_1112, %dma_wait3A_1113] : memref<10000x128xf32, #tpu.memory_space<hbm>> -> memref<10000x128xf32, #tpu.memory_space<hbm>>
      tpu.wait_indirect_dma semaphore(%arg27 : memref<!tpu.dma_semaphore, #tpu.memory_space<semaphore_mem>>) src(%dma_wait3A_1114 : memref<10000x128xf32, #tpu.memory_space<hbm>>) dst(%arg16 : memref<64x128xf32, #tpu.memory_space<vmem>>)
      %dma_wait3A_1115 = arith.constant 0 : i32
      %dma_wait3A_1116 = arith.constant 0 : i32
      %dma_wait3A_1117 = tpu.memref_slice %arg3[%dma_wait3A_1115, %dma_wait3A_1116] : memref<320000x128xf32, #tpu.memory_space<hbm>> -> memref<64x128xf32, #tpu.memory_space<hbm>>
      %dma_wait3A_1118 = arith.constant 0 : i32
      %dma_wait3A_1119 = arith.constant 0 : i32
      %dma_wait3A_1120 = tpu.memref_slice %arg3[%dma_wait3A_1118, %dma_wait3A_1119] : memref<320000x128xf32, #tpu.memory_space<hbm>> -> memref<64x128xf32, #tpu.memory_space<hbm>>
      tpu.wait_dma2 semaphore(%arg23 : memref<!tpu.dma_semaphore, #tpu.memory_space<semaphore_mem>>) src(%dma_wait3A_1120 : memref<64x128xf32, #tpu.memory_space<hbm>>) dst(%arg12 : memref<64x128xf32, #tpu.memory_space<vmem>>)
      %scan3A_1121 = arith.constant 0 : i32
      %scan3A_1122 = arith.constant 0 : i32
      %scan3A_1123 = arith.constant 64 : i32
      %scan3A_1124 = arith.addi %scan3A_1122, %scan3A_1123 : i32
      %scan3A_1125 = arith.constant 1 : i32
      scf.for %scan3A_1261 = %scan3A_1122 to %scan3A_1124 step %scan3A_1125  : i32 {
        %get3A = arith.index_cast %scan3A_1261 : i32 to index
        %get3A_1262 = arith.constant 0 : index
        %get3A_1263 = tpu.vector_load %arg12[%get3A, %get3A_1262] {strides = array<i32>} : memref<64x128xf32, #tpu.memory_space<vmem>>, vector<1x16xf32>,
        %get3A_1264 = vector.shape_cast %get3A_1263 : vector<1x16xf32> to vector<16xf32>
        %get3A_1265 = arith.index_cast %scan3A_1261 : i32 to index
        %get3A_1266 = arith.constant 0 : index
        %get3A_1267 = tpu.vector_load %arg16[%get3A_1265, %get3A_1266] {strides = array<i32>} : memref<64x128xf32, #tpu.memory_space<vmem>>, vector<1x16xf32>,
        %get3A_1268 = vector.shape_cast %get3A_1267 : vector<1x16xf32> to vector<16xf32>
        %mul3A_1269 = arith.mulf %get3A_1264, %get3A_1268 : vector<16xf32>
        %mul3A_1270 = arith.constant 1.000000e-01 : f32
        %mul3A_1271 = vector.broadcast %mul3A_1270 : f32 to vector<16xf32>
        %mul3A_1272 = arith.mulf %mul3A_1269, %mul3A_1271 : vector<16xf32>
        %max3A = arith.maximumf %mul3A_1269, %mul3A_1272 : vector<16xf32>
        %swap3A = arith.index_cast %scan3A_1261 : i32 to index
        %swap3A_1273 = arith.constant 0 : index
        %swap3A_1274 = tpu.vector_load %arg12[%swap3A, %swap3A_1273] {strides = array<i32>} : memref<64x128xf32, #tpu.memory_space<vmem>>, vector<1x16xf32>,
        %swap3A_1275 = vector.shape_cast %swap3A_1274 : vector<1x16xf32> to vector<16xf32>
        %swap3A_1276 = vector.shape_cast %max3A : vector<16xf32> to vector<1x16xf32>
        tpu.vector_store %arg12[%swap3A, %swap3A_1273], %swap3A_1276 {strides = array<i32>} : memref<64x128xf32, #tpu.memory_space<vmem>>, vector<1x16xf32>,
        %get3A_1277 = arith.index_cast %scan3A_1261 : i32 to index
        %get3A_1278 = arith.constant 16 : index
        %get3A_1279 = tpu.vector_load %arg12[%get3A_1277, %get3A_1278] {strides = array<i32>} : memref<64x128xf32, #tpu.memory_space<vmem>>, vector<1x16xf32>,
        %get3A_1280 = vector.shape_cast %get3A_1279 : vector<1x16xf32> to vector<16xf32>
        %get3A_1281 = arith.index_cast %scan3A_1261 : i32 to index
        %get3A_1282 = arith.constant 16 : index
        %get3A_1283 = tpu.vector_load %arg16[%get3A_1281, %get3A_1282] {strides = array<i32>} : memref<64x128xf32, #tpu.memory_space<vmem>>, vector<1x16xf32>,
        %get3A_1284 = vector.shape_cast %get3A_1283 : vector<1x16xf32> to vector<16xf32>
        %mul3A_1285 = arith.mulf %get3A_1280, %get3A_1284 : vector<16xf32>
        %mul3A_1286 = arith.constant 1.000000e-01 : f32
        %mul3A_1287 = vector.broadcast %mul3A_1286 : f32 to vector<16xf32>
        %mul3A_1288 = arith.mulf %mul3A_1285, %mul3A_1287 : vector<16xf32>
        %max3A_1289 = arith.maximumf %mul3A_1285, %mul3A_1288 : vector<16xf32>
        %swap3A_1290 = arith.index_cast %scan3A_1261 : i32 to index
        %swap3A_1291 = arith.constant 16 : index
        %swap3A_1292 = tpu.vector_load %arg12[%swap3A_1290, %swap3A_1291] {strides = array<i32>} : memref<64x128xf32, #tpu.memory_space<vmem>>, vector<1x16xf32>,
        %swap3A_1293 = vector.shape_cast %swap3A_1292 : vector<1x16xf32> to vector<16xf32>
        %swap3A_1294 = vector.shape_cast %max3A_1289 : vector<16xf32> to vector<1x16xf32>
        tpu.vector_store %arg12[%swap3A_1290, %swap3A_1291], %swap3A_1294 {strides = array<i32>} : memref<64x128xf32, #tpu.memory_space<vmem>>, vector<1x16xf32>,
        %get3A_1295 = arith.index_cast %scan3A_1261 : i32 to index
        %get3A_1296 = arith.constant 32 : index
        %get3A_1297 = tpu.vector_load %arg12[%get3A_1295, %get3A_1296] {strides = array<i32>} : memref<64x128xf32, #tpu.memory_space<vmem>>, vector<1x16xf32>,
        %get3A_1298 = vector.shape_cast %get3A_1297 : vector<1x16xf32> to vector<16xf32>
        %get3A_1299 = arith.index_cast %scan3A_1261 : i32 to index
        %get3A_1300 = arith.constant 32 : index
        %get3A_1301 = tpu.vector_load %arg16[%get3A_1299, %get3A_1300] {strides = array<i32>} : memref<64x128xf32, #tpu.memory_space<vmem>>, vector<1x16xf32>,
        %get3A_1302 = vector.shape_cast %get3A_1301 : vector<1x16xf32> to vector<16xf32>
        %mul3A_1303 = arith.mulf %get3A_1298, %get3A_1302 : vector<16xf32>
        %mul3A_1304 = arith.constant 1.000000e-01 : f32
        %mul3A_1305 = vector.broadcast %mul3A_1304 : f32 to vector<16xf32>
        %mul3A_1306 = arith.mulf %mul3A_1303, %mul3A_1305 : vector<16xf32>
        %max3A_1307 = arith.maximumf %mul3A_1303, %mul3A_1306 : vector<16xf32>
        %swap3A_1308 = arith.index_cast %scan3A_1261 : i32 to index
        %swap3A_1309 = arith.constant 32 : index
        %swap3A_1310 = tpu.vector_load %arg12[%swap3A_1308, %swap3A_1309] {strides = array<i32>} : memref<64x128xf32, #tpu.memory_space<vmem>>, vector<1x16xf32>,
        %swap3A_1311 = vector.shape_cast %swap3A_1310 : vector<1x16xf32> to vector<16xf32>
        %swap3A_1312 = vector.shape_cast %max3A_1307 : vector<16xf32> to vector<1x16xf32>
        tpu.vector_store %arg12[%swap3A_1308, %swap3A_1309], %swap3A_1312 {strides = array<i32>} : memref<64x128xf32, #tpu.memory_space<vmem>>, vector<1x16xf32>,
        %get3A_1313 = arith.index_cast %scan3A_1261 : i32 to index
        %get3A_1314 = arith.constant 48 : index
        %get3A_1315 = tpu.vector_load %arg12[%get3A_1313, %get3A_1314] {strides = array<i32>} : memref<64x128xf32, #tpu.memory_space<vmem>>, vector<1x16xf32>,
        %get3A_1316 = vector.shape_cast %get3A_1315 : vector<1x16xf32> to vector<16xf32>
        %get3A_1317 = arith.index_cast %scan3A_1261 : i32 to index
        %get3A_1318 = arith.constant 48 : index
        %get3A_1319 = tpu.vector_load %arg16[%get3A_1317, %get3A_1318] {strides = array<i32>} : memref<64x128xf32, #tpu.memory_space<vmem>>, vector<1x16xf32>,
        %get3A_1320 = vector.shape_cast %get3A_1319 : vector<1x16xf32> to vector<16xf32>
        %mul3A_1321 = arith.mulf %get3A_1316, %get3A_1320 : vector<16xf32>
        %mul3A_1322 = arith.constant 1.000000e-01 : f32
        %mul3A_1323 = vector.broadcast %mul3A_1322 : f32 to vector<16xf32>
        %mul3A_1324 = arith.mulf %mul3A_1321, %mul3A_1323 : vector<16xf32>
        %max3A_1325 = arith.maximumf %mul3A_1321, %mul3A_1324 : vector<16xf32>
        %swap3A_1326 = arith.index_cast %scan3A_1261 : i32 to index
        %swap3A_1327 = arith.constant 48 : index
        %swap3A_1328 = tpu.vector_load %arg12[%swap3A_1326, %swap3A_1327] {strides = array<i32>} : memref<64x128xf32, #tpu.memory_space<vmem>>, vector<1x16xf32>,
        %swap3A_1329 = vector.shape_cast %swap3A_1328 : vector<1x16xf32> to vector<16xf32>
        %swap3A_1330 = vector.shape_cast %max3A_1325 : vector<16xf32> to vector<1x16xf32>
        tpu.vector_store %arg12[%swap3A_1326, %swap3A_1327], %swap3A_1330 {strides = array<i32>} : memref<64x128xf32, #tpu.memory_space<vmem>>, vector<1x16xf32>,
        %get3A_1331 = arith.index_cast %scan3A_1261 : i32 to index
        %get3A_1332 = arith.constant 64 : index
        %get3A_1333 = tpu.vector_load %arg12[%get3A_1331, %get3A_1332] {strides = array<i32>} : memref<64x128xf32, #tpu.memory_space<vmem>>, vector<1x16xf32>,
        %get3A_1334 = vector.shape_cast %get3A_1333 : vector<1x16xf32> to vector<16xf32>
        %get3A_1335 = arith.index_cast %scan3A_1261 : i32 to index
        %get3A_1336 = arith.constant 64 : index
        %get3A_1337 = tpu.vector_load %arg16[%get3A_1335, %get3A_1336] {strides = array<i32>} : memref<64x128xf32, #tpu.memory_space<vmem>>, vector<1x16xf32>,
        %get3A_1338 = vector.shape_cast %get3A_1337 : vector<1x16xf32> to vector<16xf32>
        %mul3A_1339 = arith.mulf %get3A_1334, %get3A_1338 : vector<16xf32>
        %mul3A_1340 = arith.constant 1.000000e-01 : f32
        %mul3A_1341 = vector.broadcast %mul3A_1340 : f32 to vector<16xf32>
        %mul3A_1342 = arith.mulf %mul3A_1339, %mul3A_1341 : vector<16xf32>
        %max3A_1343 = arith.maximumf %mul3A_1339, %mul3A_1342 : vector<16xf32>
        %swap3A_1344 = arith.index_cast %scan3A_1261 : i32 to index
        %swap3A_1345 = arith.constant 64 : index
        %swap3A_1346 = tpu.vector_load %arg12[%swap3A_1344, %swap3A_1345] {strides = array<i32>} : memref<64x128xf32, #tpu.memory_space<vmem>>, vector<1x16xf32>,
        %swap3A_1347 = vector.shape_cast %swap3A_1346 : vector<1x16xf32> to vector<16xf32>
        %swap3A_1348 = vector.shape_cast %max3A_1343 : vector<16xf32> to vector<1x16xf32>
        tpu.vector_store %arg12[%swap3A_1344, %swap3A_1345], %swap3A_1348 {strides = array<i32>} : memref<64x128xf32, #tpu.memory_space<vmem>>, vector<1x16xf32>,
        %get3A_1349 = arith.index_cast %scan3A_1261 : i32 to index
        %get3A_1350 = arith.constant 80 : index
        %get3A_1351 = tpu.vector_load %arg12[%get3A_1349, %get3A_1350] {strides = array<i32>} : memref<64x128xf32, #tpu.memory_space<vmem>>, vector<1x16xf32>,
        %get3A_1352 = vector.shape_cast %get3A_1351 : vector<1x16xf32> to vector<16xf32>
        %get3A_1353 = arith.index_cast %scan3A_1261 : i32 to index
        %get3A_1354 = arith.constant 80 : index
        %get3A_1355 = tpu.vector_load %arg16[%get3A_1353, %get3A_1354] {strides = array<i32>} : memref<64x128xf32, #tpu.memory_space<vmem>>, vector<1x16xf32>,
        %get3A_1356 = vector.shape_cast %get3A_1355 : vector<1x16xf32> to vector<16xf32>
        %mul3A_1357 = arith.mulf %get3A_1352, %get3A_1356 : vector<16xf32>
        %mul3A_1358 = arith.constant 1.000000e-01 : f32
        %mul3A_1359 = vector.broadcast %mul3A_1358 : f32 to vector<16xf32>
        %mul3A_1360 = arith.mulf %mul3A_1357, %mul3A_1359 : vector<16xf32>
        %max3A_1361 = arith.maximumf %mul3A_1357, %mul3A_1360 : vector<16xf32>
        %swap3A_1362 = arith.index_cast %scan3A_1261 : i32 to index
        %swap3A_1363 = arith.constant 80 : index
        %swap3A_1364 = tpu.vector_load %arg12[%swap3A_1362, %swap3A_1363] {strides = array<i32>} : memref<64x128xf32, #tpu.memory_space<vmem>>, vector<1x16xf32>,
        %swap3A_1365 = vector.shape_cast %swap3A_1364 : vector<1x16xf32> to vector<16xf32>
        %swap3A_1366 = vector.shape_cast %max3A_1361 : vector<16xf32> to vector<1x16xf32>
        tpu.vector_store %arg12[%swap3A_1362, %swap3A_1363], %swap3A_1366 {strides = array<i32>} : memref<64x128xf32, #tpu.memory_space<vmem>>, vector<1x16xf32>,
        %get3A_1367 = arith.index_cast %scan3A_1261 : i32 to index
        %get3A_1368 = arith.constant 96 : index
        %get3A_1369 = tpu.vector_load %arg12[%get3A_1367, %get3A_1368] {strides = array<i32>} : memref<64x128xf32, #tpu.memory_space<vmem>>, vector<1x16xf32>,
        %get3A_1370 = vector.shape_cast %get3A_1369 : vector<1x16xf32> to vector<16xf32>
        %get3A_1371 = arith.index_cast %scan3A_1261 : i32 to index
        %get3A_1372 = arith.constant 96 : index
        %get3A_1373 = tpu.vector_load %arg16[%get3A_1371, %get3A_1372] {strides = array<i32>} : memref<64x128xf32, #tpu.memory_space<vmem>>, vector<1x16xf32>,
        %get3A_1374 = vector.shape_cast %get3A_1373 : vector<1x16xf32> to vector<16xf32>
        %mul3A_1375 = arith.mulf %get3A_1370, %get3A_1374 : vector<16xf32>
        %mul3A_1376 = arith.constant 1.000000e-01 : f32
        %mul3A_1377 = vector.broadcast %mul3A_1376 : f32 to vector<16xf32>
        %mul3A_1378 = arith.mulf %mul3A_1375, %mul3A_1377 : vector<16xf32>
        %max3A_1379 = arith.maximumf %mul3A_1375, %mul3A_1378 : vector<16xf32>
        %swap3A_1380 = arith.index_cast %scan3A_1261 : i32 to index
        %swap3A_1381 = arith.constant 96 : index
        %swap3A_1382 = tpu.vector_load %arg12[%swap3A_1380, %swap3A_1381] {strides = array<i32>} : memref<64x128xf32, #tpu.memory_space<vmem>>, vector<1x16xf32>,
        %swap3A_1383 = vector.shape_cast %swap3A_1382 : vector<1x16xf32> to vector<16xf32>
        %swap3A_1384 = vector.shape_cast %max3A_1379 : vector<16xf32> to vector<1x16xf32>
        tpu.vector_store %arg12[%swap3A_1380, %swap3A_1381], %swap3A_1384 {strides = array<i32>} : memref<64x128xf32, #tpu.memory_space<vmem>>, vector<1x16xf32>,
        %get3A_1385 = arith.index_cast %scan3A_1261 : i32 to index
        %get3A_1386 = arith.constant 112 : index
        %get3A_1387 = tpu.vector_load %arg12[%get3A_1385, %get3A_1386] {strides = array<i32>} : memref<64x128xf32, #tpu.memory_space<vmem>>, vector<1x16xf32>,
        %get3A_1388 = vector.shape_cast %get3A_1387 : vector<1x16xf32> to vector<16xf32>
        %get3A_1389 = arith.index_cast %scan3A_1261 : i32 to index
        %get3A_1390 = arith.constant 112 : index
        %get3A_1391 = tpu.vector_load %arg16[%get3A_1389, %get3A_1390] {strides = array<i32>} : memref<64x128xf32, #tpu.memory_space<vmem>>, vector<1x16xf32>,
        %get3A_1392 = vector.shape_cast %get3A_1391 : vector<1x16xf32> to vector<16xf32>
        %mul3A_1393 = arith.mulf %get3A_1388, %get3A_1392 : vector<16xf32>
        %mul3A_1394 = arith.constant 1.000000e-01 : f32
        %mul3A_1395 = vector.broadcast %mul3A_1394 : f32 to vector<16xf32>
        %mul3A_1396 = arith.mulf %mul3A_1393, %mul3A_1395 : vector<16xf32>
        %max3A_1397 = arith.maximumf %mul3A_1393, %mul3A_1396 : vector<16xf32>
        %swap3A_1398 = arith.index_cast %scan3A_1261 : i32 to index
        %swap3A_1399 = arith.constant 112 : index
        %swap3A_1400 = tpu.vector_load %arg12[%swap3A_1398, %swap3A_1399] {strides = array<i32>} : memref<64x128xf32, #tpu.memory_space<vmem>>, vector<1x16xf32>,
        %swap3A_1401 = vector.shape_cast %swap3A_1400 : vector<1x16xf32> to vector<16xf32>
        %swap3A_1402 = vector.shape_cast %max3A_1397 : vector<16xf32> to vector<1x16xf32>
        tpu.vector_store %arg12[%swap3A_1398, %swap3A_1399], %swap3A_1402 {strides = array<i32>} : memref<64x128xf32, #tpu.memory_space<vmem>>, vector<1x16xf32>,
      }
      %scan3A_1126 = arith.constant 64 : i32
      %dma_start3A_1127 = arith.constant 1 : i32
      %dma_start3A_1128 = arith.constant 0 : i32
      %dma_start3A_1129 = tpu.memref_slice %arg9[%dma_start3A_1127, %dma_start3A_1128] : memref<2x64xi32, #tpu.memory_space<vmem>> -> memref<1x64xi32, #tpu.memory_space<vmem>>
      %dma_start3A_1130 = tpu.memref_squeeze %dma_start3A_1129 : memref<1x64xi32, #tpu.memory_space<vmem>> -> memref<64xi32, #tpu.memory_space<vmem>>
      %dma_start3A_1131 = arith.constant 0 : i32
      %dma_start3A_1132 = arith.constant 0 : i32
      %dma_start3A_1133 = tpu.memref_slice %arg18[%dma_start3A_1131, %dma_start3A_1132] : memref<10240x128xf32, #tpu.memory_space<vmem_shared>> -> memref<10240x128xf32, #tpu.memory_space<vmem_shared>>
      tpu.enqueue_indirect_dma source(%arg12 : memref<64x128xf32, #tpu.memory_space<vmem>>) target(%dma_start3A_1133 : memref<10240x128xf32, #tpu.memory_space<vmem_shared>>) offsets(%dma_start3A_1130 : memref<64xi32, #tpu.memory_space<vmem>>) semaphore(%arg28 : memref<!tpu.dma_semaphore, #tpu.memory_space<semaphore_mem>>) {add = true}
      %lt3A = arith.constant 12 : i32
      %lt3A_1134 = arith.cmpi slt, %scan3A_140, %lt3A : i32
      %mul3A_1135 = arith.constant 12 : i32
      %mul3A_1136 = arith.muli %mul3A_1135, %scan3A_140 : i32
      %add3A_1137 = arith.constant 10 : i32
      %add3A_1138 = arith.addi %mul3A_1136, %add3A_1137 : i32
      %dma_wait3A_1139 = arith.constant 1 : i32
      %dma_wait3A_1140 = arith.constant 0 : i32
      %dma_wait3A_1141 = tpu.memref_slice %arg8[%dma_wait3A_1139, %dma_wait3A_1140] : memref<2x64xi32, #tpu.memory_space<vmem>> -> memref<1x64xi32, #tpu.memory_space<vmem>>
      %dma_wait3A_1142 = tpu.memref_squeeze %dma_wait3A_1141 : memref<1x64xi32, #tpu.memory_space<vmem>> -> memref<64xi32, #tpu.memory_space<vmem>>
      %dma_wait3A_1143 = arith.constant 0 : i32
      %dma_wait3A_1144 = arith.constant 0 : i32
      %dma_wait3A_1145 = tpu.memref_slice %arg18[%dma_wait3A_1143, %dma_wait3A_1144] : memref<10240x128xf32, #tpu.memory_space<vmem_shared>> -> memref<10240x128xf32, #tpu.memory_space<vmem_shared>>
      tpu.wait_indirect_dma semaphore(%arg30 : memref<!tpu.dma_semaphore, #tpu.memory_space<semaphore_mem>>) src(%arg14 : memref<64x128xf32, #tpu.memory_space<vmem>>) dst(%dma_wait3A_1145 : memref<10240x128xf32, #tpu.memory_space<vmem_shared>>)
      %convert_element_type3A_1146 = arith.extui %lt3A_1134 : i1 to i32
      %cond3A_1147 = arith.constant 0 : i32
      %cond3A_1148 = arith.cmpi ne, %convert_element_type3A_1146, %cond3A_1147 : i32
      scf.if %cond3A_1148 {
        %add3A_1261 = arith.constant 2 : i32
        %add3A_1262 = arith.addi %add3A_1138, %add3A_1261 : i32
        %mul3A_1263 = arith.constant 64 : i32
        %mul3A_1264 = arith.muli %add3A_1262, %mul3A_1263 : i32
        %add3A_1265 = arith.addi %mul3A_2, %mul3A_1264 : i32
        %multiple_of3A_1266 = tpu.assume_multiple %add3A_1265, 8 : i32
        %dma_start3A_1267 = arith.constant 0 : i32
        %dma_start3A_1268 = arith.constant 0 : i32
        %dma_start3A_1269 = tpu.memref_slice %arg8[%dma_start3A_1267, %dma_start3A_1268] : memref<2x64xi32, #tpu.memory_space<vmem>> -> memref<1x64xi32, #tpu.memory_space<vmem>>
        %dma_start3A_1270 = tpu.memref_squeeze %dma_start3A_1269 : memref<1x64xi32, #tpu.memory_space<vmem>> -> memref<64xi32, #tpu.memory_space<vmem>>
        %dma_start3A_1271 = tpu.memref_slice %arg4[%multiple_of3A_1266] : memref<320000xi32, #tpu.memory_space<hbm>> -> memref<64xi32, #tpu.memory_space<hbm>>
        %dma_start3A_1272 = arith.constant 0 : i32
        %dma_start3A_1273 = tpu.memref_slice %arg8[%dma_start3A_1267, %dma_start3A_1272] : memref<2x64xi32, #tpu.memory_space<vmem>> -> memref<1x64xi32, #tpu.memory_space<vmem>>
        %dma_start3A_1274 = tpu.memref_squeeze %dma_start3A_1273 : memref<1x64xi32, #tpu.memory_space<vmem>> -> memref<64xi32, #tpu.memory_space<vmem>>
        %dma_start3A_1275 = tpu.memref_slice %arg4[%multiple_of3A_1266] : memref<320000xi32, #tpu.memory_space<hbm>> -> memref<64xi32, #tpu.memory_space<hbm>>
        tpu.enqueue_dma source(%dma_start3A_1275 : memref<64xi32, #tpu.memory_space<hbm>>) target(%dma_start3A_1274 : memref<64xi32, #tpu.memory_space<vmem>>) target_semaphore(%arg19 : memref<!tpu.dma_semaphore, #tpu.memory_space<semaphore_mem>>)
        %dma_start3A_1276 = arith.constant 1 : i32
        %dma_start3A_1277 = arith.constant 0 : i32
        %dma_start3A_1278 = tpu.memref_slice %arg8[%dma_start3A_1276, %dma_start3A_1277] : memref<2x64xi32, #tpu.memory_space<vmem>> -> memref<1x64xi32, #tpu.memory_space<vmem>>
        %dma_start3A_1279 = tpu.memref_squeeze %dma_start3A_1278 : memref<1x64xi32, #tpu.memory_space<vmem>> -> memref<64xi32, #tpu.memory_space<vmem>>
        %dma_start3A_1280 = tpu.memref_slice %arg5[%multiple_of3A_1266] : memref<320000xi32, #tpu.memory_space<hbm>> -> memref<64xi32, #tpu.memory_space<hbm>>
        %dma_start3A_1281 = arith.constant 0 : i32
        %dma_start3A_1282 = tpu.memref_slice %arg8[%dma_start3A_1276, %dma_start3A_1281] : memref<2x64xi32, #tpu.memory_space<vmem>> -> memref<1x64xi32, #tpu.memory_space<vmem>>
        %dma_start3A_1283 = tpu.memref_squeeze %dma_start3A_1282 : memref<1x64xi32, #tpu.memory_space<vmem>> -> memref<64xi32, #tpu.memory_space<vmem>>
        %dma_start3A_1284 = tpu.memref_slice %arg5[%multiple_of3A_1266] : memref<320000xi32, #tpu.memory_space<hbm>> -> memref<64xi32, #tpu.memory_space<hbm>>
        tpu.enqueue_dma source(%dma_start3A_1284 : memref<64xi32, #tpu.memory_space<hbm>>) target(%dma_start3A_1283 : memref<64xi32, #tpu.memory_space<vmem>>) target_semaphore(%arg19 : memref<!tpu.dma_semaphore, #tpu.memory_space<semaphore_mem>>)
      } else {
      }
      %add3A_1149 = arith.constant 1 : i32
      %add3A_1150 = arith.addi %add3A_1138, %add3A_1149 : i32
      %mul3A_1151 = arith.constant 64 : i32
      %mul3A_1152 = arith.muli %add3A_1150, %mul3A_1151 : i32
      %add3A_1153 = arith.addi %mul3A_2, %mul3A_1152 : i32
      %multiple_of3A_1154 = tpu.assume_multiple %add3A_1153, 8 : i32
      %dma_start3A_1155 = arith.constant 0 : i32
      %dma_start3A_1156 = tpu.memref_slice %arg3[%multiple_of3A_1154, %dma_start3A_1155] : memref<320000x128xf32, #tpu.memory_space<hbm>> -> memref<64x128xf32, #tpu.memory_space<hbm>>
      %dma_start3A_1157 = arith.constant 0 : i32
      %dma_start3A_1158 = tpu.memref_slice %arg3[%multiple_of3A_1154, %dma_start3A_1157] : memref<320000x128xf32, #tpu.memory_space<hbm>> -> memref<64x128xf32, #tpu.memory_space<hbm>>
      tpu.enqueue_dma source(%dma_start3A_1158 : memref<64x128xf32, #tpu.memory_space<hbm>>) target(%arg14 : memref<64x128xf32, #tpu.memory_space<vmem>>) target_semaphore(%arg25 : memref<!tpu.dma_semaphore, #tpu.memory_space<semaphore_mem>>)
      %dma_wait3A_1159 = arith.constant 0 : i32
      %dma_wait3A_1160 = arith.constant 0 : i32
      %dma_wait3A_1161 = tpu.memref_slice %arg11[%dma_wait3A_1159, %dma_wait3A_1160] : memref<2x64xi32, #tpu.memory_space<vmem>> -> memref<1x64xi32, #tpu.memory_space<vmem>>
      %dma_wait3A_1162 = tpu.memref_squeeze %dma_wait3A_1161 : memref<1x64xi32, #tpu.memory_space<vmem>> -> memref<64xi32, #tpu.memory_space<vmem>>
      %dma_wait3A_1163 = arith.constant 0 : i32
      %dma_wait3A_1164 = tpu.memref_slice %arg4[%dma_wait3A_1163] : memref<320000xi32, #tpu.memory_space<hbm>> -> memref<64xi32, #tpu.memory_space<hbm>>
      %dma_wait3A_1165 = arith.constant 0 : i32
      %dma_wait3A_1166 = tpu.memref_slice %arg11[%dma_wait3A_1159, %dma_wait3A_1165] : memref<2x64xi32, #tpu.memory_space<vmem>> -> memref<1x64xi32, #tpu.memory_space<vmem>>
      %dma_wait3A_1167 = tpu.memref_squeeze %dma_wait3A_1166 : memref<1x64xi32, #tpu.memory_space<vmem>> -> memref<64xi32, #tpu.memory_space<vmem>>
      %dma_wait3A_1168 = arith.constant 0 : i32
      %dma_wait3A_1169 = tpu.memref_slice %arg4[%dma_wait3A_1168] : memref<320000xi32, #tpu.memory_space<hbm>> -> memref<64xi32, #tpu.memory_space<hbm>>
      tpu.wait_dma2 semaphore(%arg22 : memref<!tpu.dma_semaphore, #tpu.memory_space<semaphore_mem>>) src(%dma_wait3A_1169 : memref<64xi32, #tpu.memory_space<hbm>>) dst(%dma_wait3A_1167 : memref<64xi32, #tpu.memory_space<vmem>>)
      %dma_wait3A_1170 = arith.constant 1 : i32
      %dma_wait3A_1171 = arith.constant 0 : i32
      %dma_wait3A_1172 = tpu.memref_slice %arg11[%dma_wait3A_1170, %dma_wait3A_1171] : memref<2x64xi32, #tpu.memory_space<vmem>> -> memref<1x64xi32, #tpu.memory_space<vmem>>
      %dma_wait3A_1173 = tpu.memref_squeeze %dma_wait3A_1172 : memref<1x64xi32, #tpu.memory_space<vmem>> -> memref<64xi32, #tpu.memory_space<vmem>>
      %dma_wait3A_1174 = arith.constant 0 : i32
      %dma_wait3A_1175 = tpu.memref_slice %arg5[%dma_wait3A_1174] : memref<320000xi32, #tpu.memory_space<hbm>> -> memref<64xi32, #tpu.memory_space<hbm>>
      %dma_wait3A_1176 = arith.constant 0 : i32
      %dma_wait3A_1177 = tpu.memref_slice %arg11[%dma_wait3A_1170, %dma_wait3A_1176] : memref<2x64xi32, #tpu.memory_space<vmem>> -> memref<1x64xi32, #tpu.memory_space<vmem>>
      %dma_wait3A_1178 = tpu.memref_squeeze %dma_wait3A_1177 : memref<1x64xi32, #tpu.memory_space<vmem>> -> memref<64xi32, #tpu.memory_space<vmem>>
      %dma_wait3A_1179 = arith.constant 0 : i32
      %dma_wait3A_1180 = tpu.memref_slice %arg5[%dma_wait3A_1179] : memref<320000xi32, #tpu.memory_space<hbm>> -> memref<64xi32, #tpu.memory_space<hbm>>
      tpu.wait_dma2 semaphore(%arg22 : memref<!tpu.dma_semaphore, #tpu.memory_space<semaphore_mem>>) src(%dma_wait3A_1180 : memref<64xi32, #tpu.memory_space<hbm>>) dst(%dma_wait3A_1178 : memref<64xi32, #tpu.memory_space<vmem>>)
      %dma_start3A_1181 = arith.constant 0 : i32
      %dma_start3A_1182 = arith.constant 0 : i32
      %dma_start3A_1183 = tpu.memref_slice %arg11[%dma_start3A_1181, %dma_start3A_1182] : memref<2x64xi32, #tpu.memory_space<vmem>> -> memref<1x64xi32, #tpu.memory_space<vmem>>
      %dma_start3A_1184 = tpu.memref_squeeze %dma_start3A_1183 : memref<1x64xi32, #tpu.memory_space<vmem>> -> memref<64xi32, #tpu.memory_space<vmem>>
      %dma_start3A_1185 = arith.constant 0 : i32
      %dma_start3A_1186 = arith.constant 0 : i32
      %dma_start3A_1187 = tpu.memref_slice %arg2[%dma_start3A_1185, %dma_start3A_1186] : memref<10000x128xf32, #tpu.memory_space<hbm>> -> memref<10000x128xf32, #tpu.memory_space<hbm>>
      tpu.enqueue_indirect_dma source(%dma_start3A_1187 : memref<10000x128xf32, #tpu.memory_space<hbm>>) target(%arg16 : memref<64x128xf32, #tpu.memory_space<vmem>>) offsets(%dma_start3A_1184 : memref<64xi32, #tpu.memory_space<vmem>>) semaphore(%arg27 : memref<!tpu.dma_semaphore, #tpu.memory_space<semaphore_mem>>)
      %dma_wait3A_1188 = arith.constant 0 : i32
      %dma_wait3A_1189 = arith.constant 0 : i32
      %dma_wait3A_1190 = tpu.memref_slice %arg10[%dma_wait3A_1188, %dma_wait3A_1189] : memref<2x64xi32, #tpu.memory_space<vmem>> -> memref<1x64xi32, #tpu.memory_space<vmem>>
      %dma_wait3A_1191 = tpu.memref_squeeze %dma_wait3A_1190 : memref<1x64xi32, #tpu.memory_space<vmem>> -> memref<64xi32, #tpu.memory_space<vmem>>
      %dma_wait3A_1192 = arith.constant 0 : i32
      %dma_wait3A_1193 = arith.constant 0 : i32
      %dma_wait3A_1194 = tpu.memref_slice %arg2[%dma_wait3A_1192, %dma_wait3A_1193] : memref<10000x128xf32, #tpu.memory_space<hbm>> -> memref<10000x128xf32, #tpu.memory_space<hbm>>
      tpu.wait_indirect_dma semaphore(%arg26 : memref<!tpu.dma_semaphore, #tpu.memory_space<semaphore_mem>>) src(%dma_wait3A_1194 : memref<10000x128xf32, #tpu.memory_space<hbm>>) dst(%arg15 : memref<64x128xf32, #tpu.memory_space<vmem>>)
      %dma_wait3A_1195 = arith.constant 0 : i32
      %dma_wait3A_1196 = arith.constant 0 : i32
      %dma_wait3A_1197 = tpu.memref_slice %arg3[%dma_wait3A_1195, %dma_wait3A_1196] : memref<320000x128xf32, #tpu.memory_space<hbm>> -> memref<64x128xf32, #tpu.memory_space<hbm>>
      %dma_wait3A_1198 = arith.constant 0 : i32
      %dma_wait3A_1199 = arith.constant 0 : i32
      %dma_wait3A_1200 = tpu.memref_slice %arg3[%dma_wait3A_1198, %dma_wait3A_1199] : memref<320000x128xf32, #tpu.memory_space<hbm>> -> memref<64x128xf32, #tpu.memory_space<hbm>>
      tpu.wait_dma2 semaphore(%arg24 : memref<!tpu.dma_semaphore, #tpu.memory_space<semaphore_mem>>) src(%dma_wait3A_1200 : memref<64x128xf32, #tpu.memory_space<hbm>>) dst(%arg13 : memref<64x128xf32, #tpu.memory_space<vmem>>)
      %scan3A_1201 = arith.constant 0 : i32
      %scan3A_1202 = arith.constant 0 : i32
      %scan3A_1203 = arith.constant 64 : i32
      %scan3A_1204 = arith.addi %scan3A_1202, %scan3A_1203 : i32
      %scan3A_1205 = arith.constant 1 : i32
      scf.for %scan3A_1261 = %scan3A_1202 to %scan3A_1204 step %scan3A_1205  : i32 {
        %get3A = arith.index_cast %scan3A_1261 : i32 to index
        %get3A_1262 = arith.constant 0 : index
        %get3A_1263 = tpu.vector_load %arg13[%get3A, %get3A_1262] {strides = array<i32>} : memref<64x128xf32, #tpu.memory_space<vmem>>, vector<1x16xf32>,
        %get3A_1264 = vector.shape_cast %get3A_1263 : vector<1x16xf32> to vector<16xf32>
        %get3A_1265 = arith.index_cast %scan3A_1261 : i32 to index
        %get3A_1266 = arith.constant 0 : index
        %get3A_1267 = tpu.vector_load %arg15[%get3A_1265, %get3A_1266] {strides = array<i32>} : memref<64x128xf32, #tpu.memory_space<vmem>>, vector<1x16xf32>,
        %get3A_1268 = vector.shape_cast %get3A_1267 : vector<1x16xf32> to vector<16xf32>
        %mul3A_1269 = arith.mulf %get3A_1264, %get3A_1268 : vector<16xf32>
        %mul3A_1270 = arith.constant 1.000000e-01 : f32
        %mul3A_1271 = vector.broadcast %mul3A_1270 : f32 to vector<16xf32>
        %mul3A_1272 = arith.mulf %mul3A_1269, %mul3A_1271 : vector<16xf32>
        %max3A = arith.maximumf %mul3A_1269, %mul3A_1272 : vector<16xf32>
        %swap3A = arith.index_cast %scan3A_1261 : i32 to index
        %swap3A_1273 = arith.constant 0 : index
        %swap3A_1274 = tpu.vector_load %arg13[%swap3A, %swap3A_1273] {strides = array<i32>} : memref<64x128xf32, #tpu.memory_space<vmem>>, vector<1x16xf32>,
        %swap3A_1275 = vector.shape_cast %swap3A_1274 : vector<1x16xf32> to vector<16xf32>
        %swap3A_1276 = vector.shape_cast %max3A : vector<16xf32> to vector<1x16xf32>
        tpu.vector_store %arg13[%swap3A, %swap3A_1273], %swap3A_1276 {strides = array<i32>} : memref<64x128xf32, #tpu.memory_space<vmem>>, vector<1x16xf32>,
        %get3A_1277 = arith.index_cast %scan3A_1261 : i32 to index
        %get3A_1278 = arith.constant 16 : index
        %get3A_1279 = tpu.vector_load %arg13[%get3A_1277, %get3A_1278] {strides = array<i32>} : memref<64x128xf32, #tpu.memory_space<vmem>>, vector<1x16xf32>,
        %get3A_1280 = vector.shape_cast %get3A_1279 : vector<1x16xf32> to vector<16xf32>
        %get3A_1281 = arith.index_cast %scan3A_1261 : i32 to index
        %get3A_1282 = arith.constant 16 : index
        %get3A_1283 = tpu.vector_load %arg15[%get3A_1281, %get3A_1282] {strides = array<i32>} : memref<64x128xf32, #tpu.memory_space<vmem>>, vector<1x16xf32>,
        %get3A_1284 = vector.shape_cast %get3A_1283 : vector<1x16xf32> to vector<16xf32>
        %mul3A_1285 = arith.mulf %get3A_1280, %get3A_1284 : vector<16xf32>
        %mul3A_1286 = arith.constant 1.000000e-01 : f32
        %mul3A_1287 = vector.broadcast %mul3A_1286 : f32 to vector<16xf32>
        %mul3A_1288 = arith.mulf %mul3A_1285, %mul3A_1287 : vector<16xf32>
        %max3A_1289 = arith.maximumf %mul3A_1285, %mul3A_1288 : vector<16xf32>
        %swap3A_1290 = arith.index_cast %scan3A_1261 : i32 to index
        %swap3A_1291 = arith.constant 16 : index
        %swap3A_1292 = tpu.vector_load %arg13[%swap3A_1290, %swap3A_1291] {strides = array<i32>} : memref<64x128xf32, #tpu.memory_space<vmem>>, vector<1x16xf32>,
        %swap3A_1293 = vector.shape_cast %swap3A_1292 : vector<1x16xf32> to vector<16xf32>
        %swap3A_1294 = vector.shape_cast %max3A_1289 : vector<16xf32> to vector<1x16xf32>
        tpu.vector_store %arg13[%swap3A_1290, %swap3A_1291], %swap3A_1294 {strides = array<i32>} : memref<64x128xf32, #tpu.memory_space<vmem>>, vector<1x16xf32>,
        %get3A_1295 = arith.index_cast %scan3A_1261 : i32 to index
        %get3A_1296 = arith.constant 32 : index
        %get3A_1297 = tpu.vector_load %arg13[%get3A_1295, %get3A_1296] {strides = array<i32>} : memref<64x128xf32, #tpu.memory_space<vmem>>, vector<1x16xf32>,
        %get3A_1298 = vector.shape_cast %get3A_1297 : vector<1x16xf32> to vector<16xf32>
        %get3A_1299 = arith.index_cast %scan3A_1261 : i32 to index
        %get3A_1300 = arith.constant 32 : index
        %get3A_1301 = tpu.vector_load %arg15[%get3A_1299, %get3A_1300] {strides = array<i32>} : memref<64x128xf32, #tpu.memory_space<vmem>>, vector<1x16xf32>,
        %get3A_1302 = vector.shape_cast %get3A_1301 : vector<1x16xf32> to vector<16xf32>
        %mul3A_1303 = arith.mulf %get3A_1298, %get3A_1302 : vector<16xf32>
        %mul3A_1304 = arith.constant 1.000000e-01 : f32
        %mul3A_1305 = vector.broadcast %mul3A_1304 : f32 to vector<16xf32>
        %mul3A_1306 = arith.mulf %mul3A_1303, %mul3A_1305 : vector<16xf32>
        %max3A_1307 = arith.maximumf %mul3A_1303, %mul3A_1306 : vector<16xf32>
        %swap3A_1308 = arith.index_cast %scan3A_1261 : i32 to index
        %swap3A_1309 = arith.constant 32 : index
        %swap3A_1310 = tpu.vector_load %arg13[%swap3A_1308, %swap3A_1309] {strides = array<i32>} : memref<64x128xf32, #tpu.memory_space<vmem>>, vector<1x16xf32>,
        %swap3A_1311 = vector.shape_cast %swap3A_1310 : vector<1x16xf32> to vector<16xf32>
        %swap3A_1312 = vector.shape_cast %max3A_1307 : vector<16xf32> to vector<1x16xf32>
        tpu.vector_store %arg13[%swap3A_1308, %swap3A_1309], %swap3A_1312 {strides = array<i32>} : memref<64x128xf32, #tpu.memory_space<vmem>>, vector<1x16xf32>,
        %get3A_1313 = arith.index_cast %scan3A_1261 : i32 to index
        %get3A_1314 = arith.constant 48 : index
        %get3A_1315 = tpu.vector_load %arg13[%get3A_1313, %get3A_1314] {strides = array<i32>} : memref<64x128xf32, #tpu.memory_space<vmem>>, vector<1x16xf32>,
        %get3A_1316 = vector.shape_cast %get3A_1315 : vector<1x16xf32> to vector<16xf32>
        %get3A_1317 = arith.index_cast %scan3A_1261 : i32 to index
        %get3A_1318 = arith.constant 48 : index
        %get3A_1319 = tpu.vector_load %arg15[%get3A_1317, %get3A_1318] {strides = array<i32>} : memref<64x128xf32, #tpu.memory_space<vmem>>, vector<1x16xf32>,
        %get3A_1320 = vector.shape_cast %get3A_1319 : vector<1x16xf32> to vector<16xf32>
        %mul3A_1321 = arith.mulf %get3A_1316, %get3A_1320 : vector<16xf32>
        %mul3A_1322 = arith.constant 1.000000e-01 : f32
        %mul3A_1323 = vector.broadcast %mul3A_1322 : f32 to vector<16xf32>
        %mul3A_1324 = arith.mulf %mul3A_1321, %mul3A_1323 : vector<16xf32>
        %max3A_1325 = arith.maximumf %mul3A_1321, %mul3A_1324 : vector<16xf32>
        %swap3A_1326 = arith.index_cast %scan3A_1261 : i32 to index
        %swap3A_1327 = arith.constant 48 : index
        %swap3A_1328 = tpu.vector_load %arg13[%swap3A_1326, %swap3A_1327] {strides = array<i32>} : memref<64x128xf32, #tpu.memory_space<vmem>>, vector<1x16xf32>,
        %swap3A_1329 = vector.shape_cast %swap3A_1328 : vector<1x16xf32> to vector<16xf32>
        %swap3A_1330 = vector.shape_cast %max3A_1325 : vector<16xf32> to vector<1x16xf32>
        tpu.vector_store %arg13[%swap3A_1326, %swap3A_1327], %swap3A_1330 {strides = array<i32>} : memref<64x128xf32, #tpu.memory_space<vmem>>, vector<1x16xf32>,
        %get3A_1331 = arith.index_cast %scan3A_1261 : i32 to index
        %get3A_1332 = arith.constant 64 : index
        %get3A_1333 = tpu.vector_load %arg13[%get3A_1331, %get3A_1332] {strides = array<i32>} : memref<64x128xf32, #tpu.memory_space<vmem>>, vector<1x16xf32>,
        %get3A_1334 = vector.shape_cast %get3A_1333 : vector<1x16xf32> to vector<16xf32>
        %get3A_1335 = arith.index_cast %scan3A_1261 : i32 to index
        %get3A_1336 = arith.constant 64 : index
        %get3A_1337 = tpu.vector_load %arg15[%get3A_1335, %get3A_1336] {strides = array<i32>} : memref<64x128xf32, #tpu.memory_space<vmem>>, vector<1x16xf32>,
        %get3A_1338 = vector.shape_cast %get3A_1337 : vector<1x16xf32> to vector<16xf32>
        %mul3A_1339 = arith.mulf %get3A_1334, %get3A_1338 : vector<16xf32>
        %mul3A_1340 = arith.constant 1.000000e-01 : f32
        %mul3A_1341 = vector.broadcast %mul3A_1340 : f32 to vector<16xf32>
        %mul3A_1342 = arith.mulf %mul3A_1339, %mul3A_1341 : vector<16xf32>
        %max3A_1343 = arith.maximumf %mul3A_1339, %mul3A_1342 : vector<16xf32>
        %swap3A_1344 = arith.index_cast %scan3A_1261 : i32 to index
        %swap3A_1345 = arith.constant 64 : index
        %swap3A_1346 = tpu.vector_load %arg13[%swap3A_1344, %swap3A_1345] {strides = array<i32>} : memref<64x128xf32, #tpu.memory_space<vmem>>, vector<1x16xf32>,
        %swap3A_1347 = vector.shape_cast %swap3A_1346 : vector<1x16xf32> to vector<16xf32>
        %swap3A_1348 = vector.shape_cast %max3A_1343 : vector<16xf32> to vector<1x16xf32>
        tpu.vector_store %arg13[%swap3A_1344, %swap3A_1345], %swap3A_1348 {strides = array<i32>} : memref<64x128xf32, #tpu.memory_space<vmem>>, vector<1x16xf32>,
        %get3A_1349 = arith.index_cast %scan3A_1261 : i32 to index
        %get3A_1350 = arith.constant 80 : index
        %get3A_1351 = tpu.vector_load %arg13[%get3A_1349, %get3A_1350] {strides = array<i32>} : memref<64x128xf32, #tpu.memory_space<vmem>>, vector<1x16xf32>,
        %get3A_1352 = vector.shape_cast %get3A_1351 : vector<1x16xf32> to vector<16xf32>
        %get3A_1353 = arith.index_cast %scan3A_1261 : i32 to index
        %get3A_1354 = arith.constant 80 : index
        %get3A_1355 = tpu.vector_load %arg15[%get3A_1353, %get3A_1354] {strides = array<i32>} : memref<64x128xf32, #tpu.memory_space<vmem>>, vector<1x16xf32>,
        %get3A_1356 = vector.shape_cast %get3A_1355 : vector<1x16xf32> to vector<16xf32>
        %mul3A_1357 = arith.mulf %get3A_1352, %get3A_1356 : vector<16xf32>
        %mul3A_1358 = arith.constant 1.000000e-01 : f32
        %mul3A_1359 = vector.broadcast %mul3A_1358 : f32 to vector<16xf32>
        %mul3A_1360 = arith.mulf %mul3A_1357, %mul3A_1359 : vector<16xf32>
        %max3A_1361 = arith.maximumf %mul3A_1357, %mul3A_1360 : vector<16xf32>
        %swap3A_1362 = arith.index_cast %scan3A_1261 : i32 to index
        %swap3A_1363 = arith.constant 80 : index
        %swap3A_1364 = tpu.vector_load %arg13[%swap3A_1362, %swap3A_1363] {strides = array<i32>} : memref<64x128xf32, #tpu.memory_space<vmem>>, vector<1x16xf32>,
        %swap3A_1365 = vector.shape_cast %swap3A_1364 : vector<1x16xf32> to vector<16xf32>
        %swap3A_1366 = vector.shape_cast %max3A_1361 : vector<16xf32> to vector<1x16xf32>
        tpu.vector_store %arg13[%swap3A_1362, %swap3A_1363], %swap3A_1366 {strides = array<i32>} : memref<64x128xf32, #tpu.memory_space<vmem>>, vector<1x16xf32>,
        %get3A_1367 = arith.index_cast %scan3A_1261 : i32 to index
        %get3A_1368 = arith.constant 96 : index
        %get3A_1369 = tpu.vector_load %arg13[%get3A_1367, %get3A_1368] {strides = array<i32>} : memref<64x128xf32, #tpu.memory_space<vmem>>, vector<1x16xf32>,
        %get3A_1370 = vector.shape_cast %get3A_1369 : vector<1x16xf32> to vector<16xf32>
        %get3A_1371 = arith.index_cast %scan3A_1261 : i32 to index
        %get3A_1372 = arith.constant 96 : index
        %get3A_1373 = tpu.vector_load %arg15[%get3A_1371, %get3A_1372] {strides = array<i32>} : memref<64x128xf32, #tpu.memory_space<vmem>>, vector<1x16xf32>,
        %get3A_1374 = vector.shape_cast %get3A_1373 : vector<1x16xf32> to vector<16xf32>
        %mul3A_1375 = arith.mulf %get3A_1370, %get3A_1374 : vector<16xf32>
        %mul3A_1376 = arith.constant 1.000000e-01 : f32
        %mul3A_1377 = vector.broadcast %mul3A_1376 : f32 to vector<16xf32>
        %mul3A_1378 = arith.mulf %mul3A_1375, %mul3A_1377 : vector<16xf32>
        %max3A_1379 = arith.maximumf %mul3A_1375, %mul3A_1378 : vector<16xf32>
        %swap3A_1380 = arith.index_cast %scan3A_1261 : i32 to index
        %swap3A_1381 = arith.constant 96 : index
        %swap3A_1382 = tpu.vector_load %arg13[%swap3A_1380, %swap3A_1381] {strides = array<i32>} : memref<64x128xf32, #tpu.memory_space<vmem>>, vector<1x16xf32>,
        %swap3A_1383 = vector.shape_cast %swap3A_1382 : vector<1x16xf32> to vector<16xf32>
        %swap3A_1384 = vector.shape_cast %max3A_1379 : vector<16xf32> to vector<1x16xf32>
        tpu.vector_store %arg13[%swap3A_1380, %swap3A_1381], %swap3A_1384 {strides = array<i32>} : memref<64x128xf32, #tpu.memory_space<vmem>>, vector<1x16xf32>,
        %get3A_1385 = arith.index_cast %scan3A_1261 : i32 to index
        %get3A_1386 = arith.constant 112 : index
        %get3A_1387 = tpu.vector_load %arg13[%get3A_1385, %get3A_1386] {strides = array<i32>} : memref<64x128xf32, #tpu.memory_space<vmem>>, vector<1x16xf32>,
        %get3A_1388 = vector.shape_cast %get3A_1387 : vector<1x16xf32> to vector<16xf32>
        %get3A_1389 = arith.index_cast %scan3A_1261 : i32 to index
        %get3A_1390 = arith.constant 112 : index
        %get3A_1391 = tpu.vector_load %arg15[%get3A_1389, %get3A_1390] {strides = array<i32>} : memref<64x128xf32, #tpu.memory_space<vmem>>, vector<1x16xf32>,
        %get3A_1392 = vector.shape_cast %get3A_1391 : vector<1x16xf32> to vector<16xf32>
        %mul3A_1393 = arith.mulf %get3A_1388, %get3A_1392 : vector<16xf32>
        %mul3A_1394 = arith.constant 1.000000e-01 : f32
        %mul3A_1395 = vector.broadcast %mul3A_1394 : f32 to vector<16xf32>
        %mul3A_1396 = arith.mulf %mul3A_1393, %mul3A_1395 : vector<16xf32>
        %max3A_1397 = arith.maximumf %mul3A_1393, %mul3A_1396 : vector<16xf32>
        %swap3A_1398 = arith.index_cast %scan3A_1261 : i32 to index
        %swap3A_1399 = arith.constant 112 : index
        %swap3A_1400 = tpu.vector_load %arg13[%swap3A_1398, %swap3A_1399] {strides = array<i32>} : memref<64x128xf32, #tpu.memory_space<vmem>>, vector<1x16xf32>,
        %swap3A_1401 = vector.shape_cast %swap3A_1400 : vector<1x16xf32> to vector<16xf32>
        %swap3A_1402 = vector.shape_cast %max3A_1397 : vector<16xf32> to vector<1x16xf32>
        tpu.vector_store %arg13[%swap3A_1398, %swap3A_1399], %swap3A_1402 {strides = array<i32>} : memref<64x128xf32, #tpu.memory_space<vmem>>, vector<1x16xf32>,
      }
      %scan3A_1206 = arith.constant 64 : i32
      %dma_start3A_1207 = arith.constant 1 : i32
      %dma_start3A_1208 = arith.constant 0 : i32
      %dma_start3A_1209 = tpu.memref_slice %arg10[%dma_start3A_1207, %dma_start3A_1208] : memref<2x64xi32, #tpu.memory_space<vmem>> -> memref<1x64xi32, #tpu.memory_space<vmem>>
      %dma_start3A_1210 = tpu.memref_squeeze %dma_start3A_1209 : memref<1x64xi32, #tpu.memory_space<vmem>> -> memref<64xi32, #tpu.memory_space<vmem>>
      %dma_start3A_1211 = arith.constant 0 : i32
      %dma_start3A_1212 = arith.constant 0 : i32
      %dma_start3A_1213 = tpu.memref_slice %arg18[%dma_start3A_1211, %dma_start3A_1212] : memref<10240x128xf32, #tpu.memory_space<vmem_shared>> -> memref<10240x128xf32, #tpu.memory_space<vmem_shared>>
      tpu.enqueue_indirect_dma source(%arg13 : memref<64x128xf32, #tpu.memory_space<vmem>>) target(%dma_start3A_1213 : memref<10240x128xf32, #tpu.memory_space<vmem_shared>>) offsets(%dma_start3A_1210 : memref<64xi32, #tpu.memory_space<vmem>>) semaphore(%arg29 : memref<!tpu.dma_semaphore, #tpu.memory_space<semaphore_mem>>) {add = true}
      %lt3A_1214 = arith.constant 12 : i32
      %lt3A_1215 = arith.cmpi slt, %scan3A_140, %lt3A_1214 : i32
      %lt3A_1216 = arith.constant 12 : i32
      %lt3A_1217 = arith.cmpi slt, %scan3A_140, %lt3A_1216 : i32
      %mul3A_1218 = arith.constant 12 : i32
      %mul3A_1219 = arith.muli %mul3A_1218, %scan3A_140 : i32
      %add3A_1220 = arith.constant 11 : i32
      %add3A_1221 = arith.addi %mul3A_1219, %add3A_1220 : i32
      %dma_wait3A_1222 = arith.constant 1 : i32
      %dma_wait3A_1223 = arith.constant 0 : i32
      %dma_wait3A_1224 = tpu.memref_slice %arg9[%dma_wait3A_1222, %dma_wait3A_1223] : memref<2x64xi32, #tpu.memory_space<vmem>> -> memref<1x64xi32, #tpu.memory_space<vmem>>
      %dma_wait3A_1225 = tpu.memref_squeeze %dma_wait3A_1224 : memref<1x64xi32, #tpu.memory_space<vmem>> -> memref<64xi32, #tpu.memory_space<vmem>>
      %dma_wait3A_1226 = arith.constant 0 : i32
      %dma_wait3A_1227 = arith.constant 0 : i32
      %dma_wait3A_1228 = tpu.memref_slice %arg18[%dma_wait3A_1226, %dma_wait3A_1227] : memref<10240x128xf32, #tpu.memory_space<vmem_shared>> -> memref<10240x128xf32, #tpu.memory_space<vmem_shared>>
      tpu.wait_indirect_dma semaphore(%arg28 : memref<!tpu.dma_semaphore, #tpu.memory_space<semaphore_mem>>) src(%arg12 : memref<64x128xf32, #tpu.memory_space<vmem>>) dst(%dma_wait3A_1228 : memref<10240x128xf32, #tpu.memory_space<vmem_shared>>)
      %convert_element_type3A_1229 = arith.extui %lt3A_1215 : i1 to i32
      %cond3A_1230 = arith.constant 0 : i32
      %cond3A_1231 = arith.cmpi ne, %convert_element_type3A_1229, %cond3A_1230 : i32
      scf.if %cond3A_1231 {
        %add3A_1261 = arith.constant 2 : i32
        %add3A_1262 = arith.addi %add3A_1221, %add3A_1261 : i32
        %mul3A_1263 = arith.constant 64 : i32
        %mul3A_1264 = arith.muli %add3A_1262, %mul3A_1263 : i32
        %add3A_1265 = arith.addi %mul3A_2, %mul3A_1264 : i32
        %multiple_of3A_1266 = tpu.assume_multiple %add3A_1265, 8 : i32
        %dma_start3A_1267 = arith.constant 0 : i32
        %dma_start3A_1268 = arith.constant 0 : i32
        %dma_start3A_1269 = tpu.memref_slice %arg9[%dma_start3A_1267, %dma_start3A_1268] : memref<2x64xi32, #tpu.memory_space<vmem>> -> memref<1x64xi32, #tpu.memory_space<vmem>>
        %dma_start3A_1270 = tpu.memref_squeeze %dma_start3A_1269 : memref<1x64xi32, #tpu.memory_space<vmem>> -> memref<64xi32, #tpu.memory_space<vmem>>
        %dma_start3A_1271 = tpu.memref_slice %arg4[%multiple_of3A_1266] : memref<320000xi32, #tpu.memory_space<hbm>> -> memref<64xi32, #tpu.memory_space<hbm>>
        %dma_start3A_1272 = arith.constant 0 : i32
        %dma_start3A_1273 = tpu.memref_slice %arg9[%dma_start3A_1267, %dma_start3A_1272] : memref<2x64xi32, #tpu.memory_space<vmem>> -> memref<1x64xi32, #tpu.memory_space<vmem>>
        %dma_start3A_1274 = tpu.memref_squeeze %dma_start3A_1273 : memref<1x64xi32, #tpu.memory_space<vmem>> -> memref<64xi32, #tpu.memory_space<vmem>>
        %dma_start3A_1275 = tpu.memref_slice %arg4[%multiple_of3A_1266] : memref<320000xi32, #tpu.memory_space<hbm>> -> memref<64xi32, #tpu.memory_space<hbm>>
        tpu.enqueue_dma source(%dma_start3A_1275 : memref<64xi32, #tpu.memory_space<hbm>>) target(%dma_start3A_1274 : memref<64xi32, #tpu.memory_space<vmem>>) target_semaphore(%arg20 : memref<!tpu.dma_semaphore, #tpu.memory_space<semaphore_mem>>)
        %dma_start3A_1276 = arith.constant 1 : i32
        %dma_start3A_1277 = arith.constant 0 : i32
        %dma_start3A_1278 = tpu.memref_slice %arg9[%dma_start3A_1276, %dma_start3A_1277] : memref<2x64xi32, #tpu.memory_space<vmem>> -> memref<1x64xi32, #tpu.memory_space<vmem>>
        %dma_start3A_1279 = tpu.memref_squeeze %dma_start3A_1278 : memref<1x64xi32, #tpu.memory_space<vmem>> -> memref<64xi32, #tpu.memory_space<vmem>>
        %dma_start3A_1280 = tpu.memref_slice %arg5[%multiple_of3A_1266] : memref<320000xi32, #tpu.memory_space<hbm>> -> memref<64xi32, #tpu.memory_space<hbm>>
        %dma_start3A_1281 = arith.constant 0 : i32
        %dma_start3A_1282 = tpu.memref_slice %arg9[%dma_start3A_1276, %dma_start3A_1281] : memref<2x64xi32, #tpu.memory_space<vmem>> -> memref<1x64xi32, #tpu.memory_space<vmem>>
        %dma_start3A_1283 = tpu.memref_squeeze %dma_start3A_1282 : memref<1x64xi32, #tpu.memory_space<vmem>> -> memref<64xi32, #tpu.memory_space<vmem>>
        %dma_start3A_1284 = tpu.memref_slice %arg5[%multiple_of3A_1266] : memref<320000xi32, #tpu.memory_space<hbm>> -> memref<64xi32, #tpu.memory_space<hbm>>
        tpu.enqueue_dma source(%dma_start3A_1284 : memref<64xi32, #tpu.memory_space<hbm>>) target(%dma_start3A_1283 : memref<64xi32, #tpu.memory_space<vmem>>) target_semaphore(%arg20 : memref<!tpu.dma_semaphore, #tpu.memory_space<semaphore_mem>>)
      } else {
      }
      %convert_element_type3A_1232 = arith.extui %lt3A_1217 : i1 to i32
      %cond3A_1233 = arith.constant 0 : i32
      %cond3A_1234 = arith.cmpi ne, %convert_element_type3A_1232, %cond3A_1233 : i32
      scf.if %cond3A_1234 {
        %add3A_1261 = arith.constant 1 : i32
        %add3A_1262 = arith.addi %add3A_1221, %add3A_1261 : i32
        %mul3A_1263 = arith.constant 64 : i32
        %mul3A_1264 = arith.muli %add3A_1262, %mul3A_1263 : i32
        %add3A_1265 = arith.addi %mul3A_2, %mul3A_1264 : i32
        %multiple_of3A_1266 = tpu.assume_multiple %add3A_1265, 8 : i32
        %dma_start3A_1267 = arith.constant 0 : i32
        %dma_start3A_1268 = tpu.memref_slice %arg3[%multiple_of3A_1266, %dma_start3A_1267] : memref<320000x128xf32, #tpu.memory_space<hbm>> -> memref<64x128xf32, #tpu.memory_space<hbm>>
        %dma_start3A_1269 = arith.constant 0 : i32
        %dma_start3A_1270 = tpu.memref_slice %arg3[%multiple_of3A_1266, %dma_start3A_1269] : memref<320000x128xf32, #tpu.memory_space<hbm>> -> memref<64x128xf32, #tpu.memory_space<hbm>>
        tpu.enqueue_dma source(%dma_start3A_1270 : memref<64x128xf32, #tpu.memory_space<hbm>>) target(%arg12 : memref<64x128xf32, #tpu.memory_space<vmem>>) target_semaphore(%arg23 : memref<!tpu.dma_semaphore, #tpu.memory_space<semaphore_mem>>)
        %dma_wait3A_1271 = arith.constant 0 : i32
        %dma_wait3A_1272 = arith.constant 0 : i32
        %dma_wait3A_1273 = tpu.memref_slice %arg8[%dma_wait3A_1271, %dma_wait3A_1272] : memref<2x64xi32, #tpu.memory_space<vmem>> -> memref<1x64xi32, #tpu.memory_space<vmem>>
        %dma_wait3A_1274 = tpu.memref_squeeze %dma_wait3A_1273 : memref<1x64xi32, #tpu.memory_space<vmem>> -> memref<64xi32, #tpu.memory_space<vmem>>
        %dma_wait3A_1275 = arith.constant 0 : i32
        %dma_wait3A_1276 = tpu.memref_slice %arg4[%dma_wait3A_1275] : memref<320000xi32, #tpu.memory_space<hbm>> -> memref<64xi32, #tpu.memory_space<hbm>>
        %dma_wait3A_1277 = arith.constant 0 : i32
        %dma_wait3A_1278 = tpu.memref_slice %arg8[%dma_wait3A_1271, %dma_wait3A_1277] : memref<2x64xi32, #tpu.memory_space<vmem>> -> memref<1x64xi32, #tpu.memory_space<vmem>>
        %dma_wait3A_1279 = tpu.memref_squeeze %dma_wait3A_1278 : memref<1x64xi32, #tpu.memory_space<vmem>> -> memref<64xi32, #tpu.memory_space<vmem>>
        %dma_wait3A_1280 = arith.constant 0 : i32
        %dma_wait3A_1281 = tpu.memref_slice %arg4[%dma_wait3A_1280] : memref<320000xi32, #tpu.memory_space<hbm>> -> memref<64xi32, #tpu.memory_space<hbm>>
        tpu.wait_dma2 semaphore(%arg19 : memref<!tpu.dma_semaphore, #tpu.memory_space<semaphore_mem>>) src(%dma_wait3A_1281 : memref<64xi32, #tpu.memory_space<hbm>>) dst(%dma_wait3A_1279 : memref<64xi32, #tpu.memory_space<vmem>>)
        %dma_wait3A_1282 = arith.constant 1 : i32
        %dma_wait3A_1283 = arith.constant 0 : i32
        %dma_wait3A_1284 = tpu.memref_slice %arg8[%dma_wait3A_1282, %dma_wait3A_1283] : memref<2x64xi32, #tpu.memory_space<vmem>> -> memref<1x64xi32, #tpu.memory_space<vmem>>
        %dma_wait3A_1285 = tpu.memref_squeeze %dma_wait3A_1284 : memref<1x64xi32, #tpu.memory_space<vmem>> -> memref<64xi32, #tpu.memory_space<vmem>>
        %dma_wait3A_1286 = arith.constant 0 : i32
        %dma_wait3A_1287 = tpu.memref_slice %arg5[%dma_wait3A_1286] : memref<320000xi32, #tpu.memory_space<hbm>> -> memref<64xi32, #tpu.memory_space<hbm>>
        %dma_wait3A_1288 = arith.constant 0 : i32
        %dma_wait3A_1289 = tpu.memref_slice %arg8[%dma_wait3A_1282, %dma_wait3A_1288] : memref<2x64xi32, #tpu.memory_space<vmem>> -> memref<1x64xi32, #tpu.memory_space<vmem>>
        %dma_wait3A_1290 = tpu.memref_squeeze %dma_wait3A_1289 : memref<1x64xi32, #tpu.memory_space<vmem>> -> memref<64xi32, #tpu.memory_space<vmem>>
        %dma_wait3A_1291 = arith.constant 0 : i32
        %dma_wait3A_1292 = tpu.memref_slice %arg5[%dma_wait3A_1291] : memref<320000xi32, #tpu.memory_space<hbm>> -> memref<64xi32, #tpu.memory_space<hbm>>
        tpu.wait_dma2 semaphore(%arg19 : memref<!tpu.dma_semaphore, #tpu.memory_space<semaphore_mem>>) src(%dma_wait3A_1292 : memref<64xi32, #tpu.memory_space<hbm>>) dst(%dma_wait3A_1290 : memref<64xi32, #tpu.memory_space<vmem>>)
        %dma_start3A_1293 = arith.constant 0 : i32
        %dma_start3A_1294 = arith.constant 0 : i32
        %dma_start3A_1295 = tpu.memref_slice %arg8[%dma_start3A_1293, %dma_start3A_1294] : memref<2x64xi32, #tpu.memory_space<vmem>> -> memref<1x64xi32, #tpu.memory_space<vmem>>
        %dma_start3A_1296 = tpu.memref_squeeze %dma_start3A_1295 : memref<1x64xi32, #tpu.memory_space<vmem>> -> memref<64xi32, #tpu.memory_space<vmem>>
        %dma_start3A_1297 = arith.constant 0 : i32
        %dma_start3A_1298 = arith.constant 0 : i32
        %dma_start3A_1299 = tpu.memref_slice %arg2[%dma_start3A_1297, %dma_start3A_1298] : memref<10000x128xf32, #tpu.memory_space<hbm>> -> memref<10000x128xf32, #tpu.memory_space<hbm>>
        tpu.enqueue_indirect_dma source(%dma_start3A_1299 : memref<10000x128xf32, #tpu.memory_space<hbm>>) target(%arg15 : memref<64x128xf32, #tpu.memory_space<vmem>>) offsets(%dma_start3A_1296 : memref<64xi32, #tpu.memory_space<vmem>>) semaphore(%arg26 : memref<!tpu.dma_semaphore, #tpu.memory_space<semaphore_mem>>)
      } else {
      }
      %dma_wait3A_1235 = arith.constant 0 : i32
      %dma_wait3A_1236 = arith.constant 0 : i32
      %dma_wait3A_1237 = tpu.memref_slice %arg11[%dma_wait3A_1235, %dma_wait3A_1236] : memref<2x64xi32, #tpu.memory_space<vmem>> -> memref<1x64xi32, #tpu.memory_space<vmem>>
      %dma_wait3A_1238 = tpu.memref_squeeze %dma_wait3A_1237 : memref<1x64xi32, #tpu.memory_space<vmem>> -> memref<64xi32, #tpu.memory_space<vmem>>
      %dma_wait3A_1239 = arith.constant 0 : i32
      %dma_wait3A_1240 = arith.constant 0 : i32
      %dma_wait3A_1241 = tpu.memref_slice %arg2[%dma_wait3A_1239, %dma_wait3A_1240] : memref<10000x128xf32, #tpu.memory_space<hbm>> -> memref<10000x128xf32, #tpu.memory_space<hbm>>
      tpu.wait_indirect_dma semaphore(%arg27 : memref<!tpu.dma_semaphore, #tpu.memory_space<semaphore_mem>>) src(%dma_wait3A_1241 : memref<10000x128xf32, #tpu.memory_space<hbm>>) dst(%arg16 : memref<64x128xf32, #tpu.memory_space<vmem>>)
      %dma_wait3A_1242 = arith.constant 0 : i32
      %dma_wait3A_1243 = arith.constant 0 : i32
      %dma_wait3A_1244 = tpu.memref_slice %arg3[%dma_wait3A_1242, %dma_wait3A_1243] : memref<320000x128xf32, #tpu.memory_space<hbm>> -> memref<64x128xf32, #tpu.memory_space<hbm>>
      %dma_wait3A_1245 = arith.constant 0 : i32
      %dma_wait3A_1246 = arith.constant 0 : i32
      %dma_wait3A_1247 = tpu.memref_slice %arg3[%dma_wait3A_1245, %dma_wait3A_1246] : memref<320000x128xf32, #tpu.memory_space<hbm>> -> memref<64x128xf32, #tpu.memory_space<hbm>>
      tpu.wait_dma2 semaphore(%arg25 : memref<!tpu.dma_semaphore, #tpu.memory_space<semaphore_mem>>) src(%dma_wait3A_1247 : memref<64x128xf32, #tpu.memory_space<hbm>>) dst(%arg14 : memref<64x128xf32, #tpu.memory_space<vmem>>)
      %scan3A_1248 = arith.constant 0 : i32
      %scan3A_1249 = arith.constant 0 : i32
      %scan3A_1250 = arith.constant 64 : i32
      %scan3A_1251 = arith.addi %scan3A_1249, %scan3A_1250 : i32
      %scan3A_1252 = arith.constant 1 : i32
      scf.for %scan3A_1261 = %scan3A_1249 to %scan3A_1251 step %scan3A_1252  : i32 {
        %get3A = arith.index_cast %scan3A_1261 : i32 to index
        %get3A_1262 = arith.constant 0 : index
        %get3A_1263 = tpu.vector_load %arg14[%get3A, %get3A_1262] {strides = array<i32>} : memref<64x128xf32, #tpu.memory_space<vmem>>, vector<1x16xf32>,
        %get3A_1264 = vector.shape_cast %get3A_1263 : vector<1x16xf32> to vector<16xf32>
        %get3A_1265 = arith.index_cast %scan3A_1261 : i32 to index
        %get3A_1266 = arith.constant 0 : index
        %get3A_1267 = tpu.vector_load %arg16[%get3A_1265, %get3A_1266] {strides = array<i32>} : memref<64x128xf32, #tpu.memory_space<vmem>>, vector<1x16xf32>,
        %get3A_1268 = vector.shape_cast %get3A_1267 : vector<1x16xf32> to vector<16xf32>
        %mul3A_1269 = arith.mulf %get3A_1264, %get3A_1268 : vector<16xf32>
        %mul3A_1270 = arith.constant 1.000000e-01 : f32
        %mul3A_1271 = vector.broadcast %mul3A_1270 : f32 to vector<16xf32>
        %mul3A_1272 = arith.mulf %mul3A_1269, %mul3A_1271 : vector<16xf32>
        %max3A = arith.maximumf %mul3A_1269, %mul3A_1272 : vector<16xf32>
        %swap3A = arith.index_cast %scan3A_1261 : i32 to index
        %swap3A_1273 = arith.constant 0 : index
        %swap3A_1274 = tpu.vector_load %arg14[%swap3A, %swap3A_1273] {strides = array<i32>} : memref<64x128xf32, #tpu.memory_space<vmem>>, vector<1x16xf32>,
        %swap3A_1275 = vector.shape_cast %swap3A_1274 : vector<1x16xf32> to vector<16xf32>
        %swap3A_1276 = vector.shape_cast %max3A : vector<16xf32> to vector<1x16xf32>
        tpu.vector_store %arg14[%swap3A, %swap3A_1273], %swap3A_1276 {strides = array<i32>} : memref<64x128xf32, #tpu.memory_space<vmem>>, vector<1x16xf32>,
        %get3A_1277 = arith.index_cast %scan3A_1261 : i32 to index
        %get3A_1278 = arith.constant 16 : index
        %get3A_1279 = tpu.vector_load %arg14[%get3A_1277, %get3A_1278] {strides = array<i32>} : memref<64x128xf32, #tpu.memory_space<vmem>>, vector<1x16xf32>,
        %get3A_1280 = vector.shape_cast %get3A_1279 : vector<1x16xf32> to vector<16xf32>
        %get3A_1281 = arith.index_cast %scan3A_1261 : i32 to index
        %get3A_1282 = arith.constant 16 : index
        %get3A_1283 = tpu.vector_load %arg16[%get3A_1281, %get3A_1282] {strides = array<i32>} : memref<64x128xf32, #tpu.memory_space<vmem>>, vector<1x16xf32>,
        %get3A_1284 = vector.shape_cast %get3A_1283 : vector<1x16xf32> to vector<16xf32>
        %mul3A_1285 = arith.mulf %get3A_1280, %get3A_1284 : vector<16xf32>
        %mul3A_1286 = arith.constant 1.000000e-01 : f32
        %mul3A_1287 = vector.broadcast %mul3A_1286 : f32 to vector<16xf32>
        %mul3A_1288 = arith.mulf %mul3A_1285, %mul3A_1287 : vector<16xf32>
        %max3A_1289 = arith.maximumf %mul3A_1285, %mul3A_1288 : vector<16xf32>
        %swap3A_1290 = arith.index_cast %scan3A_1261 : i32 to index
        %swap3A_1291 = arith.constant 16 : index
        %swap3A_1292 = tpu.vector_load %arg14[%swap3A_1290, %swap3A_1291] {strides = array<i32>} : memref<64x128xf32, #tpu.memory_space<vmem>>, vector<1x16xf32>,
        %swap3A_1293 = vector.shape_cast %swap3A_1292 : vector<1x16xf32> to vector<16xf32>
        %swap3A_1294 = vector.shape_cast %max3A_1289 : vector<16xf32> to vector<1x16xf32>
        tpu.vector_store %arg14[%swap3A_1290, %swap3A_1291], %swap3A_1294 {strides = array<i32>} : memref<64x128xf32, #tpu.memory_space<vmem>>, vector<1x16xf32>,
        %get3A_1295 = arith.index_cast %scan3A_1261 : i32 to index
        %get3A_1296 = arith.constant 32 : index
        %get3A_1297 = tpu.vector_load %arg14[%get3A_1295, %get3A_1296] {strides = array<i32>} : memref<64x128xf32, #tpu.memory_space<vmem>>, vector<1x16xf32>,
        %get3A_1298 = vector.shape_cast %get3A_1297 : vector<1x16xf32> to vector<16xf32>
        %get3A_1299 = arith.index_cast %scan3A_1261 : i32 to index
        %get3A_1300 = arith.constant 32 : index
        %get3A_1301 = tpu.vector_load %arg16[%get3A_1299, %get3A_1300] {strides = array<i32>} : memref<64x128xf32, #tpu.memory_space<vmem>>, vector<1x16xf32>,
        %get3A_1302 = vector.shape_cast %get3A_1301 : vector<1x16xf32> to vector<16xf32>
        %mul3A_1303 = arith.mulf %get3A_1298, %get3A_1302 : vector<16xf32>
        %mul3A_1304 = arith.constant 1.000000e-01 : f32
        %mul3A_1305 = vector.broadcast %mul3A_1304 : f32 to vector<16xf32>
        %mul3A_1306 = arith.mulf %mul3A_1303, %mul3A_1305 : vector<16xf32>
        %max3A_1307 = arith.maximumf %mul3A_1303, %mul3A_1306 : vector<16xf32>
        %swap3A_1308 = arith.index_cast %scan3A_1261 : i32 to index
        %swap3A_1309 = arith.constant 32 : index
        %swap3A_1310 = tpu.vector_load %arg14[%swap3A_1308, %swap3A_1309] {strides = array<i32>} : memref<64x128xf32, #tpu.memory_space<vmem>>, vector<1x16xf32>,
        %swap3A_1311 = vector.shape_cast %swap3A_1310 : vector<1x16xf32> to vector<16xf32>
        %swap3A_1312 = vector.shape_cast %max3A_1307 : vector<16xf32> to vector<1x16xf32>
        tpu.vector_store %arg14[%swap3A_1308, %swap3A_1309], %swap3A_1312 {strides = array<i32>} : memref<64x128xf32, #tpu.memory_space<vmem>>, vector<1x16xf32>,
        %get3A_1313 = arith.index_cast %scan3A_1261 : i32 to index
        %get3A_1314 = arith.constant 48 : index
        %get3A_1315 = tpu.vector_load %arg14[%get3A_1313, %get3A_1314] {strides = array<i32>} : memref<64x128xf32, #tpu.memory_space<vmem>>, vector<1x16xf32>,
        %get3A_1316 = vector.shape_cast %get3A_1315 : vector<1x16xf32> to vector<16xf32>
        %get3A_1317 = arith.index_cast %scan3A_1261 : i32 to index
        %get3A_1318 = arith.constant 48 : index
        %get3A_1319 = tpu.vector_load %arg16[%get3A_1317, %get3A_1318] {strides = array<i32>} : memref<64x128xf32, #tpu.memory_space<vmem>>, vector<1x16xf32>,
        %get3A_1320 = vector.shape_cast %get3A_1319 : vector<1x16xf32> to vector<16xf32>
        %mul3A_1321 = arith.mulf %get3A_1316, %get3A_1320 : vector<16xf32>
        %mul3A_1322 = arith.constant 1.000000e-01 : f32
        %mul3A_1323 = vector.broadcast %mul3A_1322 : f32 to vector<16xf32>
        %mul3A_1324 = arith.mulf %mul3A_1321, %mul3A_1323 : vector<16xf32>
        %max3A_1325 = arith.maximumf %mul3A_1321, %mul3A_1324 : vector<16xf32>
        %swap3A_1326 = arith.index_cast %scan3A_1261 : i32 to index
        %swap3A_1327 = arith.constant 48 : index
        %swap3A_1328 = tpu.vector_load %arg14[%swap3A_1326, %swap3A_1327] {strides = array<i32>} : memref<64x128xf32, #tpu.memory_space<vmem>>, vector<1x16xf32>,
        %swap3A_1329 = vector.shape_cast %swap3A_1328 : vector<1x16xf32> to vector<16xf32>
        %swap3A_1330 = vector.shape_cast %max3A_1325 : vector<16xf32> to vector<1x16xf32>
        tpu.vector_store %arg14[%swap3A_1326, %swap3A_1327], %swap3A_1330 {strides = array<i32>} : memref<64x128xf32, #tpu.memory_space<vmem>>, vector<1x16xf32>,
        %get3A_1331 = arith.index_cast %scan3A_1261 : i32 to index
        %get3A_1332 = arith.constant 64 : index
        %get3A_1333 = tpu.vector_load %arg14[%get3A_1331, %get3A_1332] {strides = array<i32>} : memref<64x128xf32, #tpu.memory_space<vmem>>, vector<1x16xf32>,
        %get3A_1334 = vector.shape_cast %get3A_1333 : vector<1x16xf32> to vector<16xf32>
        %get3A_1335 = arith.index_cast %scan3A_1261 : i32 to index
        %get3A_1336 = arith.constant 64 : index
        %get3A_1337 = tpu.vector_load %arg16[%get3A_1335, %get3A_1336] {strides = array<i32>} : memref<64x128xf32, #tpu.memory_space<vmem>>, vector<1x16xf32>,
        %get3A_1338 = vector.shape_cast %get3A_1337 : vector<1x16xf32> to vector<16xf32>
        %mul3A_1339 = arith.mulf %get3A_1334, %get3A_1338 : vector<16xf32>
        %mul3A_1340 = arith.constant 1.000000e-01 : f32
        %mul3A_1341 = vector.broadcast %mul3A_1340 : f32 to vector<16xf32>
        %mul3A_1342 = arith.mulf %mul3A_1339, %mul3A_1341 : vector<16xf32>
        %max3A_1343 = arith.maximumf %mul3A_1339, %mul3A_1342 : vector<16xf32>
        %swap3A_1344 = arith.index_cast %scan3A_1261 : i32 to index
        %swap3A_1345 = arith.constant 64 : index
        %swap3A_1346 = tpu.vector_load %arg14[%swap3A_1344, %swap3A_1345] {strides = array<i32>} : memref<64x128xf32, #tpu.memory_space<vmem>>, vector<1x16xf32>,
        %swap3A_1347 = vector.shape_cast %swap3A_1346 : vector<1x16xf32> to vector<16xf32>
        %swap3A_1348 = vector.shape_cast %max3A_1343 : vector<16xf32> to vector<1x16xf32>
        tpu.vector_store %arg14[%swap3A_1344, %swap3A_1345], %swap3A_1348 {strides = array<i32>} : memref<64x128xf32, #tpu.memory_space<vmem>>, vector<1x16xf32>,
        %get3A_1349 = arith.index_cast %scan3A_1261 : i32 to index
        %get3A_1350 = arith.constant 80 : index
        %get3A_1351 = tpu.vector_load %arg14[%get3A_1349, %get3A_1350] {strides = array<i32>} : memref<64x128xf32, #tpu.memory_space<vmem>>, vector<1x16xf32>,
        %get3A_1352 = vector.shape_cast %get3A_1351 : vector<1x16xf32> to vector<16xf32>
        %get3A_1353 = arith.index_cast %scan3A_1261 : i32 to index
        %get3A_1354 = arith.constant 80 : index
        %get3A_1355 = tpu.vector_load %arg16[%get3A_1353, %get3A_1354] {strides = array<i32>} : memref<64x128xf32, #tpu.memory_space<vmem>>, vector<1x16xf32>,
        %get3A_1356 = vector.shape_cast %get3A_1355 : vector<1x16xf32> to vector<16xf32>
        %mul3A_1357 = arith.mulf %get3A_1352, %get3A_1356 : vector<16xf32>
        %mul3A_1358 = arith.constant 1.000000e-01 : f32
        %mul3A_1359 = vector.broadcast %mul3A_1358 : f32 to vector<16xf32>
        %mul3A_1360 = arith.mulf %mul3A_1357, %mul3A_1359 : vector<16xf32>
        %max3A_1361 = arith.maximumf %mul3A_1357, %mul3A_1360 : vector<16xf32>
        %swap3A_1362 = arith.index_cast %scan3A_1261 : i32 to index
        %swap3A_1363 = arith.constant 80 : index
        %swap3A_1364 = tpu.vector_load %arg14[%swap3A_1362, %swap3A_1363] {strides = array<i32>} : memref<64x128xf32, #tpu.memory_space<vmem>>, vector<1x16xf32>,
        %swap3A_1365 = vector.shape_cast %swap3A_1364 : vector<1x16xf32> to vector<16xf32>
        %swap3A_1366 = vector.shape_cast %max3A_1361 : vector<16xf32> to vector<1x16xf32>
        tpu.vector_store %arg14[%swap3A_1362, %swap3A_1363], %swap3A_1366 {strides = array<i32>} : memref<64x128xf32, #tpu.memory_space<vmem>>, vector<1x16xf32>,
        %get3A_1367 = arith.index_cast %scan3A_1261 : i32 to index
        %get3A_1368 = arith.constant 96 : index
        %get3A_1369 = tpu.vector_load %arg14[%get3A_1367, %get3A_1368] {strides = array<i32>} : memref<64x128xf32, #tpu.memory_space<vmem>>, vector<1x16xf32>,
        %get3A_1370 = vector.shape_cast %get3A_1369 : vector<1x16xf32> to vector<16xf32>
        %get3A_1371 = arith.index_cast %scan3A_1261 : i32 to index
        %get3A_1372 = arith.constant 96 : index
        %get3A_1373 = tpu.vector_load %arg16[%get3A_1371, %get3A_1372] {strides = array<i32>} : memref<64x128xf32, #tpu.memory_space<vmem>>, vector<1x16xf32>,
        %get3A_1374 = vector.shape_cast %get3A_1373 : vector<1x16xf32> to vector<16xf32>
        %mul3A_1375 = arith.mulf %get3A_1370, %get3A_1374 : vector<16xf32>
        %mul3A_1376 = arith.constant 1.000000e-01 : f32
        %mul3A_1377 = vector.broadcast %mul3A_1376 : f32 to vector<16xf32>
        %mul3A_1378 = arith.mulf %mul3A_1375, %mul3A_1377 : vector<16xf32>
        %max3A_1379 = arith.maximumf %mul3A_1375, %mul3A_1378 : vector<16xf32>
        %swap3A_1380 = arith.index_cast %scan3A_1261 : i32 to index
        %swap3A_1381 = arith.constant 96 : index
        %swap3A_1382 = tpu.vector_load %arg14[%swap3A_1380, %swap3A_1381] {strides = array<i32>} : memref<64x128xf32, #tpu.memory_space<vmem>>, vector<1x16xf32>,
        %swap3A_1383 = vector.shape_cast %swap3A_1382 : vector<1x16xf32> to vector<16xf32>
        %swap3A_1384 = vector.shape_cast %max3A_1379 : vector<16xf32> to vector<1x16xf32>
        tpu.vector_store %arg14[%swap3A_1380, %swap3A_1381], %swap3A_1384 {strides = array<i32>} : memref<64x128xf32, #tpu.memory_space<vmem>>, vector<1x16xf32>,
        %get3A_1385 = arith.index_cast %scan3A_1261 : i32 to index
        %get3A_1386 = arith.constant 112 : index
        %get3A_1387 = tpu.vector_load %arg14[%get3A_1385, %get3A_1386] {strides = array<i32>} : memref<64x128xf32, #tpu.memory_space<vmem>>, vector<1x16xf32>,
        %get3A_1388 = vector.shape_cast %get3A_1387 : vector<1x16xf32> to vector<16xf32>
        %get3A_1389 = arith.index_cast %scan3A_1261 : i32 to index
        %get3A_1390 = arith.constant 112 : index
        %get3A_1391 = tpu.vector_load %arg16[%get3A_1389, %get3A_1390] {strides = array<i32>} : memref<64x128xf32, #tpu.memory_space<vmem>>, vector<1x16xf32>,
        %get3A_1392 = vector.shape_cast %get3A_1391 : vector<1x16xf32> to vector<16xf32>
        %mul3A_1393 = arith.mulf %get3A_1388, %get3A_1392 : vector<16xf32>
        %mul3A_1394 = arith.constant 1.000000e-01 : f32
        %mul3A_1395 = vector.broadcast %mul3A_1394 : f32 to vector<16xf32>
        %mul3A_1396 = arith.mulf %mul3A_1393, %mul3A_1395 : vector<16xf32>
        %max3A_1397 = arith.maximumf %mul3A_1393, %mul3A_1396 : vector<16xf32>
        %swap3A_1398 = arith.index_cast %scan3A_1261 : i32 to index
        %swap3A_1399 = arith.constant 112 : index
        %swap3A_1400 = tpu.vector_load %arg14[%swap3A_1398, %swap3A_1399] {strides = array<i32>} : memref<64x128xf32, #tpu.memory_space<vmem>>, vector<1x16xf32>,
        %swap3A_1401 = vector.shape_cast %swap3A_1400 : vector<1x16xf32> to vector<16xf32>
        %swap3A_1402 = vector.shape_cast %max3A_1397 : vector<16xf32> to vector<1x16xf32>
        tpu.vector_store %arg14[%swap3A_1398, %swap3A_1399], %swap3A_1402 {strides = array<i32>} : memref<64x128xf32, #tpu.memory_space<vmem>>, vector<1x16xf32>,
      }
      %scan3A_1253 = arith.constant 64 : i32
      %dma_start3A_1254 = arith.constant 1 : i32
      %dma_start3A_1255 = arith.constant 0 : i32
      %dma_start3A_1256 = tpu.memref_slice %arg11[%dma_start3A_1254, %dma_start3A_1255] : memref<2x64xi32, #tpu.memory_space<vmem>> -> memref<1x64xi32, #tpu.memory_space<vmem>>
      %dma_start3A_1257 = tpu.memref_squeeze %dma_start3A_1256 : memref<1x64xi32, #tpu.memory_space<vmem>> -> memref<64xi32, #tpu.memory_space<vmem>>
      %dma_start3A_1258 = arith.constant 0 : i32
      %dma_start3A_1259 = arith.constant 0 : i32
      %dma_start3A_1260 = tpu.memref_slice %arg18[%dma_start3A_1258, %dma_start3A_1259] : memref<10240x128xf32, #tpu.memory_space<vmem_shared>> -> memref<10240x128xf32, #tpu.memory_space<vmem_shared>>
      tpu.enqueue_indirect_dma source(%arg14 : memref<64x128xf32, #tpu.memory_space<vmem>>) target(%dma_start3A_1260 : memref<10240x128xf32, #tpu.memory_space<vmem_shared>>) offsets(%dma_start3A_1257 : memref<64xi32, #tpu.memory_space<vmem>>) semaphore(%arg30 : memref<!tpu.dma_semaphore, #tpu.memory_space<semaphore_mem>>) {add = true}
    }
    %scan3A_86 = arith.constant 13 : i32
    %dma_wait3A_87 = arith.constant 1 : i32
    %dma_wait3A_88 = arith.constant 0 : i32
    %dma_wait3A_89 = tpu.memref_slice %arg10[%dma_wait3A_87, %dma_wait3A_88] : memref<2x64xi32, #tpu.memory_space<vmem>> -> memref<1x64xi32, #tpu.memory_space<vmem>>
    %dma_wait3A_90 = tpu.memref_squeeze %dma_wait3A_89 : memref<1x64xi32, #tpu.memory_space<vmem>> -> memref<64xi32, #tpu.memory_space<vmem>>
    %dma_wait3A_91 = arith.constant 0 : i32
    %dma_wait3A_92 = arith.constant 0 : i32
    %dma_wait3A_93 = tpu.memref_slice %arg18[%dma_wait3A_91, %dma_wait3A_92] : memref<10240x128xf32, #tpu.memory_space<vmem_shared>> -> memref<10240x128xf32, #tpu.memory_space<vmem_shared>>
    tpu.wait_indirect_dma semaphore(%arg29 : memref<!tpu.dma_semaphore, #tpu.memory_space<semaphore_mem>>) src(%arg13 : memref<64x128xf32, #tpu.memory_space<vmem>>) dst(%dma_wait3A_93 : memref<10240x128xf32, #tpu.memory_space<vmem_shared>>)
    %dma_wait3A_94 = arith.constant 1 : i32
    %dma_wait3A_95 = arith.constant 0 : i32
    %dma_wait3A_96 = tpu.memref_slice %arg11[%dma_wait3A_94, %dma_wait3A_95] : memref<2x64xi32, #tpu.memory_space<vmem>> -> memref<1x64xi32, #tpu.memory_space<vmem>>
    %dma_wait3A_97 = tpu.memref_squeeze %dma_wait3A_96 : memref<1x64xi32, #tpu.memory_space<vmem>> -> memref<64xi32, #tpu.memory_space<vmem>>
    %dma_wait3A_98 = arith.constant 0 : i32
    %dma_wait3A_99 = arith.constant 0 : i32
    %dma_wait3A_100 = tpu.memref_slice %arg18[%dma_wait3A_98, %dma_wait3A_99] : memref<10240x128xf32, #tpu.memory_space<vmem_shared>> -> memref<10240x128xf32, #tpu.memory_space<vmem_shared>>
    tpu.wait_indirect_dma semaphore(%arg30 : memref<!tpu.dma_semaphore, #tpu.memory_space<semaphore_mem>>) src(%arg14 : memref<64x128xf32, #tpu.memory_space<vmem>>) dst(%dma_wait3A_100 : memref<10240x128xf32, #tpu.memory_space<vmem_shared>>)
    %add3A_101 = arith.constant 9984 : i32
    %add3A_102 = arith.addi %mul3A_2, %add3A_101 : i32
    %multiple_of3A_103 = tpu.assume_multiple %add3A_102, 8 : i32
    %run_scoped3A = arith.constant 0 : i32
    "tpu.region"() ({
      %run_scoped3A_140 = tpu.sem_alloc : memref<!tpu.dma_semaphore, #tpu.memory_space<semaphore_mem>>
      %dma_start3A_141 = arith.constant 0 : i32
      %dma_start3A_142 = tpu.memref_slice %arg17[%run_scoped3A, %dma_start3A_141] : memref<2x16xi32, #tpu.memory_space<vmem>> -> memref<1x16xi32, #tpu.memory_space<vmem>>
      %dma_start3A_143 = tpu.memref_squeeze %dma_start3A_142 : memref<1x16xi32, #tpu.memory_space<vmem>> -> memref<16xi32, #tpu.memory_space<vmem>>
      %dma_start3A_144 = tpu.memref_slice %arg4[%multiple_of3A_103] : memref<320000xi32, #tpu.memory_space<hbm>> -> memref<16xi32, #tpu.memory_space<hbm>>
      %dma_start3A_145 = arith.constant 0 : i32
      %dma_start3A_146 = tpu.memref_slice %arg17[%run_scoped3A, %dma_start3A_145] : memref<2x16xi32, #tpu.memory_space<vmem>> -> memref<1x16xi32, #tpu.memory_space<vmem>>
      %dma_start3A_147 = tpu.memref_squeeze %dma_start3A_146 : memref<1x16xi32, #tpu.memory_space<vmem>> -> memref<16xi32, #tpu.memory_space<vmem>>
      %dma_start3A_148 = tpu.memref_slice %arg4[%multiple_of3A_103] : memref<320000xi32, #tpu.memory_space<hbm>> -> memref<16xi32, #tpu.memory_space<hbm>>
      tpu.enqueue_dma source(%dma_start3A_148 : memref<16xi32, #tpu.memory_space<hbm>>) target(%dma_start3A_147 : memref<16xi32, #tpu.memory_space<vmem>>) target_semaphore(%run_scoped3A_140 : memref<!tpu.dma_semaphore, #tpu.memory_space<semaphore_mem>>)
      %dma_wait3A_149 = arith.constant 0 : i32
      %dma_wait3A_150 = tpu.memref_slice %arg17[%run_scoped3A, %dma_wait3A_149] : memref<2x16xi32, #tpu.memory_space<vmem>> -> memref<1x16xi32, #tpu.memory_space<vmem>>
      %dma_wait3A_151 = tpu.memref_squeeze %dma_wait3A_150 : memref<1x16xi32, #tpu.memory_space<vmem>> -> memref<16xi32, #tpu.memory_space<vmem>>
      %dma_wait3A_152 = tpu.memref_slice %arg4[%multiple_of3A_103] : memref<320000xi32, #tpu.memory_space<hbm>> -> memref<16xi32, #tpu.memory_space<hbm>>
      %dma_wait3A_153 = arith.constant 0 : i32
      %dma_wait3A_154 = tpu.memref_slice %arg17[%run_scoped3A, %dma_wait3A_153] : memref<2x16xi32, #tpu.memory_space<vmem>> -> memref<1x16xi32, #tpu.memory_space<vmem>>
      %dma_wait3A_155 = tpu.memref_squeeze %dma_wait3A_154 : memref<1x16xi32, #tpu.memory_space<vmem>> -> memref<16xi32, #tpu.memory_space<vmem>>
      %dma_wait3A_156 = tpu.memref_slice %arg4[%multiple_of3A_103] : memref<320000xi32, #tpu.memory_space<hbm>> -> memref<16xi32, #tpu.memory_space<hbm>>
      tpu.wait_dma2 semaphore(%run_scoped3A_140 : memref<!tpu.dma_semaphore, #tpu.memory_space<semaphore_mem>>) src(%dma_wait3A_156 : memref<16xi32, #tpu.memory_space<hbm>>) dst(%dma_wait3A_155 : memref<16xi32, #tpu.memory_space<vmem>>)
      tpu.yield
    }) : () -> ()
    %run_scoped3A_104 = arith.constant 1 : i32
    "tpu.region"() ({
      %run_scoped3A_140 = tpu.sem_alloc : memref<!tpu.dma_semaphore, #tpu.memory_space<semaphore_mem>>
      %dma_start3A_141 = arith.constant 0 : i32
      %dma_start3A_142 = tpu.memref_slice %arg17[%run_scoped3A_104, %dma_start3A_141] : memref<2x16xi32, #tpu.memory_space<vmem>> -> memref<1x16xi32, #tpu.memory_space<vmem>>
      %dma_start3A_143 = tpu.memref_squeeze %dma_start3A_142 : memref<1x16xi32, #tpu.memory_space<vmem>> -> memref<16xi32, #tpu.memory_space<vmem>>
      %dma_start3A_144 = tpu.memref_slice %arg5[%multiple_of3A_103] : memref<320000xi32, #tpu.memory_space<hbm>> -> memref<16xi32, #tpu.memory_space<hbm>>
      %dma_start3A_145 = arith.constant 0 : i32
      %dma_start3A_146 = tpu.memref_slice %arg17[%run_scoped3A_104, %dma_start3A_145] : memref<2x16xi32, #tpu.memory_space<vmem>> -> memref<1x16xi32, #tpu.memory_space<vmem>>
      %dma_start3A_147 = tpu.memref_squeeze %dma_start3A_146 : memref<1x16xi32, #tpu.memory_space<vmem>> -> memref<16xi32, #tpu.memory_space<vmem>>
      %dma_start3A_148 = tpu.memref_slice %arg5[%multiple_of3A_103] : memref<320000xi32, #tpu.memory_space<hbm>> -> memref<16xi32, #tpu.memory_space<hbm>>
      tpu.enqueue_dma source(%dma_start3A_148 : memref<16xi32, #tpu.memory_space<hbm>>) target(%dma_start3A_147 : memref<16xi32, #tpu.memory_space<vmem>>) target_semaphore(%run_scoped3A_140 : memref<!tpu.dma_semaphore, #tpu.memory_space<semaphore_mem>>)
      %dma_wait3A_149 = arith.constant 0 : i32
      %dma_wait3A_150 = tpu.memref_slice %arg17[%run_scoped3A_104, %dma_wait3A_149] : memref<2x16xi32, #tpu.memory_space<vmem>> -> memref<1x16xi32, #tpu.memory_space<vmem>>
      %dma_wait3A_151 = tpu.memref_squeeze %dma_wait3A_150 : memref<1x16xi32, #tpu.memory_space<vmem>> -> memref<16xi32, #tpu.memory_space<vmem>>
      %dma_wait3A_152 = tpu.memref_slice %arg5[%multiple_of3A_103] : memref<320000xi32, #tpu.memory_space<hbm>> -> memref<16xi32, #tpu.memory_space<hbm>>
      %dma_wait3A_153 = arith.constant 0 : i32
      %dma_wait3A_154 = tpu.memref_slice %arg17[%run_scoped3A_104, %dma_wait3A_153] : memref<2x16xi32, #tpu.memory_space<vmem>> -> memref<1x16xi32, #tpu.memory_space<vmem>>
      %dma_wait3A_155 = tpu.memref_squeeze %dma_wait3A_154 : memref<1x16xi32, #tpu.memory_space<vmem>> -> memref<16xi32, #tpu.memory_space<vmem>>
      %dma_wait3A_156 = tpu.memref_slice %arg5[%multiple_of3A_103] : memref<320000xi32, #tpu.memory_space<hbm>> -> memref<16xi32, #tpu.memory_space<hbm>>
      tpu.wait_dma2 semaphore(%run_scoped3A_140 : memref<!tpu.dma_semaphore, #tpu.memory_space<semaphore_mem>>) src(%dma_wait3A_156 : memref<16xi32, #tpu.memory_space<hbm>>) dst(%dma_wait3A_155 : memref<16xi32, #tpu.memory_space<vmem>>)
      tpu.yield
    }) : () -> ()
    "tpu.region"() ({
      %run_scoped3A_140 = tpu.sem_alloc : memref<!tpu.dma_semaphore, #tpu.memory_space<semaphore_mem>>
      %dma_start3A_141 = arith.constant 0 : i32
      %dma_start3A_142 = arith.constant 0 : i32
      %dma_start3A_143 = tpu.memref_slice %arg12[%dma_start3A_141, %dma_start3A_142] : memref<64x128xf32, #tpu.memory_space<vmem>> -> memref<16x128xf32, #tpu.memory_space<vmem>>
      %dma_start3A_144 = arith.constant 0 : i32
      %dma_start3A_145 = tpu.memref_slice %arg3[%multiple_of3A_103, %dma_start3A_144] : memref<320000x128xf32, #tpu.memory_space<hbm>> -> memref<16x128xf32, #tpu.memory_space<hbm>>
      %dma_start3A_146 = arith.constant 0 : i32
      %dma_start3A_147 = arith.constant 0 : i32
      %dma_start3A_148 = tpu.memref_slice %arg12[%dma_start3A_146, %dma_start3A_147] : memref<64x128xf32, #tpu.memory_space<vmem>> -> memref<16x128xf32, #tpu.memory_space<vmem>>
      %dma_start3A_149 = arith.constant 0 : i32
      %dma_start3A_150 = tpu.memref_slice %arg3[%multiple_of3A_103, %dma_start3A_149] : memref<320000x128xf32, #tpu.memory_space<hbm>> -> memref<16x128xf32, #tpu.memory_space<hbm>>
      tpu.enqueue_dma source(%dma_start3A_150 : memref<16x128xf32, #tpu.memory_space<hbm>>) target(%dma_start3A_148 : memref<16x128xf32, #tpu.memory_space<vmem>>) target_semaphore(%run_scoped3A_140 : memref<!tpu.dma_semaphore, #tpu.memory_space<semaphore_mem>>)
      %dma_wait3A_151 = arith.constant 0 : i32
      %dma_wait3A_152 = arith.constant 0 : i32
      %dma_wait3A_153 = tpu.memref_slice %arg12[%dma_wait3A_151, %dma_wait3A_152] : memref<64x128xf32, #tpu.memory_space<vmem>> -> memref<16x128xf32, #tpu.memory_space<vmem>>
      %dma_wait3A_154 = arith.constant 0 : i32
      %dma_wait3A_155 = tpu.memref_slice %arg3[%multiple_of3A_103, %dma_wait3A_154] : memref<320000x128xf32, #tpu.memory_space<hbm>> -> memref<16x128xf32, #tpu.memory_space<hbm>>
      %dma_wait3A_156 = arith.constant 0 : i32
      %dma_wait3A_157 = arith.constant 0 : i32
      %dma_wait3A_158 = tpu.memref_slice %arg12[%dma_wait3A_156, %dma_wait3A_157] : memref<64x128xf32, #tpu.memory_space<vmem>> -> memref<16x128xf32, #tpu.memory_space<vmem>>
      %dma_wait3A_159 = arith.constant 0 : i32
      %dma_wait3A_160 = tpu.memref_slice %arg3[%multiple_of3A_103, %dma_wait3A_159] : memref<320000x128xf32, #tpu.memory_space<hbm>> -> memref<16x128xf32, #tpu.memory_space<hbm>>
      tpu.wait_dma2 semaphore(%run_scoped3A_140 : memref<!tpu.dma_semaphore, #tpu.memory_space<semaphore_mem>>) src(%dma_wait3A_160 : memref<16x128xf32, #tpu.memory_space<hbm>>) dst(%dma_wait3A_158 : memref<16x128xf32, #tpu.memory_space<vmem>>)
      tpu.yield
    }) : () -> ()
    %dma_start3A_105 = arith.constant 0 : i32
    %dma_start3A_106 = arith.constant 0 : i32
    %dma_start3A_107 = arith.constant 0 : i32
    %dma_start3A_108 = tpu.memref_slice %arg15[%dma_start3A_106, %dma_start3A_107] : memref<64x128xf32, #tpu.memory_space<vmem>> -> memref<16x128xf32, #tpu.memory_space<vmem>>
    %dma_start3A_109 = arith.constant 0 : i32
    %dma_start3A_110 = tpu.memref_slice %arg17[%dma_start3A_105, %dma_start3A_109] : memref<2x16xi32, #tpu.memory_space<vmem>> -> memref<1x16xi32, #tpu.memory_space<vmem>>
    %dma_start3A_111 = tpu.memref_squeeze %dma_start3A_110 : memref<1x16xi32, #tpu.memory_space<vmem>> -> memref<16xi32, #tpu.memory_space<vmem>>
    %dma_start3A_112 = arith.constant 0 : i32
    %dma_start3A_113 = arith.constant 0 : i32
    %dma_start3A_114 = tpu.memref_slice %arg2[%dma_start3A_112, %dma_start3A_113] : memref<10000x128xf32, #tpu.memory_space<hbm>> -> memref<10000x128xf32, #tpu.memory_space<hbm>>
    tpu.enqueue_indirect_dma source(%dma_start3A_114 : memref<10000x128xf32, #tpu.memory_space<hbm>>) target(%dma_start3A_108 : memref<16x128xf32, #tpu.memory_space<vmem>>) offsets(%dma_start3A_111 : memref<16xi32, #tpu.memory_space<vmem>>) semaphore(%arg26 : memref<!tpu.dma_semaphore, #tpu.memory_space<semaphore_mem>>)
    %dma_wait3A_115 = arith.constant 0 : i32
    %dma_wait3A_116 = arith.constant 0 : i32
    %dma_wait3A_117 = arith.constant 0 : i32
    %dma_wait3A_118 = tpu.memref_slice %arg15[%dma_wait3A_116, %dma_wait3A_117] : memref<64x128xf32, #tpu.memory_space<vmem>> -> memref<16x128xf32, #tpu.memory_space<vmem>>
    %dma_wait3A_119 = arith.constant 0 : i32
    %dma_wait3A_120 = tpu.memref_slice %arg17[%dma_wait3A_115, %dma_wait3A_119] : memref<2x16xi32, #tpu.memory_space<vmem>> -> memref<1x16xi32, #tpu.memory_space<vmem>>
    %dma_wait3A_121 = tpu.memref_squeeze %dma_wait3A_120 : memref<1x16xi32, #tpu.memory_space<vmem>> -> memref<16xi32, #tpu.memory_space<vmem>>
    %dma_wait3A_122 = arith.constant 0 : i32
    %dma_wait3A_123 = arith.constant 0 : i32
    %dma_wait3A_124 = tpu.memref_slice %arg2[%dma_wait3A_122, %dma_wait3A_123] : memref<10000x128xf32, #tpu.memory_space<hbm>> -> memref<10000x128xf32, #tpu.memory_space<hbm>>
    tpu.wait_indirect_dma semaphore(%arg26 : memref<!tpu.dma_semaphore, #tpu.memory_space<semaphore_mem>>) src(%dma_wait3A_124 : memref<10000x128xf32, #tpu.memory_space<hbm>>) dst(%dma_wait3A_118 : memref<16x128xf32, #tpu.memory_space<vmem>>)
    %scan3A_125 = arith.constant 0 : i32
    %scan3A_126 = arith.constant 0 : i32
    %scan3A_127 = arith.constant 16 : i32
    %scan3A_128 = arith.addi %scan3A_126, %scan3A_127 : i32
    %scan3A_129 = arith.constant 1 : i32
    scf.for %scan3A_140 = %scan3A_126 to %scan3A_128 step %scan3A_129  : i32 {
      %get3A = arith.index_cast %scan3A_140 : i32 to index
      %get3A_141 = arith.constant 0 : index
      %get3A_142 = tpu.vector_load %arg12[%get3A, %get3A_141] {strides = array<i32>} : memref<64x128xf32, #tpu.memory_space<vmem>>, vector<1x16xf32>,
      %get3A_143 = vector.shape_cast %get3A_142 : vector<1x16xf32> to vector<16xf32>
      %get3A_144 = arith.index_cast %scan3A_140 : i32 to index
      %get3A_145 = arith.constant 0 : index
      %get3A_146 = tpu.vector_load %arg15[%get3A_144, %get3A_145] {strides = array<i32>} : memref<64x128xf32, #tpu.memory_space<vmem>>, vector<1x16xf32>,
      %get3A_147 = vector.shape_cast %get3A_146 : vector<1x16xf32> to vector<16xf32>
      %mul3A_148 = arith.mulf %get3A_143, %get3A_147 : vector<16xf32>
      %mul3A_149 = arith.constant 1.000000e-01 : f32
      %mul3A_150 = vector.broadcast %mul3A_149 : f32 to vector<16xf32>
      %mul3A_151 = arith.mulf %mul3A_148, %mul3A_150 : vector<16xf32>
      %max3A = arith.maximumf %mul3A_148, %mul3A_151 : vector<16xf32>
      %swap3A = arith.index_cast %scan3A_140 : i32 to index
      %swap3A_152 = arith.constant 0 : index
      %swap3A_153 = tpu.vector_load %arg12[%swap3A, %swap3A_152] {strides = array<i32>} : memref<64x128xf32, #tpu.memory_space<vmem>>, vector<1x16xf32>,
      %swap3A_154 = vector.shape_cast %swap3A_153 : vector<1x16xf32> to vector<16xf32>
      %swap3A_155 = vector.shape_cast %max3A : vector<16xf32> to vector<1x16xf32>
      tpu.vector_store %arg12[%swap3A, %swap3A_152], %swap3A_155 {strides = array<i32>} : memref<64x128xf32, #tpu.memory_space<vmem>>, vector<1x16xf32>,
      %get3A_156 = arith.index_cast %scan3A_140 : i32 to index
      %get3A_157 = arith.constant 16 : index
      %get3A_158 = tpu.vector_load %arg12[%get3A_156, %get3A_157] {strides = array<i32>} : memref<64x128xf32, #tpu.memory_space<vmem>>, vector<1x16xf32>,
      %get3A_159 = vector.shape_cast %get3A_158 : vector<1x16xf32> to vector<16xf32>
      %get3A_160 = arith.index_cast %scan3A_140 : i32 to index
      %get3A_161 = arith.constant 16 : index
      %get3A_162 = tpu.vector_load %arg15[%get3A_160, %get3A_161] {strides = array<i32>} : memref<64x128xf32, #tpu.memory_space<vmem>>, vector<1x16xf32>,
      %get3A_163 = vector.shape_cast %get3A_162 : vector<1x16xf32> to vector<16xf32>
      %mul3A_164 = arith.mulf %get3A_159, %get3A_163 : vector<16xf32>
      %mul3A_165 = arith.constant 1.000000e-01 : f32
      %mul3A_166 = vector.broadcast %mul3A_165 : f32 to vector<16xf32>
      %mul3A_167 = arith.mulf %mul3A_164, %mul3A_166 : vector<16xf32>
      %max3A_168 = arith.maximumf %mul3A_164, %mul3A_167 : vector<16xf32>
      %swap3A_169 = arith.index_cast %scan3A_140 : i32 to index
      %swap3A_170 = arith.constant 16 : index
      %swap3A_171 = tpu.vector_load %arg12[%swap3A_169, %swap3A_170] {strides = array<i32>} : memref<64x128xf32, #tpu.memory_space<vmem>>, vector<1x16xf32>,
      %swap3A_172 = vector.shape_cast %swap3A_171 : vector<1x16xf32> to vector<16xf32>
      %swap3A_173 = vector.shape_cast %max3A_168 : vector<16xf32> to vector<1x16xf32>
      tpu.vector_store %arg12[%swap3A_169, %swap3A_170], %swap3A_173 {strides = array<i32>} : memref<64x128xf32, #tpu.memory_space<vmem>>, vector<1x16xf32>,
      %get3A_174 = arith.index_cast %scan3A_140 : i32 to index
      %get3A_175 = arith.constant 32 : index
      %get3A_176 = tpu.vector_load %arg12[%get3A_174, %get3A_175] {strides = array<i32>} : memref<64x128xf32, #tpu.memory_space<vmem>>, vector<1x16xf32>,
      %get3A_177 = vector.shape_cast %get3A_176 : vector<1x16xf32> to vector<16xf32>
      %get3A_178 = arith.index_cast %scan3A_140 : i32 to index
      %get3A_179 = arith.constant 32 : index
      %get3A_180 = tpu.vector_load %arg15[%get3A_178, %get3A_179] {strides = array<i32>} : memref<64x128xf32, #tpu.memory_space<vmem>>, vector<1x16xf32>,
      %get3A_181 = vector.shape_cast %get3A_180 : vector<1x16xf32> to vector<16xf32>
      %mul3A_182 = arith.mulf %get3A_177, %get3A_181 : vector<16xf32>
      %mul3A_183 = arith.constant 1.000000e-01 : f32
      %mul3A_184 = vector.broadcast %mul3A_183 : f32 to vector<16xf32>
      %mul3A_185 = arith.mulf %mul3A_182, %mul3A_184 : vector<16xf32>
      %max3A_186 = arith.maximumf %mul3A_182, %mul3A_185 : vector<16xf32>
      %swap3A_187 = arith.index_cast %scan3A_140 : i32 to index
      %swap3A_188 = arith.constant 32 : index
      %swap3A_189 = tpu.vector_load %arg12[%swap3A_187, %swap3A_188] {strides = array<i32>} : memref<64x128xf32, #tpu.memory_space<vmem>>, vector<1x16xf32>,
      %swap3A_190 = vector.shape_cast %swap3A_189 : vector<1x16xf32> to vector<16xf32>
      %swap3A_191 = vector.shape_cast %max3A_186 : vector<16xf32> to vector<1x16xf32>
      tpu.vector_store %arg12[%swap3A_187, %swap3A_188], %swap3A_191 {strides = array<i32>} : memref<64x128xf32, #tpu.memory_space<vmem>>, vector<1x16xf32>,
      %get3A_192 = arith.index_cast %scan3A_140 : i32 to index
      %get3A_193 = arith.constant 48 : index
      %get3A_194 = tpu.vector_load %arg12[%get3A_192, %get3A_193] {strides = array<i32>} : memref<64x128xf32, #tpu.memory_space<vmem>>, vector<1x16xf32>,
      %get3A_195 = vector.shape_cast %get3A_194 : vector<1x16xf32> to vector<16xf32>
      %get3A_196 = arith.index_cast %scan3A_140 : i32 to index
      %get3A_197 = arith.constant 48 : index
      %get3A_198 = tpu.vector_load %arg15[%get3A_196, %get3A_197] {strides = array<i32>} : memref<64x128xf32, #tpu.memory_space<vmem>>, vector<1x16xf32>,
      %get3A_199 = vector.shape_cast %get3A_198 : vector<1x16xf32> to vector<16xf32>
      %mul3A_200 = arith.mulf %get3A_195, %get3A_199 : vector<16xf32>
      %mul3A_201 = arith.constant 1.000000e-01 : f32
      %mul3A_202 = vector.broadcast %mul3A_201 : f32 to vector<16xf32>
      %mul3A_203 = arith.mulf %mul3A_200, %mul3A_202 : vector<16xf32>
      %max3A_204 = arith.maximumf %mul3A_200, %mul3A_203 : vector<16xf32>
      %swap3A_205 = arith.index_cast %scan3A_140 : i32 to index
      %swap3A_206 = arith.constant 48 : index
      %swap3A_207 = tpu.vector_load %arg12[%swap3A_205, %swap3A_206] {strides = array<i32>} : memref<64x128xf32, #tpu.memory_space<vmem>>, vector<1x16xf32>,
      %swap3A_208 = vector.shape_cast %swap3A_207 : vector<1x16xf32> to vector<16xf32>
      %swap3A_209 = vector.shape_cast %max3A_204 : vector<16xf32> to vector<1x16xf32>
      tpu.vector_store %arg12[%swap3A_205, %swap3A_206], %swap3A_209 {strides = array<i32>} : memref<64x128xf32, #tpu.memory_space<vmem>>, vector<1x16xf32>,
      %get3A_210 = arith.index_cast %scan3A_140 : i32 to index
      %get3A_211 = arith.constant 64 : index
      %get3A_212 = tpu.vector_load %arg12[%get3A_210, %get3A_211] {strides = array<i32>} : memref<64x128xf32, #tpu.memory_space<vmem>>, vector<1x16xf32>,
      %get3A_213 = vector.shape_cast %get3A_212 : vector<1x16xf32> to vector<16xf32>
      %get3A_214 = arith.index_cast %scan3A_140 : i32 to index
      %get3A_215 = arith.constant 64 : index
      %get3A_216 = tpu.vector_load %arg15[%get3A_214, %get3A_215] {strides = array<i32>} : memref<64x128xf32, #tpu.memory_space<vmem>>, vector<1x16xf32>,
      %get3A_217 = vector.shape_cast %get3A_216 : vector<1x16xf32> to vector<16xf32>
      %mul3A_218 = arith.mulf %get3A_213, %get3A_217 : vector<16xf32>
      %mul3A_219 = arith.constant 1.000000e-01 : f32
      %mul3A_220 = vector.broadcast %mul3A_219 : f32 to vector<16xf32>
      %mul3A_221 = arith.mulf %mul3A_218, %mul3A_220 : vector<16xf32>
      %max3A_222 = arith.maximumf %mul3A_218, %mul3A_221 : vector<16xf32>
      %swap3A_223 = arith.index_cast %scan3A_140 : i32 to index
      %swap3A_224 = arith.constant 64 : index
      %swap3A_225 = tpu.vector_load %arg12[%swap3A_223, %swap3A_224] {strides = array<i32>} : memref<64x128xf32, #tpu.memory_space<vmem>>, vector<1x16xf32>,
      %swap3A_226 = vector.shape_cast %swap3A_225 : vector<1x16xf32> to vector<16xf32>
      %swap3A_227 = vector.shape_cast %max3A_222 : vector<16xf32> to vector<1x16xf32>
      tpu.vector_store %arg12[%swap3A_223, %swap3A_224], %swap3A_227 {strides = array<i32>} : memref<64x128xf32, #tpu.memory_space<vmem>>, vector<1x16xf32>,
      %get3A_228 = arith.index_cast %scan3A_140 : i32 to index
      %get3A_229 = arith.constant 80 : index
      %get3A_230 = tpu.vector_load %arg12[%get3A_228, %get3A_229] {strides = array<i32>} : memref<64x128xf32, #tpu.memory_space<vmem>>, vector<1x16xf32>,
      %get3A_231 = vector.shape_cast %get3A_230 : vector<1x16xf32> to vector<16xf32>
      %get3A_232 = arith.index_cast %scan3A_140 : i32 to index
      %get3A_233 = arith.constant 80 : index
      %get3A_234 = tpu.vector_load %arg15[%get3A_232, %get3A_233] {strides = array<i32>} : memref<64x128xf32, #tpu.memory_space<vmem>>, vector<1x16xf32>,
      %get3A_235 = vector.shape_cast %get3A_234 : vector<1x16xf32> to vector<16xf32>
      %mul3A_236 = arith.mulf %get3A_231, %get3A_235 : vector<16xf32>
      %mul3A_237 = arith.constant 1.000000e-01 : f32
      %mul3A_238 = vector.broadcast %mul3A_237 : f32 to vector<16xf32>
      %mul3A_239 = arith.mulf %mul3A_236, %mul3A_238 : vector<16xf32>
      %max3A_240 = arith.maximumf %mul3A_236, %mul3A_239 : vector<16xf32>
      %swap3A_241 = arith.index_cast %scan3A_140 : i32 to index
      %swap3A_242 = arith.constant 80 : index
      %swap3A_243 = tpu.vector_load %arg12[%swap3A_241, %swap3A_242] {strides = array<i32>} : memref<64x128xf32, #tpu.memory_space<vmem>>, vector<1x16xf32>,
      %swap3A_244 = vector.shape_cast %swap3A_243 : vector<1x16xf32> to vector<16xf32>
      %swap3A_245 = vector.shape_cast %max3A_240 : vector<16xf32> to vector<1x16xf32>
      tpu.vector_store %arg12[%swap3A_241, %swap3A_242], %swap3A_245 {strides = array<i32>} : memref<64x128xf32, #tpu.memory_space<vmem>>, vector<1x16xf32>,
      %get3A_246 = arith.index_cast %scan3A_140 : i32 to index
      %get3A_247 = arith.constant 96 : index
      %get3A_248 = tpu.vector_load %arg12[%get3A_246, %get3A_247] {strides = array<i32>} : memref<64x128xf32, #tpu.memory_space<vmem>>, vector<1x16xf32>,
      %get3A_249 = vector.shape_cast %get3A_248 : vector<1x16xf32> to vector<16xf32>
      %get3A_250 = arith.index_cast %scan3A_140 : i32 to index
      %get3A_251 = arith.constant 96 : index
      %get3A_252 = tpu.vector_load %arg15[%get3A_250, %get3A_251] {strides = array<i32>} : memref<64x128xf32, #tpu.memory_space<vmem>>, vector<1x16xf32>,
      %get3A_253 = vector.shape_cast %get3A_252 : vector<1x16xf32> to vector<16xf32>
      %mul3A_254 = arith.mulf %get3A_249, %get3A_253 : vector<16xf32>
      %mul3A_255 = arith.constant 1.000000e-01 : f32
      %mul3A_256 = vector.broadcast %mul3A_255 : f32 to vector<16xf32>
      %mul3A_257 = arith.mulf %mul3A_254, %mul3A_256 : vector<16xf32>
      %max3A_258 = arith.maximumf %mul3A_254, %mul3A_257 : vector<16xf32>
      %swap3A_259 = arith.index_cast %scan3A_140 : i32 to index
      %swap3A_260 = arith.constant 96 : index
      %swap3A_261 = tpu.vector_load %arg12[%swap3A_259, %swap3A_260] {strides = array<i32>} : memref<64x128xf32, #tpu.memory_space<vmem>>, vector<1x16xf32>,
      %swap3A_262 = vector.shape_cast %swap3A_261 : vector<1x16xf32> to vector<16xf32>
      %swap3A_263 = vector.shape_cast %max3A_258 : vector<16xf32> to vector<1x16xf32>
      tpu.vector_store %arg12[%swap3A_259, %swap3A_260], %swap3A_263 {strides = array<i32>} : memref<64x128xf32, #tpu.memory_space<vmem>>, vector<1x16xf32>,
      %get3A_264 = arith.index_cast %scan3A_140 : i32 to index
      %get3A_265 = arith.constant 112 : index
      %get3A_266 = tpu.vector_load %arg12[%get3A_264, %get3A_265] {strides = array<i32>} : memref<64x128xf32, #tpu.memory_space<vmem>>, vector<1x16xf32>,
      %get3A_267 = vector.shape_cast %get3A_266 : vector<1x16xf32> to vector<16xf32>
      %get3A_268 = arith.index_cast %scan3A_140 : i32 to index
      %get3A_269 = arith.constant 112 : index
      %get3A_270 = tpu.vector_load %arg15[%get3A_268, %get3A_269] {strides = array<i32>} : memref<64x128xf32, #tpu.memory_space<vmem>>, vector<1x16xf32>,
      %get3A_271 = vector.shape_cast %get3A_270 : vector<1x16xf32> to vector<16xf32>
      %mul3A_272 = arith.mulf %get3A_267, %get3A_271 : vector<16xf32>
      %mul3A_273 = arith.constant 1.000000e-01 : f32
      %mul3A_274 = vector.broadcast %mul3A_273 : f32 to vector<16xf32>
      %mul3A_275 = arith.mulf %mul3A_272, %mul3A_274 : vector<16xf32>
      %max3A_276 = arith.maximumf %mul3A_272, %mul3A_275 : vector<16xf32>
      %swap3A_277 = arith.index_cast %scan3A_140 : i32 to index
      %swap3A_278 = arith.constant 112 : index
      %swap3A_279 = tpu.vector_load %arg12[%swap3A_277, %swap3A_278] {strides = array<i32>} : memref<64x128xf32, #tpu.memory_space<vmem>>, vector<1x16xf32>,
      %swap3A_280 = vector.shape_cast %swap3A_279 : vector<1x16xf32> to vector<16xf32>
      %swap3A_281 = vector.shape_cast %max3A_276 : vector<16xf32> to vector<1x16xf32>
      tpu.vector_store %arg12[%swap3A_277, %swap3A_278], %swap3A_281 {strides = array<i32>} : memref<64x128xf32, #tpu.memory_space<vmem>>, vector<1x16xf32>,
    }
    %scan3A_130 = arith.constant 16 : i32
    %run_scoped3A_131 = arith.constant 1 : i32
    "tpu.region"() ({
      %run_scoped3A_140 = tpu.sem_alloc : memref<!tpu.dma_semaphore, #tpu.memory_space<semaphore_mem>>
      %dma_start3A_141 = arith.constant 0 : i32
      %dma_start3A_142 = arith.constant 0 : i32
      %dma_start3A_143 = tpu.memref_slice %arg12[%dma_start3A_141, %dma_start3A_142] : memref<64x128xf32, #tpu.memory_space<vmem>> -> memref<16x128xf32, #tpu.memory_space<vmem>>
      %dma_start3A_144 = arith.constant 0 : i32
      %dma_start3A_145 = tpu.memref_slice %arg17[%run_scoped3A_131, %dma_start3A_144] : memref<2x16xi32, #tpu.memory_space<vmem>> -> memref<1x16xi32, #tpu.memory_space<vmem>>
      %dma_start3A_146 = tpu.memref_squeeze %dma_start3A_145 : memref<1x16xi32, #tpu.memory_space<vmem>> -> memref<16xi32, #tpu.memory_space<vmem>>
      %dma_start3A_147 = arith.constant 0 : i32
      %dma_start3A_148 = arith.constant 0 : i32
      %dma_start3A_149 = tpu.memref_slice %arg18[%dma_start3A_147, %dma_start3A_148] : memref<10240x128xf32, #tpu.memory_space<vmem_shared>> -> memref<10240x128xf32, #tpu.memory_space<vmem_shared>>
      tpu.enqueue_indirect_dma source(%dma_start3A_143 : memref<16x128xf32, #tpu.memory_space<vmem>>) target(%dma_start3A_149 : memref<10240x128xf32, #tpu.memory_space<vmem_shared>>) offsets(%dma_start3A_146 : memref<16xi32, #tpu.memory_space<vmem>>) semaphore(%run_scoped3A_140 : memref<!tpu.dma_semaphore, #tpu.memory_space<semaphore_mem>>) {add = true}
      %dma_wait3A_150 = arith.constant 0 : i32
      %dma_wait3A_151 = arith.constant 0 : i32
      %dma_wait3A_152 = tpu.memref_slice %arg12[%dma_wait3A_150, %dma_wait3A_151] : memref<64x128xf32, #tpu.memory_space<vmem>> -> memref<16x128xf32, #tpu.memory_space<vmem>>
      %dma_wait3A_153 = arith.constant 0 : i32
      %dma_wait3A_154 = tpu.memref_slice %arg17[%run_scoped3A_131, %dma_wait3A_153] : memref<2x16xi32, #tpu.memory_space<vmem>> -> memref<1x16xi32, #tpu.memory_space<vmem>>
      %dma_wait3A_155 = tpu.memref_squeeze %dma_wait3A_154 : memref<1x16xi32, #tpu.memory_space<vmem>> -> memref<16xi32, #tpu.memory_space<vmem>>
      %dma_wait3A_156 = arith.constant 0 : i32
      %dma_wait3A_157 = arith.constant 0 : i32
      %dma_wait3A_158 = tpu.memref_slice %arg18[%dma_wait3A_156, %dma_wait3A_157] : memref<10240x128xf32, #tpu.memory_space<vmem_shared>> -> memref<10240x128xf32, #tpu.memory_space<vmem_shared>>
      tpu.wait_indirect_dma semaphore(%run_scoped3A_140 : memref<!tpu.dma_semaphore, #tpu.memory_space<semaphore_mem>>) src(%dma_wait3A_152 : memref<16x128xf32, #tpu.memory_space<vmem>>) dst(%dma_wait3A_158 : memref<10240x128xf32, #tpu.memory_space<vmem_shared>>)
      tpu.yield
    }) : () -> ()
    %barrier3A_132 = arith.constant 0 : index
    tpu.barrier barrier_id(%barrier3A_132)
    %mul3A_133 = arith.constant 640 : i32
    %mul3A_134 = arith.muli %arg1, %mul3A_133 : i32
    %mul3A_135 = arith.constant 10240 : i32
    %mul3A_136 = arith.muli %arg0, %mul3A_135 : i32
    %mul3A_137 = arith.constant 640 : i32
    %mul3A_138 = arith.muli %arg1, %mul3A_137 : i32
    %add3A_139 = arith.addi %mul3A_136, %mul3A_138 : i32
    "tpu.region"() ({
      %run_scoped3A_140 = tpu.sem_alloc : memref<!tpu.dma_semaphore, #tpu.memory_space<semaphore_mem>>
      %dma_start3A_141 = arith.constant 0 : i32
      %dma_start3A_142 = tpu.memref_slice %arg7[%add3A_139, %dma_start3A_141] : memref<20480x128xf32, #tpu.memory_space<hbm>> -> memref<640x128xf32, #tpu.memory_space<hbm>>
      %dma_start3A_143 = arith.constant 0 : i32
      %dma_start3A_144 = tpu.memref_slice %arg18[%mul3A_134, %dma_start3A_143] : memref<10240x128xf32, #tpu.memory_space<vmem_shared>> -> memref<640x128xf32, #tpu.memory_space<vmem_shared>>
      tpu.enqueue_dma source(%dma_start3A_144 : memref<640x128xf32, #tpu.memory_space<vmem_shared>>) target(%dma_start3A_142 : memref<640x128xf32, #tpu.memory_space<hbm>>) target_semaphore(%run_scoped3A_140 : memref<!tpu.dma_semaphore, #tpu.memory_space<semaphore_mem>>)
      %dma_wait3A_145 = arith.constant 0 : i32
      %dma_wait3A_146 = tpu.memref_slice %arg7[%add3A_139, %dma_wait3A_145] : memref<20480x128xf32, #tpu.memory_space<hbm>> -> memref<640x128xf32, #tpu.memory_space<hbm>>
      %dma_wait3A_147 = arith.constant 0 : i32
      %dma_wait3A_148 = tpu.memref_slice %arg18[%mul3A_134, %dma_wait3A_147] : memref<10240x128xf32, #tpu.memory_space<vmem_shared>> -> memref<640x128xf32, #tpu.memory_space<vmem_shared>>
      tpu.wait_dma2 semaphore(%run_scoped3A_140 : memref<!tpu.dma_semaphore, #tpu.memory_space<semaphore_mem>>) src(%dma_wait3A_148 : memref<640x128xf32, #tpu.memory_space<vmem_shared>>) dst(%dma_wait3A_146 : memref<640x128xf32, #tpu.memory_space<hbm>>)
      tpu.yield
    }) : () -> ()
    return
  }
}

module attributes {stable_mosaic.version = 14 : i64} {
  func.func @_ek_body(%arg0: i32, %arg1: memref<4000x16xf32, #tpu.memory_space<vmem>>, %arg2: memref<16x128xf32, #tpu.memory_space<vmem>>, %arg3: memref<1x128xf32, #tpu.memory_space<vmem>>, %arg4: memref<4000x128xf32, #tpu.memory_space<vmem>>) attributes {dimension_semantics = [#tpu.dimension_semantics<arbitrary>], iteration_bounds = array<i64: 80>, scalar_prefetch = 0 : i64, scratch_operands = 0 : i64, tpu.core_type = #tpu.core_type<tc>, window_params = [{transform_indices = @transform_0, window_bounds = array<i64: 4000, 16>}, {pipeline_mode = #tpu.pipeline_mode<synchronous>, transform_indices = @transform_1, window_bounds = array<i64: 16, 128>}, {pipeline_mode = #tpu.pipeline_mode<synchronous>, transform_indices = @transform_2, window_bounds = array<i64: 1, 128>}, {transform_indices = @transform_3, window_bounds = array<i64: 4000, 128>}]} {
    %get3A = arith.constant 0 : index
    %get3A_0 = arith.constant 0 : index
    %get3A_1 = vector.load %arg1[%get3A, %get3A_0] : memref<4000x16xf32, #tpu.memory_space<vmem>>, vector<4000x16xf32>
    %get3A_2 = arith.constant 0 : index
    %get3A_3 = arith.constant 0 : index
    %get3A_4 = vector.load %arg2[%get3A_2, %get3A_3] : memref<16x128xf32, #tpu.memory_space<vmem>>, vector<16x128xf32>
    %dot_general3A = arith.constant dense<0.000000e+00> : vector<4000x128xf32>
    %dot_general3A_5 = tpu.matmul %get3A_1, %get3A_4, %dot_general3A {dimension_numbers = #tpu.dot_dimension_numbers<[1], [0], [0], [1], [0, 0, 1, 1], [], []>, transpose_lhs_hint = false} : vector<4000x16xf32>, vector<16x128xf32>, vector<4000x128xf32> -> vector<4000x128xf32>
    %get3A_6 = arith.constant 0 : index
    %get3A_7 = arith.constant 0 : index
    %get3A_8 = vector.load %arg3[%get3A_6, %get3A_7] : memref<1x128xf32, #tpu.memory_space<vmem>>, vector<1x128xf32>
    %add3A = vector.broadcast %get3A_8 : vector<1x128xf32> to vector<4000x128xf32>
    %add3A_9 = arith.addf %dot_general3A_5, %add3A : vector<4000x128xf32>
    %swap3A = arith.constant 0 : index
    %swap3A_10 = arith.constant 0 : index
    %swap3A_11 = vector.load %arg4[%swap3A, %swap3A_10] : memref<4000x128xf32, #tpu.memory_space<vmem>>, vector<4000x128xf32>
    tpu.vector_store %arg4[%swap3A, %swap3A_10], %add3A_9 {strides = array<i32>} : memref<4000x128xf32, #tpu.memory_space<vmem>>, vector<4000x128xf32>,
    return
  }
  func.func @transform_0(%arg0: i32) -> (i32, i32) {
    %c0_i32 = arith.constant 0 : i32
    %c0_i32_0 = arith.constant 0 : i32
    return %arg0, %c0_i32 : i32, i32
  }
  func.func @transform_1(%arg0: i32) -> (i32, i32) {
    %c0_i32 = arith.constant 0 : i32
    %c0_i32_0 = arith.constant 0 : i32
    %c0_i32_1 = arith.constant 0 : i32
    return %c0_i32, %c0_i32_0 : i32, i32
  }
  func.func @transform_2(%arg0: i32) -> (i32, i32) {
    %c0_i32 = arith.constant 0 : i32
    %c0_i32_0 = arith.constant 0 : i32
    %c0_i32_1 = arith.constant 0 : i32
    return %c0_i32, %c0_i32_0 : i32, i32
  }
  func.func @transform_3(%arg0: i32) -> (i32, i32) {
    %c0_i32 = arith.constant 0 : i32
    %c0_i32_0 = arith.constant 0 : i32
    return %arg0, %c0_i32 : i32, i32
  }
}

module attributes {stable_mosaic.version = 14 : i64} {
  func.func @_heads_body(%arg0: i32, %arg1: memref<10000x128xf32, #tpu.memory_space<vmem>>, %arg2: memref<16x128xf32, #tpu.memory_space<vmem>>, %arg3: memref<10000x1xi32, #tpu.memory_space<vmem>>, %arg4: memref<1x128x128xf32, #tpu.memory_space<vmem>>, %arg5: memref<1x1x128xf32, #tpu.memory_space<vmem>>, %arg6: memref<1x128x128xf32, #tpu.memory_space<vmem>>, %arg7: memref<1x1x128xf32, #tpu.memory_space<vmem>>, %arg8: memref<1x128x1xf32, #tpu.memory_space<vmem>>, %arg9: memref<1x1x1xf32, #tpu.memory_space<vmem>>, %arg10: memref<1x128x128xf32, #tpu.memory_space<vmem>>, %arg11: memref<1x1x128xf32, #tpu.memory_space<vmem>>, %arg12: memref<1x16x128xf32, #tpu.memory_space<vmem>>) attributes {dimension_semantics = [#tpu.dimension_semantics<arbitrary>], iteration_bounds = array<i64: 4>, scalar_prefetch = 0 : i64, scratch_operands = 0 : i64, tpu.core_type = #tpu.core_type<tc>, window_params = [{pipeline_mode = #tpu.pipeline_mode<synchronous>, transform_indices = @transform_0, window_bounds = array<i64: 10000, 128>}, {pipeline_mode = #tpu.pipeline_mode<synchronous>, transform_indices = @transform_1, window_bounds = array<i64: 16, 128>}, {pipeline_mode = #tpu.pipeline_mode<synchronous>, transform_indices = @transform_2, window_bounds = array<i64: 10000, 1>}, {transform_indices = @transform_3, window_bounds = array<i64: 1, 128, 128>}, {transform_indices = @transform_4, window_bounds = array<i64: 1, 1, 128>}, {transform_indices = @transform_5, window_bounds = array<i64: 1, 128, 128>}, {transform_indices = @transform_6, window_bounds = array<i64: 1, 1, 128>}, {transform_indices = @transform_7, window_bounds = array<i64: 1, 128, 1>}, {transform_indices = @transform_8, window_bounds = array<i64: 1, 1, 1>}, {transform_indices = @transform_9, window_bounds = array<i64: 1, 128, 128>}, {transform_indices = @transform_10, window_bounds = array<i64: 1, 1, 128>}, {transform_indices = @transform_11, window_bounds = array<i64: 1, 16, 128>}]} {
    %get3A = arith.constant 0 : index
    %get3A_0 = arith.constant 0 : index
    %get3A_1 = vector.load %arg1[%get3A, %get3A_0] : memref<10000x128xf32, #tpu.memory_space<vmem>>, vector<10000x128xf32>
    %get3A_2 = arith.constant 0 : index
    %get3A_3 = arith.constant 0 : index
    %get3A_4 = vector.load %arg2[%get3A_2, %get3A_3] : memref<16x128xf32, #tpu.memory_space<vmem>>, vector<16x128xf32>
    %get3A_5 = arith.constant 0 : index
    %get3A_6 = arith.constant 0 : index
    %get3A_7 = vector.load %arg3[%get3A_5, %get3A_6] : memref<10000x1xi32, #tpu.memory_space<vmem>>, vector<10000x1xi32>
    %iota3A = tpu.iota {dimensions = array<i32: 1>} : vector<1x16xi32>
    %eq3A = vector.broadcast %get3A_7 : vector<10000x1xi32> to vector<10000x16xi32>
    %eq3A_8 = vector.broadcast %iota3A : vector<1x16xi32> to vector<10000x16xi32>
    %eq3A_9 = arith.cmpi eq, %eq3A, %eq3A_8 : vector<10000x16xi32>
    %convert_element_type3A = arith.extui %eq3A_9 : vector<10000x16xi1> to vector<10000x16xi32>
    %convert_element_type3A_10 = arith.sitofp %convert_element_type3A : vector<10000x16xi32> to vector<10000x16xf32>
    %get3A_11 = arith.constant 0 : index
    %get3A_12 = arith.constant 0 : index
    %get3A_13 = arith.constant 0 : index
    %get3A_14 = vector.load %arg4[%get3A_11, %get3A_12, %get3A_13] : memref<1x128x128xf32, #tpu.memory_space<vmem>>, vector<1x128x128xf32>
    %get3A_15 = vector.shape_cast %get3A_14 : vector<1x128x128xf32> to vector<128x128xf32>
    %dot_general3A = arith.constant dense<0.000000e+00> : vector<10000x128xf32>
    %dot_general3A_16 = tpu.matmul %get3A_1, %get3A_15, %dot_general3A {dimension_numbers = #tpu.dot_dimension_numbers<[1], [0], [0], [1], [0, 0, 1, 1], [], []>, transpose_lhs_hint = false} : vector<10000x128xf32>, vector<128x128xf32>, vector<10000x128xf32> -> vector<10000x128xf32>
    %get3A_17 = arith.constant 0 : index
    %get3A_18 = arith.constant 0 : index
    %get3A_19 = arith.constant 0 : index
    %get3A_20 = vector.load %arg5[%get3A_17, %get3A_18, %get3A_19] : memref<1x1x128xf32, #tpu.memory_space<vmem>>, vector<1x1x128xf32>
    %get3A_21 = vector.shape_cast %get3A_20 : vector<1x1x128xf32> to vector<1x128xf32>
    %add3A = vector.broadcast %get3A_21 : vector<1x128xf32> to vector<10000x128xf32>
    %add3A_22 = arith.addf %dot_general3A_16, %add3A : vector<10000x128xf32>
    %tanh3A = math.tanh %add3A_22 : vector<10000x128xf32>
    %get3A_23 = arith.constant 0 : index
    %get3A_24 = arith.constant 0 : index
    %get3A_25 = arith.constant 0 : index
    %get3A_26 = vector.load %arg6[%get3A_23, %get3A_24, %get3A_25] : memref<1x128x128xf32, #tpu.memory_space<vmem>>, vector<1x128x128xf32>
    %get3A_27 = vector.shape_cast %get3A_26 : vector<1x128x128xf32> to vector<128x128xf32>
    %dot_general3A_28 = arith.constant dense<0.000000e+00> : vector<16x128xf32>
    %dot_general3A_29 = tpu.matmul %get3A_4, %get3A_27, %dot_general3A_28 {dimension_numbers = #tpu.dot_dimension_numbers<[1], [0], [0], [1], [0, 0, 1, 1], [], []>, transpose_lhs_hint = false} : vector<16x128xf32>, vector<128x128xf32>, vector<16x128xf32> -> vector<16x128xf32>
    %get3A_30 = arith.constant 0 : index
    %get3A_31 = arith.constant 0 : index
    %get3A_32 = arith.constant 0 : index
    %get3A_33 = vector.load %arg7[%get3A_30, %get3A_31, %get3A_32] : memref<1x1x128xf32, #tpu.memory_space<vmem>>, vector<1x1x128xf32>
    %get3A_34 = vector.shape_cast %get3A_33 : vector<1x1x128xf32> to vector<1x128xf32>
    %add3A_35 = vector.broadcast %get3A_34 : vector<1x128xf32> to vector<16x128xf32>
    %add3A_36 = arith.addf %dot_general3A_29, %add3A_35 : vector<16x128xf32>
    %tanh3A_37 = math.tanh %add3A_36 : vector<16x128xf32>
    %dot_general3A_38 = arith.constant dense<0.000000e+00> : vector<10000x128xf32>
    %dot_general3A_39 = tpu.matmul %convert_element_type3A_10, %tanh3A_37, %dot_general3A_38 {dimension_numbers = #tpu.dot_dimension_numbers<[1], [0], [0], [1], [0, 0, 1, 1], [], []>, transpose_lhs_hint = false} : vector<10000x16xf32>, vector<16x128xf32>, vector<10000x128xf32> -> vector<10000x128xf32>
    %mul3A = arith.mulf %tanh3A, %dot_general3A_39 : vector<10000x128xf32>
    %get3A_40 = arith.constant 0 : index
    %get3A_41 = arith.constant 0 : index
    %get3A_42 = arith.constant 0 : index
    %get3A_43 = vector.load %arg8[%get3A_40, %get3A_41, %get3A_42] : memref<1x128x1xf32, #tpu.memory_space<vmem>>, vector<1x128x1xf32>
    %get3A_44 = vector.shape_cast %get3A_43 : vector<1x128x1xf32> to vector<128x1xf32>
    %dot_general3A_45 = arith.constant dense<0.000000e+00> : vector<10000x1xf32>
    %dot_general3A_46 = tpu.matmul %mul3A, %get3A_44, %dot_general3A_45 {dimension_numbers = #tpu.dot_dimension_numbers<[1], [0], [0], [1], [0, 0, 1, 1], [], []>, transpose_lhs_hint = false} : vector<10000x128xf32>, vector<128x1xf32>, vector<10000x1xf32> -> vector<10000x1xf32>
    %get3A_47 = arith.constant 0 : index
    %get3A_48 = arith.constant 0 : index
    %get3A_49 = arith.constant 0 : index
    %get3A_50 = vector.load %arg9[%get3A_47, %get3A_48, %get3A_49] : memref<1x1x1xf32, #tpu.memory_space<vmem>>, vector<1x1x1xf32>
    %get3A_51 = vector.shape_cast %get3A_50 : vector<1x1x1xf32> to vector<1x1xf32>
    %add3A_52 = vector.broadcast %get3A_51 : vector<1x1xf32> to vector<10000x1xf32>
    %add3A_53 = arith.addf %dot_general3A_46, %add3A_52 : vector<10000x1xf32>
    %gt3A = arith.constant 0.000000e+00 : f32
    %gt3A_54 = vector.broadcast %gt3A : f32 to vector<10000x16xf32>
    %gt3A_55 = arith.cmpf ogt, %convert_element_type3A_10, %gt3A_54 : vector<10000x16xf32>
    %jit3A = arith.constant -3.000000e+38 : f32
    %broadcast_in_dim3A = vector.shape_cast %add3A_53 : vector<10000x1xf32> to vector<10000x1xf32>
    %broadcast_in_dim3A_56 = vector.broadcast %broadcast_in_dim3A : vector<10000x1xf32> to vector<10000x16xf32>
    %broadcast_in_dim3A_57 = vector.broadcast %jit3A : f32 to vector<10000x16xf32>
    %select_n3A = arith.select %gt3A_55, %broadcast_in_dim3A_56, %broadcast_in_dim3A_57 : vector<10000x16xi1>, vector<10000x16xf32>
    %reduce_max3A = arith.constant dense<0xFF800000> : vector<16xf32>
    %reduce_max3A_58 = vector.multi_reduction <maximumf>, %select_n3A, %reduce_max3A [0] : vector<10000x16xf32> to vector<16xf32>
    %broadcast_in_dim3A_59 = vector.shape_cast %reduce_max3A_58 : vector<16xf32> to vector<1x16xf32>
    %mul3A_60 = vector.broadcast %broadcast_in_dim3A_59 : vector<1x16xf32> to vector<10000x16xf32>
    %mul3A_61 = arith.mulf %convert_element_type3A_10, %mul3A_60 : vector<10000x16xf32>
    %reduce_sum3A = arith.constant dense<0.000000e+00> : vector<10000xf32>
    %reduce_sum3A_62 = vector.multi_reduction <add>, %mul3A_61, %reduce_sum3A [1] : vector<10000x16xf32> to vector<10000xf32>
    %broadcast_in_dim3A_63 = vector.shape_cast %reduce_sum3A_62 : vector<10000xf32> to vector<10000x1xf32>
    %sub3A = arith.subf %add3A_53, %broadcast_in_dim3A_63 : vector<10000x1xf32>
    %exp3A = math.exp %sub3A : vector<10000x1xf32>
    %gt3A_64 = arith.constant 0.000000e+00 : f32
    %gt3A_65 = vector.broadcast %gt3A_64 : f32 to vector<10000x16xf32>
    %gt3A_66 = arith.cmpf ogt, %convert_element_type3A_10, %gt3A_65 : vector<10000x16xf32>
    %jit3A_67 = arith.constant 0.000000e+00 : f32
    %broadcast_in_dim3A_68 = vector.shape_cast %exp3A : vector<10000x1xf32> to vector<10000x1xf32>
    %broadcast_in_dim3A_69 = vector.broadcast %broadcast_in_dim3A_68 : vector<10000x1xf32> to vector<10000x16xf32>
    %broadcast_in_dim3A_70 = vector.broadcast %jit3A_67 : f32 to vector<10000x16xf32>
    %select_n3A_71 = arith.select %gt3A_66, %broadcast_in_dim3A_69, %broadcast_in_dim3A_70 : vector<10000x16xi1>, vector<10000x16xf32>
    %reduce_sum3A_72 = arith.constant dense<0.000000e+00> : vector<16xf32>
    %reduce_sum3A_73 = vector.multi_reduction <add>, %select_n3A_71, %reduce_sum3A_72 [0] : vector<10000x16xf32> to vector<16xf32>
    %broadcast_in_dim3A_74 = vector.shape_cast %reduce_sum3A_73 : vector<16xf32> to vector<1x16xf32>
    %mul3A_75 = vector.broadcast %broadcast_in_dim3A_74 : vector<1x16xf32> to vector<10000x16xf32>
    %mul3A_76 = arith.mulf %convert_element_type3A_10, %mul3A_75 : vector<10000x16xf32>
    %reduce_sum3A_77 = arith.constant dense<0.000000e+00> : vector<10000xf32>
    %reduce_sum3A_78 = vector.multi_reduction <add>, %mul3A_76, %reduce_sum3A_77 [1] : vector<10000x16xf32> to vector<10000xf32>
    %broadcast_in_dim3A_79 = vector.shape_cast %reduce_sum3A_78 : vector<10000xf32> to vector<10000x1xf32>
    %div3A = arith.divf %exp3A, %broadcast_in_dim3A_79 : vector<10000x1xf32>
    %get3A_80 = arith.constant 0 : index
    %get3A_81 = arith.constant 0 : index
    %get3A_82 = arith.constant 0 : index
    %get3A_83 = vector.load %arg10[%get3A_80, %get3A_81, %get3A_82] : memref<1x128x128xf32, #tpu.memory_space<vmem>>, vector<1x128x128xf32>
    %get3A_84 = vector.shape_cast %get3A_83 : vector<1x128x128xf32> to vector<128x128xf32>
    %dot_general3A_85 = arith.constant dense<0.000000e+00> : vector<10000x128xf32>
    %dot_general3A_86 = tpu.matmul %get3A_1, %get3A_84, %dot_general3A_85 {dimension_numbers = #tpu.dot_dimension_numbers<[1], [0], [0], [1], [0, 0, 1, 1], [], []>, transpose_lhs_hint = false} : vector<10000x128xf32>, vector<128x128xf32>, vector<10000x128xf32> -> vector<10000x128xf32>
    %get3A_87 = arith.constant 0 : index
    %get3A_88 = arith.constant 0 : index
    %get3A_89 = arith.constant 0 : index
    %get3A_90 = vector.load %arg11[%get3A_87, %get3A_88, %get3A_89] : memref<1x1x128xf32, #tpu.memory_space<vmem>>, vector<1x1x128xf32>
    %get3A_91 = vector.shape_cast %get3A_90 : vector<1x1x128xf32> to vector<1x128xf32>
    %add3A_92 = vector.broadcast %get3A_91 : vector<1x128xf32> to vector<10000x128xf32>
    %add3A_93 = arith.addf %dot_general3A_86, %add3A_92 : vector<10000x128xf32>
    %mul3A_94 = vector.broadcast %div3A : vector<10000x1xf32> to vector<10000x128xf32>
    %mul3A_95 = arith.mulf %add3A_93, %mul3A_94 : vector<10000x128xf32>
    %dot_general3A_96 = arith.constant dense<0.000000e+00> : vector<16x128xf32>
    %dot_general3A_97 = tpu.matmul %convert_element_type3A_10, %mul3A_95, %dot_general3A_96 {dimension_numbers = #tpu.dot_dimension_numbers<[0], [0], [1], [1], [0, 1, 1, 1], [], []>, transpose_lhs_hint = false} : vector<10000x16xf32>, vector<10000x128xf32>, vector<16x128xf32> -> vector<16x128xf32>
    %swap3A = arith.constant 0 : index
    %swap3A_98 = arith.constant 0 : index
    %swap3A_99 = arith.constant 0 : index
    %swap3A_100 = vector.load %arg12[%swap3A, %swap3A_98, %swap3A_99] : memref<1x16x128xf32, #tpu.memory_space<vmem>>, vector<1x16x128xf32>
    %swap3A_101 = vector.shape_cast %swap3A_100 : vector<1x16x128xf32> to vector<16x128xf32>
    %swap3A_102 = vector.shape_cast %dot_general3A_97 : vector<16x128xf32> to vector<1x16x128xf32>
    tpu.vector_store %arg12[%swap3A, %swap3A_98, %swap3A_99], %swap3A_102 {strides = array<i32>} : memref<1x16x128xf32, #tpu.memory_space<vmem>>, vector<1x16x128xf32>,
    return
  }
  func.func @transform_0(%arg0: i32) -> (i32, i32) {
    %c0_i32 = arith.constant 0 : i32
    %c0_i32_0 = arith.constant 0 : i32
    %c0_i32_1 = arith.constant 0 : i32
    return %c0_i32, %c0_i32_0 : i32, i32
  }
  func.func @transform_1(%arg0: i32) -> (i32, i32) {
    %c0_i32 = arith.constant 0 : i32
    %c0_i32_0 = arith.constant 0 : i32
    %c0_i32_1 = arith.constant 0 : i32
    return %c0_i32, %c0_i32_0 : i32, i32
  }
  func.func @transform_2(%arg0: i32) -> (i32, i32) {
    %c0_i32 = arith.constant 0 : i32
    %c0_i32_0 = arith.constant 0 : i32
    %c0_i32_1 = arith.constant 0 : i32
    return %c0_i32, %c0_i32_0 : i32, i32
  }
  func.func @transform_3(%arg0: i32) -> (i32, i32, i32) {
    %c0_i32 = arith.constant 0 : i32
    %c0_i32_0 = arith.constant 0 : i32
    %c0_i32_1 = arith.constant 0 : i32
    return %arg0, %c0_i32, %c0_i32_0 : i32, i32, i32
  }
  func.func @transform_4(%arg0: i32) -> (i32, i32, i32) {
    %c0_i32 = arith.constant 0 : i32
    %c0_i32_0 = arith.constant 0 : i32
    %c0_i32_1 = arith.constant 0 : i32
    return %arg0, %c0_i32, %c0_i32_0 : i32, i32, i32
  }
  func.func @transform_5(%arg0: i32) -> (i32, i32, i32) {
    %c0_i32 = arith.constant 0 : i32
    %c0_i32_0 = arith.constant 0 : i32
    %c0_i32_1 = arith.constant 0 : i32
    return %arg0, %c0_i32, %c0_i32_0 : i32, i32, i32
  }
  func.func @transform_6(%arg0: i32) -> (i32, i32, i32) {
    %c0_i32 = arith.constant 0 : i32
    %c0_i32_0 = arith.constant 0 : i32
    %c0_i32_1 = arith.constant 0 : i32
    return %arg0, %c0_i32, %c0_i32_0 : i32, i32, i32
  }
  func.func @transform_7(%arg0: i32) -> (i32, i32, i32) {
    %c0_i32 = arith.constant 0 : i32
    %c0_i32_0 = arith.constant 0 : i32
    %c0_i32_1 = arith.constant 0 : i32
    return %arg0, %c0_i32, %c0_i32_0 : i32, i32, i32
  }
  func.func @transform_8(%arg0: i32) -> (i32, i32, i32) {
    %c0_i32 = arith.constant 0 : i32
    %c0_i32_0 = arith.constant 0 : i32
    %c0_i32_1 = arith.constant 0 : i32
    return %arg0, %c0_i32, %c0_i32_0 : i32, i32, i32
  }
  func.func @transform_9(%arg0: i32) -> (i32, i32, i32) {
    %c0_i32 = arith.constant 0 : i32
    %c0_i32_0 = arith.constant 0 : i32
    %c0_i32_1 = arith.constant 0 : i32
    return %arg0, %c0_i32, %c0_i32_0 : i32, i32, i32
  }
  func.func @transform_10(%arg0: i32) -> (i32, i32, i32) {
    %c0_i32 = arith.constant 0 : i32
    %c0_i32_0 = arith.constant 0 : i32
    %c0_i32_1 = arith.constant 0 : i32
    return %arg0, %c0_i32, %c0_i32_0 : i32, i32, i32
  }
  func.func @transform_11(%arg0: i32) -> (i32, i32, i32) {
    %c0_i32 = arith.constant 0 : i32
    %c0_i32_0 = arith.constant 0 : i32
    %c0_i32_1 = arith.constant 0 : i32
    return %arg0, %c0_i32, %c0_i32_0 : i32, i32, i32
  }
}

module attributes {stable_mosaic.version = 14 : i64} {
  func.func @_final_body(%arg0: i32, %arg1: memref<2000x128xf32, #tpu.memory_space<vmem>>, %arg2: memref<2x2000x128xf32, #tpu.memory_space<vmem>>, %arg3: memref<2000x1xi32, #tpu.memory_space<vmem>>, %arg4: memref<16x128xf32, #tpu.memory_space<vmem>>, %arg5: memref<4x16x128xf32, #tpu.memory_space<vmem>>, %arg6: memref<256x128xf32, #tpu.memory_space<vmem>>, %arg7: memref<1x128xf32, #tpu.memory_space<vmem>>, %arg8: memref<128x128xf32, #tpu.memory_space<vmem>>, %arg9: memref<1x128xf32, #tpu.memory_space<vmem>>, %arg10: memref<128x128xf32, #tpu.memory_space<vmem>>, %arg11: memref<1x128xf32, #tpu.memory_space<vmem>>, %arg12: memref<512x128xf32, #tpu.memory_space<vmem>>, %arg13: memref<1x128xf32, #tpu.memory_space<vmem>>, %arg14: memref<128x128xf32, #tpu.memory_space<vmem>>, %arg15: memref<1x128xf32, #tpu.memory_space<vmem>>, %arg16: memref<128x128xf32, #tpu.memory_space<vmem>>, %arg17: memref<1x128xf32, #tpu.memory_space<vmem>>, %arg18: memref<128x384xf32, #tpu.memory_space<vmem>>, %arg19: memref<1x384xf32, #tpu.memory_space<vmem>>, %arg20: memref<128x384xf32, #tpu.memory_space<vmem>>, %arg21: memref<1x384xf32, #tpu.memory_space<vmem>>, %arg22: memref<128x128xf32, #tpu.memory_space<vmem>>, %arg23: memref<1x128xf32, #tpu.memory_space<vmem>>, %arg24: memref<128x128xf32, #tpu.memory_space<vmem>>, %arg25: memref<1x128xf32, #tpu.memory_space<vmem>>, %arg26: memref<128x384xf32, #tpu.memory_space<vmem>>, %arg27: memref<1x384xf32, #tpu.memory_space<vmem>>, %arg28: memref<128x384xf32, #tpu.memory_space<vmem>>, %arg29: memref<1x384xf32, #tpu.memory_space<vmem>>, %arg30: memref<2000x128xf32, #tpu.memory_space<vmem>>, %arg31: memref<16x128xf32, #tpu.memory_space<vmem>>) attributes {dimension_semantics = [#tpu.dimension_semantics<arbitrary>], iteration_bounds = array<i64: 5>, scalar_prefetch = 0 : i64, scratch_operands = 0 : i64, tpu.core_type = #tpu.core_type<tc>, window_params = [{transform_indices = @transform_0, window_bounds = array<i64: 2000, 128>}, {transform_indices = @transform_1, window_bounds = array<i64: 2, 2000, 128>}, {transform_indices = @transform_2, window_bounds = array<i64: 2000, 1>}, {pipeline_mode = #tpu.pipeline_mode<synchronous>, transform_indices = @transform_3, window_bounds = array<i64: 16, 128>}, {pipeline_mode = #tpu.pipeline_mode<synchronous>, transform_indices = @transform_4, window_bounds = array<i64: 4, 16, 128>}, {pipeline_mode = #tpu.pipeline_mode<synchronous>, transform_indices = @transform_5, window_bounds = array<i64: 256, 128>}, {pipeline_mode = #tpu.pipeline_mode<synchronous>, transform_indices = @transform_6, window_bounds = array<i64: 1, 128>}, {pipeline_mode = #tpu.pipeline_mode<synchronous>, transform_indices = @transform_7, window_bounds = array<i64: 128, 128>}, {pipeline_mode = #tpu.pipeline_mode<synchronous>, transform_indices = @transform_8, window_bounds = array<i64: 1, 128>}, {pipeline_mode = #tpu.pipeline_mode<synchronous>, transform_indices = @transform_9, window_bounds = array<i64: 128, 128>}, {pipeline_mode = #tpu.pipeline_mode<synchronous>, transform_indices = @transform_10, window_bounds = array<i64: 1, 128>}, {pipeline_mode = #tpu.pipeline_mode<synchronous>, transform_indices = @transform_11, window_bounds = array<i64: 512, 128>}, {pipeline_mode = #tpu.pipeline_mode<synchronous>, transform_indices = @transform_12, window_bounds = array<i64: 1, 128>}, {pipeline_mode = #tpu.pipeline_mode<synchronous>, transform_indices = @transform_13, window_bounds = array<i64: 128, 128>}, {pipeline_mode = #tpu.pipeline_mode<synchronous>, transform_indices = @transform_14, window_bounds = array<i64: 1, 128>}, {pipeline_mode = #tpu.pipeline_mode<synchronous>, transform_indices = @transform_15, window_bounds = array<i64: 128, 128>}, {pipeline_mode = #tpu.pipeline_mode<synchronous>, transform_indices = @transform_16, window_bounds = array<i64: 1, 128>}, {pipeline_mode = #tpu.pipeline_mode<synchronous>, transform_indices = @transform_17, window_bounds = array<i64: 128, 384>}, {pipeline_mode = #tpu.pipeline_mode<synchronous>, transform_indices = @transform_18, window_bounds = array<i64: 1, 384>}, {pipeline_mode = #tpu.pipeline_mode<synchronous>, transform_indices = @transform_19, window_bounds = array<i64: 128, 384>}, {pipeline_mode = #tpu.pipeline_mode<synchronous>, transform_indices = @transform_20, window_bounds = array<i64: 1, 384>}, {pipeline_mode = #tpu.pipeline_mode<synchronous>, transform_indices = @transform_21, window_bounds = array<i64: 128, 128>}, {pipeline_mode = #tpu.pipeline_mode<synchronous>, transform_indices = @transform_22, window_bounds = array<i64: 1, 128>}, {pipeline_mode = #tpu.pipeline_mode<synchronous>, transform_indices = @transform_23, window_bounds = array<i64: 128, 128>}, {pipeline_mode = #tpu.pipeline_mode<synchronous>, transform_indices = @transform_24, window_bounds = array<i64: 1, 128>}, {pipeline_mode = #tpu.pipeline_mode<synchronous>, transform_indices = @transform_25, window_bounds = array<i64: 128, 384>}, {pipeline_mode = #tpu.pipeline_mode<synchronous>, transform_indices = @transform_26, window_bounds = array<i64: 1, 384>}, {pipeline_mode = #tpu.pipeline_mode<synchronous>, transform_indices = @transform_27, window_bounds = array<i64: 128, 384>}, {pipeline_mode = #tpu.pipeline_mode<synchronous>, transform_indices = @transform_28, window_bounds = array<i64: 1, 384>}, {transform_indices = @transform_29, window_bounds = array<i64: 2000, 128>}, {pipeline_mode = #tpu.pipeline_mode<synchronous>, transform_indices = @transform_30, window_bounds = array<i64: 16, 128>}]} {
    %get3A = arith.constant 0 : index
    %get3A_0 = arith.constant 0 : index
    %get3A_1 = vector.load %arg1[%get3A, %get3A_0] : memref<2000x128xf32, #tpu.memory_space<vmem>>, vector<2000x128xf32>
    %get3A_2 = arith.constant 0 : index
    %get3A_3 = arith.constant 0 : index
    %get3A_4 = vector.load %arg3[%get3A_2, %get3A_3] : memref<2000x1xi32, #tpu.memory_space<vmem>>, vector<2000x1xi32>
    %get3A_5 = arith.constant 0 : index
    %get3A_6 = arith.constant 0 : index
    %get3A_7 = vector.load %arg4[%get3A_5, %get3A_6] : memref<16x128xf32, #tpu.memory_space<vmem>>, vector<16x128xf32>
    %iota3A = tpu.iota {dimensions = array<i32: 1>} : vector<1x16xi32>
    %eq3A = vector.broadcast %get3A_4 : vector<2000x1xi32> to vector<2000x16xi32>
    %eq3A_8 = vector.broadcast %iota3A : vector<1x16xi32> to vector<2000x16xi32>
    %eq3A_9 = arith.cmpi eq, %eq3A, %eq3A_8 : vector<2000x16xi32>
    %convert_element_type3A = arith.extui %eq3A_9 : vector<2000x16xi1> to vector<2000x16xi32>
    %convert_element_type3A_10 = arith.sitofp %convert_element_type3A : vector<2000x16xi32> to vector<2000x16xf32>
    %get3A_11 = arith.constant 0 : index
    %get3A_12 = arith.constant 0 : index
    %get3A_13 = vector.load %arg8[%get3A_11, %get3A_12] : memref<128x128xf32, #tpu.memory_space<vmem>>, vector<128x128xf32>
    %dot_general3A = arith.constant dense<0.000000e+00> : vector<16x128xf32>
    %dot_general3A_14 = tpu.matmul %get3A_7, %get3A_13, %dot_general3A {dimension_numbers = #tpu.dot_dimension_numbers<[1], [0], [0], [1], [0, 0, 1, 1], [], []>, transpose_lhs_hint = false} : vector<16x128xf32>, vector<128x128xf32>, vector<16x128xf32> -> vector<16x128xf32>
    %get3A_15 = arith.constant 0 : index
    %get3A_16 = arith.constant 0 : index
    %get3A_17 = vector.load %arg9[%get3A_15, %get3A_16] : memref<1x128xf32, #tpu.memory_space<vmem>>, vector<1x128xf32>
    %add3A = vector.broadcast %get3A_17 : vector<1x128xf32> to vector<16x128xf32>
    %add3A_18 = arith.addf %dot_general3A_14, %add3A : vector<16x128xf32>
    %tanh3A = math.tanh %add3A_18 : vector<16x128xf32>
    %dot_general3A_19 = arith.constant dense<0.000000e+00> : vector<2000x128xf32>
    %dot_general3A_20 = tpu.matmul %convert_element_type3A_10, %tanh3A, %dot_general3A_19 {dimension_numbers = #tpu.dot_dimension_numbers<[1], [0], [0], [1], [0, 0, 1, 1], [], []>, transpose_lhs_hint = false} : vector<2000x16xf32>, vector<16x128xf32>, vector<2000x128xf32> -> vector<2000x128xf32>
    %get3A_21 = arith.constant 0 : index
    %get3A_22 = arith.constant 0 : index
    %get3A_23 = arith.constant 0 : index
    %get3A_24 = vector.load %arg2[%get3A_21, %get3A_22, %get3A_23] : memref<2x2000x128xf32, #tpu.memory_space<vmem>>, vector<1x2000x128xf32>
    %get3A_25 = vector.shape_cast %get3A_24 : vector<1x2000x128xf32> to vector<2000x128xf32>
    %get3A_26 = arith.constant 1 : index
    %get3A_27 = arith.constant 0 : index
    %get3A_28 = arith.constant 0 : index
    %get3A_29 = vector.load %arg2[%get3A_26, %get3A_27, %get3A_28] : memref<2x2000x128xf32, #tpu.memory_space<vmem>>, vector<1x2000x128xf32>
    %get3A_30 = vector.shape_cast %get3A_29 : vector<1x2000x128xf32> to vector<2000x128xf32>
    %add3A_31 = arith.addf %get3A_25, %get3A_30 : vector<2000x128xf32>
    %get3A_32 = arith.constant 0 : index
    %get3A_33 = arith.constant 0 : index
    %get3A_34 = vector.load %arg6[%get3A_32, %get3A_33] : memref<256x128xf32, #tpu.memory_space<vmem>>, vector<128x128xf32>
    %dot_general3A_35 = arith.constant dense<0.000000e+00> : vector<2000x128xf32>
    %dot_general3A_36 = tpu.matmul %add3A_31, %get3A_34, %dot_general3A_35 {dimension_numbers = #tpu.dot_dimension_numbers<[1], [0], [0], [1], [0, 0, 1, 1], [], []>, transpose_lhs_hint = false} : vector<2000x128xf32>, vector<128x128xf32>, vector<2000x128xf32> -> vector<2000x128xf32>
    %get3A_37 = arith.constant 128 : index
    %get3A_38 = arith.constant 0 : index
    %get3A_39 = vector.load %arg6[%get3A_37, %get3A_38] : memref<256x128xf32, #tpu.memory_space<vmem>>, vector<128x128xf32>
    %dot_general3A_40 = arith.constant dense<0.000000e+00> : vector<2000x128xf32>
    %dot_general3A_41 = tpu.matmul %get3A_1, %get3A_39, %dot_general3A_40 {dimension_numbers = #tpu.dot_dimension_numbers<[1], [0], [0], [1], [0, 0, 1, 1], [], []>, transpose_lhs_hint = false} : vector<2000x128xf32>, vector<128x128xf32>, vector<2000x128xf32> -> vector<2000x128xf32>
    %add3A_42 = arith.addf %dot_general3A_36, %dot_general3A_41 : vector<2000x128xf32>
    %get3A_43 = arith.constant 0 : index
    %get3A_44 = arith.constant 0 : index
    %get3A_45 = vector.load %arg7[%get3A_43, %get3A_44] : memref<1x128xf32, #tpu.memory_space<vmem>>, vector<1x128xf32>
    %add3A_46 = vector.broadcast %get3A_45 : vector<1x128xf32> to vector<2000x128xf32>
    %add3A_47 = arith.addf %add3A_42, %add3A_46 : vector<2000x128xf32>
    %mul3A = arith.constant 1.000000e-01 : f32
    %mul3A_48 = vector.broadcast %mul3A : f32 to vector<2000x128xf32>
    %mul3A_49 = arith.mulf %add3A_47, %mul3A_48 : vector<2000x128xf32>
    %max3A = arith.maximumf %add3A_47, %mul3A_49 : vector<2000x128xf32>
    %get3A_50 = arith.constant 0 : index
    %get3A_51 = arith.constant 0 : index
    %get3A_52 = vector.load %arg14[%get3A_50, %get3A_51] : memref<128x128xf32, #tpu.memory_space<vmem>>, vector<128x128xf32>
    %get3A_53 = arith.constant 0 : index
    %get3A_54 = arith.constant 0 : index
    %get3A_55 = vector.load %arg15[%get3A_53, %get3A_54] : memref<1x128xf32, #tpu.memory_space<vmem>>, vector<1x128xf32>
    %get3A_56 = arith.constant 0 : index
    %get3A_57 = arith.constant 0 : index
    %get3A_58 = vector.load %arg16[%get3A_56, %get3A_57] : memref<128x128xf32, #tpu.memory_space<vmem>>, vector<128x128xf32>
    %get3A_59 = arith.constant 0 : index
    %get3A_60 = arith.constant 0 : index
    %get3A_61 = vector.load %arg17[%get3A_59, %get3A_60] : memref<1x128xf32, #tpu.memory_space<vmem>>, vector<1x128xf32>
    %get3A_62 = arith.constant 0 : index
    %get3A_63 = arith.constant 0 : index
    %get3A_64 = vector.load %arg18[%get3A_62, %get3A_63] : memref<128x384xf32, #tpu.memory_space<vmem>>, vector<128x384xf32>
    %get3A_65 = arith.constant 0 : index
    %get3A_66 = arith.constant 0 : index
    %get3A_67 = vector.load %arg19[%get3A_65, %get3A_66] : memref<1x384xf32, #tpu.memory_space<vmem>>, vector<1x384xf32>
    %get3A_68 = arith.constant 0 : index
    %get3A_69 = arith.constant 0 : index
    %get3A_70 = vector.load %arg20[%get3A_68, %get3A_69] : memref<128x384xf32, #tpu.memory_space<vmem>>, vector<128x384xf32>
    %get3A_71 = arith.constant 0 : index
    %get3A_72 = arith.constant 0 : index
    %get3A_73 = vector.load %arg21[%get3A_71, %get3A_72] : memref<1x384xf32, #tpu.memory_space<vmem>>, vector<1x384xf32>
    %dot_general3A_74 = arith.constant dense<0.000000e+00> : vector<2000x128xf32>
    %dot_general3A_75 = tpu.matmul %max3A, %get3A_52, %dot_general3A_74 {dimension_numbers = #tpu.dot_dimension_numbers<[1], [0], [0], [1], [0, 0, 1, 1], [], []>, transpose_lhs_hint = false} : vector<2000x128xf32>, vector<128x128xf32>, vector<2000x128xf32> -> vector<2000x128xf32>
    %add3A_76 = vector.broadcast %get3A_55 : vector<1x128xf32> to vector<2000x128xf32>
    %add3A_77 = arith.addf %dot_general3A_75, %add3A_76 : vector<2000x128xf32>
    %dot_general3A_78 = arith.constant dense<0.000000e+00> : vector<2000x128xf32>
    %dot_general3A_79 = tpu.matmul %dot_general3A_20, %get3A_58, %dot_general3A_78 {dimension_numbers = #tpu.dot_dimension_numbers<[1], [0], [0], [1], [0, 0, 1, 1], [], []>, transpose_lhs_hint = false} : vector<2000x128xf32>, vector<128x128xf32>, vector<2000x128xf32> -> vector<2000x128xf32>
    %add3A_80 = arith.addf %add3A_77, %dot_general3A_79 : vector<2000x128xf32>
    %add3A_81 = vector.broadcast %get3A_61 : vector<1x128xf32> to vector<2000x128xf32>
    %add3A_82 = arith.addf %add3A_80, %add3A_81 : vector<2000x128xf32>
    %logistic3A = arith.negf %add3A_82 : vector<2000x128xf32>
    %logistic3A_83 = math.exp %logistic3A : vector<2000x128xf32>
    %logistic3A_84 = arith.constant 1.000000e+00 : f32
    %logistic3A_85 = vector.broadcast %logistic3A_84 : f32 to vector<2000x128xf32>
    %logistic3A_86 = arith.addf %logistic3A_85, %logistic3A_83 : vector<2000x128xf32>
    %logistic3A_87 = arith.divf %logistic3A_85, %logistic3A_86 : vector<2000x128xf32>
    %mul3A_88 = arith.mulf %logistic3A_87, %dot_general3A_20 : vector<2000x128xf32>
    %sub3A = arith.constant 1.000000e+00 : f32
    %sub3A_89 = vector.broadcast %sub3A : f32 to vector<2000x128xf32>
    %sub3A_90 = arith.subf %sub3A_89, %logistic3A_87 : vector<2000x128xf32>
    %mul3A_91 = arith.mulf %sub3A_90, %max3A : vector<2000x128xf32>
    %add3A_92 = arith.addf %mul3A_88, %mul3A_91 : vector<2000x128xf32>
    %dot_general3A_93 = arith.constant dense<0.000000e+00> : vector<2000x384xf32>
    %dot_general3A_94 = tpu.matmul %get3A_1, %get3A_64, %dot_general3A_93 {dimension_numbers = #tpu.dot_dimension_numbers<[1], [0], [0], [1], [0, 0, 1, 1], [], []>, transpose_lhs_hint = false} : vector<2000x128xf32>, vector<128x384xf32>, vector<2000x384xf32> -> vector<2000x384xf32>
    %add3A_95 = vector.broadcast %get3A_67 : vector<1x384xf32> to vector<2000x384xf32>
    %add3A_96 = arith.addf %dot_general3A_94, %add3A_95 : vector<2000x384xf32>
    %dot_general3A_97 = arith.constant dense<0.000000e+00> : vector<2000x384xf32>
    %dot_general3A_98 = tpu.matmul %add3A_92, %get3A_70, %dot_general3A_97 {dimension_numbers = #tpu.dot_dimension_numbers<[1], [0], [0], [1], [0, 0, 1, 1], [], []>, transpose_lhs_hint = false} : vector<2000x128xf32>, vector<128x384xf32>, vector<2000x384xf32> -> vector<2000x384xf32>
    %add3A_99 = vector.broadcast %get3A_73 : vector<1x384xf32> to vector<2000x384xf32>
    %add3A_100 = arith.addf %dot_general3A_98, %add3A_99 : vector<2000x384xf32>
    %slice3A = vector.extract_strided_slice %add3A_96 {offsets = [0, 0], sizes = [2000, 128], strides = [1, 1]} : vector<2000x384xf32> to vector<2000x128xf32>
    %slice3A_101 = vector.extract_strided_slice %add3A_100 {offsets = [0, 0], sizes = [2000, 128], strides = [1, 1]} : vector<2000x384xf32> to vector<2000x128xf32>
    %add3A_102 = arith.addf %slice3A, %slice3A_101 : vector<2000x128xf32>
    %logistic3A_103 = arith.negf %add3A_102 : vector<2000x128xf32>
    %logistic3A_104 = math.exp %logistic3A_103 : vector<2000x128xf32>
    %logistic3A_105 = arith.constant 1.000000e+00 : f32
    %logistic3A_106 = vector.broadcast %logistic3A_105 : f32 to vector<2000x128xf32>
    %logistic3A_107 = arith.addf %logistic3A_106, %logistic3A_104 : vector<2000x128xf32>
    %logistic3A_108 = arith.divf %logistic3A_106, %logistic3A_107 : vector<2000x128xf32>
    %slice3A_109 = vector.extract_strided_slice %add3A_96 {offsets = [0, 128], sizes = [2000, 128], strides = [1, 1]} : vector<2000x384xf32> to vector<2000x128xf32>
    %slice3A_110 = vector.extract_strided_slice %add3A_100 {offsets = [0, 128], sizes = [2000, 128], strides = [1, 1]} : vector<2000x384xf32> to vector<2000x128xf32>
    %add3A_111 = arith.addf %slice3A_109, %slice3A_110 : vector<2000x128xf32>
    %logistic3A_112 = arith.negf %add3A_111 : vector<2000x128xf32>
    %logistic3A_113 = math.exp %logistic3A_112 : vector<2000x128xf32>
    %logistic3A_114 = arith.constant 1.000000e+00 : f32
    %logistic3A_115 = vector.broadcast %logistic3A_114 : f32 to vector<2000x128xf32>
    %logistic3A_116 = arith.addf %logistic3A_115, %logistic3A_113 : vector<2000x128xf32>
    %logistic3A_117 = arith.divf %logistic3A_115, %logistic3A_116 : vector<2000x128xf32>
    %slice3A_118 = vector.extract_strided_slice %add3A_96 {offsets = [0, 256], sizes = [2000, 128], strides = [1, 1]} : vector<2000x384xf32> to vector<2000x128xf32>
    %slice3A_119 = vector.extract_strided_slice %add3A_100 {offsets = [0, 256], sizes = [2000, 128], strides = [1, 1]} : vector<2000x384xf32> to vector<2000x128xf32>
    %mul3A_120 = arith.mulf %logistic3A_108, %slice3A_119 : vector<2000x128xf32>
    %add3A_121 = arith.addf %slice3A_118, %mul3A_120 : vector<2000x128xf32>
    %tanh3A_122 = math.tanh %add3A_121 : vector<2000x128xf32>
    %sub3A_123 = arith.constant 1.000000e+00 : f32
    %sub3A_124 = vector.broadcast %sub3A_123 : f32 to vector<2000x128xf32>
    %sub3A_125 = arith.subf %sub3A_124, %logistic3A_117 : vector<2000x128xf32>
    %mul3A_126 = arith.mulf %sub3A_125, %tanh3A_122 : vector<2000x128xf32>
    %mul3A_127 = arith.mulf %logistic3A_117, %add3A_92 : vector<2000x128xf32>
    %add3A_128 = arith.addf %mul3A_126, %mul3A_127 : vector<2000x128xf32>
    %swap3A = arith.constant 0 : index
    %swap3A_129 = arith.constant 0 : index
    %swap3A_130 = vector.load %arg30[%swap3A, %swap3A_129] : memref<2000x128xf32, #tpu.memory_space<vmem>>, vector<2000x128xf32>
    tpu.vector_store %arg30[%swap3A, %swap3A_129], %add3A_128 {strides = array<i32>} : memref<2000x128xf32, #tpu.memory_space<vmem>>, vector<2000x128xf32>,
    %eq3A_131 = arith.constant 0 : i32
    %eq3A_132 = arith.cmpi eq, %arg0, %eq3A_131 : i32
    %convert_element_type3A_133 = arith.extui %eq3A_132 : i1 to i32
    %cond3A = arith.constant 0 : i32
    %cond3A_134 = arith.cmpi ne, %convert_element_type3A_133, %cond3A : i32
    scf.if %cond3A_134 {
      %get3A_135 = arith.constant 0 : index
      %get3A_136 = arith.constant 0 : index
      %get3A_137 = arith.constant 0 : index
      %get3A_138 = vector.load %arg5[%get3A_135, %get3A_136, %get3A_137] : memref<4x16x128xf32, #tpu.memory_space<vmem>>, vector<1x16x128xf32>
      %get3A_139 = vector.shape_cast %get3A_138 : vector<1x16x128xf32> to vector<16x128xf32>
      %get3A_140 = arith.constant 1 : index
      %get3A_141 = arith.constant 0 : index
      %get3A_142 = arith.constant 0 : index
      %get3A_143 = vector.load %arg5[%get3A_140, %get3A_141, %get3A_142] : memref<4x16x128xf32, #tpu.memory_space<vmem>>, vector<1x16x128xf32>
      %get3A_144 = vector.shape_cast %get3A_143 : vector<1x16x128xf32> to vector<16x128xf32>
      %get3A_145 = arith.constant 2 : index
      %get3A_146 = arith.constant 0 : index
      %get3A_147 = arith.constant 0 : index
      %get3A_148 = vector.load %arg5[%get3A_145, %get3A_146, %get3A_147] : memref<4x16x128xf32, #tpu.memory_space<vmem>>, vector<1x16x128xf32>
      %get3A_149 = vector.shape_cast %get3A_148 : vector<1x16x128xf32> to vector<16x128xf32>
      %get3A_150 = arith.constant 3 : index
      %get3A_151 = arith.constant 0 : index
      %get3A_152 = arith.constant 0 : index
      %get3A_153 = vector.load %arg5[%get3A_150, %get3A_151, %get3A_152] : memref<4x16x128xf32, #tpu.memory_space<vmem>>, vector<1x16x128xf32>
      %get3A_154 = vector.shape_cast %get3A_153 : vector<1x16x128xf32> to vector<16x128xf32>
      %concatenate3A = tpu.concatenate %get3A_139, %get3A_144, %get3A_149, %get3A_154 in 1 : vector<16x128xf32>, vector<16x128xf32>, vector<16x128xf32>, vector<16x128xf32> -> vector<16x512xf32>
      %get3A_155 = arith.constant 0 : index
      %get3A_156 = arith.constant 0 : index
      %get3A_157 = vector.load %arg12[%get3A_155, %get3A_156] : memref<512x128xf32, #tpu.memory_space<vmem>>, vector<512x128xf32>
      %dot_general3A_158 = arith.constant dense<0.000000e+00> : vector<16x128xf32>
      %dot_general3A_159 = tpu.matmul %concatenate3A, %get3A_157, %dot_general3A_158 {dimension_numbers = #tpu.dot_dimension_numbers<[1], [0], [0], [1], [0, 0, 1, 1], [], []>, transpose_lhs_hint = false} : vector<16x512xf32>, vector<512x128xf32>, vector<16x128xf32> -> vector<16x128xf32>
      %get3A_160 = arith.constant 0 : index
      %get3A_161 = arith.constant 0 : index
      %get3A_162 = vector.load %arg13[%get3A_160, %get3A_161] : memref<1x128xf32, #tpu.memory_space<vmem>>, vector<1x128xf32>
      %add3A_163 = vector.broadcast %get3A_162 : vector<1x128xf32> to vector<16x128xf32>
      %add3A_164 = arith.addf %dot_general3A_159, %add3A_163 : vector<16x128xf32>
      %tanh3A_165 = math.tanh %add3A_164 : vector<16x128xf32>
      %get3A_166 = arith.constant 0 : index
      %get3A_167 = arith.constant 0 : index
      %get3A_168 = vector.load %arg10[%get3A_166, %get3A_167] : memref<128x128xf32, #tpu.memory_space<vmem>>, vector<128x128xf32>
      %dot_general3A_169 = arith.constant dense<0.000000e+00> : vector<16x128xf32>
      %dot_general3A_170 = tpu.matmul %get3A_7, %get3A_168, %dot_general3A_169 {dimension_numbers = #tpu.dot_dimension_numbers<[1], [0], [0], [1], [0, 0, 1, 1], [], []>, transpose_lhs_hint = false} : vector<16x128xf32>, vector<128x128xf32>, vector<16x128xf32> -> vector<16x128xf32>
      %get3A_171 = arith.constant 0 : index
      %get3A_172 = arith.constant 0 : index
      %get3A_173 = vector.load %arg11[%get3A_171, %get3A_172] : memref<1x128xf32, #tpu.memory_space<vmem>>, vector<1x128xf32>
      %add3A_174 = vector.broadcast %get3A_173 : vector<1x128xf32> to vector<16x128xf32>
      %add3A_175 = arith.addf %dot_general3A_170, %add3A_174 : vector<16x128xf32>
      %tanh3A_176 = math.tanh %add3A_175 : vector<16x128xf32>
      %get3A_177 = arith.constant 0 : index
      %get3A_178 = arith.constant 0 : index
      %get3A_179 = vector.load %arg22[%get3A_177, %get3A_178] : memref<128x128xf32, #tpu.memory_space<vmem>>, vector<128x128xf32>
      %get3A_180 = arith.constant 0 : index
      %get3A_181 = arith.constant 0 : index
      %get3A_182 = vector.load %arg23[%get3A_180, %get3A_181] : memref<1x128xf32, #tpu.memory_space<vmem>>, vector<1x128xf32>
      %get3A_183 = arith.constant 0 : index
      %get3A_184 = arith.constant 0 : index
      %get3A_185 = vector.load %arg24[%get3A_183, %get3A_184] : memref<128x128xf32, #tpu.memory_space<vmem>>, vector<128x128xf32>
      %get3A_186 = arith.constant 0 : index
      %get3A_187 = arith.constant 0 : index
      %get3A_188 = vector.load %arg25[%get3A_186, %get3A_187] : memref<1x128xf32, #tpu.memory_space<vmem>>, vector<1x128xf32>
      %get3A_189 = arith.constant 0 : index
      %get3A_190 = arith.constant 0 : index
      %get3A_191 = vector.load %arg26[%get3A_189, %get3A_190] : memref<128x384xf32, #tpu.memory_space<vmem>>, vector<128x384xf32>
      %get3A_192 = arith.constant 0 : index
      %get3A_193 = arith.constant 0 : index
      %get3A_194 = vector.load %arg27[%get3A_192, %get3A_193] : memref<1x384xf32, #tpu.memory_space<vmem>>, vector<1x384xf32>
      %get3A_195 = arith.constant 0 : index
      %get3A_196 = arith.constant 0 : index
      %get3A_197 = vector.load %arg28[%get3A_195, %get3A_196] : memref<128x384xf32, #tpu.memory_space<vmem>>, vector<128x384xf32>
      %get3A_198 = arith.constant 0 : index
      %get3A_199 = arith.constant 0 : index
      %get3A_200 = vector.load %arg29[%get3A_198, %get3A_199] : memref<1x384xf32, #tpu.memory_space<vmem>>, vector<1x384xf32>
      %dot_general3A_201 = arith.constant dense<0.000000e+00> : vector<16x128xf32>
      %dot_general3A_202 = tpu.matmul %tanh3A_176, %get3A_179, %dot_general3A_201 {dimension_numbers = #tpu.dot_dimension_numbers<[1], [0], [0], [1], [0, 0, 1, 1], [], []>, transpose_lhs_hint = false} : vector<16x128xf32>, vector<128x128xf32>, vector<16x128xf32> -> vector<16x128xf32>
      %add3A_203 = vector.broadcast %get3A_182 : vector<1x128xf32> to vector<16x128xf32>
      %add3A_204 = arith.addf %dot_general3A_202, %add3A_203 : vector<16x128xf32>
      %dot_general3A_205 = arith.constant dense<0.000000e+00> : vector<16x128xf32>
      %dot_general3A_206 = tpu.matmul %tanh3A_165, %get3A_185, %dot_general3A_205 {dimension_numbers = #tpu.dot_dimension_numbers<[1], [0], [0], [1], [0, 0, 1, 1], [], []>, transpose_lhs_hint = false} : vector<16x128xf32>, vector<128x128xf32>, vector<16x128xf32> -> vector<16x128xf32>
      %add3A_207 = arith.addf %add3A_204, %dot_general3A_206 : vector<16x128xf32>
      %add3A_208 = vector.broadcast %get3A_188 : vector<1x128xf32> to vector<16x128xf32>
      %add3A_209 = arith.addf %add3A_207, %add3A_208 : vector<16x128xf32>
      %logistic3A_210 = arith.negf %add3A_209 : vector<16x128xf32>
      %logistic3A_211 = math.exp %logistic3A_210 : vector<16x128xf32>
      %logistic3A_212 = arith.constant 1.000000e+00 : f32
      %logistic3A_213 = vector.broadcast %logistic3A_212 : f32 to vector<16x128xf32>
      %logistic3A_214 = arith.addf %logistic3A_213, %logistic3A_211 : vector<16x128xf32>
      %logistic3A_215 = arith.divf %logistic3A_213, %logistic3A_214 : vector<16x128xf32>
      %mul3A_216 = arith.mulf %logistic3A_215, %tanh3A_165 : vector<16x128xf32>
      %sub3A_217 = arith.constant 1.000000e+00 : f32
      %sub3A_218 = vector.broadcast %sub3A_217 : f32 to vector<16x128xf32>
      %sub3A_219 = arith.subf %sub3A_218, %logistic3A_215 : vector<16x128xf32>
      %mul3A_220 = arith.mulf %sub3A_219, %tanh3A_176 : vector<16x128xf32>
      %add3A_221 = arith.addf %mul3A_216, %mul3A_220 : vector<16x128xf32>
      %dot_general3A_222 = arith.constant dense<0.000000e+00> : vector<16x384xf32>
      %dot_general3A_223 = tpu.matmul %get3A_7, %get3A_191, %dot_general3A_222 {dimension_numbers = #tpu.dot_dimension_numbers<[1], [0], [0], [1], [0, 0, 1, 1], [], []>, transpose_lhs_hint = false} : vector<16x128xf32>, vector<128x384xf32>, vector<16x384xf32> -> vector<16x384xf32>
      %add3A_224 = vector.broadcast %get3A_194 : vector<1x384xf32> to vector<16x384xf32>
      %add3A_225 = arith.addf %dot_general3A_223, %add3A_224 : vector<16x384xf32>
      %dot_general3A_226 = arith.constant dense<0.000000e+00> : vector<16x384xf32>
      %dot_general3A_227 = tpu.matmul %add3A_221, %get3A_197, %dot_general3A_226 {dimension_numbers = #tpu.dot_dimension_numbers<[1], [0], [0], [1], [0, 0, 1, 1], [], []>, transpose_lhs_hint = false} : vector<16x128xf32>, vector<128x384xf32>, vector<16x384xf32> -> vector<16x384xf32>
      %add3A_228 = vector.broadcast %get3A_200 : vector<1x384xf32> to vector<16x384xf32>
      %add3A_229 = arith.addf %dot_general3A_227, %add3A_228 : vector<16x384xf32>
      %slice3A_230 = vector.extract_strided_slice %add3A_225 {offsets = [0, 0], sizes = [16, 128], strides = [1, 1]} : vector<16x384xf32> to vector<16x128xf32>
      %slice3A_231 = vector.extract_strided_slice %add3A_229 {offsets = [0, 0], sizes = [16, 128], strides = [1, 1]} : vector<16x384xf32> to vector<16x128xf32>
      %add3A_232 = arith.addf %slice3A_230, %slice3A_231 : vector<16x128xf32>
      %logistic3A_233 = arith.negf %add3A_232 : vector<16x128xf32>
      %logistic3A_234 = math.exp %logistic3A_233 : vector<16x128xf32>
      %logistic3A_235 = arith.constant 1.000000e+00 : f32
      %logistic3A_236 = vector.broadcast %logistic3A_235 : f32 to vector<16x128xf32>
      %logistic3A_237 = arith.addf %logistic3A_236, %logistic3A_234 : vector<16x128xf32>
      %logistic3A_238 = arith.divf %logistic3A_236, %logistic3A_237 : vector<16x128xf32>
      %slice3A_239 = vector.extract_strided_slice %add3A_225 {offsets = [0, 128], sizes = [16, 128], strides = [1, 1]} : vector<16x384xf32> to vector<16x128xf32>
      %slice3A_240 = vector.extract_strided_slice %add3A_229 {offsets = [0, 128], sizes = [16, 128], strides = [1, 1]} : vector<16x384xf32> to vector<16x128xf32>
      %add3A_241 = arith.addf %slice3A_239, %slice3A_240 : vector<16x128xf32>
      %logistic3A_242 = arith.negf %add3A_241 : vector<16x128xf32>
      %logistic3A_243 = math.exp %logistic3A_242 : vector<16x128xf32>
      %logistic3A_244 = arith.constant 1.000000e+00 : f32
      %logistic3A_245 = vector.broadcast %logistic3A_244 : f32 to vector<16x128xf32>
      %logistic3A_246 = arith.addf %logistic3A_245, %logistic3A_243 : vector<16x128xf32>
      %logistic3A_247 = arith.divf %logistic3A_245, %logistic3A_246 : vector<16x128xf32>
      %slice3A_248 = vector.extract_strided_slice %add3A_225 {offsets = [0, 256], sizes = [16, 128], strides = [1, 1]} : vector<16x384xf32> to vector<16x128xf32>
      %slice3A_249 = vector.extract_strided_slice %add3A_229 {offsets = [0, 256], sizes = [16, 128], strides = [1, 1]} : vector<16x384xf32> to vector<16x128xf32>
      %mul3A_250 = arith.mulf %logistic3A_238, %slice3A_249 : vector<16x128xf32>
      %add3A_251 = arith.addf %slice3A_248, %mul3A_250 : vector<16x128xf32>
      %tanh3A_252 = math.tanh %add3A_251 : vector<16x128xf32>
      %sub3A_253 = arith.constant 1.000000e+00 : f32
      %sub3A_254 = vector.broadcast %sub3A_253 : f32 to vector<16x128xf32>
      %sub3A_255 = arith.subf %sub3A_254, %logistic3A_247 : vector<16x128xf32>
      %mul3A_256 = arith.mulf %sub3A_255, %tanh3A_252 : vector<16x128xf32>
      %mul3A_257 = arith.mulf %logistic3A_247, %add3A_221 : vector<16x128xf32>
      %add3A_258 = arith.addf %mul3A_256, %mul3A_257 : vector<16x128xf32>
      %swap3A_259 = arith.constant 0 : index
      %swap3A_260 = arith.constant 0 : index
      %swap3A_261 = vector.load %arg31[%swap3A_259, %swap3A_260] : memref<16x128xf32, #tpu.memory_space<vmem>>, vector<16x128xf32>
      tpu.vector_store %arg31[%swap3A_259, %swap3A_260], %add3A_258 {strides = array<i32>} : memref<16x128xf32, #tpu.memory_space<vmem>>, vector<16x128xf32>,
    } else {
    }
    return
  }
  func.func @transform_0(%arg0: i32) -> (i32, i32) {
    %c0_i32 = arith.constant 0 : i32
    %c0_i32_0 = arith.constant 0 : i32
    return %arg0, %c0_i32 : i32, i32
  }
  func.func @transform_1(%arg0: i32) -> (i32, i32, i32) {
    %c0_i32 = arith.constant 0 : i32
    %c0_i32_0 = arith.constant 0 : i32
    %c0_i32_1 = arith.constant 0 : i32
    return %c0_i32, %arg0, %c0_i32_0 : i32, i32, i32
  }
  func.func @transform_2(%arg0: i32) -> (i32, i32) {
    %c0_i32 = arith.constant 0 : i32
    %c0_i32_0 = arith.constant 0 : i32
    return %arg0, %c0_i32 : i32, i32
  }
  func.func @transform_3(%arg0: i32) -> (i32, i32) {
    %c0_i32 = arith.constant 0 : i32
    %c0_i32_0 = arith.constant 0 : i32
    %c0_i32_1 = arith.constant 0 : i32
    return %c0_i32, %c0_i32_0 : i32, i32
  }
  func.func @transform_4(%arg0: i32) -> (i32, i32, i32) {
    %c0_i32 = arith.constant 0 : i32
    %c0_i32_0 = arith.constant 0 : i32
    %c0_i32_1 = arith.constant 0 : i32
    %c0_i32_2 = arith.constant 0 : i32
    return %c0_i32, %c0_i32_0, %c0_i32_1 : i32, i32, i32
  }
  func.func @transform_5(%arg0: i32) -> (i32, i32) {
    %c0_i32 = arith.constant 0 : i32
    %c0_i32_0 = arith.constant 0 : i32
    %c0_i32_1 = arith.constant 0 : i32
    return %c0_i32, %c0_i32_0 : i32, i32
  }
  func.func @transform_6(%arg0: i32) -> (i32, i32) {
    %c0_i32 = arith.constant 0 : i32
    %c0_i32_0 = arith.constant 0 : i32
    %c0_i32_1 = arith.constant 0 : i32
    return %c0_i32, %c0_i32_0 : i32, i32
  }
  func.func @transform_7(%arg0: i32) -> (i32, i32) {
    %c0_i32 = arith.constant 0 : i32
    %c0_i32_0 = arith.constant 0 : i32
    %c0_i32_1 = arith.constant 0 : i32
    return %c0_i32, %c0_i32_0 : i32, i32
  }
  func.func @transform_8(%arg0: i32) -> (i32, i32) {
    %c0_i32 = arith.constant 0 : i32
    %c0_i32_0 = arith.constant 0 : i32
    %c0_i32_1 = arith.constant 0 : i32
    return %c0_i32, %c0_i32_0 : i32, i32
  }
  func.func @transform_9(%arg0: i32) -> (i32, i32) {
    %c0_i32 = arith.constant 0 : i32
    %c0_i32_0 = arith.constant 0 : i32
    %c0_i32_1 = arith.constant 0 : i32
    return %c0_i32, %c0_i32_0 : i32, i32
  }
  func.func @transform_10(%arg0: i32) -> (i32, i32) {
    %c0_i32 = arith.constant 0 : i32
    %c0_i32_0 = arith.constant 0 : i32
    %c0_i32_1 = arith.constant 0 : i32
    return %c0_i32, %c0_i32_0 : i32, i32
  }
  func.func @transform_11(%arg0: i32) -> (i32, i32) {
    %c0_i32 = arith.constant 0 : i32
    %c0_i32_0 = arith.constant 0 : i32
    %c0_i32_1 = arith.constant 0 : i32
    return %c0_i32, %c0_i32_0 : i32, i32
  }
  func.func @transform_12(%arg0: i32) -> (i32, i32) {
    %c0_i32 = arith.constant 0 : i32
    %c0_i32_0 = arith.constant 0 : i32
    %c0_i32_1 = arith.constant 0 : i32
    return %c0_i32, %c0_i32_0 : i32, i32
  }
  func.func @transform_13(%arg0: i32) -> (i32, i32) {
    %c0_i32 = arith.constant 0 : i32
    %c0_i32_0 = arith.constant 0 : i32
    %c0_i32_1 = arith.constant 0 : i32
    return %c0_i32, %c0_i32_0 : i32, i32
  }
  func.func @transform_14(%arg0: i32) -> (i32, i32) {
    %c0_i32 = arith.constant 0 : i32
    %c0_i32_0 = arith.constant 0 : i32
    %c0_i32_1 = arith.constant 0 : i32
    return %c0_i32, %c0_i32_0 : i32, i32
  }
  func.func @transform_15(%arg0: i32) -> (i32, i32) {
    %c0_i32 = arith.constant 0 : i32
    %c0_i32_0 = arith.constant 0 : i32
    %c0_i32_1 = arith.constant 0 : i32
    return %c0_i32, %c0_i32_0 : i32, i32
  }
  func.func @transform_16(%arg0: i32) -> (i32, i32) {
    %c0_i32 = arith.constant 0 : i32
    %c0_i32_0 = arith.constant 0 : i32
    %c0_i32_1 = arith.constant 0 : i32
    return %c0_i32, %c0_i32_0 : i32, i32
  }
  func.func @transform_17(%arg0: i32) -> (i32, i32) {
    %c0_i32 = arith.constant 0 : i32
    %c0_i32_0 = arith.constant 0 : i32
    %c0_i32_1 = arith.constant 0 : i32
    return %c0_i32, %c0_i32_0 : i32, i32
  }
  func.func @transform_18(%arg0: i32) -> (i32, i32) {
    %c0_i32 = arith.constant 0 : i32
    %c0_i32_0 = arith.constant 0 : i32
    %c0_i32_1 = arith.constant 0 : i32
    return %c0_i32, %c0_i32_0 : i32, i32
  }
  func.func @transform_19(%arg0: i32) -> (i32, i32) {
    %c0_i32 = arith.constant 0 : i32
    %c0_i32_0 = arith.constant 0 : i32
    %c0_i32_1 = arith.constant 0 : i32
    return %c0_i32, %c0_i32_0 : i32, i32
  }
  func.func @transform_20(%arg0: i32) -> (i32, i32) {
    %c0_i32 = arith.constant 0 : i32
    %c0_i32_0 = arith.constant 0 : i32
    %c0_i32_1 = arith.constant 0 : i32
    return %c0_i32, %c0_i32_0 : i32, i32
  }
  func.func @transform_21(%arg0: i32) -> (i32, i32) {
    %c0_i32 = arith.constant 0 : i32
    %c0_i32_0 = arith.constant 0 : i32
    %c0_i32_1 = arith.constant 0 : i32
    return %c0_i32, %c0_i32_0 : i32, i32
  }
  func.func @transform_22(%arg0: i32) -> (i32, i32) {
    %c0_i32 = arith.constant 0 : i32
    %c0_i32_0 = arith.constant 0 : i32
    %c0_i32_1 = arith.constant 0 : i32
    return %c0_i32, %c0_i32_0 : i32, i32
  }
  func.func @transform_23(%arg0: i32) -> (i32, i32) {
    %c0_i32 = arith.constant 0 : i32
    %c0_i32_0 = arith.constant 0 : i32
    %c0_i32_1 = arith.constant 0 : i32
    return %c0_i32, %c0_i32_0 : i32, i32
  }
  func.func @transform_24(%arg0: i32) -> (i32, i32) {
    %c0_i32 = arith.constant 0 : i32
    %c0_i32_0 = arith.constant 0 : i32
    %c0_i32_1 = arith.constant 0 : i32
    return %c0_i32, %c0_i32_0 : i32, i32
  }
  func.func @transform_25(%arg0: i32) -> (i32, i32) {
    %c0_i32 = arith.constant 0 : i32
    %c0_i32_0 = arith.constant 0 : i32
    %c0_i32_1 = arith.constant 0 : i32
    return %c0_i32, %c0_i32_0 : i32, i32
  }
  func.func @transform_26(%arg0: i32) -> (i32, i32) {
    %c0_i32 = arith.constant 0 : i32
    %c0_i32_0 = arith.constant 0 : i32
    %c0_i32_1 = arith.constant 0 : i32
    return %c0_i32, %c0_i32_0 : i32, i32
  }
  func.func @transform_27(%arg0: i32) -> (i32, i32) {
    %c0_i32 = arith.constant 0 : i32
    %c0_i32_0 = arith.constant 0 : i32
    %c0_i32_1 = arith.constant 0 : i32
    return %c0_i32, %c0_i32_0 : i32, i32
  }
  func.func @transform_28(%arg0: i32) -> (i32, i32) {
    %c0_i32 = arith.constant 0 : i32
    %c0_i32_0 = arith.constant 0 : i32
    %c0_i32_1 = arith.constant 0 : i32
    return %c0_i32, %c0_i32_0 : i32, i32
  }
  func.func @transform_29(%arg0: i32) -> (i32, i32) {
    %c0_i32 = arith.constant 0 : i32
    %c0_i32_0 = arith.constant 0 : i32
    return %arg0, %c0_i32 : i32, i32
  }
  func.func @transform_30(%arg0: i32) -> (i32, i32) {
    %c0_i32 = arith.constant 0 : i32
    %c0_i32_0 = arith.constant 0 : i32
    %c0_i32_1 = arith.constant 0 : i32
    return %c0_i32, %c0_i32_0 : i32, i32
  }
}

</mosaic_0001>

<sc_bundles>
// kernel: kernel.6.cloned.1.call-start
scs
__scs_entry_jumppad:
0x0: {  	(pc) =	sbr.rel $0x88, $3  }
0x1: {  	(tag) =	ssettag $0x0;
	lr =	simm.s32 $0x1  }
0x2: {  	[smem:$0x3F7A] =	sst lr;
	_ =	strace $0xD0000000  }
0x3: {  	_ = 	snop  }
0x4: {  	_ = 	snop  }
0x5: {  	_ = 	snop  }
0x6: {  	_ = 	snop  }
0x7: {  	_ = 	snop  }
__scs_overlays_trampoline_lowered:
0x8: {  	[smem:$0x3F89] =	sst s0  }
0x9: {  	[smem:$0x3F8A] =	sst s1  }
0xa: {  	[smem:$0x3F8B] =	sst s2  }
0xb: {  	[smem:$0x3F8C] =	sst s3  }
0xc: {  	[smem:$0x3F8D] =	sst s4  }
0xd: {  	[smem:$0x3F8E] =	sst s5  }
0xe: {  	[smem:$0x3F8F] =	sst s6  }
0xf: {  	[smem:$0x3F90] =	sst s7  }
0x10: {  	[smem:$0x3F91] =	sst s8  }
0x11: {  	[smem:$0x3F92] =	sst s9;
	s0 =	simm.s32 @!p0 $0x0  }
0x12: {  	s1 =	sld [smem:$0x3F78];
	s0 =	simm.s32 @p0 $0x1  }
0x13: {  	[smem:$0x3F93] =	sst s0;
	s0 =	simm.s32 @!p1 $0x0  }
0x14: {  	s2 =	sld [smem:$0x3F77];
	s0 =	simm.s32 @p1 $0x1  }
0x15: {  	[smem:$0x3F94] =	sst s0;
	s0 =	simm.s32 @!p2 $0x0  }
0x16: {  	s3 =	sld [smem:$0x3FDB];
	s0 =	simm.s32 @p2 $0x1  }
0x17: {  	s4 =	simm.s32 $0x1BF5;
	[smem:$0x3F96] =	sst s0  }
0x18: {  	s0 =	sld [smem:$0x3F79];
	_ =	swait.ge [sflag:s4], $0x0  }
0x19: {  	s7 =	sld [smem:$0x3F7A]  }
0x1a: {  	s8 =	sadd.s32 $0xFFFFE003, lr  }
0x1b: {  	s9 =	sadd.s32 $0xFFFFFEF7, lr;
	s5 =	simm.s32 $0xFFFFFFFF;
	p2 =	slt.u32 s8, $0xFFFFF086  }
0x1c: {  	p1 =	slt.u32 s9, $0xF7A;
	s5 =	simm.s32 @!p2 $0x0  }
0x1d: {  	s5 =	simm.s32 @p1 $0x1;
	p0 =	seq.s32 s7, s2  }
0x1e: {  	s7 =	smul.u32 @!p0 $0xF7A, s2;
	p2 =	seq.s32 @!p0 s5, $0x0  }
0x1f: {  	s9 =	smul.u32 $0xF7A, s1;
	s8 =	simm.s32 @!p0 $0x1BF5;
	p2 =	por !p2, p0  }
0x20: {  	[sflag:s8] =	ssyncset.s32 @!p0 $0xFFFFF086;
	s6 =	sadd.s32 @!p0 s3, s7;
	s7 =	simm.s32 @!p0 $0x108  }
0x21: {  	s3 =	sadd.s32 s3, s9;
	s6 =	sadd.s32 @!p0 $0x88, s6;
	s7 =	simm.s32 @p2 $0x1082  }
0x22: {  	[simem:s7], [sflag:s8] =	dma.local @!p0 [hbm:s6], $0xF7A  }
0x23: {  	s9 =	sor.u32 $0xD0000000, s2;
	s6 =	simm.s32 $0x108;
	_ =	swait.ge @!p0 [sflag:s8], $0x0  }
0x24: {  	s3 =	sadd.s32 $0x88, s3;
	s6 =	simm.s32 @!p1 $0x1082;
	[sflag:s4] =	ssyncset.s32 $0xFFFFF086  }
0x25: {  	[simem:s6], [sflag:s4] =	dma.local [hbm:s3], $0xF7A  }
0x26: {  	[smem:$0x3F7A] =	sst s1;
	(tag) =	ssettag s2;
	_ =	strace s9  }
0x27: {  	s1 =	sld [smem:$0x3F8A]  }
0x28: {  	s2 =	sld [smem:$0x3F8B]  }
0x29: {  	s4 =	sld [smem:$0x3F8D]  }
0x2a: {  	p0 =	seq.s32 s5, $0x0;
	s5 =	sld [smem:$0x3F8E]  }
0x2b: {  	s6 =	sld [smem:$0x3F8F]  }
0x2c: {  	s7 =	sld [smem:$0x3F90]  }
0x2d: {  	s3 =	simm.s32 $0x108;
	s8 =	sld [smem:$0x3F91]  }
0x2e: {  	s3 =	simm.s32 @!p0 $0x1082;
	s9 =	sld [smem:$0x3F92]  }
0x2f: {  	lr =	sadd.s32 s0, s3;
	s0 =	sld [smem:$0x3F89]  }
0x30: {  	s3 =	sld [smem:$0x3F8C]  }
0x31: {  	[smem:$0x3F95] =	sst s10  }
0x32: {  	s10 =	sld [smem:$0x3F93];
	_ =	sdelay $0x3  }
0x33: {  	p0 =	seq.s32 s10, $0x1;
	s10 =	sld [smem:$0x3F95];
	_ =	sdelay $0x3  }
0x34: {  	[smem:$0x3F95] =	sst s10  }
0x35: {  	s10 =	sld [smem:$0x3F94];
	_ =	sdelay $0x3  }
0x36: {  	p1 =	seq.s32 s10, $0x1;
	s10 =	sld [smem:$0x3F95];
	_ =	sdelay $0x3  }
0x37: {  	[smem:$0x3F95] =	sst s10  }
0x38: {  	s10 =	sld [smem:$0x3F96]  }
0x39: {  	_ = 	snop;
	(pc) =	sbr.ind lr, $3  }
0x3a: {  	_ = 	snop  }
0x3b: {  	_ = 	snop  }
0x3c: {  	p2 =	seq.s32 s10, $0x1;
	s10 =	sld [smem:$0x3F95]  }
0x3d: {  	_ =	shalt  }
0x3e: {  	_ =	shalt  }
0x3f: {  	_ =	shalt  }
0x40: {  	_ =	shalt  }
0x41: {  	_ =	shalt  }
0x42: {  	_ =	shalt  }
0x43: {  	_ =	shalt  }
0x44: {  	_ =	shalt  }
0x45: {  	_ =	shalt  }
0x46: {  	_ =	shalt  }
0x47: {  	_ =	shalt  }
0x48: {  	_ =	shalt  }
0x49: {  	_ =	shalt  }
0x4a: {  	_ =	shalt  }
0x4b: {  	_ =	shalt  }
0x4c: {  	_ =	shalt  }
0x4d: {  	_ =	shalt  }
0x4e: {  	_ =	shalt  }
0x4f: {  	_ =	shalt  }
0x50: {  	_ =	shalt  }
0x51: {  	_ =	shalt  }
0x52: {  	_ =	shalt  }
0x53: {  	_ =	shalt  }
0x54: {  	_ =	shalt  }
0x55: {  	_ =	shalt  }
0x56: {  	_ =	shalt  }
0x57: {  	_ =	shalt  }
0x58: {  	_ =	shalt  }
0x59: {  	_ =	shalt  }
0x5a: {  	_ =	shalt  }
0x5b: {  	_ =	shalt  }
0x5c: {  	_ =	shalt  }
0x5d: {  	_ =	shalt  }
0x5e: {  	_ =	shalt  }
0x5f: {  	_ =	shalt  }
0x60: {  	_ =	shalt  }
0x61: {  	_ =	shalt  }
0x62: {  	_ =	shalt  }
0x63: {  	_ =	shalt  }
0x64: {  	_ =	shalt  }
0x65: {  	_ =	shalt  }
0x66: {  	_ =	shalt  }
0x67: {  	_ =	shalt  }
0x68: {  	_ =	shalt  }
0x69: {  	_ =	shalt  }
0x6a: {  	_ =	shalt  }
0x6b: {  	_ =	shalt  }
0x6c: {  	_ =	shalt  }
0x6d: {  	_ =	shalt  }
0x6e: {  	_ =	shalt  }
0x6f: {  	_ =	shalt  }
0x70: {  	_ =	shalt  }
0x71: {  	_ =	shalt  }
0x72: {  	_ =	shalt  }
0x73: {  	_ =	shalt  }
0x74: {  	_ =	shalt  }
0x75: {  	_ =	shalt  }
0x76: {  	_ =	shalt  }
0x77: {  	_ =	shalt  }
0x78: {  	_ =	shalt  }
0x79: {  	_ =	shalt  }
0x7a: {  	_ =	shalt  }
0x7b: {  	_ =	shalt  }
0x7c: {  	_ =	shalt  }
0x7d: {  	_ =	shalt  }
0x7e: {  	_ =	shalt  }
0x7f: {  	_ =	shalt  }
0x80: {  	_ =	shalt  }
0x81: {  	_ =	shalt  }
0x82: {  	_ =	shalt  }
0x83: {  	_ =	shalt  }
0x84: {  	_ =	shalt  }
0x85: {  	_ =	shalt  }
0x86: {  	_ =	shalt  }
0x87: {  	_ =	shalt  }
.Lfunc_end0:
.L_simem_size_0:
called_computation_lowered:
.L_overlay_start_0:
0x88: {  	s2 =	sld [smem:$0x3FD9]  }
0x89: {  	s3 =	sld [smem:$0x3FFE];
	_ =	sdelay $0x1  }
0x8a: {  	s1 =	srdreg.scid  }
0x8b: {  	s0 =	sand.u32 $0x1, s1  }
0x8c: {  	s14 =	sshll.u32 s0, $0xA;
	s2 =	sadd.s32 s3, s2  }
0x8d: {  	s2 =	sadd.s32 s2, s14  }
0x8e: {  	[smem:$0x3FA1] =	sst s2  }
0x8f: {  	_ = 	snop  }
0x90: {  	s2 =	sld [smem:$0x3FD0];
	_ =	sdelay $0x2  }
0x91: {  	s4 =	simm.s32 $0xA;
	s5 =	simm.s32 $0x10;
	s15 =	sld [smem:$0x3FC9]  }
0x92: {  	[smem:s5], [sflag:s4] =	dma.local [hbm:s2], $0x1  }
0x93: {  	_ =	swait.eq [sflag:s4], $0x1  }
0x94: {  	[sflag:s4] =	ssyncset.done $0x0  }
0x95: {  	[sflag:s4] =	ssyncadd.s32 $0xFFFFFFFF  }
0x96: {  	s16 =	sld [smem:$0x10];
	(tm) =	ssettm $0x1  }
0x97: {  	s17 =	sld [smem:$0x3FFB];
	_ =	sdelay $0x3  }
0x98: {  	_ =	strace s17  }
0x99: {  	s4 =	sld [smem:$0x3FFC];
	_ =	sdelay $0x3  }
0x9a: {  	_ =	strace s4  }
0x9b: {  	s4 =	sld [smem:$0x3FFD];
	_ =	sdelay $0x3  }
0x9c: {  	_ =	strace s4  }
0x9d: {  	_ =	strace $0x8FFFFFFF  }
0x9e: {  	s18 =	sld [smem:$0x3FDB];
	_ =	sdelay $0x1  }
0x9f: {  	s19 =	simm.s32 $_scs_section_size  }
0xa0: {  	s6 =	simm.s32 $_size__tile_overlayer_lowered;
	s7 =	simm.s32 $_tile_overlayer_lowered  }
0xa1: {  	s22 =	simm.s32 $0x1BFF;
	s21 =	sshll.u32 s7, $0x1;
	s4 =	sadd.s32 s19, s18  }
0xa2: {  	s8 =	simm.s32 $0x0;
	s20 =	sshll.u32 s6, $0x1;
	s6 =	sadd.s32 s21, s4  }
0xa3: {  	[timem:s8], [sflag:s22] =	dma.local [hbm:s6], s20  }
0xa4: {  	_ =	swait.ge [sflag:s22], s20  }
0xa5: {  	s5 =	ssub.s32 $0x0, s20;
	[sflag:s22] =	ssyncset.done $0x0  }
0xa6: {  	[sflag:s22] =	ssyncadd.s32 s5;
	_ =	sdelay $0x1  }
0xa7: {  	s23 =	simm.s32 $0x1B8B  }
0xa8: {  	_ =	swait.ge [sflag:s23], $0x1  }
0xa9: {  	[sflag:s23] =	ssyncset.done $0x0  }
0xaa: {  	s25 =	simm.s32 $0x1B8E;
	s24 =	sld [smem:$0x3FFE];
	[sflag:s23] =	ssyncadd.s32 $0xFFFFFFFF  }
0xab: {  	s26 =	simm.s32 $execute0_lowered;
	[smem:$0x3FD2] =	sst s25  }
0xac: {  	s6 =	sshll.u32 s26, $0x1;
	_ =	strace $0x80000046;
	[dreg:$0x1] =	wrdreg $0xFFFFFFFF  }
0xad: {  	s28 =	simm.s32 $_size_execute0_lowered;
	s4 =	sadd.s32 s4, s6;
	[dreg:$0x0] =	wrdreg $0x0  }
0xae: {  	s6 =	sshll.u32 s28, $0x1;
	[dreg:$0x2] =	wrdreg s4  }
0xaf: {  	[dreg:$0x3] =	wrdreg s6  }
0xb0: {  	[dreg:$0x4] =	wrdreg $0xC0  }
0xb1: {  	_ =	task [dreg:s8], $0x5FFFF  }
0xb2: {  	[dreg:$0x1] =	wrdreg $0xFFFFFFFF  }
0xb3: {  	[dreg:$0x0] =	wrdreg $0x60  }
0xb4: {  	[dreg:$0x2] =	wrdreg s15  }
0xb5: {  	[dreg:$0x3] =	wrdreg s24  }
0xb6: {  	[dreg:$0x4] =	wrdreg s16  }
0xb7: {  	[dreg:$0x5] =	wrdreg $0xA5000  }
0xb8: {  	[dreg:$0x6] =	wrdreg $0x9  }
0xb9: {  	_ =	task.clear_ibuf [dreg:s8], $0x7FFFF;
	_ =	strace $0x90000046  }
0xba: {  	s29 =	simm.s32 $0x9;
	_ =	strace $0x80000048  }
0xbb: {  	_ =	swait.ge [sflag:s29], $0x1  }
0xbc: {  	[sflag:s29] =	ssyncadd.s32 $0xFFFFFFFF  }
0xbd: {  	_ =	strace $0x90000048  }
0xbe: {  	_ =	sfence  }
0xbf: {  	s30 =	sld [smem:$0x0];
	_ =	sdelay $0x2  }
0xc0: {  	s31 =	sshll.u32 s1, $0xD;
	s1 =	sshrl.u32 s1, $0x2  }
0xc1: {  	s3 =	sand.u32 $0x4000, s31;
	s1 =	sadd.s32 s1, s30  }
0xc2: {  	s0 =	sor.u32 s3, s0;
	s1 =	sshll.u32 s1, $0x11  }
0xc3: {  	s0 =	sor.u32 s1, s0  }
0xc4: {  	s0 =	sadd.s32 $0x8F2B, s0  }
0xc5: {  	[sflag:s0] =	ssyncadd.remote.s32 $0x1  }
0xc6: {  	_ =	sfence.sel $0xFFFF  }
0xc7: {  	[dreg:$0x0] =	wrdreg $0xFFFFFFFF;
	(pc) =	sbr.abs _section_cstart, $3  }
0xc8: {  	[dreg:$0x1] =	wrdreg $0xFFFFFFFF  }
0xc9: {  	_ =	task.clear_ibuf [dreg:s8], $0x2FFFF;
	_ =	strace $0x9FFFFFFF  }
0xca: {  	(tm) =	ssettm $0x7FFFFFFF  }
0xcb: {  	_ =	shalt  }
tec
execute0_lowered:
.L_overlay_start_1:
0x0: {  	(tag) =	ssettag $0x1  }
0x1: {  	s1 =	rddreg [dreg:$0x0]  }
0x2: {  	s0 =	rddreg [dreg:$0x1]  }
0x3: {  	s3 =	rddreg [dreg:$0x2]  }
0x4: {  	s4 =	rddreg [dreg:$0x3];
	s5 =	simm.s32 $0x0  }
0x5: {  	s13 =	stileid.u32;
	s2 =	srdreg.scid;
	s28 =	simm.s32 $0xA  }
0x6: {  	s29 =	simm.s32 $0x4;
	[smem:$0x7FF] =	sst s5;
	s18 =	smul.u32 $0x2800, s13  }
0x7: {  	s2 =	sand.u32 $0x1, s2;
	s11 =	sshll.u32 s13, $0x1;
	s12 =	smul.u32 $0x50000, s13  }
0x8: {  	s22 =	sshll.u32 s13, $0x6;
	_ =	strace $0x80000047;
	s8 =	smul.u32 $0x28000, s2  }
0x9: {  	s19 =	ssub.s32 $0x2, s2;
	s2 =	sor.u32 s2, s11;
	s21 =	sshrl.u32 s12, $0x2  }
0xa: {  	s9 =	sadd.s32 s18, s0;
	s5 =	sadd.s32 s18, s8;
	s8 =	sadd.s32 s21, s4  }
0xb: {  	s11 =	smul.u32 $0x2710, s2;
	s23 =	sadd.s32 $0x4600, s9;
	[dreg:$0x6] =	wrdreg s8  }
0xc: {  	s10 =	sshrl.u32 s19, $0x1;
	s2 =	smul.u32 $0x27100, s2;
	[dreg:$0x7] =	wrdreg s23  }
0xd: {  	s20 =	ssub.s32 s19, s10;
	s10 =	sor.u32 $0x1C0D, s22;
	[dreg:$0x5] =	wrdreg s11  }
0xe: {  	s6 =	sadd.s32 $0x4F0400, s0;
	s25 =	sadd.s32 $0x40, s11;
	[dreg:$0x8] =	wrdreg s10  }
0xf: {  	s30 =	simm.s32 $0x7;
	s2 =	sadd.s32 s6, s2;
	[dreg:$0x9] =	wrdreg s25  }
0x10: {  	s31 =	simm.s32 $0xB;
	s13 =	sadd.s32 $0x100, s11;
	[dreg:$0xe] =	wrdreg s2  }
0x11: {  	s7 =	sadd.s32 $0x4E6600, s0;
	s14 =	sadd.s32 $0x140, s11;
	[dreg:$0xf] =	wrdreg s13  }
0x12: {  	s0 =	sadd.s32 s5, s0;
	s16 =	sadd.s32 $0x180, s11;
	[dreg:$0x10] =	wrdreg s14  }
0x13: {  	s24 =	sshrl.u32 s11, $0x3;
	s19 =	smax.u32 s20, $0x1;
	[dreg:$0x11] =	wrdreg s16  }
0x14: {  	s15 =	sadd.s32 $0x2700, s11;
	s20 =	sadd.s32 $0x1C0, s11;
	[dreg:$0x16] =	wrdreg s19  }
0x15: {  	s21 =	sadd.s32 $0x200, s11;
	s22 =	sadd.s32 $0x240, s11;
	[dreg:$0x17] =	wrdreg s20  }
0x16: {  	s23 =	sadd.s32 $0x280, s11;
	s5 =	simm.s32 $0x8;
	[dreg:$0x18] =	wrdreg s21  }
0x17: {  	s26 =	sadd.s32 s7, s24;
	s8 =	sadd.s32 s3, s24;
	[dreg:$0x19] =	wrdreg s22  }
0x18: {  	s12 =	sshrl.u32 s25, $0x3;
	s17 =	sshrl.u32 s15, $0x3;
	[dreg:$0x1a] =	wrdreg s23  }
0x19: {  	s2 =	sshll.u32 s15, $0x4;
	s0 =	sadd.s32 $0x2C600, s0;
	[dreg:$0xa] =	wrdreg s26  }
0x1a: {  	s24 =	sadd.s32 $0x2C0, s11;
	s25 =	sadd.s32 $0x300, s11;
	[dreg:$0xb] =	wrdreg s8  }
0x1b: {  	s14 =	simm.s32 $0xD;
	s15 =	simm.s32 $0x400;
	[dreg:$0x15] =	wrdreg s0  }
0x1c: {  	s16 =	simm.s32 $0x1;
	s19 =	simm.s32 $0x4400;
	[dreg:$0x1b] =	wrdreg s24  }
0x1d: {  	s20 =	simm.s32 $0x3;
	s9 =	sadd.s32 s7, s12;
	[dreg:$0x1c] =	wrdreg s25  }
0x1e: {  	s8 =	sadd.s32 s3, s12;
	s18 =	sadd.s32 s7, s17;
	[dreg:$0xc] =	wrdreg s9  }
0x1f: {  	s2 =	sadd.s32 s6, s2;
	s26 =	sadd.s32 $0x340, s11;
	[dreg:$0xd] =	wrdreg s8  }
0x20: {  	s24 =	simm.s32 $0x2400;
	s25 =	simm.s32 $0x2;
	[dreg:$0x12] =	wrdreg s18  }
0x21: {  	s12 =	simm.s32 $0x300;
	s0 =	simm.s32 $0xC;
	[dreg:$0x14] =	wrdreg s2  }
0x22: {  	s11 =	simm.s32 $0x0;
	s8 =	sadd.s32 s3, s17;
	[dreg:$0x1d] =	wrdreg s26  }
0x23: {  	s17 =	simm.s32 $0x40;
	s9 =	simm.s32 $0x5;
	s18 =	simm.s32 $0x380  }
0x24: {  	s26 =	simm.s32 $0x6;
	[dreg:$0x13] =	wrdreg s8;
	s8 =	simm.s32 $0x9  }
.LBB2_1:
0x25: {  	[dreg:$0x1e] =	wrdreg s11  }
0x26: {  	s2 =	rddreg [dreg:$0x6]  }
0x27: {  	s21 =	rddreg [dreg:$0x7];
	s13 =	sshrl.u32 s2, $0x3  }
0x28: {  	[dreg:$0x1f] =	wrdreg s13  }
0x29: {  	[spmem:s13], [sflag:s10] =	dma.local [hbm:s21], $0x2800  }
0x2a: {  	_ =	swait.ge [sflag:s14], $0x2800  }
0x2b: {  	[sflag:s14] =	ssyncset.done $0x0  }
0x2c: {  	[sflag:s14] =	ssyncadd.s32 $0xFFFFD800  }
0x2d: {  	[bflag:$0x0] =	sbarrier.arrive $0xFFFF  }
0x2e: {  	s2 =	simm.s32 $0x0;
	s22 =	rddreg [dreg:$0xa]  }
0x2f: {  	[tilespmem:s2], [sflag:$0x1] =	stream.linear.gather [hbm4b:s22+s2], $0x40, $0x38;
	[tilespmem:$0x1E500] =	vst v63  }
0x30: {  	s13 =	simm.s32 $0x80;
	s23 =	rddreg [dreg:$0xb]  }
0x31: {  	[tilespmem:s13], [sflag:$0x1] =	stream.linear.gather [hbm4b:s23+s2], $0x40, $0x38;
	[tilespmem:$0x1E500] =	vst v63  }
0x32: {  	s11 =	rddreg [dreg:$0xc];
	s13 =	simm.s32 $0x100  }
0x33: {  	[tilespmem:s13], [sflag:$0x2] =	stream.linear.gather [hbm4b:s11+s2], $0x40, $0x38;
	[tilespmem:$0x1E500] =	vst v63  }
0x34: {  	s21 =	simm.s32 $0x180;
	s14 =	rddreg [dreg:$0xd]  }
0x35: {  	[tilespmem:s21], [sflag:$0x2] =	stream.linear.gather [hbm4b:s14+s2], $0x40, $0x38;
	[tilespmem:$0x1E500] =	vst v63  }
0x36: {  	s22 =	rddreg [dreg:$0xe]  }
0x37: {  	[tilespmem:s15], [sflag:$0x5] =	stream.linear.gather [hbm4b:s22+s2], $0x2000, $0x38;
	[tilespmem:$0x1E500] =	vst v63  }
0x38: {  	_ =	swait.ge [sflag:s16], $0x40  }
0x39: {  	[sflag:s16] =	ssyncset.done $0x0  }
0x3a: {  	[sflag:s16] =	ssyncadd.s32 $0xFFFFFFC0  }
0x3b: {  	_ =	swait.ge [sflag:s16], $0x40  }
0x3c: {  	[sflag:s16] =	ssyncset.done $0x0  }
0x3d: {  	s23 =	simm.s32 $0x6400;
	[sflag:s16] =	ssyncadd.s32 $0xFFFFFFC0  }
0x3e: {  	[tilespmem:s23], [sflag:$0x8] =	stream.indirect.gather [hbm4b:s1+s17], $0x80, s2, s17, $0xb8;
	[tilespmem:$0x1E500] =	vst v63  }
0x3f: {  	s2 =	simm.s32 $0x0  }
.LBB2_2:
0x40: {  	s10 =	smul.u32 $0x300, s2  }
0x41: {  	p0 =	seq.s32 s2, $0x0;
	s13 =	rddreg [dreg:$0x5]  }
0x42: {  	s21 =	simm.s32 @!p0 $0xB;
	s14 =	sadd.s32 s10, s13  }
0x43: {  	_ =	swait.ge @!p0 [sflag:s21], $0x2000;
	s13 =	sadd.s32 $0x80, s14  }
0x44: {  	s23 =	simm.s32 $0x0;
	[sflag:s21] =	ssyncset.done @!p0 $0x0;
	s22 =	sshrl.u32 s13, $0x3  }
0x45: {  	s11 =	simm.s32 $0x200;
	[sflag:s21] =	ssyncadd.s32 @!p0 $0xFFFFE000;
	s21 =	sadd.s32 s7, s22  }
0x46: {  	[tilespmem:s11], [sflag:$0x3] =	stream.linear.gather [hbm4b:s21+s23], $0x40, $0x38;
	[tilespmem:$0x1E500] =	vst v63  }
0x47: {  	s11 =	sadd.s32 s3, s22;
	s22 =	simm.s32 $0x280  }
0x48: {  	[tilespmem:s22], [sflag:$0x3] =	stream.linear.gather [hbm4b:s11+s23], $0x40, $0x38;
	[tilespmem:$0x1E500] =	vst v63  }
0x49: {  	s11 =	rddreg [dreg:$0x9]  }
0x4a: {  	s21 =	sadd.s32 s10, s11  }
0x4b: {  	s21 =	sshll.u32 s21, $0x4  }
0x4c: {  	s21 =	sadd.s32 s6, s21  }
0x4d: {  	[tilespmem:s24], [sflag:$0x6] =	stream.linear.gather [hbm4b:s21+s23], $0x2000, $0x38;
	[tilespmem:$0x1E500] =	vst v63  }
0x4e: {  	_ =	swait.ge [sflag:s25], $0x40  }
0x4f: {  	[sflag:s25] =	ssyncset.done $0x0  }
0x50: {  	[sflag:s25] =	ssyncadd.s32 $0xFFFFFFC0  }
0x51: {  	_ =	swait.ge [sflag:s25], $0x40  }
0x52: {  	[sflag:s25] =	ssyncset.done $0x0  }
0x53: {  	s22 =	simm.s32 $0x100;
	s23 =	simm.s32 $0x8400;
	[sflag:s25] =	ssyncadd.s32 $0xFFFFFFC0  }
0x54: {  	[tilespmem:s23], [sflag:$0x9] =	stream.indirect.gather [hbm4b:s1+s17], $0x80, s22, s17, $0xb8;
	[tilespmem:$0x1E500] =	vst v63  }
0x55: {  	_ =	swait.ge [sflag:s5], $0x2000  }
0x56: {  	[sflag:s5] =	ssyncset.done $0x0  }
0x57: {  	[sflag:s5] =	ssyncadd.s32 $0xFFFFE000  }
0x58: {  	_ =	swait.ge [sflag:s9], $0x2000  }
0x59: {  	[sflag:s9] =	ssyncset.done $0x0  }
0x5a: {  	s21 =	simm.s32 $0x0;
	[sflag:s9] =	ssyncadd.s32 $0xFFFFE000  }
0x5b: {  	v6 =	vld [tilespmem:s21+$0x6400]  }
0x5c: {  	v9 =	vld [tilespmem:s21+$0x6410]  }
0x5d: {  	v5 =	vld [tilespmem:s21+$0x6420]  }
0x5e: {  	v4 =	vld [tilespmem:s21+$0x6430]  }
0x5f: {  	v3 =	vld [tilespmem:s21+$0x6440]  }
0x60: {  	v2 =	vld [tilespmem:s21+$0x6450]  }
0x61: {  	v1 =	vld [tilespmem:s21+$0x6460]  }
0x62: {  	v0 =	vld [tilespmem:s21+$0x6470]  }
0x63: {  	v11 =	vld [tilespmem:s21+$0x400]  }
0x64: {  	v13 =	vld [tilespmem:s21+$0x410]  }
0x65: {  	v12 =	vld [tilespmem:s21+$0x420]  }
0x66: {  	v10 =	vld [tilespmem:s21+$0x430]  }
0x67: {  	v8 =	vld [tilespmem:s21+$0x440]  }
0x68: {  	v7 =	vld [tilespmem:s21+$0x450];
	v11 =	vmul.f32 v6, v11  }
0x69: {  	s22 =	simm.s32 $0x200;
	v9 =	vmul.f32 v9, v13;
	v6 =	vld [tilespmem:s21+$0x460]  }
.LBB2_3:
0x6a: {  	s23 =	sshra.s32 s22, $0x2;
	p1 =	sne.s32 s22, $0x7E00;
	v13 =	vmul.f32 $1.000000010e-01, v11;
	v12 =	vmul.f32 v5, v12;
	v14 =	vld [tilespmem:s21+$0x470]  }
0x6b: {  	v15 =	vld [tilespmem:s23+$0x6400];
	v16 =	vmul.f32 $1.000000010e-01, v9;
	v10 =	vmul.f32 v4, v10  }
0x6c: {  	v17 =	vld [tilespmem:s23+$0x6410];
	v4 =	vmax.f32 v11, v13;
	v11 =	vmul.f32 $1.000000010e-01, v12;
	v8 =	vmul.f32 v3, v8  }
0x6d: {  	v5 =	vld [tilespmem:s23+$0x6420];
	[tilespmem:s21+$0x400] =	vst v4;
	v3 =	vmax.f32 v9, v16;
	v9 =	vmul.f32 $1.000000010e-01, v10;
	v7 =	vmul.f32 v2, v7  }
0x6e: {  	v4 =	vld [tilespmem:s23+$0x6430];
	[tilespmem:s21+$0x410] =	vst v3;
	v2 =	vmax.f32 v12, v11;
	v11 =	vmul.f32 $1.000000010e-01, v8;
	v6 =	vmul.f32 v1, v6  }
0x6f: {  	v3 =	vld [tilespmem:s23+$0x6440];
	[tilespmem:s21+$0x420] =	vst v2;
	v1 =	vmax.f32 v10, v9;
	v9 =	vmul.f32 $1.000000010e-01, v7;
	v10 =	vmul.f32 v0, v14  }
0x70: {  	v2 =	vld [tilespmem:s23+$0x6450];
	[tilespmem:s21+$0x430] =	vst v1;
	v0 =	vmax.f32 v8, v11;
	v8 =	vmul.f32 $1.000000010e-01, v6  }
0x71: {  	v1 =	vld [tilespmem:s23+$0x6460];
	[tilespmem:s21+$0x440] =	vst v0;
	v7 =	vmax.f32 v7, v9;
	v9 =	vmul.f32 $1.000000010e-01, v10  }
0x72: {  	v0 =	vld [tilespmem:s23+$0x6470];
	[tilespmem:s21+$0x450] =	vst v7;
	v6 =	vmax.f32 v6, v8  }
0x73: {  	v7 =	vld [tilespmem:s23+$0x400];
	[tilespmem:s21+$0x460] =	vst v6;
	v6 =	vmax.f32 v10, v9  }
0x74: {  	v9 =	vld [tilespmem:s23+$0x410];
	[tilespmem:s21+$0x470] =	vst v6;
	s21 =	smov.u32 s23  }
.Ltmp0:
0x75: {  	v12 =	vld [tilespmem:s21+$0x420];
	(pc) =	sbr.rel @p1 .LBB2_3-.Ltmp0, $4  }
0x76: {  	v10 =	vld [tilespmem:s21+$0x430]  }
0x77: {  	v8 =	vld [tilespmem:s21+$0x440]  }
0x78: {  	v11 =	vmul.f32 v15, v7;
	v7 =	vld [tilespmem:s21+$0x450]  }
0x79: {  	s22 =	sadd.s32 $0x200, s22;
	v9 =	vmul.f32 v17, v9;
	v6 =	vld [tilespmem:s21+$0x460]  }
0x7a: {  	v13 =	vmul.f32 $1.000000010e-01, v11;
	v5 =	vmul.f32 v5, v12;
	v12 =	vld [tilespmem:s21+$0x470]  }
0x7b: {  	v14 =	vmul.f32 $1.000000010e-01, v9;
	v4 =	vmul.f32 v4, v10  }
0x7c: {  	v10 =	vmax.f32 v11, v13;
	v11 =	vmul.f32 $1.000000010e-01, v5;
	v3 =	vmul.f32 v3, v8  }
0x7d: {  	[tilespmem:s21+$0x400] =	vst v10;
	v8 =	vmax.f32 v9, v14;
	v9 =	vmul.f32 $1.000000010e-01, v4;
	v2 =	vmul.f32 v2, v7  }
0x7e: {  	[tilespmem:s21+$0x410] =	vst v8;
	v5 =	vmax.f32 v5, v11;
	v7 =	vmul.f32 $1.000000010e-01, v3;
	v1 =	vmul.f32 v1, v6  }
0x7f: {  	[tilespmem:s21+$0x420] =	vst v5;
	v4 =	vmax.f32 v4, v9;
	v5 =	vmul.f32 $1.000000010e-01, v2;
	v0 =	vmul.f32 v0, v12  }
0x80: {  	[tilespmem:s21+$0x430] =	vst v4;
	v3 =	vmax.f32 v3, v7;
	v4 =	vmul.f32 $1.000000010e-01, v1  }
0x81: {  	[tilespmem:s21+$0x440] =	vst v3;
	v2 =	vmax.f32 v2, v5;
	v3 =	vmul.f32 $1.000000010e-01, v0  }
0x82: {  	[tilespmem:s21+$0x450] =	vst v2;
	v1 =	vmax.f32 v1, v4  }
0x83: {  	[tilespmem:s21+$0x460] =	vst v1;
	v0 =	vmax.f32 v0, v3  }
0x84: {  	s23 =	simm.s32 $0x80;
	[tilespmem:s21+$0x470] =	vst v0;
	s21 =	simm.s32 @!p0 $0xC  }
0x85: {  	[spmem:s4] =	stream.indirect.scatter.add.f32 [tilespmem:s15], [sflag:$0xA], $0x80, s23, s17, $0xb8;
	[tilespmem:$0x1E500] =	vst v63  }
0x86: {  	s14 =	sadd.s32 $0xC0, s14;
	_ =	swait.ge @!p0 [sflag:s21], $0x2000  }
0x87: {  	s22 =	sshrl.u32 s14, $0x3;
	[sflag:s21] =	ssyncset.done @!p0 $0x0  }
0x88: {  	s11 =	sadd.s32 s7, s22;
	s23 =	simm.s32 $0x0;
	[sflag:s21] =	ssyncadd.s32 @!p0 $0xFFFFE000  }
0x89: {  	[tilespmem:s12], [sflag:$0x4] =	stream.linear.gather [hbm4b:s11+s23], $0x40, $0x38;
	[tilespmem:$0x1E500] =	vst v63  }
0x8a: {  	s13 =	sshll.u32 s13, $0x4;
	s22 =	sadd.s32 s3, s22  }
0x8b: {  	[tilespmem:s18], [sflag:$0x4] =	stream.linear.gather [hbm4b:s22+s23], $0x40, $0x38;
	[tilespmem:$0x1E500] =	vst v63  }
0x8c: {  	s13 =	sadd.s32 s6, s13  }
0x8d: {  	[tilespmem:s19], [sflag:$0x7] =	stream.linear.gather [hbm4b:s13+s23], $0x2000, $0x38;
	[tilespmem:$0x1E500] =	vst v63  }
0x8e: {  	_ =	swait.ge [sflag:s20], $0x40  }
0x8f: {  	[sflag:s20] =	ssyncset.done $0x0  }
0x90: {  	[sflag:s20] =	ssyncadd.s32 $0xFFFFFFC0  }
0x91: {  	_ =	swait.ge [sflag:s20], $0x40  }
0x92: {  	[sflag:s20] =	ssyncset.done $0x0  }
0x93: {  	s11 =	simm.s32 $0x6400;
	s23 =	simm.s32 $0x200;
	[sflag:s20] =	ssyncadd.s32 $0xFFFFFFC0  }
0x94: {  	[tilespmem:s11], [sflag:$0x8] =	stream.indirect.gather [hbm4b:s1+s17], $0x80, s23, s17, $0xb8;
	[tilespmem:$0x1E500] =	vst v63  }
0x95: {  	_ =	swait.ge [sflag:s8], $0x2000  }
0x96: {  	[sflag:s8] =	ssyncset.done $0x0  }
0x97: {  	[sflag:s8] =	ssyncadd.s32 $0xFFFFE000  }
0x98: {  	_ =	swait.ge [sflag:s26], $0x2000  }
0x99: {  	[sflag:s26] =	ssyncset.done $0x0  }
0x9a: {  	s13 =	simm.s32 $0x0;
	[sflag:s26] =	ssyncadd.s32 $0xFFFFE000  }
0x9b: {  	v6 =	vld [tilespmem:s13+$0x8400]  }
0x9c: {  	v9 =	vld [tilespmem:s13+$0x8410]  }
0x9d: {  	v5 =	vld [tilespmem:s13+$0x8420]  }
0x9e: {  	v4 =	vld [tilespmem:s13+$0x8430]  }
0x9f: {  	v3 =	vld [tilespmem:s13+$0x8440]  }
0xa0: {  	v2 =	vld [tilespmem:s13+$0x8450]  }
0xa1: {  	v1 =	vld [tilespmem:s13+$0x8460]  }
0xa2: {  	v0 =	vld [tilespmem:s13+$0x8470]  }
0xa3: {  	v11 =	vld [tilespmem:s13+$0x2400]  }
0xa4: {  	v13 =	vld [tilespmem:s13+$0x2410]  }
0xa5: {  	v12 =	vld [tilespmem:s13+$0x2420]  }
0xa6: {  	v10 =	vld [tilespmem:s13+$0x2430]  }
0xa7: {  	v8 =	vld [tilespmem:s13+$0x2440]  }
0xa8: {  	v7 =	vld [tilespmem:s13+$0x2450];
	v11 =	vmul.f32 v6, v11  }
0xa9: {  	s21 =	simm.s32 $0x200;
	v9 =	vmul.f32 v9, v13;
	v6 =	vld [tilespmem:s13+$0x2460]  }
.LBB2_5:
0xaa: {  	s22 =	sshra.s32 s21, $0x2;
	p0 =	sne.s32 s21, $0x7E00;
	v13 =	vmul.f32 $1.000000010e-01, v11;
	v12 =	vmul.f32 v5, v12;
	v14 =	vld [tilespmem:s13+$0x2470]  }
0xab: {  	v15 =	vld [tilespmem:s22+$0x8400];
	v16 =	vmul.f32 $1.000000010e-01, v9;
	v10 =	vmul.f32 v4, v10  }
0xac: {  	v17 =	vld [tilespmem:s22+$0x8410];
	v4 =	vmax.f32 v11, v13;
	v11 =	vmul.f32 $1.000000010e-01, v12;
	v8 =	vmul.f32 v3, v8  }
0xad: {  	v5 =	vld [tilespmem:s22+$0x8420];
	[tilespmem:s13+$0x2400] =	vst v4;
	v3 =	vmax.f32 v9, v16;
	v9 =	vmul.f32 $1.000000010e-01, v10;
	v7 =	vmul.f32 v2, v7  }
0xae: {  	v4 =	vld [tilespmem:s22+$0x8430];
	[tilespmem:s13+$0x2410] =	vst v3;
	v2 =	vmax.f32 v12, v11;
	v11 =	vmul.f32 $1.000000010e-01, v8;
	v6 =	vmul.f32 v1, v6  }
0xaf: {  	v3 =	vld [tilespmem:s22+$0x8440];
	[tilespmem:s13+$0x2420] =	vst v2;
	v1 =	vmax.f32 v10, v9;
	v9 =	vmul.f32 $1.000000010e-01, v7;
	v10 =	vmul.f32 v0, v14  }
0xb0: {  	v2 =	vld [tilespmem:s22+$0x8450];
	[tilespmem:s13+$0x2430] =	vst v1;
	v0 =	vmax.f32 v8, v11;
	v8 =	vmul.f32 $1.000000010e-01, v6  }
0xb1: {  	v1 =	vld [tilespmem:s22+$0x8460];
	[tilespmem:s13+$0x2440] =	vst v0;
	v7 =	vmax.f32 v7, v9;
	v9 =	vmul.f32 $1.000000010e-01, v10  }
0xb2: {  	v0 =	vld [tilespmem:s22+$0x8470];
	[tilespmem:s13+$0x2450] =	vst v7;
	v6 =	vmax.f32 v6, v8  }
0xb3: {  	v7 =	vld [tilespmem:s22+$0x2400];
	[tilespmem:s13+$0x2460] =	vst v6;
	v6 =	vmax.f32 v10, v9  }
0xb4: {  	v9 =	vld [tilespmem:s22+$0x2410];
	[tilespmem:s13+$0x2470] =	vst v6;
	s13 =	smov.u32 s22  }
.Ltmp1:
0xb5: {  	v12 =	vld [tilespmem:s13+$0x2420];
	(pc) =	sbr.rel @p0 .LBB2_5-.Ltmp1, $4  }
0xb6: {  	v10 =	vld [tilespmem:s13+$0x2430]  }
0xb7: {  	v8 =	vld [tilespmem:s13+$0x2440]  }
0xb8: {  	v11 =	vmul.f32 v15, v7;
	v7 =	vld [tilespmem:s13+$0x2450]  }
0xb9: {  	s21 =	sadd.s32 $0x200, s21;
	v9 =	vmul.f32 v17, v9;
	v6 =	vld [tilespmem:s13+$0x2460]  }
0xba: {  	v13 =	vmul.f32 $1.000000010e-01, v11;
	v5 =	vmul.f32 v5, v12;
	v12 =	vld [tilespmem:s13+$0x2470]  }
0xbb: {  	v14 =	vmul.f32 $1.000000010e-01, v9;
	v4 =	vmul.f32 v4, v10  }
0xbc: {  	v10 =	vmax.f32 v11, v13;
	v11 =	vmul.f32 $1.000000010e-01, v5;
	v3 =	vmul.f32 v3, v8  }
0xbd: {  	[tilespmem:s13+$0x2400] =	vst v10;
	v8 =	vmax.f32 v9, v14;
	v9 =	vmul.f32 $1.000000010e-01, v4;
	v2 =	vmul.f32 v2, v7  }
0xbe: {  	[tilespmem:s13+$0x2410] =	vst v8;
	v5 =	vmax.f32 v5, v11;
	v7 =	vmul.f32 $1.000000010e-01, v3;
	v1 =	vmul.f32 v1, v6  }
0xbf: {  	[tilespmem:s13+$0x2420] =	vst v5;
	v4 =	vmax.f32 v4, v9;
	v5 =	vmul.f32 $1.000000010e-01, v2;
	v0 =	vmul.f32 v0, v12  }
0xc0: {  	[tilespmem:s13+$0x2430] =	vst v4;
	v3 =	vmax.f32 v3, v7;
	v4 =	vmul.f32 $1.000000010e-01, v1  }
0xc1: {  	[tilespmem:s13+$0x2440] =	vst v3;
	v2 =	vmax.f32 v2, v5;
	v3 =	vmul.f32 $1.000000010e-01, v0  }
0xc2: {  	[tilespmem:s13+$0x2450] =	vst v2;
	v1 =	vmax.f32 v1, v4  }
0xc3: {  	[tilespmem:s13+$0x2460] =	vst v1;
	v0 =	vmax.f32 v0, v3  }
0xc4: {  	s11 =	simm.s32 $0x180;
	[tilespmem:s13+$0x2470] =	vst v0  }
0xc5: {  	[spmem:s4] =	stream.indirect.scatter.add.f32 [tilespmem:s24], [sflag:$0xB], $0x80, s11, s17, $0xb8;
	[tilespmem:$0x1E500] =	vst v63  }
0xc6: {  	_ =	swait.ge [sflag:s28], $0x2000  }
0xc7: {  	s23 =	rddreg [dreg:$0xf]  }
0xc8: {  	s13 =	sadd.s32 s10, s23  }
0xc9: {  	[sflag:s28] =	ssyncset.done $0x0;
	s21 =	sshrl.u32 s13, $0x3  }
0xca: {  	[sflag:s28] =	ssyncadd.s32 $0xFFFFE000;
	s23 =	simm.s32 $0x0;
	s22 =	sadd.s32 s7, s21  }
0xcb: {  	[tilespmem:s23], [sflag:$0x1] =	stream.linear.gather [hbm4b:s22+s23], $0x40, $0x38;
	[tilespmem:$0x1E500] =	vst v63  }
0xcc: {  	s14 =	sshll.u32 s14, $0x4;
	s11 =	simm.s32 $0x80;
	s21 =	sadd.s32 s3, s21  }
0xcd: {  	[tilespmem:s11], [sflag:$0x1] =	stream.linear.gather [hbm4b:s21+s23], $0x40, $0x38;
	[tilespmem:$0x1E500] =	vst v63  }
0xce: {  	s14 =	sadd.s32 s6, s14  }
0xcf: {  	[tilespmem:s15], [sflag:$0x5] =	stream.linear.gather [hbm4b:s14+s23], $0x2000, $0x38;
	[tilespmem:$0x1E500] =	vst v63  }
0xd0: {  	_ =	swait.ge [sflag:s29], $0x40  }
0xd1: {  	[sflag:s29] =	ssyncset.done $0x0  }
0xd2: {  	[sflag:s29] =	ssyncadd.s32 $0xFFFFFFC0  }
0xd3: {  	_ =	swait.ge [sflag:s29], $0x40  }
0xd4: {  	[sflag:s29] =	ssyncset.done $0x0  }
0xd5: {  	s23 =	simm.s32 $0x8400;
	[sflag:s29] =	ssyncadd.s32 $0xFFFFFFC0  }
0xd6: {  	[tilespmem:s23], [sflag:$0x9] =	stream.indirect.gather [hbm4b:s1+s17], $0x80, s12, s17, $0xb8;
	[tilespmem:$0x1E500] =	vst v63  }
0xd7: {  	_ =	swait.ge [sflag:s5], $0x2000  }
0xd8: {  	[sflag:s5] =	ssyncset.done $0x0  }
0xd9: {  	[sflag:s5] =	ssyncadd.s32 $0xFFFFE000  }
0xda: {  	_ =	swait.ge [sflag:s30], $0x2000  }
0xdb: {  	[sflag:s30] =	ssyncset.done $0x0  }
0xdc: {  	s14 =	simm.s32 $0x0;
	[sflag:s30] =	ssyncadd.s32 $0xFFFFE000  }
0xdd: {  	v6 =	vld [tilespmem:s14+$0x6400]  }
0xde: {  	v9 =	vld [tilespmem:s14+$0x6410]  }
0xdf: {  	v5 =	vld [tilespmem:s14+$0x6420]  }
0xe0: {  	v4 =	vld [tilespmem:s14+$0x6430]  }
0xe1: {  	v3 =	vld [tilespmem:s14+$0x6440]  }
0xe2: {  	v2 =	vld [tilespmem:s14+$0x6450]  }
0xe3: {  	v1 =	vld [tilespmem:s14+$0x6460]  }
0xe4: {  	v0 =	vld [tilespmem:s14+$0x6470]  }
0xe5: {  	v11 =	vld [tilespmem:s14+$0x4400]  }
0xe6: {  	v13 =	vld [tilespmem:s14+$0x4410]  }
0xe7: {  	v12 =	vld [tilespmem:s14+$0x4420]  }
0xe8: {  	v10 =	vld [tilespmem:s14+$0x4430]  }
0xe9: {  	v8 =	vld [tilespmem:s14+$0x4440]  }
0xea: {  	v7 =	vld [tilespmem:s14+$0x4450];
	v11 =	vmul.f32 v6, v11  }
0xeb: {  	s21 =	simm.s32 $0x200;
	v9 =	vmul.f32 v9, v13;
	v6 =	vld [tilespmem:s14+$0x4460]  }
.LBB2_7:
0xec: {  	s22 =	sshra.s32 s21, $0x2;
	p0 =	sne.s32 s21, $0x7E00;
	v13 =	vmul.f32 $1.000000010e-01, v11;
	v12 =	vmul.f32 v5, v12;
	v14 =	vld [tilespmem:s14+$0x4470]  }
0xed: {  	v15 =	vld [tilespmem:s22+$0x6400];
	v16 =	vmul.f32 $1.000000010e-01, v9;
	v10 =	vmul.f32 v4, v10  }
0xee: {  	v17 =	vld [tilespmem:s22+$0x6410];
	v4 =	vmax.f32 v11, v13;
	v11 =	vmul.f32 $1.000000010e-01, v12;
	v8 =	vmul.f32 v3, v8  }
0xef: {  	v5 =	vld [tilespmem:s22+$0x6420];
	[tilespmem:s14+$0x4400] =	vst v4;
	v3 =	vmax.f32 v9, v16;
	v9 =	vmul.f32 $1.000000010e-01, v10;
	v7 =	vmul.f32 v2, v7  }
0xf0: {  	v4 =	vld [tilespmem:s22+$0x6430];
	[tilespmem:s14+$0x4410] =	vst v3;
	v2 =	vmax.f32 v12, v11;
	v11 =	vmul.f32 $1.000000010e-01, v8;
	v6 =	vmul.f32 v1, v6  }
0xf1: {  	v3 =	vld [tilespmem:s22+$0x6440];
	[tilespmem:s14+$0x4420] =	vst v2;
	v1 =	vmax.f32 v10, v9;
	v9 =	vmul.f32 $1.000000010e-01, v7;
	v10 =	vmul.f32 v0, v14  }
0xf2: {  	v2 =	vld [tilespmem:s22+$0x6450];
	[tilespmem:s14+$0x4430] =	vst v1;
	v0 =	vmax.f32 v8, v11;
	v8 =	vmul.f32 $1.000000010e-01, v6  }
0xf3: {  	v1 =	vld [tilespmem:s22+$0x6460];
	[tilespmem:s14+$0x4440] =	vst v0;
	v7 =	vmax.f32 v7, v9;
	v9 =	vmul.f32 $1.000000010e-01, v10  }
0xf4: {  	v0 =	vld [tilespmem:s22+$0x6470];
	[tilespmem:s14+$0x4450] =	vst v7;
	v6 =	vmax.f32 v6, v8  }
0xf5: {  	v7 =	vld [tilespmem:s22+$0x4400];
	[tilespmem:s14+$0x4460] =	vst v6;
	v6 =	vmax.f32 v10, v9  }
0xf6: {  	v9 =	vld [tilespmem:s22+$0x4410];
	[tilespmem:s14+$0x4470] =	vst v6;
	s14 =	smov.u32 s22  }
.Ltmp2:
0xf7: {  	v12 =	vld [tilespmem:s14+$0x4420];
	(pc) =	sbr.rel @p0 .LBB2_7-.Ltmp2, $4  }
0xf8: {  	v10 =	vld [tilespmem:s14+$0x4430]  }
0xf9: {  	v8 =	vld [tilespmem:s14+$0x4440]  }
0xfa: {  	v11 =	vmul.f32 v15, v7;
	v7 =	vld [tilespmem:s14+$0x4450]  }
0xfb: {  	s21 =	sadd.s32 $0x200, s21;
	v9 =	vmul.f32 v17, v9;
	v6 =	vld [tilespmem:s14+$0x4460]  }
0xfc: {  	v13 =	vmul.f32 $1.000000010e-01, v11;
	v5 =	vmul.f32 v5, v12;
	v12 =	vld [tilespmem:s14+$0x4470]  }
0xfd: {  	v14 =	vmul.f32 $1.000000010e-01, v9;
	v4 =	vmul.f32 v4, v10  }
0xfe: {  	v10 =	vmax.f32 v11, v13;
	v11 =	vmul.f32 $1.000000010e-01, v5;
	v3 =	vmul.f32 v3, v8  }
0xff: {  	[tilespmem:s14+$0x4400] =	vst v10;
	v8 =	vmax.f32 v9, v14;
	v9 =	vmul.f32 $1.000000010e-01, v4;
	v2 =	vmul.f32 v2, v7  }
0x100: {  	[tilespmem:s14+$0x4410] =	vst v8;
	v5 =	vmax.f32 v5, v11;
	v7 =	vmul.f32 $1.000000010e-01, v3;
	v1 =	vmul.f32 v1, v6  }
0x101: {  	[tilespmem:s14+$0x4420] =	vst v5;
	v4 =	vmax.f32 v4, v9;
	v5 =	vmul.f32 $1.000000010e-01, v2;
	v0 =	vmul.f32 v0, v12  }
0x102: {  	[tilespmem:s14+$0x4430] =	vst v4;
	v3 =	vmax.f32 v3, v7;
	v4 =	vmul.f32 $1.000000010e-01, v1  }
0x103: {  	[tilespmem:s14+$0x4440] =	vst v3;
	v2 =	vmax.f32 v2, v5;
	v3 =	vmul.f32 $1.000000010e-01, v0  }
0x104: {  	[tilespmem:s14+$0x4450] =	vst v2;
	v1 =	vmax.f32 v1, v4  }
0x105: {  	[tilespmem:s14+$0x4460] =	vst v1;
	v0 =	vmax.f32 v0, v3  }
0x106: {  	s11 =	simm.s32 $0x280;
	[tilespmem:s14+$0x4470] =	vst v0  }
0x107: {  	[spmem:s4] =	stream.indirect.scatter.add.f32 [tilespmem:s19], [sflag:$0xC], $0x80, s11, s17, $0xb8;
	[tilespmem:$0x1E500] =	vst v63  }
0x108: {  	_ =	swait.ge [sflag:s31], $0x2000  }
0x109: {  	s21 =	rddreg [dreg:$0x10]  }
0x10a: {  	s14 =	sadd.s32 s10, s21  }
0x10b: {  	s23 =	simm.s32 $0x0;
	[sflag:s31] =	ssyncset.done $0x0;
	s21 =	sshrl.u32 s14, $0x3  }
0x10c: {  	s11 =	simm.s32 $0x100;
	[sflag:s31] =	ssyncadd.s32 $0xFFFFE000;
	s22 =	sadd.s32 s7, s21  }
0x10d: {  	[tilespmem:s11], [sflag:$0x2] =	stream.linear.gather [hbm4b:s22+s23], $0x40, $0x38;
	[tilespmem:$0x1E500] =	vst v63  }
0x10e: {  	s13 =	sshll.u32 s13, $0x4;
	s21 =	sadd.s32 s3, s21;
	s22 =	simm.s32 $0x180  }
0x10f: {  	[tilespmem:s22], [sflag:$0x2] =	stream.linear.gather [hbm4b:s21+s23], $0x40, $0x38;
	[tilespmem:$0x1E500] =	vst v63  }
0x110: {  	s13 =	sadd.s32 s6, s13  }
0x111: {  	[tilespmem:s24], [sflag:$0x6] =	stream.linear.gather [hbm4b:s13+s23], $0x2000, $0x38;
	[tilespmem:$0x1E500] =	vst v63  }
0x112: {  	_ =	swait.ge [sflag:s16], $0x40  }
0x113: {  	[sflag:s16] =	ssyncset.done $0x0  }
0x114: {  	[sflag:s16] =	ssyncadd.s32 $0xFFFFFFC0  }
0x115: {  	_ =	swait.ge [sflag:s16], $0x40  }
0x116: {  	[sflag:s16] =	ssyncset.done $0x0  }
0x117: {  	s22 =	simm.s32 $0x6400;
	[sflag:s16] =	ssyncadd.s32 $0xFFFFFFC0  }
0x118: {  	[tilespmem:s22], [sflag:$0x8] =	stream.indirect.gather [hbm4b:s1+s17], $0x80, s23, s17, $0xb8;
	[tilespmem:$0x1E500] =	vst v63  }
0x119: {  	_ =	swait.ge [sflag:s8], $0x2000  }
0x11a: {  	[sflag:s8] =	ssyncset.done $0x0  }
0x11b: {  	[sflag:s8] =	ssyncadd.s32 $0xFFFFE000  }
0x11c: {  	_ =	swait.ge [sflag:s9], $0x2000  }
0x11d: {  	[sflag:s9] =	ssyncset.done $0x0  }
0x11e: {  	s13 =	simm.s32 $0x0;
	[sflag:s9] =	ssyncadd.s32 $0xFFFFE000  }
0x11f: {  	v6 =	vld [tilespmem:s13+$0x8400]  }
0x120: {  	v9 =	vld [tilespmem:s13+$0x8410]  }
0x121: {  	v5 =	vld [tilespmem:s13+$0x8420]  }
0x122: {  	v4 =	vld [tilespmem:s13+$0x8430]  }
0x123: {  	v3 =	vld [tilespmem:s13+$0x8440]  }
0x124: {  	v2 =	vld [tilespmem:s13+$0x8450]  }
0x125: {  	v1 =	vld [tilespmem:s13+$0x8460]  }
0x126: {  	v0 =	vld [tilespmem:s13+$0x8470]  }
0x127: {  	v11 =	vld [tilespmem:s13+$0x400]  }
0x128: {  	v13 =	vld [tilespmem:s13+$0x410]  }
0x129: {  	v12 =	vld [tilespmem:s13+$0x420]  }
0x12a: {  	v10 =	vld [tilespmem:s13+$0x430]  }
0x12b: {  	v8 =	vld [tilespmem:s13+$0x440]  }
0x12c: {  	v7 =	vld [tilespmem:s13+$0x450];
	v11 =	vmul.f32 v6, v11  }
0x12d: {  	s21 =	simm.s32 $0x200;
	v9 =	vmul.f32 v9, v13;
	v6 =	vld [tilespmem:s13+$0x460]  }
.LBB2_9:
0x12e: {  	s22 =	sshra.s32 s21, $0x2;
	p0 =	sne.s32 s21, $0x7E00;
	v13 =	vmul.f32 $1.000000010e-01, v11;
	v12 =	vmul.f32 v5, v12;
	v14 =	vld [tilespmem:s13+$0x470]  }
0x12f: {  	v15 =	vld [tilespmem:s22+$0x8400];
	v16 =	vmul.f32 $1.000000010e-01, v9;
	v10 =	vmul.f32 v4, v10  }
0x130: {  	v17 =	vld [tilespmem:s22+$0x8410];
	v4 =	vmax.f32 v11, v13;
	v11 =	vmul.f32 $1.000000010e-01, v12;
	v8 =	vmul.f32 v3, v8  }
0x131: {  	v5 =	vld [tilespmem:s22+$0x8420];
	[tilespmem:s13+$0x400] =	vst v4;
	v3 =	vmax.f32 v9, v16;
	v9 =	vmul.f32 $1.000000010e-01, v10;
	v7 =	vmul.f32 v2, v7  }
0x132: {  	v4 =	vld [tilespmem:s22+$0x8430];
	[tilespmem:s13+$0x410] =	vst v3;
	v2 =	vmax.f32 v12, v11;
	v11 =	vmul.f32 $1.000000010e-01, v8;
	v6 =	vmul.f32 v1, v6  }
0x133: {  	v3 =	vld [tilespmem:s22+$0x8440];
	[tilespmem:s13+$0x420] =	vst v2;
	v1 =	vmax.f32 v10, v9;
	v9 =	vmul.f32 $1.000000010e-01, v7;
	v10 =	vmul.f32 v0, v14  }
0x134: {  	v2 =	vld [tilespmem:s22+$0x8450];
	[tilespmem:s13+$0x430] =	vst v1;
	v0 =	vmax.f32 v8, v11;
	v8 =	vmul.f32 $1.000000010e-01, v6  }
0x135: {  	v1 =	vld [tilespmem:s22+$0x8460];
	[tilespmem:s13+$0x440] =	vst v0;
	v7 =	vmax.f32 v7, v9;
	v9 =	vmul.f32 $1.000000010e-01, v10  }
0x136: {  	v0 =	vld [tilespmem:s22+$0x8470];
	[tilespmem:s13+$0x450] =	vst v7;
	v6 =	vmax.f32 v6, v8  }
0x137: {  	v7 =	vld [tilespmem:s22+$0x400];
	[tilespmem:s13+$0x460] =	vst v6;
	v6 =	vmax.f32 v10, v9  }
0x138: {  	v9 =	vld [tilespmem:s22+$0x410];
	[tilespmem:s13+$0x470] =	vst v6;
	s13 =	smov.u32 s22  }
.Ltmp3:
0x139: {  	v12 =	vld [tilespmem:s13+$0x420];
	(pc) =	sbr.rel @p0 .LBB2_9-.Ltmp3, $4  }
0x13a: {  	v10 =	vld [tilespmem:s13+$0x430]  }
0x13b: {  	v8 =	vld [tilespmem:s13+$0x440]  }
0x13c: {  	v11 =	vmul.f32 v15, v7;
	v7 =	vld [tilespmem:s13+$0x450]  }
0x13d: {  	s21 =	sadd.s32 $0x200, s21;
	v9 =	vmul.f32 v17, v9;
	v6 =	vld [tilespmem:s13+$0x460]  }
0x13e: {  	v13 =	vmul.f32 $1.000000010e-01, v11;
	v5 =	vmul.f32 v5, v12;
	v12 =	vld [tilespmem:s13+$0x470]  }
0x13f: {  	v14 =	vmul.f32 $1.000000010e-01, v9;
	v4 =	vmul.f32 v4, v10  }
0x140: {  	v10 =	vmax.f32 v11, v13;
	v11 =	vmul.f32 $1.000000010e-01, v5;
	v3 =	vmul.f32 v3, v8  }
0x141: {  	[tilespmem:s13+$0x400] =	vst v10;
	v8 =	vmax.f32 v9, v14;
	v9 =	vmul.f32 $1.000000010e-01, v4;
	v2 =	vmul.f32 v2, v7  }
0x142: {  	[tilespmem:s13+$0x410] =	vst v8;
	v5 =	vmax.f32 v5, v11;
	v7 =	vmul.f32 $1.000000010e-01, v3;
	v1 =	vmul.f32 v1, v6  }
0x143: {  	[tilespmem:s13+$0x420] =	vst v5;
	v4 =	vmax.f32 v4, v9;
	v5 =	vmul.f32 $1.000000010e-01, v2;
	v0 =	vmul.f32 v0, v12  }
0x144: {  	[tilespmem:s13+$0x430] =	vst v4;
	v3 =	vmax.f32 v3, v7;
	v4 =	vmul.f32 $1.000000010e-01, v1  }
0x145: {  	[tilespmem:s13+$0x440] =	vst v3;
	v2 =	vmax.f32 v2, v5;
	v3 =	vmul.f32 $1.000000010e-01, v0  }
0x146: {  	[tilespmem:s13+$0x450] =	vst v2;
	v1 =	vmax.f32 v1, v4  }
0x147: {  	[tilespmem:s13+$0x460] =	vst v1;
	v0 =	vmax.f32 v0, v3  }
0x148: {  	[tilespmem:s13+$0x470] =	vst v0  }
0x149: {  	[spmem:s4] =	stream.indirect.scatter.add.f32 [tilespmem:s15], [sflag:$0xA], $0x80, s18, s17, $0xb8;
	[tilespmem:$0x1E500] =	vst v63  }
0x14a: {  	_ =	swait.ge [sflag:s0], $0x2000  }
0x14b: {  	s21 =	rddreg [dreg:$0x11]  }
0x14c: {  	s13 =	sadd.s32 s10, s21  }
0x14d: {  	s23 =	simm.s32 $0x0;
	[sflag:s0] =	ssyncset.done $0x0;
	s21 =	sshrl.u32 s13, $0x3  }
0x14e: {  	s11 =	simm.s32 $0x200;
	[sflag:s0] =	ssyncadd.s32 $0xFFFFE000;
	s22 =	sadd.s32 s7, s21  }
0x14f: {  	[tilespmem:s11], [sflag:$0x3] =	stream.linear.gather [hbm4b:s22+s23], $0x40, $0x38;
	[tilespmem:$0x1E500] =	vst v63  }
0x150: {  	s14 =	sshll.u32 s14, $0x4;
	s21 =	sadd.s32 s3, s21;
	s22 =	simm.s32 $0x280  }
0x151: {  	[tilespmem:s22], [sflag:$0x3] =	stream.linear.gather [hbm4b:s21+s23], $0x40, $0x38;
	[tilespmem:$0x1E500] =	vst v63  }
0x152: {  	s14 =	sadd.s32 s6, s14  }
0x153: {  	[tilespmem:s19], [sflag:$0x7] =	stream.linear.gather [hbm4b:s14+s23], $0x2000, $0x38;
	[tilespmem:$0x1E500] =	vst v63  }
0x154: {  	_ =	swait.ge [sflag:s25], $0x40  }
0x155: {  	[sflag:s25] =	ssyncset.done $0x0  }
0x156: {  	[sflag:s25] =	ssyncadd.s32 $0xFFFFFFC0  }
0x157: {  	_ =	swait.ge [sflag:s25], $0x40  }
0x158: {  	[sflag:s25] =	ssyncset.done $0x0  }
0x159: {  	s22 =	simm.s32 $0x100;
	s23 =	simm.s32 $0x8400;
	[sflag:s25] =	ssyncadd.s32 $0xFFFFFFC0  }
0x15a: {  	[tilespmem:s23], [sflag:$0x9] =	stream.indirect.gather [hbm4b:s1+s17], $0x80, s22, s17, $0xb8;
	[tilespmem:$0x1E500] =	vst v63  }
0x15b: {  	_ =	swait.ge [sflag:s5], $0x2000  }
0x15c: {  	[sflag:s5] =	ssyncset.done $0x0  }
0x15d: {  	[sflag:s5] =	ssyncadd.s32 $0xFFFFE000  }
0x15e: {  	_ =	swait.ge [sflag:s26], $0x2000  }
0x15f: {  	[sflag:s26] =	ssyncset.done $0x0  }
0x160: {  	s14 =	simm.s32 $0x0;
	[sflag:s26] =	ssyncadd.s32 $0xFFFFE000  }
0x161: {  	v6 =	vld [tilespmem:s14+$0x6400]  }
0x162: {  	v9 =	vld [tilespmem:s14+$0x6410]  }
0x163: {  	v5 =	vld [tilespmem:s14+$0x6420]  }
0x164: {  	v4 =	vld [tilespmem:s14+$0x6430]  }
0x165: {  	v3 =	vld [tilespmem:s14+$0x6440]  }
0x166: {  	v2 =	vld [tilespmem:s14+$0x6450]  }
0x167: {  	v1 =	vld [tilespmem:s14+$0x6460]  }
0x168: {  	v0 =	vld [tilespmem:s14+$0x6470]  }
0x169: {  	v11 =	vld [tilespmem:s14+$0x2400]  }
0x16a: {  	v13 =	vld [tilespmem:s14+$0x2410]  }
0x16b: {  	v12 =	vld [tilespmem:s14+$0x2420]  }
0x16c: {  	v10 =	vld [tilespmem:s14+$0x2430]  }
0x16d: {  	v8 =	vld [tilespmem:s14+$0x2440]  }
0x16e: {  	v7 =	vld [tilespmem:s14+$0x2450];
	v11 =	vmul.f32 v6, v11  }
0x16f: {  	s21 =	simm.s32 $0x200;
	v9 =	vmul.f32 v9, v13;
	v6 =	vld [tilespmem:s14+$0x2460]  }
.LBB2_11:
0x170: {  	s22 =	sshra.s32 s21, $0x2;
	p0 =	sne.s32 s21, $0x7E00;
	v13 =	vmul.f32 $1.000000010e-01, v11;
	v12 =	vmul.f32 v5, v12;
	v14 =	vld [tilespmem:s14+$0x2470]  }
0x171: {  	v15 =	vld [tilespmem:s22+$0x6400];
	v16 =	vmul.f32 $1.000000010e-01, v9;
	v10 =	vmul.f32 v4, v10  }
0x172: {  	v17 =	vld [tilespmem:s22+$0x6410];
	v4 =	vmax.f32 v11, v13;
	v11 =	vmul.f32 $1.000000010e-01, v12;
	v8 =	vmul.f32 v3, v8  }
0x173: {  	v5 =	vld [tilespmem:s22+$0x6420];
	[tilespmem:s14+$0x2400] =	vst v4;
	v3 =	vmax.f32 v9, v16;
	v9 =	vmul.f32 $1.000000010e-01, v10;
	v7 =	vmul.f32 v2, v7  }
0x174: {  	v4 =	vld [tilespmem:s22+$0x6430];
	[tilespmem:s14+$0x2410] =	vst v3;
	v2 =	vmax.f32 v12, v11;
	v11 =	vmul.f32 $1.000000010e-01, v8;
	v6 =	vmul.f32 v1, v6  }
0x175: {  	v3 =	vld [tilespmem:s22+$0x6440];
	[tilespmem:s14+$0x2420] =	vst v2;
	v1 =	vmax.f32 v10, v9;
	v9 =	vmul.f32 $1.000000010e-01, v7;
	v10 =	vmul.f32 v0, v14  }
0x176: {  	v2 =	vld [tilespmem:s22+$0x6450];
	[tilespmem:s14+$0x2430] =	vst v1;
	v0 =	vmax.f32 v8, v11;
	v8 =	vmul.f32 $1.000000010e-01, v6  }
0x177: {  	v1 =	vld [tilespmem:s22+$0x6460];
	[tilespmem:s14+$0x2440] =	vst v0;
	v7 =	vmax.f32 v7, v9;
	v9 =	vmul.f32 $1.000000010e-01, v10  }
0x178: {  	v0 =	vld [tilespmem:s22+$0x6470];
	[tilespmem:s14+$0x2450] =	vst v7;
	v6 =	vmax.f32 v6, v8  }
0x179: {  	v7 =	vld [tilespmem:s22+$0x2400];
	[tilespmem:s14+$0x2460] =	vst v6;
	v6 =	vmax.f32 v10, v9  }
0x17a: {  	v9 =	vld [tilespmem:s22+$0x2410];
	[tilespmem:s14+$0x2470] =	vst v6;
	s14 =	smov.u32 s22  }
.Ltmp4:
0x17b: {  	v12 =	vld [tilespmem:s14+$0x2420];
	(pc) =	sbr.rel @p0 .LBB2_11-.Ltmp4, $4  }
0x17c: {  	v10 =	vld [tilespmem:s14+$0x2430]  }
0x17d: {  	v8 =	vld [tilespmem:s14+$0x2440]  }
0x17e: {  	v11 =	vmul.f32 v15, v7;
	v7 =	vld [tilespmem:s14+$0x2450]  }
0x17f: {  	s21 =	sadd.s32 $0x200, s21;
	v9 =	vmul.f32 v17, v9;
	v6 =	vld [tilespmem:s14+$0x2460]  }
0x180: {  	v13 =	vmul.f32 $1.000000010e-01, v11;
	v5 =	vmul.f32 v5, v12;
	v12 =	vld [tilespmem:s14+$0x2470]  }
0x181: {  	v14 =	vmul.f32 $1.000000010e-01, v9;
	v4 =	vmul.f32 v4, v10  }
0x182: {  	v10 =	vmax.f32 v11, v13;
	v11 =	vmul.f32 $1.000000010e-01, v5;
	v3 =	vmul.f32 v3, v8  }
0x183: {  	[tilespmem:s14+$0x2400] =	vst v10;
	v8 =	vmax.f32 v9, v14;
	v9 =	vmul.f32 $1.000000010e-01, v4;
	v2 =	vmul.f32 v2, v7  }
0x184: {  	[tilespmem:s14+$0x2410] =	vst v8;
	v5 =	vmax.f32 v5, v11;
	v7 =	vmul.f32 $1.000000010e-01, v3;
	v1 =	vmul.f32 v1, v6  }
0x185: {  	[tilespmem:s14+$0x2420] =	vst v5;
	v4 =	vmax.f32 v4, v9;
	v5 =	vmul.f32 $1.000000010e-01, v2;
	v0 =	vmul.f32 v0, v12  }
0x186: {  	[tilespmem:s14+$0x2430] =	vst v4;
	v3 =	vmax.f32 v3, v7;
	v4 =	vmul.f32 $1.000000010e-01, v1  }
0x187: {  	[tilespmem:s14+$0x2440] =	vst v3;
	v2 =	vmax.f32 v2, v5;
	v3 =	vmul.f32 $1.000000010e-01, v0  }
0x188: {  	[tilespmem:s14+$0x2450] =	vst v2;
	v1 =	vmax.f32 v1, v4  }
0x189: {  	[tilespmem:s14+$0x2460] =	vst v1;
	v0 =	vmax.f32 v0, v3  }
0x18a: {  	s21 =	simm.s32 $0x80;
	[tilespmem:s14+$0x2470] =	vst v0  }
0x18b: {  	[spmem:s4] =	stream.indirect.scatter.add.f32 [tilespmem:s24], [sflag:$0xB], $0x80, s21, s17, $0xb8;
	[tilespmem:$0x1E500] =	vst v63  }
0x18c: {  	_ =	swait.ge [sflag:s28], $0x2000  }
0x18d: {  	s22 =	rddreg [dreg:$0x17]  }
0x18e: {  	s14 =	sadd.s32 s10, s22  }
0x18f: {  	[sflag:s28] =	ssyncset.done $0x0;
	s21 =	sshrl.u32 s14, $0x3  }
0x190: {  	s23 =	simm.s32 $0x0;
	[sflag:s28] =	ssyncadd.s32 $0xFFFFE000;
	s22 =	sadd.s32 s7, s21  }
0x191: {  	[tilespmem:s12], [sflag:$0x4] =	stream.linear.gather [hbm4b:s22+s23], $0x40, $0x38;
	[tilespmem:$0x1E500] =	vst v63  }
0x192: {  	s13 =	sshll.u32 s13, $0x4;
	s21 =	sadd.s32 s3, s21  }
0x193: {  	[tilespmem:s18], [sflag:$0x4] =	stream.linear.gather [hbm4b:s21+s23], $0x40, $0x38;
	[tilespmem:$0x1E500] =	vst v63  }
0x194: {  	s13 =	sadd.s32 s6, s13  }
0x195: {  	[tilespmem:s15], [sflag:$0x5] =	stream.linear.gather [hbm4b:s13+s23], $0x2000, $0x38;
	[tilespmem:$0x1E500] =	vst v63  }
0x196: {  	_ =	swait.ge [sflag:s20], $0x40  }
0x197: {  	[sflag:s20] =	ssyncset.done $0x0  }
0x198: {  	[sflag:s20] =	ssyncadd.s32 $0xFFFFFFC0  }
0x199: {  	_ =	swait.ge [sflag:s20], $0x40  }
0x19a: {  	[sflag:s20] =	ssyncset.done $0x0  }
0x19b: {  	s11 =	simm.s32 $0x6400;
	s23 =	simm.s32 $0x200;
	[sflag:s20] =	ssyncadd.s32 $0xFFFFFFC0  }
0x19c: {  	[tilespmem:s11], [sflag:$0x8] =	stream.indirect.gather [hbm4b:s1+s17], $0x80, s23, s17, $0xb8;
	[tilespmem:$0x1E500] =	vst v63  }
0x19d: {  	_ =	swait.ge [sflag:s8], $0x2000  }
0x19e: {  	[sflag:s8] =	ssyncset.done $0x0  }
0x19f: {  	[sflag:s8] =	ssyncadd.s32 $0xFFFFE000  }
0x1a0: {  	_ =	swait.ge [sflag:s30], $0x2000  }
0x1a1: {  	[sflag:s30] =	ssyncset.done $0x0  }
0x1a2: {  	s13 =	simm.s32 $0x0;
	[sflag:s30] =	ssyncadd.s32 $0xFFFFE000  }
0x1a3: {  	v6 =	vld [tilespmem:s13+$0x8400]  }
0x1a4: {  	v9 =	vld [tilespmem:s13+$0x8410]  }
0x1a5: {  	v5 =	vld [tilespmem:s13+$0x8420]  }
0x1a6: {  	v4 =	vld [tilespmem:s13+$0x8430]  }
0x1a7: {  	v3 =	vld [tilespmem:s13+$0x8440]  }
0x1a8: {  	v2 =	vld [tilespmem:s13+$0x8450]  }
0x1a9: {  	v1 =	vld [tilespmem:s13+$0x8460]  }
0x1aa: {  	v0 =	vld [tilespmem:s13+$0x8470]  }
0x1ab: {  	v11 =	vld [tilespmem:s13+$0x4400]  }
0x1ac: {  	v13 =	vld [tilespmem:s13+$0x4410]  }
0x1ad: {  	v12 =	vld [tilespmem:s13+$0x4420]  }
0x1ae: {  	v10 =	vld [tilespmem:s13+$0x4430]  }
0x1af: {  	v8 =	vld [tilespmem:s13+$0x4440]  }
0x1b0: {  	v7 =	vld [tilespmem:s13+$0x4450];
	v11 =	vmul.f32 v6, v11  }
0x1b1: {  	s21 =	simm.s32 $0x200;
	v9 =	vmul.f32 v9, v13;
	v6 =	vld [tilespmem:s13+$0x4460]  }
.LBB2_13:
0x1b2: {  	s22 =	sshra.s32 s21, $0x2;
	p0 =	sne.s32 s21, $0x7E00;
	v13 =	vmul.f32 $1.000000010e-01, v11;
	v12 =	vmul.f32 v5, v12;
	v14 =	vld [tilespmem:s13+$0x4470]  }
0x1b3: {  	v15 =	vld [tilespmem:s22+$0x8400];
	v16 =	vmul.f32 $1.000000010e-01, v9;
	v10 =	vmul.f32 v4, v10  }
0x1b4: {  	v17 =	vld [tilespmem:s22+$0x8410];
	v4 =	vmax.f32 v11, v13;
	v11 =	vmul.f32 $1.000000010e-01, v12;
	v8 =	vmul.f32 v3, v8  }
0x1b5: {  	v5 =	vld [tilespmem:s22+$0x8420];
	[tilespmem:s13+$0x4400] =	vst v4;
	v3 =	vmax.f32 v9, v16;
	v9 =	vmul.f32 $1.000000010e-01, v10;
	v7 =	vmul.f32 v2, v7  }
0x1b6: {  	v4 =	vld [tilespmem:s22+$0x8430];
	[tilespmem:s13+$0x4410] =	vst v3;
	v2 =	vmax.f32 v12, v11;
	v11 =	vmul.f32 $1.000000010e-01, v8;
	v6 =	vmul.f32 v1, v6  }
0x1b7: {  	v3 =	vld [tilespmem:s22+$0x8440];
	[tilespmem:s13+$0x4420] =	vst v2;
	v1 =	vmax.f32 v10, v9;
	v9 =	vmul.f32 $1.000000010e-01, v7;
	v10 =	vmul.f32 v0, v14  }
0x1b8: {  	v2 =	vld [tilespmem:s22+$0x8450];
	[tilespmem:s13+$0x4430] =	vst v1;
	v0 =	vmax.f32 v8, v11;
	v8 =	vmul.f32 $1.000000010e-01, v6  }
0x1b9: {  	v1 =	vld [tilespmem:s22+$0x8460];
	[tilespmem:s13+$0x4440] =	vst v0;
	v7 =	vmax.f32 v7, v9;
	v9 =	vmul.f32 $1.000000010e-01, v10  }
0x1ba: {  	v0 =	vld [tilespmem:s22+$0x8470];
	[tilespmem:s13+$0x4450] =	vst v7;
	v6 =	vmax.f32 v6, v8  }
0x1bb: {  	v7 =	vld [tilespmem:s22+$0x4400];
	[tilespmem:s13+$0x4460] =	vst v6;
	v6 =	vmax.f32 v10, v9  }
0x1bc: {  	v9 =	vld [tilespmem:s22+$0x4410];
	[tilespmem:s13+$0x4470] =	vst v6;
	s13 =	smov.u32 s22  }
.Ltmp5:
0x1bd: {  	v12 =	vld [tilespmem:s13+$0x4420];
	(pc) =	sbr.rel @p0 .LBB2_13-.Ltmp5, $4  }
0x1be: {  	v10 =	vld [tilespmem:s13+$0x4430]  }
0x1bf: {  	v8 =	vld [tilespmem:s13+$0x4440]  }
0x1c0: {  	v11 =	vmul.f32 v15, v7;
	v7 =	vld [tilespmem:s13+$0x4450]  }
0x1c1: {  	s21 =	sadd.s32 $0x200, s21;
	v9 =	vmul.f32 v17, v9;
	v6 =	vld [tilespmem:s13+$0x4460]  }
0x1c2: {  	v13 =	vmul.f32 $1.000000010e-01, v11;
	v5 =	vmul.f32 v5, v12;
	v12 =	vld [tilespmem:s13+$0x4470]  }
0x1c3: {  	v14 =	vmul.f32 $1.000000010e-01, v9;
	v4 =	vmul.f32 v4, v10  }
0x1c4: {  	v10 =	vmax.f32 v11, v13;
	v11 =	vmul.f32 $1.000000010e-01, v5;
	v3 =	vmul.f32 v3, v8  }
0x1c5: {  	[tilespmem:s13+$0x4400] =	vst v10;
	v8 =	vmax.f32 v9, v14;
	v9 =	vmul.f32 $1.000000010e-01, v4;
	v2 =	vmul.f32 v2, v7  }
0x1c6: {  	[tilespmem:s13+$0x4410] =	vst v8;
	v5 =	vmax.f32 v5, v11;
	v7 =	vmul.f32 $1.000000010e-01, v3;
	v1 =	vmul.f32 v1, v6  }
0x1c7: {  	[tilespmem:s13+$0x4420] =	vst v5;
	v4 =	vmax.f32 v4, v9;
	v5 =	vmul.f32 $1.000000010e-01, v2;
	v0 =	vmul.f32 v0, v12  }
0x1c8: {  	[tilespmem:s13+$0x4430] =	vst v4;
	v3 =	vmax.f32 v3, v7;
	v4 =	vmul.f32 $1.000000010e-01, v1  }
0x1c9: {  	[tilespmem:s13+$0x4440] =	vst v3;
	v2 =	vmax.f32 v2, v5;
	v3 =	vmul.f32 $1.000000010e-01, v0  }
0x1ca: {  	[tilespmem:s13+$0x4450] =	vst v2;
	v1 =	vmax.f32 v1, v4  }
0x1cb: {  	[tilespmem:s13+$0x4460] =	vst v1;
	v0 =	vmax.f32 v0, v3  }
0x1cc: {  	s11 =	simm.s32 $0x180;
	[tilespmem:s13+$0x4470] =	vst v0  }
0x1cd: {  	[spmem:s4] =	stream.indirect.scatter.add.f32 [tilespmem:s19], [sflag:$0xC], $0x80, s11, s17, $0xb8;
	[tilespmem:$0x1E500] =	vst v63  }
0x1ce: {  	_ =	swait.ge [sflag:s31], $0x2000  }
0x1cf: {  	s23 =	rddreg [dreg:$0x18]  }
0x1d0: {  	s13 =	sadd.s32 s10, s23  }
0x1d1: {  	[sflag:s31] =	ssyncset.done $0x0;
	s21 =	sshrl.u32 s13, $0x3  }
0x1d2: {  	[sflag:s31] =	ssyncadd.s32 $0xFFFFE000;
	s23 =	simm.s32 $0x0;
	s22 =	sadd.s32 s7, s21  }
0x1d3: {  	[tilespmem:s23], [sflag:$0x1] =	stream.linear.gather [hbm4b:s22+s23], $0x40, $0x38;
	[tilespmem:$0x1E500] =	vst v63  }
0x1d4: {  	s14 =	sshll.u32 s14, $0x4;
	s11 =	simm.s32 $0x80;
	s21 =	sadd.s32 s3, s21  }
0x1d5: {  	[tilespmem:s11], [sflag:$0x1] =	stream.linear.gather [hbm4b:s21+s23], $0x40, $0x38;
	[tilespmem:$0x1E500] =	vst v63  }
0x1d6: {  	s14 =	sadd.s32 s6, s14  }
0x1d7: {  	[tilespmem:s24], [sflag:$0x6] =	stream.linear.gather [hbm4b:s14+s23], $0x2000, $0x38;
	[tilespmem:$0x1E500] =	vst v63  }
0x1d8: {  	_ =	swait.ge [sflag:s29], $0x40  }
0x1d9: {  	[sflag:s29] =	ssyncset.done $0x0  }
0x1da: {  	[sflag:s29] =	ssyncadd.s32 $0xFFFFFFC0  }
0x1db: {  	_ =	swait.ge [sflag:s29], $0x40  }
0x1dc: {  	[sflag:s29] =	ssyncset.done $0x0  }
0x1dd: {  	s23 =	simm.s32 $0x8400;
	[sflag:s29] =	ssyncadd.s32 $0xFFFFFFC0  }
0x1de: {  	[tilespmem:s23], [sflag:$0x9] =	stream.indirect.gather [hbm4b:s1+s17], $0x80, s12, s17, $0xb8;
	[tilespmem:$0x1E500] =	vst v63  }
0x1df: {  	_ =	swait.ge [sflag:s5], $0x2000  }
0x1e0: {  	[sflag:s5] =	ssyncset.done $0x0  }
0x1e1: {  	[sflag:s5] =	ssyncadd.s32 $0xFFFFE000  }
0x1e2: {  	_ =	swait.ge [sflag:s9], $0x2000  }
0x1e3: {  	[sflag:s9] =	ssyncset.done $0x0  }
0x1e4: {  	s14 =	simm.s32 $0x0;
	[sflag:s9] =	ssyncadd.s32 $0xFFFFE000  }
0x1e5: {  	v6 =	vld [tilespmem:s14+$0x6400]  }
0x1e6: {  	v9 =	vld [tilespmem:s14+$0x6410]  }
0x1e7: {  	v5 =	vld [tilespmem:s14+$0x6420]  }
0x1e8: {  	v4 =	vld [tilespmem:s14+$0x6430]  }
0x1e9: {  	v3 =	vld [tilespmem:s14+$0x6440]  }
0x1ea: {  	v2 =	vld [tilespmem:s14+$0x6450]  }
0x1eb: {  	v1 =	vld [tilespmem:s14+$0x6460]  }
0x1ec: {  	v0 =	vld [tilespmem:s14+$0x6470]  }
0x1ed: {  	v11 =	vld [tilespmem:s14+$0x400]  }
0x1ee: {  	v13 =	vld [tilespmem:s14+$0x410]  }
0x1ef: {  	v12 =	vld [tilespmem:s14+$0x420]  }
0x1f0: {  	v10 =	vld [tilespmem:s14+$0x430]  }
0x1f1: {  	v8 =	vld [tilespmem:s14+$0x440]  }
0x1f2: {  	v7 =	vld [tilespmem:s14+$0x450];
	v11 =	vmul.f32 v6, v11  }
0x1f3: {  	s21 =	simm.s32 $0x200;
	v9 =	vmul.f32 v9, v13;
	v6 =	vld [tilespmem:s14+$0x460]  }
.LBB2_15:
0x1f4: {  	s22 =	sshra.s32 s21, $0x2;
	p0 =	sne.s32 s21, $0x7E00;
	v13 =	vmul.f32 $1.000000010e-01, v11;
	v12 =	vmul.f32 v5, v12;
	v14 =	vld [tilespmem:s14+$0x470]  }
0x1f5: {  	v15 =	vld [tilespmem:s22+$0x6400];
	v16 =	vmul.f32 $1.000000010e-01, v9;
	v10 =	vmul.f32 v4, v10  }
0x1f6: {  	v17 =	vld [tilespmem:s22+$0x6410];
	v4 =	vmax.f32 v11, v13;
	v11 =	vmul.f32 $1.000000010e-01, v12;
	v8 =	vmul.f32 v3, v8  }
0x1f7: {  	v5 =	vld [tilespmem:s22+$0x6420];
	[tilespmem:s14+$0x400] =	vst v4;
	v3 =	vmax.f32 v9, v16;
	v9 =	vmul.f32 $1.000000010e-01, v10;
	v7 =	vmul.f32 v2, v7  }
0x1f8: {  	v4 =	vld [tilespmem:s22+$0x6430];
	[tilespmem:s14+$0x410] =	vst v3;
	v2 =	vmax.f32 v12, v11;
	v11 =	vmul.f32 $1.000000010e-01, v8;
	v6 =	vmul.f32 v1, v6  }
0x1f9: {  	v3 =	vld [tilespmem:s22+$0x6440];
	[tilespmem:s14+$0x420] =	vst v2;
	v1 =	vmax.f32 v10, v9;
	v9 =	vmul.f32 $1.000000010e-01, v7;
	v10 =	vmul.f32 v0, v14  }
0x1fa: {  	v2 =	vld [tilespmem:s22+$0x6450];
	[tilespmem:s14+$0x430] =	vst v1;
	v0 =	vmax.f32 v8, v11;
	v8 =	vmul.f32 $1.000000010e-01, v6  }
0x1fb: {  	v1 =	vld [tilespmem:s22+$0x6460];
	[tilespmem:s14+$0x440] =	vst v0;
	v7 =	vmax.f32 v7, v9;
	v9 =	vmul.f32 $1.000000010e-01, v10  }
0x1fc: {  	v0 =	vld [tilespmem:s22+$0x6470];
	[tilespmem:s14+$0x450] =	vst v7;
	v6 =	vmax.f32 v6, v8  }
0x1fd: {  	v7 =	vld [tilespmem:s22+$0x400];
	[tilespmem:s14+$0x460] =	vst v6;
	v6 =	vmax.f32 v10, v9  }
0x1fe: {  	v9 =	vld [tilespmem:s22+$0x410];
	[tilespmem:s14+$0x470] =	vst v6;
	s14 =	smov.u32 s22  }
.Ltmp6:
0x1ff: {  	v12 =	vld [tilespmem:s14+$0x420];
	(pc) =	sbr.rel @p0 .LBB2_15-.Ltmp6, $4  }
0x200: {  	v10 =	vld [tilespmem:s14+$0x430]  }
0x201: {  	v8 =	vld [tilespmem:s14+$0x440]  }
0x202: {  	v11 =	vmul.f32 v15, v7;
	v7 =	vld [tilespmem:s14+$0x450]  }
0x203: {  	s21 =	sadd.s32 $0x200, s21;
	v9 =	vmul.f32 v17, v9;
	v6 =	vld [tilespmem:s14+$0x460]  }
0x204: {  	v13 =	vmul.f32 $1.000000010e-01, v11;
	v5 =	vmul.f32 v5, v12;
	v12 =	vld [tilespmem:s14+$0x470]  }
0x205: {  	v14 =	vmul.f32 $1.000000010e-01, v9;
	v4 =	vmul.f32 v4, v10  }
0x206: {  	v10 =	vmax.f32 v11, v13;
	v11 =	vmul.f32 $1.000000010e-01, v5;
	v3 =	vmul.f32 v3, v8  }
0x207: {  	[tilespmem:s14+$0x400] =	vst v10;
	v8 =	vmax.f32 v9, v14;
	v9 =	vmul.f32 $1.000000010e-01, v4;
	v2 =	vmul.f32 v2, v7  }
0x208: {  	[tilespmem:s14+$0x410] =	vst v8;
	v5 =	vmax.f32 v5, v11;
	v7 =	vmul.f32 $1.000000010e-01, v3;
	v1 =	vmul.f32 v1, v6  }
0x209: {  	[tilespmem:s14+$0x420] =	vst v5;
	v4 =	vmax.f32 v4, v9;
	v5 =	vmul.f32 $1.000000010e-01, v2;
	v0 =	vmul.f32 v0, v12  }
0x20a: {  	[tilespmem:s14+$0x430] =	vst v4;
	v3 =	vmax.f32 v3, v7;
	v4 =	vmul.f32 $1.000000010e-01, v1  }
0x20b: {  	[tilespmem:s14+$0x440] =	vst v3;
	v2 =	vmax.f32 v2, v5;
	v3 =	vmul.f32 $1.000000010e-01, v0  }
0x20c: {  	[tilespmem:s14+$0x450] =	vst v2;
	v1 =	vmax.f32 v1, v4  }
0x20d: {  	[tilespmem:s14+$0x460] =	vst v1;
	v0 =	vmax.f32 v0, v3  }
0x20e: {  	s11 =	simm.s32 $0x280;
	[tilespmem:s14+$0x470] =	vst v0  }
0x20f: {  	[spmem:s4] =	stream.indirect.scatter.add.f32 [tilespmem:s15], [sflag:$0xA], $0x80, s11, s17, $0xb8;
	[tilespmem:$0x1E500] =	vst v63  }
0x210: {  	_ =	swait.ge [sflag:s0], $0x2000  }
0x211: {  	s21 =	rddreg [dreg:$0x19]  }
0x212: {  	s14 =	sadd.s32 s10, s21  }
0x213: {  	s23 =	simm.s32 $0x0;
	[sflag:s0] =	ssyncset.done $0x0;
	s21 =	sshrl.u32 s14, $0x3  }
0x214: {  	s11 =	simm.s32 $0x100;
	[sflag:s0] =	ssyncadd.s32 $0xFFFFE000;
	s22 =	sadd.s32 s7, s21  }
0x215: {  	[tilespmem:s11], [sflag:$0x2] =	stream.linear.gather [hbm4b:s22+s23], $0x40, $0x38;
	[tilespmem:$0x1E500] =	vst v63  }
0x216: {  	s13 =	sshll.u32 s13, $0x4;
	s21 =	sadd.s32 s3, s21;
	s22 =	simm.s32 $0x180  }
0x217: {  	[tilespmem:s22], [sflag:$0x2] =	stream.linear.gather [hbm4b:s21+s23], $0x40, $0x38;
	[tilespmem:$0x1E500] =	vst v63  }
0x218: {  	s13 =	sadd.s32 s6, s13  }
0x219: {  	[tilespmem:s19], [sflag:$0x7] =	stream.linear.gather [hbm4b:s13+s23], $0x2000, $0x38;
	[tilespmem:$0x1E500] =	vst v63  }
0x21a: {  	_ =	swait.ge [sflag:s16], $0x40  }
0x21b: {  	[sflag:s16] =	ssyncset.done $0x0  }
0x21c: {  	[sflag:s16] =	ssyncadd.s32 $0xFFFFFFC0  }
0x21d: {  	_ =	swait.ge [sflag:s16], $0x40  }
0x21e: {  	[sflag:s16] =	ssyncset.done $0x0  }
0x21f: {  	s22 =	simm.s32 $0x6400;
	[sflag:s16] =	ssyncadd.s32 $0xFFFFFFC0  }
0x220: {  	[tilespmem:s22], [sflag:$0x8] =	stream.indirect.gather [hbm4b:s1+s17], $0x80, s23, s17, $0xb8;
	[tilespmem:$0x1E500] =	vst v63  }
0x221: {  	_ =	swait.ge [sflag:s8], $0x2000  }
0x222: {  	[sflag:s8] =	ssyncset.done $0x0  }
0x223: {  	[sflag:s8] =	ssyncadd.s32 $0xFFFFE000  }
0x224: {  	_ =	swait.ge [sflag:s26], $0x2000  }
0x225: {  	[sflag:s26] =	ssyncset.done $0x0  }
0x226: {  	s13 =	simm.s32 $0x0;
	[sflag:s26] =	ssyncadd.s32 $0xFFFFE000  }
0x227: {  	v6 =	vld [tilespmem:s13+$0x8400]  }
0x228: {  	v9 =	vld [tilespmem:s13+$0x8410]  }
0x229: {  	v5 =	vld [tilespmem:s13+$0x8420]  }
0x22a: {  	v4 =	vld [tilespmem:s13+$0x8430]  }
0x22b: {  	v3 =	vld [tilespmem:s13+$0x8440]  }
0x22c: {  	v2 =	vld [tilespmem:s13+$0x8450]  }
0x22d: {  	v1 =	vld [tilespmem:s13+$0x8460]  }
0x22e: {  	v0 =	vld [tilespmem:s13+$0x8470]  }
0x22f: {  	v11 =	vld [tilespmem:s13+$0x2400]  }
0x230: {  	v13 =	vld [tilespmem:s13+$0x2410]  }
0x231: {  	v12 =	vld [tilespmem:s13+$0x2420]  }
0x232: {  	v10 =	vld [tilespmem:s13+$0x2430]  }
0x233: {  	v8 =	vld [tilespmem:s13+$0x2440]  }
0x234: {  	v7 =	vld [tilespmem:s13+$0x2450];
	v11 =	vmul.f32 v6, v11  }
0x235: {  	s21 =	simm.s32 $0x200;
	v9 =	vmul.f32 v9, v13;
	v6 =	vld [tilespmem:s13+$0x2460]  }
.LBB2_17:
0x236: {  	s22 =	sshra.s32 s21, $0x2;
	p0 =	sne.s32 s21, $0x7E00;
	v13 =	vmul.f32 $1.000000010e-01, v11;
	v12 =	vmul.f32 v5, v12;
	v14 =	vld [tilespmem:s13+$0x2470]  }
0x237: {  	v15 =	vld [tilespmem:s22+$0x8400];
	v16 =	vmul.f32 $1.000000010e-01, v9;
	v10 =	vmul.f32 v4, v10  }
0x238: {  	v17 =	vld [tilespmem:s22+$0x8410];
	v4 =	vmax.f32 v11, v13;
	v11 =	vmul.f32 $1.000000010e-01, v12;
	v8 =	vmul.f32 v3, v8  }
0x239: {  	v5 =	vld [tilespmem:s22+$0x8420];
	[tilespmem:s13+$0x2400] =	vst v4;
	v3 =	vmax.f32 v9, v16;
	v9 =	vmul.f32 $1.000000010e-01, v10;
	v7 =	vmul.f32 v2, v7  }
0x23a: {  	v4 =	vld [tilespmem:s22+$0x8430];
	[tilespmem:s13+$0x2410] =	vst v3;
	v2 =	vmax.f32 v12, v11;
	v11 =	vmul.f32 $1.000000010e-01, v8;
	v6 =	vmul.f32 v1, v6  }
0x23b: {  	v3 =	vld [tilespmem:s22+$0x8440];
	[tilespmem:s13+$0x2420] =	vst v2;
	v1 =	vmax.f32 v10, v9;
	v9 =	vmul.f32 $1.000000010e-01, v7;
	v10 =	vmul.f32 v0, v14  }
0x23c: {  	v2 =	vld [tilespmem:s22+$0x8450];
	[tilespmem:s13+$0x2430] =	vst v1;
	v0 =	vmax.f32 v8, v11;
	v8 =	vmul.f32 $1.000000010e-01, v6  }
0x23d: {  	v1 =	vld [tilespmem:s22+$0x8460];
	[tilespmem:s13+$0x2440] =	vst v0;
	v7 =	vmax.f32 v7, v9;
	v9 =	vmul.f32 $1.000000010e-01, v10  }
0x23e: {  	v0 =	vld [tilespmem:s22+$0x8470];
	[tilespmem:s13+$0x2450] =	vst v7;
	v6 =	vmax.f32 v6, v8  }
0x23f: {  	v7 =	vld [tilespmem:s22+$0x2400];
	[tilespmem:s13+$0x2460] =	vst v6;
	v6 =	vmax.f32 v10, v9  }
0x240: {  	v9 =	vld [tilespmem:s22+$0x2410];
	[tilespmem:s13+$0x2470] =	vst v6;
	s13 =	smov.u32 s22  }
.Ltmp7:
0x241: {  	v12 =	vld [tilespmem:s13+$0x2420];
	(pc) =	sbr.rel @p0 .LBB2_17-.Ltmp7, $4  }
0x242: {  	v10 =	vld [tilespmem:s13+$0x2430]  }
0x243: {  	v8 =	vld [tilespmem:s13+$0x2440]  }
0x244: {  	v11 =	vmul.f32 v15, v7;
	v7 =	vld [tilespmem:s13+$0x2450]  }
0x245: {  	s21 =	sadd.s32 $0x200, s21;
	v9 =	vmul.f32 v17, v9;
	v6 =	vld [tilespmem:s13+$0x2460]  }
0x246: {  	v13 =	vmul.f32 $1.000000010e-01, v11;
	v5 =	vmul.f32 v5, v12;
	v12 =	vld [tilespmem:s13+$0x2470]  }
0x247: {  	v14 =	vmul.f32 $1.000000010e-01, v9;
	v4 =	vmul.f32 v4, v10  }
0x248: {  	v10 =	vmax.f32 v11, v13;
	v11 =	vmul.f32 $1.000000010e-01, v5;
	v3 =	vmul.f32 v3, v8  }
0x249: {  	[tilespmem:s13+$0x2400] =	vst v10;
	v8 =	vmax.f32 v9, v14;
	v9 =	vmul.f32 $1.000000010e-01, v4;
	v2 =	vmul.f32 v2, v7  }
0x24a: {  	[tilespmem:s13+$0x2410] =	vst v8;
	v5 =	vmax.f32 v5, v11;
	v7 =	vmul.f32 $1.000000010e-01, v3;
	v1 =	vmul.f32 v1, v6  }
0x24b: {  	[tilespmem:s13+$0x2420] =	vst v5;
	v4 =	vmax.f32 v4, v9;
	v5 =	vmul.f32 $1.000000010e-01, v2;
	v0 =	vmul.f32 v0, v12  }
0x24c: {  	[tilespmem:s13+$0x2430] =	vst v4;
	v3 =	vmax.f32 v3, v7;
	v4 =	vmul.f32 $1.000000010e-01, v1  }
0x24d: {  	[tilespmem:s13+$0x2440] =	vst v3;
	v2 =	vmax.f32 v2, v5;
	v3 =	vmul.f32 $1.000000010e-01, v0  }
0x24e: {  	[tilespmem:s13+$0x2450] =	vst v2;
	v1 =	vmax.f32 v1, v4  }
0x24f: {  	[tilespmem:s13+$0x2460] =	vst v1;
	v0 =	vmax.f32 v0, v3  }
0x250: {  	[tilespmem:s13+$0x2470] =	vst v0  }
0x251: {  	[spmem:s4] =	stream.indirect.scatter.add.f32 [tilespmem:s24], [sflag:$0xB], $0x80, s18, s17, $0xb8;
	[tilespmem:$0x1E500] =	vst v63  }
0x252: {  	_ =	swait.ge [sflag:s28], $0x2000  }
0x253: {  	s21 =	rddreg [dreg:$0x1a]  }
0x254: {  	s13 =	sadd.s32 s10, s21  }
0x255: {  	s23 =	simm.s32 $0x0;
	[sflag:s28] =	ssyncset.done $0x0;
	s21 =	sshrl.u32 s13, $0x3  }
0x256: {  	s11 =	simm.s32 $0x200;
	[sflag:s28] =	ssyncadd.s32 $0xFFFFE000;
	s22 =	sadd.s32 s7, s21  }
0x257: {  	[tilespmem:s11], [sflag:$0x3] =	stream.linear.gather [hbm4b:s22+s23], $0x40, $0x38;
	[tilespmem:$0x1E500] =	vst v63  }
0x258: {  	s14 =	sshll.u32 s14, $0x4;
	s21 =	sadd.s32 s3, s21;
	s22 =	simm.s32 $0x280  }
0x259: {  	[tilespmem:s22], [sflag:$0x3] =	stream.linear.gather [hbm4b:s21+s23], $0x40, $0x38;
	[tilespmem:$0x1E500] =	vst v63  }
0x25a: {  	s14 =	sadd.s32 s6, s14  }
0x25b: {  	[tilespmem:s15], [sflag:$0x5] =	stream.linear.gather [hbm4b:s14+s23], $0x2000, $0x38;
	[tilespmem:$0x1E500] =	vst v63  }
0x25c: {  	_ =	swait.ge [sflag:s25], $0x40  }
0x25d: {  	[sflag:s25] =	ssyncset.done $0x0  }
0x25e: {  	[sflag:s25] =	ssyncadd.s32 $0xFFFFFFC0  }
0x25f: {  	_ =	swait.ge [sflag:s25], $0x40  }
0x260: {  	[sflag:s25] =	ssyncset.done $0x0  }
0x261: {  	s22 =	simm.s32 $0x100;
	s23 =	simm.s32 $0x8400;
	[sflag:s25] =	ssyncadd.s32 $0xFFFFFFC0  }
0x262: {  	[tilespmem:s23], [sflag:$0x9] =	stream.indirect.gather [hbm4b:s1+s17], $0x80, s22, s17, $0xb8;
	[tilespmem:$0x1E500] =	vst v63  }
0x263: {  	_ =	swait.ge [sflag:s5], $0x2000  }
0x264: {  	[sflag:s5] =	ssyncset.done $0x0  }
0x265: {  	[sflag:s5] =	ssyncadd.s32 $0xFFFFE000  }
0x266: {  	_ =	swait.ge [sflag:s30], $0x2000  }
0x267: {  	[sflag:s30] =	ssyncset.done $0x0  }
0x268: {  	s14 =	simm.s32 $0x0;
	[sflag:s30] =	ssyncadd.s32 $0xFFFFE000  }
0x269: {  	v6 =	vld [tilespmem:s14+$0x6400]  }
0x26a: {  	v9 =	vld [tilespmem:s14+$0x6410]  }
0x26b: {  	v5 =	vld [tilespmem:s14+$0x6420]  }
0x26c: {  	v4 =	vld [tilespmem:s14+$0x6430]  }
0x26d: {  	v3 =	vld [tilespmem:s14+$0x6440]  }
0x26e: {  	v2 =	vld [tilespmem:s14+$0x6450]  }
0x26f: {  	v1 =	vld [tilespmem:s14+$0x6460]  }
0x270: {  	v0 =	vld [tilespmem:s14+$0x6470]  }
0x271: {  	v11 =	vld [tilespmem:s14+$0x4400]  }
0x272: {  	v13 =	vld [tilespmem:s14+$0x4410]  }
0x273: {  	v12 =	vld [tilespmem:s14+$0x4420]  }
0x274: {  	v10 =	vld [tilespmem:s14+$0x4430]  }
0x275: {  	v8 =	vld [tilespmem:s14+$0x4440]  }
0x276: {  	v7 =	vld [tilespmem:s14+$0x4450];
	v11 =	vmul.f32 v6, v11  }
0x277: {  	s21 =	simm.s32 $0x200;
	v9 =	vmul.f32 v9, v13;
	v6 =	vld [tilespmem:s14+$0x4460]  }
.LBB2_19:
0x278: {  	s22 =	sshra.s32 s21, $0x2;
	p0 =	sne.s32 s21, $0x7E00;
	v13 =	vmul.f32 $1.000000010e-01, v11;
	v12 =	vmul.f32 v5, v12;
	v14 =	vld [tilespmem:s14+$0x4470]  }
0x279: {  	v15 =	vld [tilespmem:s22+$0x6400];
	v16 =	vmul.f32 $1.000000010e-01, v9;
	v10 =	vmul.f32 v4, v10  }
0x27a: {  	v17 =	vld [tilespmem:s22+$0x6410];
	v4 =	vmax.f32 v11, v13;
	v11 =	vmul.f32 $1.000000010e-01, v12;
	v8 =	vmul.f32 v3, v8  }
0x27b: {  	v5 =	vld [tilespmem:s22+$0x6420];
	[tilespmem:s14+$0x4400] =	vst v4;
	v3 =	vmax.f32 v9, v16;
	v9 =	vmul.f32 $1.000000010e-01, v10;
	v7 =	vmul.f32 v2, v7  }
0x27c: {  	v4 =	vld [tilespmem:s22+$0x6430];
	[tilespmem:s14+$0x4410] =	vst v3;
	v2 =	vmax.f32 v12, v11;
	v11 =	vmul.f32 $1.000000010e-01, v8;
	v6 =	vmul.f32 v1, v6  }
0x27d: {  	v3 =	vld [tilespmem:s22+$0x6440];
	[tilespmem:s14+$0x4420] =	vst v2;
	v1 =	vmax.f32 v10, v9;
	v9 =	vmul.f32 $1.000000010e-01, v7;
	v10 =	vmul.f32 v0, v14  }
0x27e: {  	v2 =	vld [tilespmem:s22+$0x6450];
	[tilespmem:s14+$0x4430] =	vst v1;
	v0 =	vmax.f32 v8, v11;
	v8 =	vmul.f32 $1.000000010e-01, v6  }
0x27f: {  	v1 =	vld [tilespmem:s22+$0x6460];
	[tilespmem:s14+$0x4440] =	vst v0;
	v7 =	vmax.f32 v7, v9;
	v9 =	vmul.f32 $1.000000010e-01, v10  }
0x280: {  	v0 =	vld [tilespmem:s22+$0x6470];
	[tilespmem:s14+$0x4450] =	vst v7;
	v6 =	vmax.f32 v6, v8  }
0x281: {  	v7 =	vld [tilespmem:s22+$0x4400];
	[tilespmem:s14+$0x4460] =	vst v6;
	v6 =	vmax.f32 v10, v9  }
0x282: {  	v9 =	vld [tilespmem:s22+$0x4410];
	[tilespmem:s14+$0x4470] =	vst v6;
	s14 =	smov.u32 s22  }
.Ltmp8:
0x283: {  	v12 =	vld [tilespmem:s14+$0x4420];
	(pc) =	sbr.rel @p0 .LBB2_19-.Ltmp8, $4  }
0x284: {  	v10 =	vld [tilespmem:s14+$0x4430]  }
0x285: {  	v8 =	vld [tilespmem:s14+$0x4440]  }
0x286: {  	v11 =	vmul.f32 v15, v7;
	v7 =	vld [tilespmem:s14+$0x4450]  }
0x287: {  	s21 =	sadd.s32 $0x200, s21;
	v9 =	vmul.f32 v17, v9;
	v6 =	vld [tilespmem:s14+$0x4460]  }
0x288: {  	v13 =	vmul.f32 $1.000000010e-01, v11;
	v5 =	vmul.f32 v5, v12;
	v12 =	vld [tilespmem:s14+$0x4470]  }
0x289: {  	v14 =	vmul.f32 $1.000000010e-01, v9;
	v4 =	vmul.f32 v4, v10  }
0x28a: {  	v10 =	vmax.f32 v11, v13;
	v11 =	vmul.f32 $1.000000010e-01, v5;
	v3 =	vmul.f32 v3, v8  }
0x28b: {  	[tilespmem:s14+$0x4400] =	vst v10;
	v8 =	vmax.f32 v9, v14;
	v9 =	vmul.f32 $1.000000010e-01, v4;
	v2 =	vmul.f32 v2, v7  }
0x28c: {  	[tilespmem:s14+$0x4410] =	vst v8;
	v5 =	vmax.f32 v5, v11;
	v7 =	vmul.f32 $1.000000010e-01, v3;
	v1 =	vmul.f32 v1, v6  }
0x28d: {  	[tilespmem:s14+$0x4420] =	vst v5;
	v4 =	vmax.f32 v4, v9;
	v5 =	vmul.f32 $1.000000010e-01, v2;
	v0 =	vmul.f32 v0, v12  }
0x28e: {  	[tilespmem:s14+$0x4430] =	vst v4;
	v3 =	vmax.f32 v3, v7;
	v4 =	vmul.f32 $1.000000010e-01, v1  }
0x28f: {  	[tilespmem:s14+$0x4440] =	vst v3;
	v2 =	vmax.f32 v2, v5;
	v3 =	vmul.f32 $1.000000010e-01, v0  }
0x290: {  	[tilespmem:s14+$0x4450] =	vst v2;
	v1 =	vmax.f32 v1, v4  }
0x291: {  	[tilespmem:s14+$0x4460] =	vst v1;
	v0 =	vmax.f32 v0, v3  }
0x292: {  	s21 =	simm.s32 $0x80;
	[tilespmem:s14+$0x4470] =	vst v0  }
0x293: {  	[spmem:s4] =	stream.indirect.scatter.add.f32 [tilespmem:s19], [sflag:$0xC], $0x80, s21, s17, $0xb8;
	[tilespmem:$0x1E500] =	vst v63  }
0x294: {  	_ =	swait.ge [sflag:s31], $0x2000  }
0x295: {  	s22 =	rddreg [dreg:$0x1b]  }
0x296: {  	s14 =	sadd.s32 s10, s22  }
0x297: {  	[sflag:s31] =	ssyncset.done $0x0;
	s21 =	sshrl.u32 s14, $0x3  }
0x298: {  	s23 =	simm.s32 $0x0;
	[sflag:s31] =	ssyncadd.s32 $0xFFFFE000;
	s22 =	sadd.s32 s7, s21  }
0x299: {  	[tilespmem:s12], [sflag:$0x4] =	stream.linear.gather [hbm4b:s22+s23], $0x40, $0x38;
	[tilespmem:$0x1E500] =	vst v63  }
0x29a: {  	s13 =	sshll.u32 s13, $0x4;
	s21 =	sadd.s32 s3, s21  }
0x29b: {  	[tilespmem:s18], [sflag:$0x4] =	stream.linear.gather [hbm4b:s21+s23], $0x40, $0x38;
	[tilespmem:$0x1E500] =	vst v63  }
0x29c: {  	s13 =	sadd.s32 s6, s13  }
0x29d: {  	[tilespmem:s24], [sflag:$0x6] =	stream.linear.gather [hbm4b:s13+s23], $0x2000, $0x38;
	[tilespmem:$0x1E500] =	vst v63  }
0x29e: {  	_ =	swait.ge [sflag:s20], $0x40  }
0x29f: {  	[sflag:s20] =	ssyncset.done $0x0  }
0x2a0: {  	[sflag:s20] =	ssyncadd.s32 $0xFFFFFFC0  }
0x2a1: {  	_ =	swait.ge [sflag:s20], $0x40  }
0x2a2: {  	[sflag:s20] =	ssyncset.done $0x0  }
0x2a3: {  	s11 =	simm.s32 $0x6400;
	s23 =	simm.s32 $0x200;
	[sflag:s20] =	ssyncadd.s32 $0xFFFFFFC0  }
0x2a4: {  	[tilespmem:s11], [sflag:$0x8] =	stream.indirect.gather [hbm4b:s1+s17], $0x80, s23, s17, $0xb8;
	[tilespmem:$0x1E500] =	vst v63  }
0x2a5: {  	_ =	swait.ge [sflag:s8], $0x2000  }
0x2a6: {  	[sflag:s8] =	ssyncset.done $0x0  }
0x2a7: {  	[sflag:s8] =	ssyncadd.s32 $0xFFFFE000  }
0x2a8: {  	_ =	swait.ge [sflag:s9], $0x2000  }
0x2a9: {  	[sflag:s9] =	ssyncset.done $0x0  }
0x2aa: {  	s13 =	simm.s32 $0x0;
	[sflag:s9] =	ssyncadd.s32 $0xFFFFE000  }
0x2ab: {  	v6 =	vld [tilespmem:s13+$0x8400]  }
0x2ac: {  	v9 =	vld [tilespmem:s13+$0x8410]  }
0x2ad: {  	v5 =	vld [tilespmem:s13+$0x8420]  }
0x2ae: {  	v4 =	vld [tilespmem:s13+$0x8430]  }
0x2af: {  	v3 =	vld [tilespmem:s13+$0x8440]  }
0x2b0: {  	v2 =	vld [tilespmem:s13+$0x8450]  }
0x2b1: {  	v1 =	vld [tilespmem:s13+$0x8460]  }
0x2b2: {  	v0 =	vld [tilespmem:s13+$0x8470]  }
0x2b3: {  	v11 =	vld [tilespmem:s13+$0x400]  }
0x2b4: {  	v13 =	vld [tilespmem:s13+$0x410]  }
0x2b5: {  	v12 =	vld [tilespmem:s13+$0x420]  }
0x2b6: {  	v10 =	vld [tilespmem:s13+$0x430]  }
0x2b7: {  	v8 =	vld [tilespmem:s13+$0x440]  }
0x2b8: {  	v7 =	vld [tilespmem:s13+$0x450];
	v11 =	vmul.f32 v6, v11  }
0x2b9: {  	s21 =	simm.s32 $0x200;
	v9 =	vmul.f32 v9, v13;
	v6 =	vld [tilespmem:s13+$0x460]  }
.LBB2_21:
0x2ba: {  	s22 =	sshra.s32 s21, $0x2;
	p0 =	sne.s32 s21, $0x7E00;
	v13 =	vmul.f32 $1.000000010e-01, v11;
	v12 =	vmul.f32 v5, v12;
	v14 =	vld [tilespmem:s13+$0x470]  }
0x2bb: {  	v15 =	vld [tilespmem:s22+$0x8400];
	v16 =	vmul.f32 $1.000000010e-01, v9;
	v10 =	vmul.f32 v4, v10  }
0x2bc: {  	v17 =	vld [tilespmem:s22+$0x8410];
	v4 =	vmax.f32 v11, v13;
	v11 =	vmul.f32 $1.000000010e-01, v12;
	v8 =	vmul.f32 v3, v8  }
0x2bd: {  	v5 =	vld [tilespmem:s22+$0x8420];
	[tilespmem:s13+$0x400] =	vst v4;
	v3 =	vmax.f32 v9, v16;
	v9 =	vmul.f32 $1.000000010e-01, v10;
	v7 =	vmul.f32 v2, v7  }
0x2be: {  	v4 =	vld [tilespmem:s22+$0x8430];
	[tilespmem:s13+$0x410] =	vst v3;
	v2 =	vmax.f32 v12, v11;
	v11 =	vmul.f32 $1.000000010e-01, v8;
	v6 =	vmul.f32 v1, v6  }
0x2bf: {  	v3 =	vld [tilespmem:s22+$0x8440];
	[tilespmem:s13+$0x420] =	vst v2;
	v1 =	vmax.f32 v10, v9;
	v9 =	vmul.f32 $1.000000010e-01, v7;
	v10 =	vmul.f32 v0, v14  }
0x2c0: {  	v2 =	vld [tilespmem:s22+$0x8450];
	[tilespmem:s13+$0x430] =	vst v1;
	v0 =	vmax.f32 v8, v11;
	v8 =	vmul.f32 $1.000000010e-01, v6  }
0x2c1: {  	v1 =	vld [tilespmem:s22+$0x8460];
	[tilespmem:s13+$0x440] =	vst v0;
	v7 =	vmax.f32 v7, v9;
	v9 =	vmul.f32 $1.000000010e-01, v10  }
0x2c2: {  	v0 =	vld [tilespmem:s22+$0x8470];
	[tilespmem:s13+$0x450] =	vst v7;
	v6 =	vmax.f32 v6, v8  }
0x2c3: {  	v7 =	vld [tilespmem:s22+$0x400];
	[tilespmem:s13+$0x460] =	vst v6;
	v6 =	vmax.f32 v10, v9  }
0x2c4: {  	v9 =	vld [tilespmem:s22+$0x410];
	[tilespmem:s13+$0x470] =	vst v6;
	s13 =	smov.u32 s22  }
.Ltmp9:
0x2c5: {  	v12 =	vld [tilespmem:s13+$0x420];
	(pc) =	sbr.rel @p0 .LBB2_21-.Ltmp9, $4  }
0x2c6: {  	v10 =	vld [tilespmem:s13+$0x430]  }
0x2c7: {  	v8 =	vld [tilespmem:s13+$0x440]  }
0x2c8: {  	v11 =	vmul.f32 v15, v7;
	v7 =	vld [tilespmem:s13+$0x450]  }
0x2c9: {  	s21 =	sadd.s32 $0x200, s21;
	v9 =	vmul.f32 v17, v9;
	v6 =	vld [tilespmem:s13+$0x460]  }
0x2ca: {  	v13 =	vmul.f32 $1.000000010e-01, v11;
	v5 =	vmul.f32 v5, v12;
	v12 =	vld [tilespmem:s13+$0x470]  }
0x2cb: {  	v14 =	vmul.f32 $1.000000010e-01, v9;
	v4 =	vmul.f32 v4, v10  }
0x2cc: {  	v10 =	vmax.f32 v11, v13;
	v11 =	vmul.f32 $1.000000010e-01, v5;
	v3 =	vmul.f32 v3, v8  }
0x2cd: {  	[tilespmem:s13+$0x400] =	vst v10;
	v8 =	vmax.f32 v9, v14;
	v9 =	vmul.f32 $1.000000010e-01, v4;
	v2 =	vmul.f32 v2, v7  }
0x2ce: {  	[tilespmem:s13+$0x410] =	vst v8;
	v5 =	vmax.f32 v5, v11;
	v7 =	vmul.f32 $1.000000010e-01, v3;
	v1 =	vmul.f32 v1, v6  }
0x2cf: {  	[tilespmem:s13+$0x420] =	vst v5;
	v4 =	vmax.f32 v4, v9;
	v5 =	vmul.f32 $1.000000010e-01, v2;
	v0 =	vmul.f32 v0, v12  }
0x2d0: {  	[tilespmem:s13+$0x430] =	vst v4;
	v3 =	vmax.f32 v3, v7;
	v4 =	vmul.f32 $1.000000010e-01, v1  }
0x2d1: {  	[tilespmem:s13+$0x440] =	vst v3;
	v2 =	vmax.f32 v2, v5;
	v3 =	vmul.f32 $1.000000010e-01, v0  }
0x2d2: {  	[tilespmem:s13+$0x450] =	vst v2;
	v1 =	vmax.f32 v1, v4  }
0x2d3: {  	[tilespmem:s13+$0x460] =	vst v1;
	v0 =	vmax.f32 v0, v3  }
0x2d4: {  	s11 =	simm.s32 $0x180;
	[tilespmem:s13+$0x470] =	vst v0  }
0x2d5: {  	[spmem:s4] =	stream.indirect.scatter.add.f32 [tilespmem:s15], [sflag:$0xA], $0x80, s11, s17, $0xb8;
	[tilespmem:$0x1E500] =	vst v63  }
0x2d6: {  	_ =	swait.ge [sflag:s0], $0x2000  }
0x2d7: {  	p0 =	seq.s32 s2, $0xC;
	s13 =	rddreg [dreg:$0x1c]  }
0x2d8: {  	s13 =	sadd.s32 @!p0 s10, s13  }
0x2d9: {  	[sflag:s0] =	ssyncset.done $0x0;
	s21 =	sshrl.u32 @!p0 s13, $0x3  }
0x2da: {  	s23 =	simm.s32 @!p0 $0x0;
	[sflag:s0] =	ssyncadd.s32 $0xFFFFE000;
	s22 =	sadd.s32 @!p0 s7, s21  }
0x2db: {  	[tilespmem:s23], [sflag:$0x1] =	stream.linear.gather @!p0 [hbm4b:s22+s23], $0x40, $0x38;
	[tilespmem:$0x1E500] =	vst v63  }
0x2dc: {  	s14 =	sshll.u32 s14, $0x4;
	s21 =	sadd.s32 @!p0 s3, s21;
	s22 =	simm.s32 @!p0 $0x80  }
0x2dd: {  	[tilespmem:s22], [sflag:$0x1] =	stream.linear.gather @!p0 [hbm4b:s21+s23], $0x40, $0x38;
	[tilespmem:$0x1E500] =	vst v63  }
0x2de: {  	s14 =	sadd.s32 s6, s14;
	s22 =	simm.s32 $0x0  }
0x2df: {  	[tilespmem:s19], [sflag:$0x7] =	stream.linear.gather [hbm4b:s14+s22], $0x2000, $0x38;
	[tilespmem:$0x1E500] =	vst v63  }
0x2e0: {  	_ =	swait.ge [sflag:s29], $0x40  }
0x2e1: {  	[sflag:s29] =	ssyncset.done $0x0  }
0x2e2: {  	[sflag:s29] =	ssyncadd.s32 $0xFFFFFFC0  }
0x2e3: {  	_ =	swait.ge [sflag:s29], $0x40  }
0x2e4: {  	[sflag:s29] =	ssyncset.done $0x0  }
0x2e5: {  	s23 =	simm.s32 $0x8400;
	[sflag:s29] =	ssyncadd.s32 $0xFFFFFFC0  }
0x2e6: {  	[tilespmem:s23], [sflag:$0x9] =	stream.indirect.gather [hbm4b:s1+s17], $0x80, s12, s17, $0xb8;
	[tilespmem:$0x1E500] =	vst v63  }
0x2e7: {  	_ =	swait.ge [sflag:s5], $0x2000  }
0x2e8: {  	[sflag:s5] =	ssyncset.done $0x0  }
0x2e9: {  	[sflag:s5] =	ssyncadd.s32 $0xFFFFE000  }
0x2ea: {  	_ =	swait.ge [sflag:s26], $0x2000  }
0x2eb: {  	[sflag:s26] =	ssyncset.done $0x0  }
0x2ec: {  	s14 =	simm.s32 $0x0;
	[sflag:s26] =	ssyncadd.s32 $0xFFFFE000  }
0x2ed: {  	v6 =	vld [tilespmem:s14+$0x6400]  }
0x2ee: {  	v9 =	vld [tilespmem:s14+$0x6410]  }
0x2ef: {  	v5 =	vld [tilespmem:s14+$0x6420]  }
0x2f0: {  	v4 =	vld [tilespmem:s14+$0x6430]  }
0x2f1: {  	v3 =	vld [tilespmem:s14+$0x6440]  }
0x2f2: {  	v2 =	vld [tilespmem:s14+$0x6450]  }
0x2f3: {  	v1 =	vld [tilespmem:s14+$0x6460]  }
0x2f4: {  	v0 =	vld [tilespmem:s14+$0x6470]  }
0x2f5: {  	v11 =	vld [tilespmem:s14+$0x2400]  }
0x2f6: {  	v13 =	vld [tilespmem:s14+$0x2410]  }
0x2f7: {  	v12 =	vld [tilespmem:s14+$0x2420]  }
0x2f8: {  	v10 =	vld [tilespmem:s14+$0x2430]  }
0x2f9: {  	v8 =	vld [tilespmem:s14+$0x2440]  }
0x2fa: {  	v7 =	vld [tilespmem:s14+$0x2450];
	v11 =	vmul.f32 v6, v11  }
0x2fb: {  	s21 =	simm.s32 $0x200;
	v9 =	vmul.f32 v9, v13;
	v6 =	vld [tilespmem:s14+$0x2460]  }
.LBB2_23:
0x2fc: {  	s22 =	sshra.s32 s21, $0x2;
	p1 =	sne.s32 s21, $0x7E00;
	v13 =	vmul.f32 $1.000000010e-01, v11;
	v12 =	vmul.f32 v5, v12;
	v14 =	vld [tilespmem:s14+$0x2470]  }
0x2fd: {  	v15 =	vld [tilespmem:s22+$0x6400];
	v16 =	vmul.f32 $1.000000010e-01, v9;
	v10 =	vmul.f32 v4, v10  }
0x2fe: {  	v17 =	vld [tilespmem:s22+$0x6410];
	v4 =	vmax.f32 v11, v13;
	v11 =	vmul.f32 $1.000000010e-01, v12;
	v8 =	vmul.f32 v3, v8  }
0x2ff: {  	v5 =	vld [tilespmem:s22+$0x6420];
	[tilespmem:s14+$0x2400] =	vst v4;
	v3 =	vmax.f32 v9, v16;
	v9 =	vmul.f32 $1.000000010e-01, v10;
	v7 =	vmul.f32 v2, v7  }
0x300: {  	v4 =	vld [tilespmem:s22+$0x6430];
	[tilespmem:s14+$0x2410] =	vst v3;
	v2 =	vmax.f32 v12, v11;
	v11 =	vmul.f32 $1.000000010e-01, v8;
	v6 =	vmul.f32 v1, v6  }
0x301: {  	v3 =	vld [tilespmem:s22+$0x6440];
	[tilespmem:s14+$0x2420] =	vst v2;
	v1 =	vmax.f32 v10, v9;
	v9 =	vmul.f32 $1.000000010e-01, v7;
	v10 =	vmul.f32 v0, v14  }
0x302: {  	v2 =	vld [tilespmem:s22+$0x6450];
	[tilespmem:s14+$0x2430] =	vst v1;
	v0 =	vmax.f32 v8, v11;
	v8 =	vmul.f32 $1.000000010e-01, v6  }
0x303: {  	v1 =	vld [tilespmem:s22+$0x6460];
	[tilespmem:s14+$0x2440] =	vst v0;
	v7 =	vmax.f32 v7, v9;
	v9 =	vmul.f32 $1.000000010e-01, v10  }
0x304: {  	v0 =	vld [tilespmem:s22+$0x6470];
	[tilespmem:s14+$0x2450] =	vst v7;
	v6 =	vmax.f32 v6, v8  }
0x305: {  	v7 =	vld [tilespmem:s22+$0x2400];
	[tilespmem:s14+$0x2460] =	vst v6;
	v6 =	vmax.f32 v10, v9  }
0x306: {  	v9 =	vld [tilespmem:s22+$0x2410];
	[tilespmem:s14+$0x2470] =	vst v6;
	s14 =	smov.u32 s22  }
.Ltmp10:
0x307: {  	v12 =	vld [tilespmem:s14+$0x2420];
	(pc) =	sbr.rel @p1 .LBB2_23-.Ltmp10, $4  }
0x308: {  	v10 =	vld [tilespmem:s14+$0x2430]  }
0x309: {  	v8 =	vld [tilespmem:s14+$0x2440]  }
0x30a: {  	v11 =	vmul.f32 v15, v7;
	v7 =	vld [tilespmem:s14+$0x2450]  }
0x30b: {  	s21 =	sadd.s32 $0x200, s21;
	v9 =	vmul.f32 v17, v9;
	v6 =	vld [tilespmem:s14+$0x2460]  }
0x30c: {  	v13 =	vmul.f32 $1.000000010e-01, v11;
	v5 =	vmul.f32 v5, v12;
	v12 =	vld [tilespmem:s14+$0x2470]  }
0x30d: {  	v14 =	vmul.f32 $1.000000010e-01, v9;
	v4 =	vmul.f32 v4, v10  }
0x30e: {  	v10 =	vmax.f32 v11, v13;
	v11 =	vmul.f32 $1.000000010e-01, v5;
	v3 =	vmul.f32 v3, v8  }
0x30f: {  	[tilespmem:s14+$0x2400] =	vst v10;
	v8 =	vmax.f32 v9, v14;
	v9 =	vmul.f32 $1.000000010e-01, v4;
	v2 =	vmul.f32 v2, v7  }
0x310: {  	[tilespmem:s14+$0x2410] =	vst v8;
	v5 =	vmax.f32 v5, v11;
	v7 =	vmul.f32 $1.000000010e-01, v3;
	v1 =	vmul.f32 v1, v6  }
0x311: {  	[tilespmem:s14+$0x2420] =	vst v5;
	v4 =	vmax.f32 v4, v9;
	v5 =	vmul.f32 $1.000000010e-01, v2;
	v0 =	vmul.f32 v0, v12  }
0x312: {  	[tilespmem:s14+$0x2430] =	vst v4;
	v3 =	vmax.f32 v3, v7;
	v4 =	vmul.f32 $1.000000010e-01, v1  }
0x313: {  	[tilespmem:s14+$0x2440] =	vst v3;
	v2 =	vmax.f32 v2, v5;
	v3 =	vmul.f32 $1.000000010e-01, v0  }
0x314: {  	[tilespmem:s14+$0x2450] =	vst v2;
	v1 =	vmax.f32 v1, v4  }
0x315: {  	[tilespmem:s14+$0x2460] =	vst v1;
	v0 =	vmax.f32 v0, v3  }
0x316: {  	s11 =	simm.s32 $0x280;
	[tilespmem:s14+$0x2470] =	vst v0  }
0x317: {  	[spmem:s4] =	stream.indirect.scatter.add.f32 [tilespmem:s24], [sflag:$0xB], $0x80, s11, s17, $0xb8;
	[tilespmem:$0x1E500] =	vst v63  }
0x318: {  	_ =	swait.ge [sflag:s28], $0x2000  }
0x319: {  	s14 =	rddreg [dreg:$0x1d]  }
0x31a: {  	s10 =	sadd.s32 @!p0 s10, s14  }
0x31b: {  	s21 =	simm.s32 @!p0 $0x0;
	[sflag:s28] =	ssyncset.done $0x0;
	s10 =	sshrl.u32 @!p0 s10, $0x3  }
0x31c: {  	s22 =	simm.s32 @!p0 $0x100;
	[sflag:s28] =	ssyncadd.s32 $0xFFFFE000;
	s14 =	sadd.s32 @!p0 s7, s10  }
0x31d: {  	[tilespmem:s22], [sflag:$0x2] =	stream.linear.gather @!p0 [hbm4b:s14+s21], $0x40, $0x38;
	[tilespmem:$0x1E500] =	vst v63  }
0x31e: {  	s10 =	sadd.s32 @!p0 s3, s10;
	s14 =	simm.s32 @!p0 $0x180  }
0x31f: {  	[tilespmem:s14], [sflag:$0x2] =	stream.linear.gather @!p0 [hbm4b:s10+s21], $0x40, $0x38;
	[tilespmem:$0x1E500] =	vst v63  }
0x320: {  	s10 =	sshll.u32 @!p0 s13, $0x4  }
0x321: {  	s13 =	simm.s32 @!p0 $0x400;
	s10 =	sadd.s32 @!p0 s6, s10  }
0x322: {  	[tilespmem:s13], [sflag:$0x5] =	stream.linear.gather @!p0 [hbm4b:s10+s21], $0x2000, $0x38;
	[tilespmem:$0x1E500] =	vst v63  }
0x323: {  	s10 =	simm.s32 @!p0 $0x1  }
0x324: {  	_ =	swait.ge @!p0 [sflag:s10], $0x40  }
0x325: {  	[sflag:s10] =	ssyncset.done @!p0 $0x0  }
0x326: {  	[sflag:s10] =	ssyncadd.s32 @!p0 $0xFFFFFFC0  }
0x327: {  	_ =	swait.ge @!p0 [sflag:s10], $0x40  }
0x328: {  	[sflag:s10] =	ssyncset.done @!p0 $0x0  }
0x329: {  	s13 =	simm.s32 @!p0 $0x6400;
	[sflag:s10] =	ssyncadd.s32 @!p0 $0xFFFFFFC0;
	s10 =	simm.s32 @!p0 $0x40  }
0x32a: {  	[tilespmem:s13], [sflag:$0x8] =	stream.indirect.gather @!p0 [hbm4b:s1+s10], $0x80, s21, s10, $0xb8;
	[tilespmem:$0x1E500] =	vst v63  }
0x32b: {  	_ =	swait.ge [sflag:s8], $0x2000  }
0x32c: {  	[sflag:s8] =	ssyncset.done $0x0  }
0x32d: {  	[sflag:s8] =	ssyncadd.s32 $0xFFFFE000  }
0x32e: {  	_ =	swait.ge [sflag:s30], $0x2000  }
0x32f: {  	[sflag:s30] =	ssyncset.done $0x0  }
0x330: {  	s10 =	simm.s32 $0x0;
	[sflag:s30] =	ssyncadd.s32 $0xFFFFE000  }
0x331: {  	v6 =	vld [tilespmem:s10+$0x8400]  }
0x332: {  	v9 =	vld [tilespmem:s10+$0x8410]  }
0x333: {  	v5 =	vld [tilespmem:s10+$0x8420]  }
0x334: {  	v4 =	vld [tilespmem:s10+$0x8430]  }
0x335: {  	v3 =	vld [tilespmem:s10+$0x8440]  }
0x336: {  	v2 =	vld [tilespmem:s10+$0x8450]  }
0x337: {  	v1 =	vld [tilespmem:s10+$0x8460]  }
0x338: {  	v0 =	vld [tilespmem:s10+$0x8470]  }
0x339: {  	v11 =	vld [tilespmem:s10+$0x4400]  }
0x33a: {  	v13 =	vld [tilespmem:s10+$0x4410]  }
0x33b: {  	v12 =	vld [tilespmem:s10+$0x4420]  }
0x33c: {  	v10 =	vld [tilespmem:s10+$0x4430]  }
0x33d: {  	v8 =	vld [tilespmem:s10+$0x4440]  }
0x33e: {  	v7 =	vld [tilespmem:s10+$0x4450];
	v11 =	vmul.f32 v6, v11  }
0x33f: {  	s13 =	simm.s32 $0x200;
	v9 =	vmul.f32 v9, v13;
	v6 =	vld [tilespmem:s10+$0x4460]  }
.LBB2_25:
0x340: {  	s14 =	sshra.s32 s13, $0x2;
	p0 =	sne.s32 s13, $0x7E00;
	v13 =	vmul.f32 $1.000000010e-01, v11;
	v12 =	vmul.f32 v5, v12;
	v14 =	vld [tilespmem:s10+$0x4470]  }
0x341: {  	v15 =	vld [tilespmem:s14+$0x8400];
	v16 =	vmul.f32 $1.000000010e-01, v9;
	v10 =	vmul.f32 v4, v10  }
0x342: {  	v17 =	vld [tilespmem:s14+$0x8410];
	v4 =	vmax.f32 v11, v13;
	v11 =	vmul.f32 $1.000000010e-01, v12;
	v8 =	vmul.f32 v3, v8  }
0x343: {  	v5 =	vld [tilespmem:s14+$0x8420];
	[tilespmem:s10+$0x4400] =	vst v4;
	v3 =	vmax.f32 v9, v16;
	v9 =	vmul.f32 $1.000000010e-01, v10;
	v7 =	vmul.f32 v2, v7  }
0x344: {  	v4 =	vld [tilespmem:s14+$0x8430];
	[tilespmem:s10+$0x4410] =	vst v3;
	v2 =	vmax.f32 v12, v11;
	v11 =	vmul.f32 $1.000000010e-01, v8;
	v6 =	vmul.f32 v1, v6  }
0x345: {  	v3 =	vld [tilespmem:s14+$0x8440];
	[tilespmem:s10+$0x4420] =	vst v2;
	v1 =	vmax.f32 v10, v9;
	v9 =	vmul.f32 $1.000000010e-01, v7;
	v10 =	vmul.f32 v0, v14  }
0x346: {  	v2 =	vld [tilespmem:s14+$0x8450];
	[tilespmem:s10+$0x4430] =	vst v1;
	v0 =	vmax.f32 v8, v11;
	v8 =	vmul.f32 $1.000000010e-01, v6  }
0x347: {  	v1 =	vld [tilespmem:s14+$0x8460];
	[tilespmem:s10+$0x4440] =	vst v0;
	v7 =	vmax.f32 v7, v9;
	v9 =	vmul.f32 $1.000000010e-01, v10  }
0x348: {  	v0 =	vld [tilespmem:s14+$0x8470];
	[tilespmem:s10+$0x4450] =	vst v7;
	v6 =	vmax.f32 v6, v8  }
0x349: {  	v7 =	vld [tilespmem:s14+$0x4400];
	[tilespmem:s10+$0x4460] =	vst v6;
	v6 =	vmax.f32 v10, v9  }
0x34a: {  	v9 =	vld [tilespmem:s14+$0x4410];
	[tilespmem:s10+$0x4470] =	vst v6;
	s10 =	smov.u32 s14  }
.Ltmp11:
0x34b: {  	v12 =	vld [tilespmem:s10+$0x4420];
	(pc) =	sbr.rel @p0 .LBB2_25-.Ltmp11, $4  }
0x34c: {  	v10 =	vld [tilespmem:s10+$0x4430]  }
0x34d: {  	v8 =	vld [tilespmem:s10+$0x4440]  }
0x34e: {  	v11 =	vmul.f32 v15, v7;
	v7 =	vld [tilespmem:s10+$0x4450]  }
0x34f: {  	s13 =	sadd.s32 $0x200, s13;
	v9 =	vmul.f32 v17, v9;
	v6 =	vld [tilespmem:s10+$0x4460]  }
0x350: {  	v13 =	vmul.f32 $1.000000010e-01, v11;
	v5 =	vmul.f32 v5, v12;
	v55 =	vld [tilespmem:s10+$0x4470]  }
0x351: {  	v14 =	vmul.f32 $1.000000010e-01, v9;
	v4 =	vmul.f32 v4, v10  }
0x352: {  	v56 =	vmax.f32 v11, v13;
	v57 =	vmul.f32 $1.000000010e-01, v5;
	v3 =	vmul.f32 v3, v8  }
0x353: {  	[tilespmem:s10+$0x4400] =	vst v56;
	v58 =	vmax.f32 v9, v14;
	v59 =	vmul.f32 $1.000000010e-01, v4;
	v2 =	vmul.f32 v2, v7  }
0x354: {  	[tilespmem:s10+$0x4410] =	vst v58;
	v5 =	vmax.f32 v5, v57;
	v60 =	vmul.f32 $1.000000010e-01, v3;
	v1 =	vmul.f32 v1, v6  }
0x355: {  	s2 =	sadd.s32 $0x1, s2;
	[tilespmem:s10+$0x4420] =	vst v5;
	v4 =	vmax.f32 v4, v59;
	v61 =	vmul.f32 $1.000000010e-01, v2;
	v0 =	vmul.f32 v0, v55  }
0x356: {  	p0 =	sne.s32 s2, $0xD;
	[tilespmem:s10+$0x4430] =	vst v4;
	v3 =	vmax.f32 v3, v60;
	v62 =	vmul.f32 $1.000000010e-01, v1  }
.Ltmp12:
0x357: {  	[tilespmem:s10+$0x4440] =	vst v3;
	v2 =	vmax.f32 v2, v61;
	v63 =	vmul.f32 $1.000000010e-01, v0;
	(pc) =	sbr.rel @p0 .LBB2_2-.Ltmp12, $4  }
0x358: {  	[tilespmem:s10+$0x4450] =	vst v2;
	v1 =	vmax.f32 v1, v62  }
0x359: {  	[tilespmem:s10+$0x4460] =	vst v1;
	v0 =	vmax.f32 v0, v63  }
0x35a: {  	[tilespmem:s10+$0x4470] =	vst v0  }
0x35b: {  	[spmem:s4] =	stream.indirect.scatter.add.f32 [tilespmem:s19], [sflag:$0xC], $0x80, s18, s17, $0xb8;
	[tilespmem:$0x1E500] =	vst v63  }
0x35c: {  	_ =	swait.ge [sflag:s31], $0x2000  }
0x35d: {  	[sflag:s31] =	ssyncset.done $0x0  }
0x35e: {  	[sflag:s31] =	ssyncadd.s32 $0xFFFFE000  }
0x35f: {  	_ =	swait.ge [sflag:s0], $0x2000  }
0x360: {  	s2 =	simm.s32 $0x0;
	s11 =	simm.s32 $0xA400;
	[sflag:s0] =	ssyncset.done $0x0  }
0x361: {  	s14 =	simm.s32 $0xD;
	s10 =	rddreg [dreg:$0x12];
	[sflag:s0] =	ssyncadd.s32 $0xFFFFE000  }
0x362: {  	[tilespmem:s11], [sflag:$0xD] =	stream.linear.gather [hbm4b:s10+s2], $0x10, $0x38;
	[tilespmem:$0x1E500] =	vst v63  }
0x363: {  	_ =	swait.ge [sflag:s14], $0x10  }
0x364: {  	[sflag:s14] =	ssyncset.done $0x0  }
0x365: {  	s21 =	simm.s32 $0xA480;
	s23 =	rddreg [dreg:$0x13];
	[sflag:s14] =	ssyncadd.s32 $0xFFFFFFF0  }
0x366: {  	[tilespmem:s21], [sflag:$0xD] =	stream.linear.gather [hbm4b:s23+s2], $0x10, $0x38;
	[tilespmem:$0x1E500] =	vst v63  }
0x367: {  	_ =	swait.ge [sflag:s14], $0x10  }
0x368: {  	[sflag:s14] =	ssyncset.done $0x0  }
0x369: {  	s13 =	rddreg [dreg:$0x14];
	[sflag:s14] =	ssyncadd.s32 $0xFFFFFFF0  }
0x36a: {  	[tilespmem:s15], [sflag:$0xD] =	stream.linear.gather [hbm4b:s13+s2], $0x800, $0x38;
	[tilespmem:$0x1E500] =	vst v63  }
0x36b: {  	_ =	swait.ge [sflag:s14], $0x800  }
0x36c: {  	[sflag:s14] =	ssyncset.done $0x0  }
0x36d: {  	s22 =	simm.s32 $0x6400;
	s23 =	simm.s32 $0x10;
	[sflag:s14] =	ssyncadd.s32 $0xFFFFF800  }
0x36e: {  	[tilespmem:s22], [sflag:$0x8] =	stream.indirect.gather [hbm4b:s1+s23], $0x80, s11, s23, $0xb8;
	[tilespmem:$0x1E500] =	vst v63  }
0x36f: {  	_ =	swait.ge [sflag:s5], $0x800  }
0x370: {  	[sflag:s5] =	ssyncset.done $0x0  }
0x371: {  	s2 =	simm.s32 $0x0;
	[sflag:s5] =	ssyncadd.s32 $0xFFFFF800  }
0x372: {  	v6 =	vld [tilespmem:s2+$0x6400]  }
0x373: {  	v9 =	vld [tilespmem:s2+$0x6410]  }
0x374: {  	v5 =	vld [tilespmem:s2+$0x6420]  }
0x375: {  	v4 =	vld [tilespmem:s2+$0x6430]  }
0x376: {  	v3 =	vld [tilespmem:s2+$0x6440]  }
0x377: {  	v2 =	vld [tilespmem:s2+$0x6450]  }
0x378: {  	v1 =	vld [tilespmem:s2+$0x6460]  }
0x379: {  	v0 =	vld [tilespmem:s2+$0x6470]  }
0x37a: {  	v11 =	vld [tilespmem:s2+$0x400]  }
0x37b: {  	v13 =	vld [tilespmem:s2+$0x410]  }
0x37c: {  	v12 =	vld [tilespmem:s2+$0x420]  }
0x37d: {  	v10 =	vld [tilespmem:s2+$0x430]  }
0x37e: {  	v8 =	vld [tilespmem:s2+$0x440]  }
0x37f: {  	v7 =	vld [tilespmem:s2+$0x450];
	v11 =	vmul.f32 v6, v11  }
0x380: {  	s10 =	simm.s32 $0x200;
	s11 =	simm.s32 $0x10;
	v9 =	vmul.f32 v9, v13;
	v6 =	vld [tilespmem:s2+$0x460]  }
.LBB2_28:
0x381: {  	s13 =	sshra.s32 s10, $0x2;
	p0 =	sne.s32 s10, $0x1E00;
	v13 =	vmul.f32 $1.000000010e-01, v11;
	v12 =	vmul.f32 v5, v12;
	v14 =	vld [tilespmem:s2+$0x470]  }
0x382: {  	v15 =	vld [tilespmem:s13+$0x6400];
	v16 =	vmul.f32 $1.000000010e-01, v9;
	v10 =	vmul.f32 v4, v10  }
0x383: {  	v17 =	vld [tilespmem:s13+$0x6410];
	v4 =	vmax.f32 v11, v13;
	v11 =	vmul.f32 $1.000000010e-01, v12;
	v8 =	vmul.f32 v3, v8  }
0x384: {  	v5 =	vld [tilespmem:s13+$0x6420];
	[tilespmem:s2+$0x400] =	vst v4;
	v3 =	vmax.f32 v9, v16;
	v9 =	vmul.f32 $1.000000010e-01, v10;
	v7 =	vmul.f32 v2, v7  }
0x385: {  	v4 =	vld [tilespmem:s13+$0x6430];
	[tilespmem:s2+$0x410] =	vst v3;
	v2 =	vmax.f32 v12, v11;
	v11 =	vmul.f32 $1.000000010e-01, v8;
	v6 =	vmul.f32 v1, v6  }
0x386: {  	v3 =	vld [tilespmem:s13+$0x6440];
	[tilespmem:s2+$0x420] =	vst v2;
	v1 =	vmax.f32 v10, v9;
	v9 =	vmul.f32 $1.000000010e-01, v7;
	v10 =	vmul.f32 v0, v14  }
0x387: {  	v2 =	vld [tilespmem:s13+$0x6450];
	[tilespmem:s2+$0x430] =	vst v1;
	v0 =	vmax.f32 v8, v11;
	v8 =	vmul.f32 $1.000000010e-01, v6  }
0x388: {  	v1 =	vld [tilespmem:s13+$0x6460];
	[tilespmem:s2+$0x440] =	vst v0;
	v7 =	vmax.f32 v7, v9;
	v9 =	vmul.f32 $1.000000010e-01, v10  }
0x389: {  	v0 =	vld [tilespmem:s13+$0x6470];
	[tilespmem:s2+$0x450] =	vst v7;
	v6 =	vmax.f32 v6, v8  }
0x38a: {  	v7 =	vld [tilespmem:s13+$0x400];
	[tilespmem:s2+$0x460] =	vst v6;
	v6 =	vmax.f32 v10, v9  }
0x38b: {  	v9 =	vld [tilespmem:s13+$0x410];
	[tilespmem:s2+$0x470] =	vst v6;
	s2 =	smov.u32 s13  }
.Ltmp13:
0x38c: {  	v12 =	vld [tilespmem:s2+$0x420];
	(pc) =	sbr.rel @p0 .LBB2_28-.Ltmp13, $4  }
0x38d: {  	v10 =	vld [tilespmem:s2+$0x430]  }
0x38e: {  	v8 =	vld [tilespmem:s2+$0x440]  }
0x38f: {  	v11 =	vmul.f32 v15, v7;
	v7 =	vld [tilespmem:s2+$0x450]  }
0x390: {  	s10 =	sadd.s32 $0x200, s10;
	v9 =	vmul.f32 v17, v9;
	v6 =	vld [tilespmem:s2+$0x460]  }
0x391: {  	v13 =	vmul.f32 $1.000000010e-01, v11;
	v5 =	vmul.f32 v5, v12;
	v55 =	vld [tilespmem:s2+$0x470]  }
0x392: {  	v14 =	vmul.f32 $1.000000010e-01, v9;
	v4 =	vmul.f32 v4, v10  }
0x393: {  	v56 =	vmax.f32 v11, v13;
	v57 =	vmul.f32 $1.000000010e-01, v5;
	v3 =	vmul.f32 v3, v8  }
0x394: {  	[tilespmem:s2+$0x400] =	vst v56;
	v58 =	vmax.f32 v9, v14;
	v59 =	vmul.f32 $1.000000010e-01, v4;
	v2 =	vmul.f32 v2, v7  }
0x395: {  	[tilespmem:s2+$0x410] =	vst v58;
	v5 =	vmax.f32 v5, v57;
	v60 =	vmul.f32 $1.000000010e-01, v3;
	v1 =	vmul.f32 v1, v6  }
0x396: {  	[tilespmem:s2+$0x420] =	vst v5;
	v4 =	vmax.f32 v4, v59;
	v61 =	vmul.f32 $1.000000010e-01, v2;
	v0 =	vmul.f32 v0, v55  }
0x397: {  	[tilespmem:s2+$0x430] =	vst v4;
	v3 =	vmax.f32 v3, v60;
	v62 =	vmul.f32 $1.000000010e-01, v1  }
0x398: {  	[tilespmem:s2+$0x440] =	vst v3;
	v2 =	vmax.f32 v2, v61;
	v63 =	vmul.f32 $1.000000010e-01, v0  }
0x399: {  	[tilespmem:s2+$0x450] =	vst v2;
	v1 =	vmax.f32 v1, v62  }
0x39a: {  	[tilespmem:s2+$0x460] =	vst v1;
	v0 =	vmax.f32 v0, v63  }
0x39b: {  	[tilespmem:s2+$0x470] =	vst v0  }
0x39c: {  	[spmem:s4] =	stream.indirect.scatter.add.f32 [tilespmem:s15], [sflag:$0xD], $0x80, s21, s11, $0xb8;
	[tilespmem:$0x1E500] =	vst v63  }
0x39d: {  	_ =	swait.ge [sflag:s14], $0x800  }
0x39e: {  	[sflag:s14] =	ssyncset.done $0x0  }
0x39f: {  	[sflag:s14] =	ssyncadd.s32 $0xFFFFF800  }
0x3a0: {  	[bflag:$0x0] =	sbarrier.arrive $0xFFFF  }
0x3a1: {  	s10 =	rddreg [dreg:$0x8]  }
0x3a2: {  	s13 =	rddreg [dreg:$0x15]  }
0x3a3: {  	s21 =	rddreg [dreg:$0x1f]  }
0x3a4: {  	[hbm:s13], [sflag:s10] =	dma.local [spmem:s21], $0x2800  }
0x3a5: {  	_ =	swait.ge [sflag:s14], $0x2800  }
0x3a6: {  	s22 =	rddreg [dreg:$0x1e]  }
0x3a7: {  	s23 =	rddreg [dreg:$0x16];
	s11 =	sadd.s32 $0x1, s22  }
0x3a8: {  	p0 =	sne.s32 s11, s23  }
.Ltmp14:
0x3a9: {  	_ = 	snop;
	(pc) =	sbr.rel @p0 .LBB2_1-.Ltmp14, $3  }
0x3aa: {  	_ =	sdelay $0x1  }
0x3ab: {  	[sflag:s14] =	ssyncset.done $0x0  }
0x3ac: {  	[sflag:s14] =	ssyncadd.s32 $0xFFFFD800  }
0x3ad: {  	_ =	sfence.sel $0x180000  }
0x3ae: {  	[bflag:$0x0] =	sbarrier.arrive $0xFFFF  }
0x3af: {  	_ =	strace $0x90000047  }
0x3b0: {  	s0 =	stileid.u32;
	[bflag:$0x2] =	sbarrier.arrive $0xFFFF  }
0x3b1: {  	p0 =	sne.s32 s0, $0x0;
	s0 =	rddreg [dreg:$0x4]  }
0x3b2: {  	s0 =	sadd.s32 @!p0 $0x100000, s0  }
0x3b3: {  	[sflag:s0] =	ssyncadd.tile.s32 @!p0 $0x1;
	_ =	shalt  }
.Lfunc_end2:
_tile_overlayer_lowered:
.L_overlay_start_2:
0x3b4: {  	(tag) =	ssettag $0x2  }
0x3b5: {  	s0 =	rddreg [dreg:$0x0];
	s2 =	stileid.u32  }
0x3b6: {  	s1 =	rddreg [dreg:$0x1];
	p0 =	sne.s32 s2, $0x0  }
0x3b7: {  	s3 =	rddreg [dreg:$0x2];
	[bflag:$0x3] =	sbarrier.arrive $0xFFFF;
	s2 =	simm.s32 @!p0 $0x1C0D  }
0x3b8: {  	[timem:s3], [sflag:s2] =	dma.local @!p0 [hbm:s0], s1  }
0x3b9: {  	s0 =	simm.s32 @!p0 $0xD  }
0x3ba: {  	_ =	swait.ge @!p0 [sflag:s0], s1  }
0x3bb: {  	s1 =	ssub.s32 @!p0 $0x0, s1;
	[sflag:s0] =	ssyncset.done @!p0 $0x0  }
0x3bc: {  	[sflag:s0] =	ssyncadd.s32 @!p0 s1  }
0x3bd: {  	[bflag:$0x3] =	sbarrier.arrive $0xFFFF  }
0x3be: {  	_ =	shalt  }

</sc_bundles>
